<compile_context>
chip_gen: v7x
topology: tpu7x:2x2x1
jax: 0.10.2.dev20260603
libtpu: 0.0.44.dev20260713+nightly
codegen_flags: <defaults>
</compile_context>

<pallas_src>
import functools

import jax
import jax.numpy as jnp
from jax import lax
from jax.experimental import pallas as pl
from jax.experimental.pallas import tpu as pltpu
from jax.experimental.pallas import tpu_sc as plsc

N = 10000
E = 320000
G = 16
NP = 10240
NW = 32
CH = 128
EPW = E // NW
NCH = (EPW + CH - 1) // CH
EPW_PAD = NCH * CH
RPT = NP // 16

RB2 = 256
NB2 = NP // RB2
RB = 512
NBD = NP // RB
CC = 512
NCC = NP // CC

_f32 = jnp.float32
_i32 = jnp.int32



@functools.lru_cache(maxsize=None)
def _make_seg_sum(F):
    mesh = plsc.VectorSubcoreMesh(core_axis_name="c", subcore_axis_name="s")

    @functools.partial(
        pl.kernel,
        mesh=mesh,
        compiler_params=pltpu.CompilerParams(use_tc_tiling_on_sc=False),
        out_type=jax.ShapeDtypeStruct((2 * NP, F), _f32),
        scratch_types=[
            pltpu.VMEM((EPW_PAD,), _i32),
            pltpu.VMEM((NCH, CH), _i32),
            pltpu.VMEM((CH, F), _f32),
            pltpu.VMEM_SHARED((NP, F), _f32),
            pltpu.SemaphoreType.DMA,
        ],
    )
    def seg_sum(h_hbm, src_hbm, dst_hbm, zero_hbm, out_hbm,
                src_v, dst_v, rows_v, acc_sh, sem):
        c = lax.axis_index("c")
        s = lax.axis_index("s")
        wid = s * 2 + c
        pltpu.sync_copy(zero_hbm.at[pl.ds(s * RPT, RPT)],
                        acc_sh.at[pl.ds(s * RPT, RPT)])
        plsc.subcore_barrier()
        pltpu.sync_copy(src_hbm.at[wid], src_v)
        pltpu.sync_copy(dst_hbm.at[wid], dst_v)

        def body(j, carry):
            pltpu.async_copy(h_hbm.at[src_v.at[pl.ds(j * CH, CH)]],
                             rows_v, sem).wait()
            pltpu.sync_copy(rows_v, acc_sh.at[dst_v.at[j]], add=True)
            return carry

        lax.fori_loop(0, NCH, body, 0)
        plsc.subcore_barrier()
        pltpu.sync_copy(acc_sh.at[pl.ds(s * RPT, RPT)],
                        out_hbm.at[pl.ds(c * NP + s * RPT, RPT)])

    return seg_sum



def _mm_stats(h, agg, w1, b1, mask):
    F = h.shape[1]
    H = w1.shape[1]

    def body(h_ref, a0_ref, a1_ref, w_ref, b_ref, m_ref,
             z_ref, ps_ref, pq_ref, pc_ref):
        z = h_ref[...] + a0_ref[...] + a1_ref[...]
        z1 = jnp.dot(z, w_ref[...], preferred_element_type=_f32) + b_ref[...]
        z_ref[...] = z1
        w = m_ref[...]
        zw = z1 * w
        ps_ref[...] = jnp.sum(zw, axis=0, keepdims=True)[None]
        pq_ref[...] = jnp.sum(z1 * zw, axis=0, keepdims=True)[None]
        pc_ref[...] = jnp.sum(w, axis=0, keepdims=True)[None]

    return pl.pallas_call(
        body,
        grid=(NB2,),
        in_specs=[
            pl.BlockSpec((RB2, F), lambda i: (i, 0)),
            pl.BlockSpec((RB2, F), lambda i: (i, 0)),
            pl.BlockSpec((RB2, F), lambda i: (i + NB2, 0)),
            pl.BlockSpec((F, H), lambda i: (0, 0)),
            pl.BlockSpec((1, H), lambda i: (0, 0)),
            pl.BlockSpec((RB2, 1), lambda i: (i, 0)),
        ],
        out_specs=[
            pl.BlockSpec((RB2, H), lambda i: (i, 0)),
            pl.BlockSpec((1, 1, H), lambda i: (i, 0, 0)),
            pl.BlockSpec((1, 1, H), lambda i: (i, 0, 0)),
            pl.BlockSpec((1, 1, 1), lambda i: (i, 0, 0)),
        ],
        out_shape=[
            jax.ShapeDtypeStruct((NP, H), _f32),
            jax.ShapeDtypeStruct((NB2, 1, H), _f32),
            jax.ShapeDtypeStruct((NB2, 1, H), _f32),
            jax.ShapeDtypeStruct((NB2, 1, 1), _f32),
        ],
    )(h, agg, agg, w1, b1, mask)


def _bn_mm_stats(z1, ps, pq, pc, g1, be1, w2, b2, mask):
    H1 = z1.shape[1]
    H2 = w2.shape[1]

    def body(z_ref, ps_ref, pq_ref, pc_ref, g_ref, be_ref, w_ref, b_ref,
             m_ref, z2_ref, ps2_ref, pq2_ref):
        cnt = jnp.sum(pc_ref[...])
        m = jnp.sum(ps_ref[...], axis=0) / cnt
        v = jnp.sum(pq_ref[...], axis=0) / cnt - m * m
        z = z_ref[...]
        r = jnp.maximum(
            g_ref[...] * (z - m) / jnp.sqrt(v + 1e-5) + be_ref[...], 0.0)
        z2 = jnp.dot(r, w_ref[...], preferred_element_type=_f32) + b_ref[...]
        z2_ref[...] = z2
        w = m_ref[...]
        zw = z2 * w
        ps2_ref[...] = jnp.sum(zw, axis=0, keepdims=True)[None]
        pq2_ref[...] = jnp.sum(z2 * zw, axis=0, keepdims=True)[None]

    return pl.pallas_call(
        body,
        grid=(NB2,),
        in_specs=[
            pl.BlockSpec((RB2, H1), lambda i: (i, 0)),
            pl.BlockSpec((NB2, 1, H1), lambda i: (0, 0, 0)),
            pl.BlockSpec((NB2, 1, H1), lambda i: (0, 0, 0)),
            pl.BlockSpec((NB2, 1, 1), lambda i: (0, 0, 0)),
            pl.BlockSpec((1, H1), lambda i: (0, 0)),
            pl.BlockSpec((1, H1), lambda i: (0, 0)),
            pl.BlockSpec((H1, H2), lambda i: (0, 0)),
            pl.BlockSpec((1, H2), lambda i: (0, 0)),
            pl.BlockSpec((RB2, 1), lambda i: (i, 0)),
        ],
        out_specs=[
            pl.BlockSpec((RB2, H2), lambda i: (i, 0)),
            pl.BlockSpec((1, 1, H2), lambda i: (i, 0, 0)),
            pl.BlockSpec((1, 1, H2), lambda i: (i, 0, 0)),
        ],
        out_shape=[
            jax.ShapeDtypeStruct((NP, H2), _f32),
            jax.ShapeDtypeStruct((NB2, 1, H2), _f32),
            jax.ShapeDtypeStruct((NB2, 1, H2), _f32),
        ],
    )(z1, ps, pq, pc, g1, be1, w2, b2, mask)


def _bn_score(z2, ps, pq, pc, g2, be2, pvec):
    H = z2.shape[1]

    def body(z_ref, ps_ref, pq_ref, pc_ref, g_ref, be_ref, p_ref,
             h_ref, s_ref):
        cnt = jnp.sum(pc_ref[...])
        m = jnp.sum(ps_ref[...], axis=0) / cnt
        v = jnp.sum(pq_ref[...], axis=0) / cnt - m * m
        z = z_ref[...]
        r = jnp.maximum(
            g_ref[...] * (z - m) / jnp.sqrt(v + 1e-5) + be_ref[...], 0.0)
        h_ref[...] = r
        p = p_ref[...]
        nrm = jnp.sqrt(jnp.sum(p * p))
        s_ref[...] = jnp.tanh(
            jnp.dot(r, p.reshape(H, 1), preferred_element_type=_f32) / nrm)

    return pl.pallas_call(
        body,
        grid=(NB2,),
        in_specs=[
            pl.BlockSpec((RB2, H), lambda i: (i, 0)),
            pl.BlockSpec((NB2, 1, H), lambda i: (0, 0, 0)),
            pl.BlockSpec((NB2, 1, H), lambda i: (0, 0, 0)),
            pl.BlockSpec((NB2, 1, 1), lambda i: (0, 0, 0)),
            pl.BlockSpec((1, H), lambda i: (0, 0)),
            pl.BlockSpec((1, H), lambda i: (0, 0)),
            pl.BlockSpec((1, H), lambda i: (0, 0)),
        ],
        out_specs=[
            pl.BlockSpec((RB2, H), lambda i: (i, 0)),
            pl.BlockSpec((RB2, 1), lambda i: (i, 0)),
        ],
        out_shape=[
            jax.ShapeDtypeStruct((NP, H), _f32),
            jax.ShapeDtypeStruct((NP, 1), _f32),
        ],
    )(z2, ps, pq, pc, g2, be2, pvec)


def _rank_pool(h2, s, b_row, mask, s_col, b_col, m_col, c0, c1):
    H = h2.shape[1]

    def body(h_ref, s_ref, b_ref, m_ref, sc_ref, bc_ref, mc_ref,
             c0_ref, c1_ref, keep_ref, hn_ref, pmax_ref, psum_ref, pcnt_ref):
        i = pl.program_id(0)
        srow = s_ref[...]
        brow = b_ref[...]
        mrow = m_ref[...]
        rowid = i * RB + lax.broadcasted_iota(_i32, (RB, 1), 0)

        def cbody(cc, carry):
            rank, n = carry
            sc = sc_ref[:, pl.ds(cc * CC, CC)]
            bc = bc_ref[:, pl.ds(cc * CC, CC)]
            mc = mc_ref[:, pl.ds(cc * CC, CC)]
            colid = cc * CC + lax.broadcasted_iota(_i32, (1, CC), 1)
            same = (bc == brow) & (mc > 0.0)
            beat = (sc > srow) | ((sc == srow) & (colid < rowid))
            rank = rank + jnp.sum((same & beat).astype(_i32), axis=1,
                                  keepdims=True)
            n = n + jnp.sum(same.astype(_i32), axis=1, keepdims=True)
            return rank, n

        rank, n = lax.fori_loop(
            c0_ref[0, 0, 0], c1_ref[0, 0, 0], cbody,
            (jnp.zeros((RB, 1), _i32), jnp.zeros((RB, 1), _i32)))
        k = (4 * n + 4) // 5
        keepb = (mrow > 0.0) & (rank < k)
        keep_ref[...] = keepb.astype(_f32)
        hn = jnp.where(keepb, h_ref[...] * srow, 0.0)
        if H < 128:
            hn_ref[...] = jnp.concatenate(
                [hn, jnp.zeros((RB, 128 - H), _f32)], axis=1)
        else:
            hn_ref[...] = hn
        mxs, sms, cns = [], [], []
        for g in range(G):
            mg = keepb & (brow == g)
            mxs.append(jnp.max(jnp.where(mg, hn, -jnp.inf), axis=0))
            sms.append(jnp.sum(jnp.where(mg, hn, 0.0), axis=0))
            cns.append(jnp.sum(mg.astype(_f32), axis=0))
        pmax_ref[...] = jnp.stack(mxs)[None]
        psum_ref[...] = jnp.stack(sms)[None]
        pcnt_ref[...] = jnp.concatenate(cns).reshape(1, 1, G)

    return pl.pallas_call(
        body,
        grid=(NBD,),
        in_specs=[
            pl.BlockSpec((RB, H), lambda i: (i, 0)),
            pl.BlockSpec((RB, 1), lambda i: (i, 0)),
            pl.BlockSpec((RB, 1), lambda i: (i, 0)),
            pl.BlockSpec((RB, 1), lambda i: (i, 0)),
            pl.BlockSpec((1, NP), lambda i: (0, 0)),
            pl.BlockSpec((1, NP), lambda i: (0, 0)),
            pl.BlockSpec((1, NP), lambda i: (0, 0)),
            pl.BlockSpec((1, 1, 1), lambda i: (i, 0, 0)),
            pl.BlockSpec((1, 1, 1), lambda i: (i, 0, 0)),
        ],
        out_specs=[
            pl.BlockSpec((RB, 1), lambda i: (i, 0)),
            pl.BlockSpec((RB, 128), lambda i: (i, 0)),
            pl.BlockSpec((1, G, H), lambda i: (i, 0, 0)),
            pl.BlockSpec((1, G, H), lambda i: (i, 0, 0)),
            pl.BlockSpec((1, 1, G), lambda i: (i, 0, 0)),
        ],
        out_shape=[
            jax.ShapeDtypeStruct((NP, 1), _f32),
            jax.ShapeDtypeStruct((NP, 128), _f32),
            jax.ShapeDtypeStruct((NBD, G, H), _f32),
            jax.ShapeDtypeStruct((NBD, G, H), _f32),
            jax.ShapeDtypeStruct((NBD, 1, G), _f32),
        ],
    )(h2, s, b_row, mask, s_col, b_col, m_col, c0, c1)


def _decoder(pools, dp):

    def body(*refs):
        (pm1, psm1, pc1, pm2, psm2, pc2, pm3, psm3, pc3,
         w31, b31, g31, be31, w32, b32, g32, be32,
         w21, b21, g21, be21, w22, b22, g22, be22,
         d1w, d1b, out_ref) = refs

        def pool(pm_ref, ps_ref, pc_ref):
            pm = pm_ref[...]
            psv = ps_ref[...]
            pcv = pc_ref[...]
            mx = pm[0]
            sm = psv[0]
            c = pcv[0, 0]
            for j in range(1, NBD):
                mx = jnp.maximum(mx, pm[j])
                sm = sm + psv[j]
                c = c + pcv[j, 0]
            mn = sm / jnp.maximum(c[:, None], 1.0)
            return jnp.concatenate([mx, mn], axis=1)

        x1 = pool(pm1, psm1, pc1)
        x2 = pool(pm2, psm2, pc2)
        x3 = pool(pm3, psm3, pc3)

        def bn16(h, gg, bb):
            m = jnp.sum(h, axis=0, keepdims=True) / float(G)
            v = jnp.sum((h - m) ** 2, axis=0, keepdims=True) / float(G)
            return gg[...] * (h - m) / jnp.sqrt(v + 1e-5) + bb[...]

        def mlp(h, w1r, b1r, g1r, be1r, w2r, b2r, g2r, be2r):
            h = jnp.dot(h, w1r[...], preferred_element_type=_f32) + b1r[...]
            h = jnp.maximum(bn16(h, g1r, be1r), 0.0)
            h = jnp.dot(h, w2r[...], preferred_element_type=_f32) + b2r[...]
            h = jnp.maximum(bn16(h, g2r, be2r), 0.0)
            return h

        xd3 = mlp(x3, w31, b31, g31, be31, w32, b32, g32, be32)
        xd2 = mlp(xd3 + x2, w21, b21, g21, be21, w22, b22, g22, be22)
        logits = (jnp.dot(xd2 + x1, d1w[...], preferred_element_type=_f32)
                  + d1b[...])
        lmax = jnp.max(logits, axis=1, keepdims=True)
        sh = logits - lmax
        out_ref[...] = sh - jnp.log(jnp.sum(jnp.exp(sh), axis=1,
                                            keepdims=True))

    args = list(pools) + list(dp)
    return pl.pallas_call(
        body,
        out_shape=jax.ShapeDtypeStruct((G, 10), _f32),
    )(*args)



def _stage(h, agg, mask, mp, pvec, b_row, b_col, m_col_args):
    c0, c1 = m_col_args
    w1 = mp['W1']
    if w1.shape[0] < 128:
        w1 = jnp.concatenate(
            [w1, jnp.zeros((128 - w1.shape[0], w1.shape[1]), _f32)], axis=0)
    z1, ps, pq, pc = _mm_stats(h, agg, w1, mp['b1'].reshape(1, -1),
                               mask)
    z2, ps2, pq2 = _bn_mm_stats(z1, ps, pq, pc, mp['g1'].reshape(1, -1),
                                mp['be1'].reshape(1, -1), mp['W2'],
                                mp['b2'].reshape(1, -1), mask)
    h2, s = _bn_score(z2, ps2, pq2, pc, mp['g2'].reshape(1, -1),
                      mp['be2'].reshape(1, -1), pvec.reshape(1, -1))
    s_col = s.reshape(1, NP)
    m_col = mask.reshape(1, NP)
    keep, hn, pmax, psum, pcnt = _rank_pool(h2, s, b_row, mask, s_col,
                                            b_col, m_col, c0, c1)
    return hn, keep, (pmax, psum, pcnt)


def kernel(x, edge_index, batch, params):
    src = edge_index[0].astype(_i32)
    dst = edge_index[1].astype(_i32)
    b32 = batch.astype(_i32)

    xp = jnp.concatenate([x, jnp.zeros((NP - N, x.shape[1]), _f32)], axis=0)
    bpad = jnp.concatenate([b32, jnp.full((NP - N,), G, _i32)])
    b_row = bpad.reshape(NP, 1)
    b_col = bpad.reshape(1, NP)
    mask0 = (jnp.arange(NP) < N).astype(_f32).reshape(NP, 1)

    src_w = jnp.concatenate(
        [src.reshape(NW, EPW),
         jnp.zeros((NW, EPW_PAD - EPW), _i32)], axis=1)
    dst_w = jnp.concatenate(
        [dst.reshape(NW, EPW),
         jnp.full((NW, EPW_PAD - EPW), N, _i32)], axis=1).reshape(NW, NCH, CH)

    rows0 = jnp.arange(NBD) * RB
    last = jnp.minimum(rows0 + RB, N) - 1
    blo = bpad[rows0]
    bhi = bpad[last]
    col_lo = jnp.searchsorted(b32, blo, side='left').astype(_i32)
    col_hi = jnp.searchsorted(b32, bhi, side='right').astype(_i32)
    c0 = (col_lo // CC).reshape(NBD, 1, 1)
    c1 = ((col_hi + CC - 1) // CC).reshape(NBD, 1, 1)
    cargs = (c0, c1)

    h = xp
    mask = mask0
    pools = []
    seg = _make_seg_sum(128)
    zinit = jnp.zeros((NP, 128), _f32)
    for mp, pv in ((params['c1'], params['p1']),
                   (params['c2'], params['p2']),
                   (params['c3'], params['p3'])):
        agg = seg(h, src_w, dst_w, zinit)
        h, mask, pool = _stage(h, agg, mask, mp, pv, b_row, b_col, cargs)
        pools.append(pool)

    d3, d2 = params['d3'], params['d2']
    dp = (d3['W1'], d3['b1'].reshape(1, -1), d3['g1'].reshape(1, -1),
          d3['be1'].reshape(1, -1), d3['W2'], d3['b2'].reshape(1, -1),
          d3['g2'].reshape(1, -1), d3['be2'].reshape(1, -1),
          d2['W1'], d2['b1'].reshape(1, -1), d2['g1'].reshape(1, -1),
          d2['be1'].reshape(1, -1), d2['W2'], d2['b2'].reshape(1, -1),
          d2['g2'].reshape(1, -1), d2['be2'].reshape(1, -1),
          params['d1W'], params['d1b'].reshape(1, -1))
    flat_pools = [a for p in pools for a in p]
    return _decoder(flat_pools, dp)

# --- scband reference (transcript-rebuilt; emitter-appended) ---
"""Pipeline reference for scband-graph-unet2-867583393847 (READ-ONLY COPY).

The authoritative reference and input builder live on the scoring server;
editing this copy changes nothing except your own understanding.
"""

import jax, jax.numpy as jnp
import numpy as np
from fractions import Fraction

N = 10000
E = 320000
F_IN = 128
NUM_CLASSES = 10
G_MAX = 16
RATIO = 0.8

_R_NUM, _R_DEN = Fraction(RATIO).limit_denominator(1000).as_integer_ratio()


def _bn(h, g, b, mask, cnt):
    w = mask[:, None].astype(h.dtype)
    m = (h * w).sum(axis=0) / cnt
    v = (w * (h - m) ** 2).sum(axis=0) / cnt
    return g * (h - m) / jnp.sqrt(v + 1e-5) + b


def _mlp(h, p, mask, cnt):
    h = h @ p['W1'] + p['b1']
    h = jax.nn.relu(_bn(h, p['g1'], p['be1'], mask, cnt))
    h = h @ p['W2'] + p['b2']
    h = jax.nn.relu(_bn(h, p['g2'], p['be2'], mask, cnt))
    return h


def _gin(x, src, dst, n, p, emask, nmask, cnt):
    msg = x[src] * emask[:, None].astype(x.dtype)
    agg = jax.ops.segment_sum(msg, dst, num_segments=n)
    return _mlp(x + agg, p, nmask, cnt)


def _gpool(x, batch, G, mask):
    w = mask[:, None].astype(x.dtype)
    mx = jax.ops.segment_max(jnp.where(mask[:, None], x, -jnp.inf), batch, num_segments=G)
    cnt = jax.ops.segment_sum(w, batch, num_segments=G)
    mn = jax.ops.segment_sum(x * w, batch, num_segments=G) / jnp.maximum(cnt, 1.0)
    return jnp.concatenate([mx, mn], axis=1)


def _topk_mask(score, batch, mask, G):
    grp = jnp.where(mask, batch, G)
    order = jnp.lexsort((-score, grp))
    gs = grp[order]
    start = jnp.searchsorted(gs, gs, side='left')
    rank = jnp.arange(gs.shape[0]) - start
    n = jax.ops.segment_sum(mask.astype(jnp.int32), grp, num_segments=G + 1)
    k = (_R_NUM * n + _R_DEN - 1) // _R_DEN
    keep_sorted = (gs < G) & (rank < k[gs])
    return jnp.zeros_like(mask).at[order].set(keep_sorted)


def setup_inputs(seed: int = 0):
    key = jax.random.key(seed)
    ks = jax.random.split(key, 16)
    x = jax.random.normal(ks[0], (N, F_IN), jnp.float32)
    edge_index = jax.random.randint(ks[1], (2, E), 0, N).astype(jnp.int64)
    batch = jnp.sort(jax.random.randint(ks[2], (N,), 0, G_MAX)).astype(jnp.int64)

    def lin(k, i, o):
        return (jax.random.normal(k, (i, o), jnp.float32) / np.sqrt(i)).astype(jnp.float32)

    def mlp_p(k, i, h):
        k1, k2 = jax.random.split(k)
        return {'W1': lin(k1, i, h), 'b1': jnp.zeros((h,), jnp.float32),
                'g1': jnp.ones((h,), jnp.float32), 'be1': jnp.zeros((h,), jnp.float32),
                'W2': lin(k2, h, h), 'b2': jnp.zeros((h,), jnp.float32),
                'g2': jnp.ones((h,), jnp.float32), 'be2': jnp.zeros((h,), jnp.float32)}

    params = {
        'c1': mlp_p(ks[3], F_IN, 32), 'p1': jax.random.normal(ks[4], (32,), jnp.float32),
        'c2': mlp_p(ks[5], 32, 64), 'p2': jax.random.normal(ks[6], (64,), jnp.float32),
        'c3': mlp_p(ks[7], 64, 128), 'p3': jax.random.normal(ks[8], (128,), jnp.float32),
        'd3': mlp_p(ks[9], 256, 128),
        'd2': mlp_p(ks[10], 128, 64),
        'd1W': lin(ks[11], 64, NUM_CLASSES), 'd1b': jnp.zeros((NUM_CLASSES,), jnp.float32),
    }
    return {'x': x, 'edge_index': edge_index, 'batch': batch, 'params': params}


def reference(x, edge_index, batch, params):
    src = edge_index[0]
    dst = edge_index[1]
    G = G_MAX
    b = batch
    nmask = jnp.ones((x.shape[0],), bool)
    emask = jnp.ones((src.shape[0],), bool)

    # stage 1
    cnt = nmask.sum().astype(x.dtype)
    h = jax.nn.relu(_gin(x, src, dst, x.shape[0], params['c1'], emask, nmask, cnt))
    s = jnp.tanh(h @ params['p1'] / jnp.linalg.norm(params['p1']))
    keep = _topk_mask(s, b, nmask, G)
    emask = emask & keep[src] & keep[dst]
    nmask = keep
    h = jnp.where(keep[:, None], h * s[:, None], 0.0)
    x1 = _gpool(h, b, G, nmask)

    # stage 2
    cnt = nmask.sum().astype(h.dtype)
    h = jax.nn.relu(_gin(h, src, dst, h.shape[0], params['c2'], emask, nmask, cnt))
    s = jnp.tanh(h @ params['p2'] / jnp.linalg.norm(params['p2']))
    keep = _topk_mask(s, b, nmask, G)
    emask = emask & keep[src] & keep[dst]
    nmask = keep
    h = jnp.where(keep[:, None], h * s[:, None], 0.0)
    x2 = _gpool(h, b, G, nmask)

    # stage 3
    cnt = nmask.sum().astype(h.dtype)
    h = jax.nn.relu(_gin(h, src, dst, h.shape[0], params['c3'], emask, nmask, cnt))
    s = jnp.tanh(h @ params['p3'] / jnp.linalg.norm(params['p3']))
    keep = _topk_mask(s, b, nmask, G)
    emask = emask & keep[src] & keep[dst]
    nmask = keep
    h = jnp.where(keep[:, None], h * s[:, None], 0.0)
    x3 = _gpool(h, b, G, nmask)

    gmask = jnp.ones((G,), bool)
    gcnt = jnp.asarray(G, x3.dtype)
    xd3 = jax.nn.relu(_mlp(x3, params['d3'], gmask, gcnt))
    xd2 = jax.nn.relu(_mlp(xd3 + x2, params['d2'], gmask, gcnt))
    logits = (xd2 + x1) @ params['d1W'] + params['d1b']
    return jax.nn.log_softmax(logits, axis=-1)

if __name__ == "__main__":
    import jax
    _d = setup_inputs()
    print(jax.jit(kernel)(*tuple(_d.values())))

</pallas_src>

<mosaic_0001>
#map = affine_map<(d0, d1) -> (0, 0)>
#map1 = affine_map<(d0, d1) -> (0, 0, 0)>
module attributes {stable_mosaic.version = 14 : i64} {
  func.func @seg_sum(%arg0: i32, %arg1: i32, %arg2: memref<10240x128xf32, #tpu.memory_space<hbm>>, %arg3: memref<32x10112xi32, #tpu.memory_space<hbm>>, %arg4: memref<32x79x128xi32, #tpu.memory_space<hbm>>, %arg5: memref<10240x128xf32, #tpu.memory_space<hbm>>, %arg6: memref<20480x128xf32, #tpu.memory_space<hbm>>, %arg7: memref<10112xi32, #tpu.memory_space<vmem>>, %arg8: memref<79x128xi32, #tpu.memory_space<vmem>>, %arg9: memref<128x128xf32, #tpu.memory_space<vmem>>, %arg10: memref<10240x128xf32, #tpu.memory_space<vmem_shared>>, %arg11: memref<!tpu.dma_semaphore, #tpu.memory_space<semaphore_mem>>) attributes {dimension_semantics = [#tpu.dimension_semantics<core_parallel>, #tpu.dimension_semantics<subcore_parallel>], iteration_bounds = array<i64: 2, 16>, scalar_prefetch = 0 : i64, scratch_operands = 5 : i64, tpu.core_type = #tpu.core_type<sc_vector_subcore>, window_params = [{transform_indices = #map}, {transform_indices = #map}, {transform_indices = #map1}, {transform_indices = #map}, {transform_indices = #map}]} {
    %mul3A = arith.constant 2 : i32
    %mul3A_0 = arith.muli %arg1, %mul3A : i32
    %add3A = arith.addi %mul3A_0, %arg0 : i32
    %mul3A_1 = arith.constant 640 : i32
    %mul3A_2 = arith.muli %arg1, %mul3A_1 : i32
    %mul3A_3 = arith.constant 640 : i32
    %mul3A_4 = arith.muli %arg1, %mul3A_3 : i32
    "tpu.region"() ({
      %run_scoped3A = tpu.sem_alloc : memref<!tpu.dma_semaphore, #tpu.memory_space<semaphore_mem>>
      %dma_start3A = arith.constant 0 : i32
      %dma_start3A_18 = tpu.memref_slice %arg10[%mul3A_4, %dma_start3A] : memref<10240x128xf32, #tpu.memory_space<vmem_shared>> -> memref<640x128xf32, #tpu.memory_space<vmem_shared>>
      %dma_start3A_19 = arith.constant 0 : i32
      %dma_start3A_20 = tpu.memref_slice %arg5[%mul3A_2, %dma_start3A_19] : memref<10240x128xf32, #tpu.memory_space<hbm>> -> memref<640x128xf32, #tpu.memory_space<hbm>>
      tpu.enqueue_dma source(%dma_start3A_20 : memref<640x128xf32, #tpu.memory_space<hbm>>) target(%dma_start3A_18 : memref<640x128xf32, #tpu.memory_space<vmem_shared>>) target_semaphore(%run_scoped3A : memref<!tpu.dma_semaphore, #tpu.memory_space<semaphore_mem>>)
      %dma_wait3A = arith.constant 0 : i32
      %dma_wait3A_21 = tpu.memref_slice %arg10[%mul3A_4, %dma_wait3A] : memref<10240x128xf32, #tpu.memory_space<vmem_shared>> -> memref<640x128xf32, #tpu.memory_space<vmem_shared>>
      %dma_wait3A_22 = arith.constant 0 : i32
      %dma_wait3A_23 = tpu.memref_slice %arg5[%mul3A_2, %dma_wait3A_22] : memref<10240x128xf32, #tpu.memory_space<hbm>> -> memref<640x128xf32, #tpu.memory_space<hbm>>
      tpu.wait_dma2 semaphore(%run_scoped3A : memref<!tpu.dma_semaphore, #tpu.memory_space<semaphore_mem>>) src(%dma_wait3A_23 : memref<640x128xf32, #tpu.memory_space<hbm>>) dst(%dma_wait3A_21 : memref<640x128xf32, #tpu.memory_space<vmem_shared>>)
      tpu.yield
    }) : () -> ()
    %barrier3A = arith.constant 0 : index
    tpu.barrier barrier_id(%barrier3A)
    "tpu.region"() ({
      %run_scoped3A = tpu.sem_alloc : memref<!tpu.dma_semaphore, #tpu.memory_space<semaphore_mem>>
      %dma_start3A = arith.constant 0 : i32
      %dma_start3A_18 = tpu.memref_slice %arg3[%add3A, %dma_start3A] : memref<32x10112xi32, #tpu.memory_space<hbm>> -> memref<1x10112xi32, #tpu.memory_space<hbm>>
      %dma_start3A_19 = tpu.memref_squeeze %dma_start3A_18 : memref<1x10112xi32, #tpu.memory_space<hbm>> -> memref<10112xi32, #tpu.memory_space<hbm>>
      %dma_start3A_20 = arith.constant 0 : i32
      %dma_start3A_21 = tpu.memref_slice %arg3[%add3A, %dma_start3A_20] : memref<32x10112xi32, #tpu.memory_space<hbm>> -> memref<1x10112xi32, #tpu.memory_space<hbm>>
      %dma_start3A_22 = tpu.memref_squeeze %dma_start3A_21 : memref<1x10112xi32, #tpu.memory_space<hbm>> -> memref<10112xi32, #tpu.memory_space<hbm>>
      tpu.enqueue_dma source(%dma_start3A_22 : memref<10112xi32, #tpu.memory_space<hbm>>) target(%arg7 : memref<10112xi32, #tpu.memory_space<vmem>>) target_semaphore(%run_scoped3A : memref<!tpu.dma_semaphore, #tpu.memory_space<semaphore_mem>>)
      %dma_wait3A = arith.constant 0 : i32
      %dma_wait3A_23 = tpu.memref_slice %arg3[%add3A, %dma_wait3A] : memref<32x10112xi32, #tpu.memory_space<hbm>> -> memref<1x10112xi32, #tpu.memory_space<hbm>>
      %dma_wait3A_24 = tpu.memref_squeeze %dma_wait3A_23 : memref<1x10112xi32, #tpu.memory_space<hbm>> -> memref<10112xi32, #tpu.memory_space<hbm>>
      %dma_wait3A_25 = arith.constant 0 : i32
      %dma_wait3A_26 = tpu.memref_slice %arg3[%add3A, %dma_wait3A_25] : memref<32x10112xi32, #tpu.memory_space<hbm>> -> memref<1x10112xi32, #tpu.memory_space<hbm>>
      %dma_wait3A_27 = tpu.memref_squeeze %dma_wait3A_26 : memref<1x10112xi32, #tpu.memory_space<hbm>> -> memref<10112xi32, #tpu.memory_space<hbm>>
      tpu.wait_dma2 semaphore(%run_scoped3A : memref<!tpu.dma_semaphore, #tpu.memory_space<semaphore_mem>>) src(%dma_wait3A_27 : memref<10112xi32, #tpu.memory_space<hbm>>) dst(%arg7 : memref<10112xi32, #tpu.memory_space<vmem>>)
      tpu.yield
    }) : () -> ()
    "tpu.region"() ({
      %run_scoped3A = tpu.sem_alloc : memref<!tpu.dma_semaphore, #tpu.memory_space<semaphore_mem>>
      %dma_start3A = arith.constant 0 : i32
      %dma_start3A_18 = arith.constant 0 : i32
      %dma_start3A_19 = tpu.memref_slice %arg4[%add3A, %dma_start3A, %dma_start3A_18] : memref<32x79x128xi32, #tpu.memory_space<hbm>> -> memref<1x79x128xi32, #tpu.memory_space<hbm>>
      %dma_start3A_20 = tpu.memref_squeeze %dma_start3A_19 : memref<1x79x128xi32, #tpu.memory_space<hbm>> -> memref<79x128xi32, #tpu.memory_space<hbm>>
      %dma_start3A_21 = arith.constant 0 : i32
      %dma_start3A_22 = arith.constant 0 : i32
      %dma_start3A_23 = tpu.memref_slice %arg4[%add3A, %dma_start3A_21, %dma_start3A_22] : memref<32x79x128xi32, #tpu.memory_space<hbm>> -> memref<1x79x128xi32, #tpu.memory_space<hbm>>
      %dma_start3A_24 = tpu.memref_squeeze %dma_start3A_23 : memref<1x79x128xi32, #tpu.memory_space<hbm>> -> memref<79x128xi32, #tpu.memory_space<hbm>>
      tpu.enqueue_dma source(%dma_start3A_24 : memref<79x128xi32, #tpu.memory_space<hbm>>) target(%arg8 : memref<79x128xi32, #tpu.memory_space<vmem>>) target_semaphore(%run_scoped3A : memref<!tpu.dma_semaphore, #tpu.memory_space<semaphore_mem>>)
      %dma_wait3A = arith.constant 0 : i32
      %dma_wait3A_25 = arith.constant 0 : i32
      %dma_wait3A_26 = tpu.memref_slice %arg4[%add3A, %dma_wait3A, %dma_wait3A_25] : memref<32x79x128xi32, #tpu.memory_space<hbm>> -> memref<1x79x128xi32, #tpu.memory_space<hbm>>
      %dma_wait3A_27 = tpu.memref_squeeze %dma_wait3A_26 : memref<1x79x128xi32, #tpu.memory_space<hbm>> -> memref<79x128xi32, #tpu.memory_space<hbm>>
      %dma_wait3A_28 = arith.constant 0 : i32
      %dma_wait3A_29 = arith.constant 0 : i32
      %dma_wait3A_30 = tpu.memref_slice %arg4[%add3A, %dma_wait3A_28, %dma_wait3A_29] : memref<32x79x128xi32, #tpu.memory_space<hbm>> -> memref<1x79x128xi32, #tpu.memory_space<hbm>>
      %dma_wait3A_31 = tpu.memref_squeeze %dma_wait3A_30 : memref<1x79x128xi32, #tpu.memory_space<hbm>> -> memref<79x128xi32, #tpu.memory_space<hbm>>
      tpu.wait_dma2 semaphore(%run_scoped3A : memref<!tpu.dma_semaphore, #tpu.memory_space<semaphore_mem>>) src(%dma_wait3A_31 : memref<79x128xi32, #tpu.memory_space<hbm>>) dst(%arg8 : memref<79x128xi32, #tpu.memory_space<vmem>>)
      tpu.yield
    }) : () -> ()
    %scan3A = arith.constant 0 : i32
    %scan3A_5 = arith.constant 0 : i32
    %scan3A_6 = arith.constant 79 : i32
    %scan3A_7 = arith.addi %scan3A_5, %scan3A_6 : i32
    %scan3A_8 = arith.constant 1 : i32
    scf.for %scan3A_18 = %scan3A_5 to %scan3A_7 step %scan3A_8  : i32 {
      %mul3A_19 = arith.constant 128 : i32
      %mul3A_20 = arith.muli %scan3A_18, %mul3A_19 : i32
      %dma_start3A = tpu.memref_slice %arg7[%mul3A_20] : memref<10112xi32, #tpu.memory_space<vmem>> -> memref<128xi32, #tpu.memory_space<vmem>>
      %dma_start3A_21 = arith.constant 0 : i32
      %dma_start3A_22 = arith.constant 0 : i32
      %dma_start3A_23 = tpu.memref_slice %arg2[%dma_start3A_21, %dma_start3A_22] : memref<10240x128xf32, #tpu.memory_space<hbm>> -> memref<10240x128xf32, #tpu.memory_space<hbm>>
      tpu.enqueue_indirect_dma source(%dma_start3A_23 : memref<10240x128xf32, #tpu.memory_space<hbm>>) target(%arg9 : memref<128x128xf32, #tpu.memory_space<vmem>>) offsets(%dma_start3A : memref<128xi32, #tpu.memory_space<vmem>>) semaphore(%arg11 : memref<!tpu.dma_semaphore, #tpu.memory_space<semaphore_mem>>)
      %dma_wait3A = tpu.memref_slice %arg7[%mul3A_20] : memref<10112xi32, #tpu.memory_space<vmem>> -> memref<128xi32, #tpu.memory_space<vmem>>
      %dma_wait3A_24 = arith.constant 0 : i32
      %dma_wait3A_25 = arith.constant 0 : i32
      %dma_wait3A_26 = tpu.memref_slice %arg2[%dma_wait3A_24, %dma_wait3A_25] : memref<10240x128xf32, #tpu.memory_space<hbm>> -> memref<10240x128xf32, #tpu.memory_space<hbm>>
      tpu.wait_indirect_dma semaphore(%arg11 : memref<!tpu.dma_semaphore, #tpu.memory_space<semaphore_mem>>) src(%dma_wait3A_26 : memref<10240x128xf32, #tpu.memory_space<hbm>>) dst(%arg9 : memref<128x128xf32, #tpu.memory_space<vmem>>)
      "tpu.region"() ({
        %run_scoped3A = tpu.sem_alloc : memref<!tpu.dma_semaphore, #tpu.memory_space<semaphore_mem>>
        %dma_start3A_27 = arith.constant 0 : i32
        %dma_start3A_28 = tpu.memref_slice %arg8[%scan3A_18, %dma_start3A_27] : memref<79x128xi32, #tpu.memory_space<vmem>> -> memref<1x128xi32, #tpu.memory_space<vmem>>
        %dma_start3A_29 = tpu.memref_squeeze %dma_start3A_28 : memref<1x128xi32, #tpu.memory_space<vmem>> -> memref<128xi32, #tpu.memory_space<vmem>>
        %dma_start3A_30 = arith.constant 0 : i32
        %dma_start3A_31 = arith.constant 0 : i32
        %dma_start3A_32 = tpu.memref_slice %arg10[%dma_start3A_30, %dma_start3A_31] : memref<10240x128xf32, #tpu.memory_space<vmem_shared>> -> memref<10240x128xf32, #tpu.memory_space<vmem_shared>>
        tpu.enqueue_indirect_dma source(%arg9 : memref<128x128xf32, #tpu.memory_space<vmem>>) target(%dma_start3A_32 : memref<10240x128xf32, #tpu.memory_space<vmem_shared>>) offsets(%dma_start3A_29 : memref<128xi32, #tpu.memory_space<vmem>>) semaphore(%run_scoped3A : memref<!tpu.dma_semaphore, #tpu.memory_space<semaphore_mem>>) {add = true}
        %dma_wait3A_33 = arith.constant 0 : i32
        %dma_wait3A_34 = tpu.memref_slice %arg8[%scan3A_18, %dma_wait3A_33] : memref<79x128xi32, #tpu.memory_space<vmem>> -> memref<1x128xi32, #tpu.memory_space<vmem>>
        %dma_wait3A_35 = tpu.memref_squeeze %dma_wait3A_34 : memref<1x128xi32, #tpu.memory_space<vmem>> -> memref<128xi32, #tpu.memory_space<vmem>>
        %dma_wait3A_36 = arith.constant 0 : i32
        %dma_wait3A_37 = arith.constant 0 : i32
        %dma_wait3A_38 = tpu.memref_slice %arg10[%dma_wait3A_36, %dma_wait3A_37] : memref<10240x128xf32, #tpu.memory_space<vmem_shared>> -> memref<10240x128xf32, #tpu.memory_space<vmem_shared>>
        tpu.wait_indirect_dma semaphore(%run_scoped3A : memref<!tpu.dma_semaphore, #tpu.memory_space<semaphore_mem>>) src(%arg9 : memref<128x128xf32, #tpu.memory_space<vmem>>) dst(%dma_wait3A_38 : memref<10240x128xf32, #tpu.memory_space<vmem_shared>>)
        tpu.yield
      }) : () -> ()
    }
    %scan3A_9 = arith.constant 79 : i32
    %barrier3A_10 = arith.constant 0 : index
    tpu.barrier barrier_id(%barrier3A_10)
    %mul3A_11 = arith.constant 640 : i32
    %mul3A_12 = arith.muli %arg1, %mul3A_11 : i32
    %mul3A_13 = arith.constant 10240 : i32
    %mul3A_14 = arith.muli %arg0, %mul3A_13 : i32
    %mul3A_15 = arith.constant 640 : i32
    %mul3A_16 = arith.muli %arg1, %mul3A_15 : i32
    %add3A_17 = arith.addi %mul3A_14, %mul3A_16 : i32
    "tpu.region"() ({
      %run_scoped3A = tpu.sem_alloc : memref<!tpu.dma_semaphore, #tpu.memory_space<semaphore_mem>>
      %dma_start3A = arith.constant 0 : i32
      %dma_start3A_18 = tpu.memref_slice %arg6[%add3A_17, %dma_start3A] : memref<20480x128xf32, #tpu.memory_space<hbm>> -> memref<640x128xf32, #tpu.memory_space<hbm>>
      %dma_start3A_19 = arith.constant 0 : i32
      %dma_start3A_20 = tpu.memref_slice %arg10[%mul3A_12, %dma_start3A_19] : memref<10240x128xf32, #tpu.memory_space<vmem_shared>> -> memref<640x128xf32, #tpu.memory_space<vmem_shared>>
      tpu.enqueue_dma source(%dma_start3A_20 : memref<640x128xf32, #tpu.memory_space<vmem_shared>>) target(%dma_start3A_18 : memref<640x128xf32, #tpu.memory_space<hbm>>) target_semaphore(%run_scoped3A : memref<!tpu.dma_semaphore, #tpu.memory_space<semaphore_mem>>)
      %dma_wait3A = arith.constant 0 : i32
      %dma_wait3A_21 = tpu.memref_slice %arg6[%add3A_17, %dma_wait3A] : memref<20480x128xf32, #tpu.memory_space<hbm>> -> memref<640x128xf32, #tpu.memory_space<hbm>>
      %dma_wait3A_22 = arith.constant 0 : i32
      %dma_wait3A_23 = tpu.memref_slice %arg10[%mul3A_12, %dma_wait3A_22] : memref<10240x128xf32, #tpu.memory_space<vmem_shared>> -> memref<640x128xf32, #tpu.memory_space<vmem_shared>>
      tpu.wait_dma2 semaphore(%run_scoped3A : memref<!tpu.dma_semaphore, #tpu.memory_space<semaphore_mem>>) src(%dma_wait3A_23 : memref<640x128xf32, #tpu.memory_space<vmem_shared>>) dst(%dma_wait3A_21 : memref<640x128xf32, #tpu.memory_space<hbm>>)
      tpu.yield
    }) : () -> ()
    return
  }
}

#map = affine_map<(d0, d1) -> (0, 0)>
#map1 = affine_map<(d0, d1) -> (0, 0, 0)>
module attributes {stable_mosaic.version = 14 : i64} {
  func.func @seg_sum(%arg0: i32, %arg1: i32, %arg2: memref<10240x128xf32, #tpu.memory_space<hbm>>, %arg3: memref<32x10112xi32, #tpu.memory_space<hbm>>, %arg4: memref<32x79x128xi32, #tpu.memory_space<hbm>>, %arg5: memref<10240x128xf32, #tpu.memory_space<hbm>>, %arg6: memref<20480x128xf32, #tpu.memory_space<hbm>>, %arg7: memref<10112xi32, #tpu.memory_space<vmem>>, %arg8: memref<79x128xi32, #tpu.memory_space<vmem>>, %arg9: memref<128x128xf32, #tpu.memory_space<vmem>>, %arg10: memref<10240x128xf32, #tpu.memory_space<vmem_shared>>, %arg11: memref<!tpu.dma_semaphore, #tpu.memory_space<semaphore_mem>>) attributes {dimension_semantics = [#tpu.dimension_semantics<core_parallel>, #tpu.dimension_semantics<subcore_parallel>], iteration_bounds = array<i64: 2, 16>, scalar_prefetch = 0 : i64, scratch_operands = 5 : i64, tpu.core_type = #tpu.core_type<sc_vector_subcore>, window_params = [{transform_indices = #map}, {transform_indices = #map}, {transform_indices = #map1}, {transform_indices = #map}, {transform_indices = #map}]} {
    %mul3A = arith.constant 2 : i32
    %mul3A_0 = arith.muli %arg1, %mul3A : i32
    %add3A = arith.addi %mul3A_0, %arg0 : i32
    %mul3A_1 = arith.constant 640 : i32
    %mul3A_2 = arith.muli %arg1, %mul3A_1 : i32
    %mul3A_3 = arith.constant 640 : i32
    %mul3A_4 = arith.muli %arg1, %mul3A_3 : i32
    "tpu.region"() ({
      %run_scoped3A = tpu.sem_alloc : memref<!tpu.dma_semaphore, #tpu.memory_space<semaphore_mem>>
      %dma_start3A = arith.constant 0 : i32
      %dma_start3A_18 = tpu.memref_slice %arg10[%mul3A_4, %dma_start3A] : memref<10240x128xf32, #tpu.memory_space<vmem_shared>> -> memref<640x128xf32, #tpu.memory_space<vmem_shared>>
      %dma_start3A_19 = arith.constant 0 : i32
      %dma_start3A_20 = tpu.memref_slice %arg5[%mul3A_2, %dma_start3A_19] : memref<10240x128xf32, #tpu.memory_space<hbm>> -> memref<640x128xf32, #tpu.memory_space<hbm>>
      tpu.enqueue_dma source(%dma_start3A_20 : memref<640x128xf32, #tpu.memory_space<hbm>>) target(%dma_start3A_18 : memref<640x128xf32, #tpu.memory_space<vmem_shared>>) target_semaphore(%run_scoped3A : memref<!tpu.dma_semaphore, #tpu.memory_space<semaphore_mem>>)
      %dma_wait3A = arith.constant 0 : i32
      %dma_wait3A_21 = tpu.memref_slice %arg10[%mul3A_4, %dma_wait3A] : memref<10240x128xf32, #tpu.memory_space<vmem_shared>> -> memref<640x128xf32, #tpu.memory_space<vmem_shared>>
      %dma_wait3A_22 = arith.constant 0 : i32
      %dma_wait3A_23 = tpu.memref_slice %arg5[%mul3A_2, %dma_wait3A_22] : memref<10240x128xf32, #tpu.memory_space<hbm>> -> memref<640x128xf32, #tpu.memory_space<hbm>>
      tpu.wait_dma2 semaphore(%run_scoped3A : memref<!tpu.dma_semaphore, #tpu.memory_space<semaphore_mem>>) src(%dma_wait3A_23 : memref<640x128xf32, #tpu.memory_space<hbm>>) dst(%dma_wait3A_21 : memref<640x128xf32, #tpu.memory_space<vmem_shared>>)
      tpu.yield
    }) : () -> ()
    %barrier3A = arith.constant 0 : index
    tpu.barrier barrier_id(%barrier3A)
    "tpu.region"() ({
      %run_scoped3A = tpu.sem_alloc : memref<!tpu.dma_semaphore, #tpu.memory_space<semaphore_mem>>
      %dma_start3A = arith.constant 0 : i32
      %dma_start3A_18 = tpu.memref_slice %arg3[%add3A, %dma_start3A] : memref<32x10112xi32, #tpu.memory_space<hbm>> -> memref<1x10112xi32, #tpu.memory_space<hbm>>
      %dma_start3A_19 = tpu.memref_squeeze %dma_start3A_18 : memref<1x10112xi32, #tpu.memory_space<hbm>> -> memref<10112xi32, #tpu.memory_space<hbm>>
      %dma_start3A_20 = arith.constant 0 : i32
      %dma_start3A_21 = tpu.memref_slice %arg3[%add3A, %dma_start3A_20] : memref<32x10112xi32, #tpu.memory_space<hbm>> -> memref<1x10112xi32, #tpu.memory_space<hbm>>
      %dma_start3A_22 = tpu.memref_squeeze %dma_start3A_21 : memref<1x10112xi32, #tpu.memory_space<hbm>> -> memref<10112xi32, #tpu.memory_space<hbm>>
      tpu.enqueue_dma source(%dma_start3A_22 : memref<10112xi32, #tpu.memory_space<hbm>>) target(%arg7 : memref<10112xi32, #tpu.memory_space<vmem>>) target_semaphore(%run_scoped3A : memref<!tpu.dma_semaphore, #tpu.memory_space<semaphore_mem>>)
      %dma_wait3A = arith.constant 0 : i32
      %dma_wait3A_23 = tpu.memref_slice %arg3[%add3A, %dma_wait3A] : memref<32x10112xi32, #tpu.memory_space<hbm>> -> memref<1x10112xi32, #tpu.memory_space<hbm>>
      %dma_wait3A_24 = tpu.memref_squeeze %dma_wait3A_23 : memref<1x10112xi32, #tpu.memory_space<hbm>> -> memref<10112xi32, #tpu.memory_space<hbm>>
      %dma_wait3A_25 = arith.constant 0 : i32
      %dma_wait3A_26 = tpu.memref_slice %arg3[%add3A, %dma_wait3A_25] : memref<32x10112xi32, #tpu.memory_space<hbm>> -> memref<1x10112xi32, #tpu.memory_space<hbm>>
      %dma_wait3A_27 = tpu.memref_squeeze %dma_wait3A_26 : memref<1x10112xi32, #tpu.memory_space<hbm>> -> memref<10112xi32, #tpu.memory_space<hbm>>
      tpu.wait_dma2 semaphore(%run_scoped3A : memref<!tpu.dma_semaphore, #tpu.memory_space<semaphore_mem>>) src(%dma_wait3A_27 : memref<10112xi32, #tpu.memory_space<hbm>>) dst(%arg7 : memref<10112xi32, #tpu.memory_space<vmem>>)
      tpu.yield
    }) : () -> ()
    "tpu.region"() ({
      %run_scoped3A = tpu.sem_alloc : memref<!tpu.dma_semaphore, #tpu.memory_space<semaphore_mem>>
      %dma_start3A = arith.constant 0 : i32
      %dma_start3A_18 = arith.constant 0 : i32
      %dma_start3A_19 = tpu.memref_slice %arg4[%add3A, %dma_start3A, %dma_start3A_18] : memref<32x79x128xi32, #tpu.memory_space<hbm>> -> memref<1x79x128xi32, #tpu.memory_space<hbm>>
      %dma_start3A_20 = tpu.memref_squeeze %dma_start3A_19 : memref<1x79x128xi32, #tpu.memory_space<hbm>> -> memref<79x128xi32, #tpu.memory_space<hbm>>
      %dma_start3A_21 = arith.constant 0 : i32
      %dma_start3A_22 = arith.constant 0 : i32
      %dma_start3A_23 = tpu.memref_slice %arg4[%add3A, %dma_start3A_21, %dma_start3A_22] : memref<32x79x128xi32, #tpu.memory_space<hbm>> -> memref<1x79x128xi32, #tpu.memory_space<hbm>>
      %dma_start3A_24 = tpu.memref_squeeze %dma_start3A_23 : memref<1x79x128xi32, #tpu.memory_space<hbm>> -> memref<79x128xi32, #tpu.memory_space<hbm>>
      tpu.enqueue_dma source(%dma_start3A_24 : memref<79x128xi32, #tpu.memory_space<hbm>>) target(%arg8 : memref<79x128xi32, #tpu.memory_space<vmem>>) target_semaphore(%run_scoped3A : memref<!tpu.dma_semaphore, #tpu.memory_space<semaphore_mem>>)
      %dma_wait3A = arith.constant 0 : i32
      %dma_wait3A_25 = arith.constant 0 : i32
      %dma_wait3A_26 = tpu.memref_slice %arg4[%add3A, %dma_wait3A, %dma_wait3A_25] : memref<32x79x128xi32, #tpu.memory_space<hbm>> -> memref<1x79x128xi32, #tpu.memory_space<hbm>>
      %dma_wait3A_27 = tpu.memref_squeeze %dma_wait3A_26 : memref<1x79x128xi32, #tpu.memory_space<hbm>> -> memref<79x128xi32, #tpu.memory_space<hbm>>
      %dma_wait3A_28 = arith.constant 0 : i32
      %dma_wait3A_29 = arith.constant 0 : i32
      %dma_wait3A_30 = tpu.memref_slice %arg4[%add3A, %dma_wait3A_28, %dma_wait3A_29] : memref<32x79x128xi32, #tpu.memory_space<hbm>> -> memref<1x79x128xi32, #tpu.memory_space<hbm>>
      %dma_wait3A_31 = tpu.memref_squeeze %dma_wait3A_30 : memref<1x79x128xi32, #tpu.memory_space<hbm>> -> memref<79x128xi32, #tpu.memory_space<hbm>>
      tpu.wait_dma2 semaphore(%run_scoped3A : memref<!tpu.dma_semaphore, #tpu.memory_space<semaphore_mem>>) src(%dma_wait3A_31 : memref<79x128xi32, #tpu.memory_space<hbm>>) dst(%arg8 : memref<79x128xi32, #tpu.memory_space<vmem>>)
      tpu.yield
    }) : () -> ()
    %scan3A = arith.constant 0 : i32
    %scan3A_5 = arith.constant 0 : i32
    %scan3A_6 = arith.constant 79 : i32
    %scan3A_7 = arith.addi %scan3A_5, %scan3A_6 : i32
    %scan3A_8 = arith.constant 1 : i32
    scf.for %scan3A_18 = %scan3A_5 to %scan3A_7 step %scan3A_8  : i32 {
      %mul3A_19 = arith.constant 128 : i32
      %mul3A_20 = arith.muli %scan3A_18, %mul3A_19 : i32
      %dma_start3A = tpu.memref_slice %arg7[%mul3A_20] : memref<10112xi32, #tpu.memory_space<vmem>> -> memref<128xi32, #tpu.memory_space<vmem>>
      %dma_start3A_21 = arith.constant 0 : i32
      %dma_start3A_22 = arith.constant 0 : i32
      %dma_start3A_23 = tpu.memref_slice %arg2[%dma_start3A_21, %dma_start3A_22] : memref<10240x128xf32, #tpu.memory_space<hbm>> -> memref<10240x128xf32, #tpu.memory_space<hbm>>
      tpu.enqueue_indirect_dma source(%dma_start3A_23 : memref<10240x128xf32, #tpu.memory_space<hbm>>) target(%arg9 : memref<128x128xf32, #tpu.memory_space<vmem>>) offsets(%dma_start3A : memref<128xi32, #tpu.memory_space<vmem>>) semaphore(%arg11 : memref<!tpu.dma_semaphore, #tpu.memory_space<semaphore_mem>>)
      %dma_wait3A = tpu.memref_slice %arg7[%mul3A_20] : memref<10112xi32, #tpu.memory_space<vmem>> -> memref<128xi32, #tpu.memory_space<vmem>>
      %dma_wait3A_24 = arith.constant 0 : i32
      %dma_wait3A_25 = arith.constant 0 : i32
      %dma_wait3A_26 = tpu.memref_slice %arg2[%dma_wait3A_24, %dma_wait3A_25] : memref<10240x128xf32, #tpu.memory_space<hbm>> -> memref<10240x128xf32, #tpu.memory_space<hbm>>
      tpu.wait_indirect_dma semaphore(%arg11 : memref<!tpu.dma_semaphore, #tpu.memory_space<semaphore_mem>>) src(%dma_wait3A_26 : memref<10240x128xf32, #tpu.memory_space<hbm>>) dst(%arg9 : memref<128x128xf32, #tpu.memory_space<vmem>>)
      "tpu.region"() ({
        %run_scoped3A = tpu.sem_alloc : memref<!tpu.dma_semaphore, #tpu.memory_space<semaphore_mem>>
        %dma_start3A_27 = arith.constant 0 : i32
        %dma_start3A_28 = tpu.memref_slice %arg8[%scan3A_18, %dma_start3A_27] : memref<79x128xi32, #tpu.memory_space<vmem>> -> memref<1x128xi32, #tpu.memory_space<vmem>>
        %dma_start3A_29 = tpu.memref_squeeze %dma_start3A_28 : memref<1x128xi32, #tpu.memory_space<vmem>> -> memref<128xi32, #tpu.memory_space<vmem>>
        %dma_start3A_30 = arith.constant 0 : i32
        %dma_start3A_31 = arith.constant 0 : i32
        %dma_start3A_32 = tpu.memref_slice %arg10[%dma_start3A_30, %dma_start3A_31] : memref<10240x128xf32, #tpu.memory_space<vmem_shared>> -> memref<10240x128xf32, #tpu.memory_space<vmem_shared>>
        tpu.enqueue_indirect_dma source(%arg9 : memref<128x128xf32, #tpu.memory_space<vmem>>) target(%dma_start3A_32 : memref<10240x128xf32, #tpu.memory_space<vmem_shared>>) offsets(%dma_start3A_29 : memref<128xi32, #tpu.memory_space<vmem>>) semaphore(%run_scoped3A : memref<!tpu.dma_semaphore, #tpu.memory_space<semaphore_mem>>) {add = true}
        %dma_wait3A_33 = arith.constant 0 : i32
        %dma_wait3A_34 = tpu.memref_slice %arg8[%scan3A_18, %dma_wait3A_33] : memref<79x128xi32, #tpu.memory_space<vmem>> -> memref<1x128xi32, #tpu.memory_space<vmem>>
        %dma_wait3A_35 = tpu.memref_squeeze %dma_wait3A_34 : memref<1x128xi32, #tpu.memory_space<vmem>> -> memref<128xi32, #tpu.memory_space<vmem>>
        %dma_wait3A_36 = arith.constant 0 : i32
        %dma_wait3A_37 = arith.constant 0 : i32
        %dma_wait3A_38 = tpu.memref_slice %arg10[%dma_wait3A_36, %dma_wait3A_37] : memref<10240x128xf32, #tpu.memory_space<vmem_shared>> -> memref<10240x128xf32, #tpu.memory_space<vmem_shared>>
        tpu.wait_indirect_dma semaphore(%run_scoped3A : memref<!tpu.dma_semaphore, #tpu.memory_space<semaphore_mem>>) src(%arg9 : memref<128x128xf32, #tpu.memory_space<vmem>>) dst(%dma_wait3A_38 : memref<10240x128xf32, #tpu.memory_space<vmem_shared>>)
        tpu.yield
      }) : () -> ()
    }
    %scan3A_9 = arith.constant 79 : i32
    %barrier3A_10 = arith.constant 0 : index
    tpu.barrier barrier_id(%barrier3A_10)
    %mul3A_11 = arith.constant 640 : i32
    %mul3A_12 = arith.muli %arg1, %mul3A_11 : i32
    %mul3A_13 = arith.constant 10240 : i32
    %mul3A_14 = arith.muli %arg0, %mul3A_13 : i32
    %mul3A_15 = arith.constant 640 : i32
    %mul3A_16 = arith.muli %arg1, %mul3A_15 : i32
    %add3A_17 = arith.addi %mul3A_14, %mul3A_16 : i32
    "tpu.region"() ({
      %run_scoped3A = tpu.sem_alloc : memref<!tpu.dma_semaphore, #tpu.memory_space<semaphore_mem>>
      %dma_start3A = arith.constant 0 : i32
      %dma_start3A_18 = tpu.memref_slice %arg6[%add3A_17, %dma_start3A] : memref<20480x128xf32, #tpu.memory_space<hbm>> -> memref<640x128xf32, #tpu.memory_space<hbm>>
      %dma_start3A_19 = arith.constant 0 : i32
      %dma_start3A_20 = tpu.memref_slice %arg10[%mul3A_12, %dma_start3A_19] : memref<10240x128xf32, #tpu.memory_space<vmem_shared>> -> memref<640x128xf32, #tpu.memory_space<vmem_shared>>
      tpu.enqueue_dma source(%dma_start3A_20 : memref<640x128xf32, #tpu.memory_space<vmem_shared>>) target(%dma_start3A_18 : memref<640x128xf32, #tpu.memory_space<hbm>>) target_semaphore(%run_scoped3A : memref<!tpu.dma_semaphore, #tpu.memory_space<semaphore_mem>>)
      %dma_wait3A = arith.constant 0 : i32
      %dma_wait3A_21 = tpu.memref_slice %arg6[%add3A_17, %dma_wait3A] : memref<20480x128xf32, #tpu.memory_space<hbm>> -> memref<640x128xf32, #tpu.memory_space<hbm>>
      %dma_wait3A_22 = arith.constant 0 : i32
      %dma_wait3A_23 = tpu.memref_slice %arg10[%mul3A_12, %dma_wait3A_22] : memref<10240x128xf32, #tpu.memory_space<vmem_shared>> -> memref<640x128xf32, #tpu.memory_space<vmem_shared>>
      tpu.wait_dma2 semaphore(%run_scoped3A : memref<!tpu.dma_semaphore, #tpu.memory_space<semaphore_mem>>) src(%dma_wait3A_23 : memref<640x128xf32, #tpu.memory_space<vmem_shared>>) dst(%dma_wait3A_21 : memref<640x128xf32, #tpu.memory_space<hbm>>)
      tpu.yield
    }) : () -> ()
    return
  }
}

#map = affine_map<(d0, d1) -> (0, 0)>
#map1 = affine_map<(d0, d1) -> (0, 0, 0)>
module attributes {stable_mosaic.version = 14 : i64} {
  func.func @seg_sum(%arg0: i32, %arg1: i32, %arg2: memref<10240x128xf32, #tpu.memory_space<hbm>>, %arg3: memref<32x10112xi32, #tpu.memory_space<hbm>>, %arg4: memref<32x79x128xi32, #tpu.memory_space<hbm>>, %arg5: memref<10240x128xf32, #tpu.memory_space<hbm>>, %arg6: memref<20480x128xf32, #tpu.memory_space<hbm>>, %arg7: memref<10112xi32, #tpu.memory_space<vmem>>, %arg8: memref<79x128xi32, #tpu.memory_space<vmem>>, %arg9: memref<128x128xf32, #tpu.memory_space<vmem>>, %arg10: memref<10240x128xf32, #tpu.memory_space<vmem_shared>>, %arg11: memref<!tpu.dma_semaphore, #tpu.memory_space<semaphore_mem>>) attributes {dimension_semantics = [#tpu.dimension_semantics<core_parallel>, #tpu.dimension_semantics<subcore_parallel>], iteration_bounds = array<i64: 2, 16>, scalar_prefetch = 0 : i64, scratch_operands = 5 : i64, tpu.core_type = #tpu.core_type<sc_vector_subcore>, window_params = [{transform_indices = #map}, {transform_indices = #map}, {transform_indices = #map1}, {transform_indices = #map}, {transform_indices = #map}]} {
    %mul3A = arith.constant 2 : i32
    %mul3A_0 = arith.muli %arg1, %mul3A : i32
    %add3A = arith.addi %mul3A_0, %arg0 : i32
    %mul3A_1 = arith.constant 640 : i32
    %mul3A_2 = arith.muli %arg1, %mul3A_1 : i32
    %mul3A_3 = arith.constant 640 : i32
    %mul3A_4 = arith.muli %arg1, %mul3A_3 : i32
    "tpu.region"() ({
      %run_scoped3A = tpu.sem_alloc : memref<!tpu.dma_semaphore, #tpu.memory_space<semaphore_mem>>
      %dma_start3A = arith.constant 0 : i32
      %dma_start3A_18 = tpu.memref_slice %arg10[%mul3A_4, %dma_start3A] : memref<10240x128xf32, #tpu.memory_space<vmem_shared>> -> memref<640x128xf32, #tpu.memory_space<vmem_shared>>
      %dma_start3A_19 = arith.constant 0 : i32
      %dma_start3A_20 = tpu.memref_slice %arg5[%mul3A_2, %dma_start3A_19] : memref<10240x128xf32, #tpu.memory_space<hbm>> -> memref<640x128xf32, #tpu.memory_space<hbm>>
      tpu.enqueue_dma source(%dma_start3A_20 : memref<640x128xf32, #tpu.memory_space<hbm>>) target(%dma_start3A_18 : memref<640x128xf32, #tpu.memory_space<vmem_shared>>) target_semaphore(%run_scoped3A : memref<!tpu.dma_semaphore, #tpu.memory_space<semaphore_mem>>)
      %dma_wait3A = arith.constant 0 : i32
      %dma_wait3A_21 = tpu.memref_slice %arg10[%mul3A_4, %dma_wait3A] : memref<10240x128xf32, #tpu.memory_space<vmem_shared>> -> memref<640x128xf32, #tpu.memory_space<vmem_shared>>
      %dma_wait3A_22 = arith.constant 0 : i32
      %dma_wait3A_23 = tpu.memref_slice %arg5[%mul3A_2, %dma_wait3A_22] : memref<10240x128xf32, #tpu.memory_space<hbm>> -> memref<640x128xf32, #tpu.memory_space<hbm>>
      tpu.wait_dma2 semaphore(%run_scoped3A : memref<!tpu.dma_semaphore, #tpu.memory_space<semaphore_mem>>) src(%dma_wait3A_23 : memref<640x128xf32, #tpu.memory_space<hbm>>) dst(%dma_wait3A_21 : memref<640x128xf32, #tpu.memory_space<vmem_shared>>)
      tpu.yield
    }) : () -> ()
    %barrier3A = arith.constant 0 : index
    tpu.barrier barrier_id(%barrier3A)
    "tpu.region"() ({
      %run_scoped3A = tpu.sem_alloc : memref<!tpu.dma_semaphore, #tpu.memory_space<semaphore_mem>>
      %dma_start3A = arith.constant 0 : i32
      %dma_start3A_18 = tpu.memref_slice %arg3[%add3A, %dma_start3A] : memref<32x10112xi32, #tpu.memory_space<hbm>> -> memref<1x10112xi32, #tpu.memory_space<hbm>>
      %dma_start3A_19 = tpu.memref_squeeze %dma_start3A_18 : memref<1x10112xi32, #tpu.memory_space<hbm>> -> memref<10112xi32, #tpu.memory_space<hbm>>
      %dma_start3A_20 = arith.constant 0 : i32
      %dma_start3A_21 = tpu.memref_slice %arg3[%add3A, %dma_start3A_20] : memref<32x10112xi32, #tpu.memory_space<hbm>> -> memref<1x10112xi32, #tpu.memory_space<hbm>>
      %dma_start3A_22 = tpu.memref_squeeze %dma_start3A_21 : memref<1x10112xi32, #tpu.memory_space<hbm>> -> memref<10112xi32, #tpu.memory_space<hbm>>
      tpu.enqueue_dma source(%dma_start3A_22 : memref<10112xi32, #tpu.memory_space<hbm>>) target(%arg7 : memref<10112xi32, #tpu.memory_space<vmem>>) target_semaphore(%run_scoped3A : memref<!tpu.dma_semaphore, #tpu.memory_space<semaphore_mem>>)
      %dma_wait3A = arith.constant 0 : i32
      %dma_wait3A_23 = tpu.memref_slice %arg3[%add3A, %dma_wait3A] : memref<32x10112xi32, #tpu.memory_space<hbm>> -> memref<1x10112xi32, #tpu.memory_space<hbm>>
      %dma_wait3A_24 = tpu.memref_squeeze %dma_wait3A_23 : memref<1x10112xi32, #tpu.memory_space<hbm>> -> memref<10112xi32, #tpu.memory_space<hbm>>
      %dma_wait3A_25 = arith.constant 0 : i32
      %dma_wait3A_26 = tpu.memref_slice %arg3[%add3A, %dma_wait3A_25] : memref<32x10112xi32, #tpu.memory_space<hbm>> -> memref<1x10112xi32, #tpu.memory_space<hbm>>
      %dma_wait3A_27 = tpu.memref_squeeze %dma_wait3A_26 : memref<1x10112xi32, #tpu.memory_space<hbm>> -> memref<10112xi32, #tpu.memory_space<hbm>>
      tpu.wait_dma2 semaphore(%run_scoped3A : memref<!tpu.dma_semaphore, #tpu.memory_space<semaphore_mem>>) src(%dma_wait3A_27 : memref<10112xi32, #tpu.memory_space<hbm>>) dst(%arg7 : memref<10112xi32, #tpu.memory_space<vmem>>)
      tpu.yield
    }) : () -> ()
    "tpu.region"() ({
      %run_scoped3A = tpu.sem_alloc : memref<!tpu.dma_semaphore, #tpu.memory_space<semaphore_mem>>
      %dma_start3A = arith.constant 0 : i32
      %dma_start3A_18 = arith.constant 0 : i32
      %dma_start3A_19 = tpu.memref_slice %arg4[%add3A, %dma_start3A, %dma_start3A_18] : memref<32x79x128xi32, #tpu.memory_space<hbm>> -> memref<1x79x128xi32, #tpu.memory_space<hbm>>
      %dma_start3A_20 = tpu.memref_squeeze %dma_start3A_19 : memref<1x79x128xi32, #tpu.memory_space<hbm>> -> memref<79x128xi32, #tpu.memory_space<hbm>>
      %dma_start3A_21 = arith.constant 0 : i32
      %dma_start3A_22 = arith.constant 0 : i32
      %dma_start3A_23 = tpu.memref_slice %arg4[%add3A, %dma_start3A_21, %dma_start3A_22] : memref<32x79x128xi32, #tpu.memory_space<hbm>> -> memref<1x79x128xi32, #tpu.memory_space<hbm>>
      %dma_start3A_24 = tpu.memref_squeeze %dma_start3A_23 : memref<1x79x128xi32, #tpu.memory_space<hbm>> -> memref<79x128xi32, #tpu.memory_space<hbm>>
      tpu.enqueue_dma source(%dma_start3A_24 : memref<79x128xi32, #tpu.memory_space<hbm>>) target(%arg8 : memref<79x128xi32, #tpu.memory_space<vmem>>) target_semaphore(%run_scoped3A : memref<!tpu.dma_semaphore, #tpu.memory_space<semaphore_mem>>)
      %dma_wait3A = arith.constant 0 : i32
      %dma_wait3A_25 = arith.constant 0 : i32
      %dma_wait3A_26 = tpu.memref_slice %arg4[%add3A, %dma_wait3A, %dma_wait3A_25] : memref<32x79x128xi32, #tpu.memory_space<hbm>> -> memref<1x79x128xi32, #tpu.memory_space<hbm>>
      %dma_wait3A_27 = tpu.memref_squeeze %dma_wait3A_26 : memref<1x79x128xi32, #tpu.memory_space<hbm>> -> memref<79x128xi32, #tpu.memory_space<hbm>>
      %dma_wait3A_28 = arith.constant 0 : i32
      %dma_wait3A_29 = arith.constant 0 : i32
      %dma_wait3A_30 = tpu.memref_slice %arg4[%add3A, %dma_wait3A_28, %dma_wait3A_29] : memref<32x79x128xi32, #tpu.memory_space<hbm>> -> memref<1x79x128xi32, #tpu.memory_space<hbm>>
      %dma_wait3A_31 = tpu.memref_squeeze %dma_wait3A_30 : memref<1x79x128xi32, #tpu.memory_space<hbm>> -> memref<79x128xi32, #tpu.memory_space<hbm>>
      tpu.wait_dma2 semaphore(%run_scoped3A : memref<!tpu.dma_semaphore, #tpu.memory_space<semaphore_mem>>) src(%dma_wait3A_31 : memref<79x128xi32, #tpu.memory_space<hbm>>) dst(%arg8 : memref<79x128xi32, #tpu.memory_space<vmem>>)
      tpu.yield
    }) : () -> ()
    %scan3A = arith.constant 0 : i32
    %scan3A_5 = arith.constant 0 : i32
    %scan3A_6 = arith.constant 79 : i32
    %scan3A_7 = arith.addi %scan3A_5, %scan3A_6 : i32
    %scan3A_8 = arith.constant 1 : i32
    scf.for %scan3A_18 = %scan3A_5 to %scan3A_7 step %scan3A_8  : i32 {
      %mul3A_19 = arith.constant 128 : i32
      %mul3A_20 = arith.muli %scan3A_18, %mul3A_19 : i32
      %dma_start3A = tpu.memref_slice %arg7[%mul3A_20] : memref<10112xi32, #tpu.memory_space<vmem>> -> memref<128xi32, #tpu.memory_space<vmem>>
      %dma_start3A_21 = arith.constant 0 : i32
      %dma_start3A_22 = arith.constant 0 : i32
      %dma_start3A_23 = tpu.memref_slice %arg2[%dma_start3A_21, %dma_start3A_22] : memref<10240x128xf32, #tpu.memory_space<hbm>> -> memref<10240x128xf32, #tpu.memory_space<hbm>>
      tpu.enqueue_indirect_dma source(%dma_start3A_23 : memref<10240x128xf32, #tpu.memory_space<hbm>>) target(%arg9 : memref<128x128xf32, #tpu.memory_space<vmem>>) offsets(%dma_start3A : memref<128xi32, #tpu.memory_space<vmem>>) semaphore(%arg11 : memref<!tpu.dma_semaphore, #tpu.memory_space<semaphore_mem>>)
      %dma_wait3A = tpu.memref_slice %arg7[%mul3A_20] : memref<10112xi32, #tpu.memory_space<vmem>> -> memref<128xi32, #tpu.memory_space<vmem>>
      %dma_wait3A_24 = arith.constant 0 : i32
      %dma_wait3A_25 = arith.constant 0 : i32
      %dma_wait3A_26 = tpu.memref_slice %arg2[%dma_wait3A_24, %dma_wait3A_25] : memref<10240x128xf32, #tpu.memory_space<hbm>> -> memref<10240x128xf32, #tpu.memory_space<hbm>>
      tpu.wait_indirect_dma semaphore(%arg11 : memref<!tpu.dma_semaphore, #tpu.memory_space<semaphore_mem>>) src(%dma_wait3A_26 : memref<10240x128xf32, #tpu.memory_space<hbm>>) dst(%arg9 : memref<128x128xf32, #tpu.memory_space<vmem>>)
      "tpu.region"() ({
        %run_scoped3A = tpu.sem_alloc : memref<!tpu.dma_semaphore, #tpu.memory_space<semaphore_mem>>
        %dma_start3A_27 = arith.constant 0 : i32
        %dma_start3A_28 = tpu.memref_slice %arg8[%scan3A_18, %dma_start3A_27] : memref<79x128xi32, #tpu.memory_space<vmem>> -> memref<1x128xi32, #tpu.memory_space<vmem>>
        %dma_start3A_29 = tpu.memref_squeeze %dma_start3A_28 : memref<1x128xi32, #tpu.memory_space<vmem>> -> memref<128xi32, #tpu.memory_space<vmem>>
        %dma_start3A_30 = arith.constant 0 : i32
        %dma_start3A_31 = arith.constant 0 : i32
        %dma_start3A_32 = tpu.memref_slice %arg10[%dma_start3A_30, %dma_start3A_31] : memref<10240x128xf32, #tpu.memory_space<vmem_shared>> -> memref<10240x128xf32, #tpu.memory_space<vmem_shared>>
        tpu.enqueue_indirect_dma source(%arg9 : memref<128x128xf32, #tpu.memory_space<vmem>>) target(%dma_start3A_32 : memref<10240x128xf32, #tpu.memory_space<vmem_shared>>) offsets(%dma_start3A_29 : memref<128xi32, #tpu.memory_space<vmem>>) semaphore(%run_scoped3A : memref<!tpu.dma_semaphore, #tpu.memory_space<semaphore_mem>>) {add = true}
        %dma_wait3A_33 = arith.constant 0 : i32
        %dma_wait3A_34 = tpu.memref_slice %arg8[%scan3A_18, %dma_wait3A_33] : memref<79x128xi32, #tpu.memory_space<vmem>> -> memref<1x128xi32, #tpu.memory_space<vmem>>
        %dma_wait3A_35 = tpu.memref_squeeze %dma_wait3A_34 : memref<1x128xi32, #tpu.memory_space<vmem>> -> memref<128xi32, #tpu.memory_space<vmem>>
        %dma_wait3A_36 = arith.constant 0 : i32
        %dma_wait3A_37 = arith.constant 0 : i32
        %dma_wait3A_38 = tpu.memref_slice %arg10[%dma_wait3A_36, %dma_wait3A_37] : memref<10240x128xf32, #tpu.memory_space<vmem_shared>> -> memref<10240x128xf32, #tpu.memory_space<vmem_shared>>
        tpu.wait_indirect_dma semaphore(%run_scoped3A : memref<!tpu.dma_semaphore, #tpu.memory_space<semaphore_mem>>) src(%arg9 : memref<128x128xf32, #tpu.memory_space<vmem>>) dst(%dma_wait3A_38 : memref<10240x128xf32, #tpu.memory_space<vmem_shared>>)
        tpu.yield
      }) : () -> ()
    }
    %scan3A_9 = arith.constant 79 : i32
    %barrier3A_10 = arith.constant 0 : index
    tpu.barrier barrier_id(%barrier3A_10)
    %mul3A_11 = arith.constant 640 : i32
    %mul3A_12 = arith.muli %arg1, %mul3A_11 : i32
    %mul3A_13 = arith.constant 10240 : i32
    %mul3A_14 = arith.muli %arg0, %mul3A_13 : i32
    %mul3A_15 = arith.constant 640 : i32
    %mul3A_16 = arith.muli %arg1, %mul3A_15 : i32
    %add3A_17 = arith.addi %mul3A_14, %mul3A_16 : i32
    "tpu.region"() ({
      %run_scoped3A = tpu.sem_alloc : memref<!tpu.dma_semaphore, #tpu.memory_space<semaphore_mem>>
      %dma_start3A = arith.constant 0 : i32
      %dma_start3A_18 = tpu.memref_slice %arg6[%add3A_17, %dma_start3A] : memref<20480x128xf32, #tpu.memory_space<hbm>> -> memref<640x128xf32, #tpu.memory_space<hbm>>
      %dma_start3A_19 = arith.constant 0 : i32
      %dma_start3A_20 = tpu.memref_slice %arg10[%mul3A_12, %dma_start3A_19] : memref<10240x128xf32, #tpu.memory_space<vmem_shared>> -> memref<640x128xf32, #tpu.memory_space<vmem_shared>>
      tpu.enqueue_dma source(%dma_start3A_20 : memref<640x128xf32, #tpu.memory_space<vmem_shared>>) target(%dma_start3A_18 : memref<640x128xf32, #tpu.memory_space<hbm>>) target_semaphore(%run_scoped3A : memref<!tpu.dma_semaphore, #tpu.memory_space<semaphore_mem>>)
      %dma_wait3A = arith.constant 0 : i32
      %dma_wait3A_21 = tpu.memref_slice %arg6[%add3A_17, %dma_wait3A] : memref<20480x128xf32, #tpu.memory_space<hbm>> -> memref<640x128xf32, #tpu.memory_space<hbm>>
      %dma_wait3A_22 = arith.constant 0 : i32
      %dma_wait3A_23 = tpu.memref_slice %arg10[%mul3A_12, %dma_wait3A_22] : memref<10240x128xf32, #tpu.memory_space<vmem_shared>> -> memref<640x128xf32, #tpu.memory_space<vmem_shared>>
      tpu.wait_dma2 semaphore(%run_scoped3A : memref<!tpu.dma_semaphore, #tpu.memory_space<semaphore_mem>>) src(%dma_wait3A_23 : memref<640x128xf32, #tpu.memory_space<vmem_shared>>) dst(%dma_wait3A_21 : memref<640x128xf32, #tpu.memory_space<hbm>>)
      tpu.yield
    }) : () -> ()
    return
  }
}

module attributes {stable_mosaic.version = 14 : i64} {
  func.func @body(%arg0: i32, %arg1: memref<256x128xf32, #tpu.memory_space<vmem>>, %arg2: memref<256x128xf32, #tpu.memory_space<vmem>>, %arg3: memref<256x128xf32, #tpu.memory_space<vmem>>, %arg4: memref<128x32xf32, #tpu.memory_space<vmem>>, %arg5: memref<1x32xf32, #tpu.memory_space<vmem>>, %arg6: memref<256x1xf32, #tpu.memory_space<vmem>>, %arg7: memref<256x32xf32, #tpu.memory_space<vmem>>, %arg8: memref<1x1x32xf32, #tpu.memory_space<vmem>>, %arg9: memref<1x1x32xf32, #tpu.memory_space<vmem>>, %arg10: memref<1x1x1xf32, #tpu.memory_space<vmem>>) attributes {dimension_semantics = [#tpu.dimension_semantics<arbitrary>], iteration_bounds = array<i64: 40>, scalar_prefetch = 0 : i64, scratch_operands = 0 : i64, tpu.core_type = #tpu.core_type<tc>, window_params = [{transform_indices = @transform_0, window_bounds = array<i64: 256, 128>}, {transform_indices = @transform_1, window_bounds = array<i64: 256, 128>}, {transform_indices = @transform_2, window_bounds = array<i64: 256, 128>}, {pipeline_mode = #tpu.pipeline_mode<synchronous>, transform_indices = @transform_3, window_bounds = array<i64: 128, 32>}, {pipeline_mode = #tpu.pipeline_mode<synchronous>, transform_indices = @transform_4, window_bounds = array<i64: 1, 32>}, {transform_indices = @transform_5, window_bounds = array<i64: 256, 1>}, {transform_indices = @transform_6, window_bounds = array<i64: 256, 32>}, {transform_indices = @transform_7, window_bounds = array<i64: 1, 1, 32>}, {transform_indices = @transform_8, window_bounds = array<i64: 1, 1, 32>}, {transform_indices = @transform_9, window_bounds = array<i64: 1, 1, 1>}]} {
    %get3A = arith.constant 0 : index
    %get3A_0 = arith.constant 0 : index
    %get3A_1 = vector.load %arg1[%get3A, %get3A_0] : memref<256x128xf32, #tpu.memory_space<vmem>>, vector<256x128xf32>
    %get3A_2 = arith.constant 0 : index
    %get3A_3 = arith.constant 0 : index
    %get3A_4 = vector.load %arg2[%get3A_2, %get3A_3] : memref<256x128xf32, #tpu.memory_space<vmem>>, vector<256x128xf32>
    %add3A = arith.addf %get3A_1, %get3A_4 : vector<256x128xf32>
    %get3A_5 = arith.constant 0 : index
    %get3A_6 = arith.constant 0 : index
    %get3A_7 = vector.load %arg3[%get3A_5, %get3A_6] : memref<256x128xf32, #tpu.memory_space<vmem>>, vector<256x128xf32>
    %add3A_8 = arith.addf %add3A, %get3A_7 : vector<256x128xf32>
    %get3A_9 = arith.constant 0 : index
    %get3A_10 = arith.constant 0 : index
    %get3A_11 = vector.load %arg4[%get3A_9, %get3A_10] : memref<128x32xf32, #tpu.memory_space<vmem>>, vector<128x32xf32>
    %dot_general3A = arith.constant dense<0.000000e+00> : vector<256x32xf32>
    %dot_general3A_12 = tpu.matmul %add3A_8, %get3A_11, %dot_general3A {dimension_numbers = #tpu.dot_dimension_numbers<[1], [0], [0], [1], [0, 0, 1, 1], [], []>, transpose_lhs_hint = false} : vector<256x128xf32>, vector<128x32xf32>, vector<256x32xf32> -> vector<256x32xf32>
    %get3A_13 = arith.constant 0 : index
    %get3A_14 = arith.constant 0 : index
    %get3A_15 = vector.load %arg5[%get3A_13, %get3A_14] : memref<1x32xf32, #tpu.memory_space<vmem>>, vector<1x32xf32>
    %add3A_16 = vector.broadcast %get3A_15 : vector<1x32xf32> to vector<256x32xf32>
    %add3A_17 = arith.addf %dot_general3A_12, %add3A_16 : vector<256x32xf32>
    %swap3A = arith.constant 0 : index
    %swap3A_18 = arith.constant 0 : index
    %swap3A_19 = vector.load %arg7[%swap3A, %swap3A_18] : memref<256x32xf32, #tpu.memory_space<vmem>>, vector<256x32xf32>
    tpu.vector_store %arg7[%swap3A, %swap3A_18], %add3A_17 {strides = array<i32>} : memref<256x32xf32, #tpu.memory_space<vmem>>, vector<256x32xf32>,
    %get3A_20 = arith.constant 0 : index
    %get3A_21 = arith.constant 0 : index
    %get3A_22 = vector.load %arg6[%get3A_20, %get3A_21] : memref<256x1xf32, #tpu.memory_space<vmem>>, vector<256x1xf32>
    %mul3A = vector.broadcast %get3A_22 : vector<256x1xf32> to vector<256x32xf32>
    %mul3A_23 = arith.mulf %add3A_17, %mul3A : vector<256x32xf32>
    %reduce_sum3A = arith.constant dense<0.000000e+00> : vector<32xf32>
    %reduce_sum3A_24 = vector.multi_reduction <add>, %mul3A_23, %reduce_sum3A [0] : vector<256x32xf32> to vector<32xf32>
    %broadcast_in_dim3A = vector.shape_cast %reduce_sum3A_24 : vector<32xf32> to vector<1x32xf32>
    %broadcast_in_dim3A_25 = vector.shape_cast %broadcast_in_dim3A : vector<1x32xf32> to vector<1x1x32xf32>
    %swap3A_26 = arith.constant 0 : index
    %swap3A_27 = arith.constant 0 : index
    %swap3A_28 = arith.constant 0 : index
    %swap3A_29 = vector.load %arg8[%swap3A_26, %swap3A_27, %swap3A_28] : memref<1x1x32xf32, #tpu.memory_space<vmem>>, vector<1x1x32xf32>
    tpu.vector_store %arg8[%swap3A_26, %swap3A_27, %swap3A_28], %broadcast_in_dim3A_25 {strides = array<i32>} : memref<1x1x32xf32, #tpu.memory_space<vmem>>, vector<1x1x32xf32>,
    %mul3A_30 = arith.mulf %add3A_17, %mul3A_23 : vector<256x32xf32>
    %reduce_sum3A_31 = arith.constant dense<0.000000e+00> : vector<32xf32>
    %reduce_sum3A_32 = vector.multi_reduction <add>, %mul3A_30, %reduce_sum3A_31 [0] : vector<256x32xf32> to vector<32xf32>
    %broadcast_in_dim3A_33 = vector.shape_cast %reduce_sum3A_32 : vector<32xf32> to vector<1x32xf32>
    %broadcast_in_dim3A_34 = vector.shape_cast %broadcast_in_dim3A_33 : vector<1x32xf32> to vector<1x1x32xf32>
    %swap3A_35 = arith.constant 0 : index
    %swap3A_36 = arith.constant 0 : index
    %swap3A_37 = arith.constant 0 : index
    %swap3A_38 = vector.load %arg9[%swap3A_35, %swap3A_36, %swap3A_37] : memref<1x1x32xf32, #tpu.memory_space<vmem>>, vector<1x1x32xf32>
    tpu.vector_store %arg9[%swap3A_35, %swap3A_36, %swap3A_37], %broadcast_in_dim3A_34 {strides = array<i32>} : memref<1x1x32xf32, #tpu.memory_space<vmem>>, vector<1x1x32xf32>,
    %reduce_sum3A_39 = arith.constant dense<0.000000e+00> : vector<1xf32>
    %reduce_sum3A_40 = vector.multi_reduction <add>, %get3A_22, %reduce_sum3A_39 [0] : vector<256x1xf32> to vector<1xf32>
    %broadcast_in_dim3A_41 = vector.shape_cast %reduce_sum3A_40 : vector<1xf32> to vector<1x1xf32>
    %broadcast_in_dim3A_42 = vector.shape_cast %broadcast_in_dim3A_41 : vector<1x1xf32> to vector<1x1x1xf32>
    %swap3A_43 = arith.constant 0 : index
    %swap3A_44 = arith.constant 0 : index
    %swap3A_45 = arith.constant 0 : index
    %swap3A_46 = vector.load %arg10[%swap3A_43, %swap3A_44, %swap3A_45] : memref<1x1x1xf32, #tpu.memory_space<vmem>>, vector<1x1x1xf32>
    tpu.vector_store %arg10[%swap3A_43, %swap3A_44, %swap3A_45], %broadcast_in_dim3A_42 {strides = array<i32>} : memref<1x1x1xf32, #tpu.memory_space<vmem>>, vector<1x1x1xf32>,
    return
  }
  func.func @transform_0(%arg0: i32) -> (i32, i32) {
    %c0_i32 = arith.constant 0 : i32
    %c0_i32_0 = arith.constant 0 : i32
    return %arg0, %c0_i32 : i32, i32
  }
  func.func @transform_1(%arg0: i32) -> (i32, i32) {
    %c0_i32 = arith.constant 0 : i32
    %c0_i32_0 = arith.constant 0 : i32
    return %arg0, %c0_i32 : i32, i32
  }
  func.func @transform_2(%arg0: i32) -> (i32, i32) {
    %add3A = arith.constant 40 : i32
    %add3A_0 = arith.addi %arg0, %add3A : i32
    %c0_i32 = arith.constant 0 : i32
    %c0_i32_1 = arith.constant 0 : i32
    return %add3A_0, %c0_i32 : i32, i32
  }
  func.func @transform_3(%arg0: i32) -> (i32, i32) {
    %c0_i32 = arith.constant 0 : i32
    %c0_i32_0 = arith.constant 0 : i32
    %c0_i32_1 = arith.constant 0 : i32
    return %c0_i32, %c0_i32_0 : i32, i32
  }
  func.func @transform_4(%arg0: i32) -> (i32, i32) {
    %c0_i32 = arith.constant 0 : i32
    %c0_i32_0 = arith.constant 0 : i32
    %c0_i32_1 = arith.constant 0 : i32
    return %c0_i32, %c0_i32_0 : i32, i32
  }
  func.func @transform_5(%arg0: i32) -> (i32, i32) {
    %c0_i32 = arith.constant 0 : i32
    %c0_i32_0 = arith.constant 0 : i32
    return %arg0, %c0_i32 : i32, i32
  }
  func.func @transform_6(%arg0: i32) -> (i32, i32) {
    %c0_i32 = arith.constant 0 : i32
    %c0_i32_0 = arith.constant 0 : i32
    return %arg0, %c0_i32 : i32, i32
  }
  func.func @transform_7(%arg0: i32) -> (i32, i32, i32) {
    %c0_i32 = arith.constant 0 : i32
    %c0_i32_0 = arith.constant 0 : i32
    %c0_i32_1 = arith.constant 0 : i32
    return %arg0, %c0_i32, %c0_i32_0 : i32, i32, i32
  }
  func.func @transform_8(%arg0: i32) -> (i32, i32, i32) {
    %c0_i32 = arith.constant 0 : i32
    %c0_i32_0 = arith.constant 0 : i32
    %c0_i32_1 = arith.constant 0 : i32
    return %arg0, %c0_i32, %c0_i32_0 : i32, i32, i32
  }
  func.func @transform_9(%arg0: i32) -> (i32, i32, i32) {
    %c0_i32 = arith.constant 0 : i32
    %c0_i32_0 = arith.constant 0 : i32
    %c0_i32_1 = arith.constant 0 : i32
    return %arg0, %c0_i32, %c0_i32_0 : i32, i32, i32
  }
}

module attributes {stable_mosaic.version = 14 : i64} {
  func.func @body(%arg0: i32, %arg1: memref<256x32xf32, #tpu.memory_space<vmem>>, %arg2: memref<40x1x32xf32, #tpu.memory_space<vmem>>, %arg3: memref<40x1x32xf32, #tpu.memory_space<vmem>>, %arg4: memref<40x1x1xf32, #tpu.memory_space<vmem>>, %arg5: memref<1x32xf32, #tpu.memory_space<vmem>>, %arg6: memref<1x32xf32, #tpu.memory_space<vmem>>, %arg7: memref<32x32xf32, #tpu.memory_space<vmem>>, %arg8: memref<1x32xf32, #tpu.memory_space<vmem>>, %arg9: memref<256x1xf32, #tpu.memory_space<vmem>>, %arg10: memref<256x32xf32, #tpu.memory_space<vmem>>, %arg11: memref<1x1x32xf32, #tpu.memory_space<vmem>>, %arg12: memref<1x1x32xf32, #tpu.memory_space<vmem>>) attributes {dimension_semantics = [#tpu.dimension_semantics<arbitrary>], iteration_bounds = array<i64: 40>, scalar_prefetch = 0 : i64, scratch_operands = 0 : i64, tpu.core_type = #tpu.core_type<tc>, window_params = [{transform_indices = @transform_0, window_bounds = array<i64: 256, 32>}, {pipeline_mode = #tpu.pipeline_mode<synchronous>, transform_indices = @transform_1, window_bounds = array<i64: 40, 1, 32>}, {pipeline_mode = #tpu.pipeline_mode<synchronous>, transform_indices = @transform_2, window_bounds = array<i64: 40, 1, 32>}, {pipeline_mode = #tpu.pipeline_mode<synchronous>, transform_indices = @transform_3, window_bounds = array<i64: 40, 1, 1>}, {pipeline_mode = #tpu.pipeline_mode<synchronous>, transform_indices = @transform_4, window_bounds = array<i64: 1, 32>}, {pipeline_mode = #tpu.pipeline_mode<synchronous>, transform_indices = @transform_5, window_bounds = array<i64: 1, 32>}, {pipeline_mode = #tpu.pipeline_mode<synchronous>, transform_indices = @transform_6, window_bounds = array<i64: 32, 32>}, {pipeline_mode = #tpu.pipeline_mode<synchronous>, transform_indices = @transform_7, window_bounds = array<i64: 1, 32>}, {transform_indices = @transform_8, window_bounds = array<i64: 256, 1>}, {transform_indices = @transform_9, window_bounds = array<i64: 256, 32>}, {transform_indices = @transform_10, window_bounds = array<i64: 1, 1, 32>}, {transform_indices = @transform_11, window_bounds = array<i64: 1, 1, 32>}]} {
    %get3A = arith.constant 0 : index
    %get3A_0 = arith.constant 0 : index
    %get3A_1 = arith.constant 0 : index
    %get3A_2 = vector.load %arg4[%get3A, %get3A_0, %get3A_1] : memref<40x1x1xf32, #tpu.memory_space<vmem>>, vector<40x1x1xf32>
    %reduce_sum3A = vector.shape_cast %get3A_2 : vector<40x1x1xf32> to vector<1x40x1x1xf32>
    %reduce_sum3A_3 = arith.constant dense<0.000000e+00> : vector<1xf32>
    %reduce_sum3A_4 = vector.multi_reduction <add>, %reduce_sum3A, %reduce_sum3A_3 [1, 2, 3] : vector<1x40x1x1xf32> to vector<1xf32>
    %reduce_sum3A_5 = vector.shape_cast %reduce_sum3A_4 : vector<1xf32> to vector<1x1x1x1xf32>
    %reduce_sum3A_6 = vector.extract %reduce_sum3A_5[0, 0, 0, 0] : f32 from vector<1x1x1x1xf32>
    %get3A_7 = arith.constant 0 : index
    %get3A_8 = arith.constant 0 : index
    %get3A_9 = arith.constant 0 : index
    %get3A_10 = vector.load %arg2[%get3A_7, %get3A_8, %get3A_9] : memref<40x1x32xf32, #tpu.memory_space<vmem>>, vector<40x1x32xf32>
    %reduce_sum3A_11 = arith.constant dense<0.000000e+00> : vector<1x32xf32>
    %reduce_sum3A_12 = vector.multi_reduction <add>, %get3A_10, %reduce_sum3A_11 [0] : vector<40x1x32xf32> to vector<1x32xf32>
    %div3A = vector.broadcast %reduce_sum3A_6 : f32 to vector<1x32xf32>
    %div3A_13 = arith.divf %reduce_sum3A_12, %div3A : vector<1x32xf32>
    %get3A_14 = arith.constant 0 : index
    %get3A_15 = arith.constant 0 : index
    %get3A_16 = arith.constant 0 : index
    %get3A_17 = vector.load %arg3[%get3A_14, %get3A_15, %get3A_16] : memref<40x1x32xf32, #tpu.memory_space<vmem>>, vector<40x1x32xf32>
    %reduce_sum3A_18 = arith.constant dense<0.000000e+00> : vector<1x32xf32>
    %reduce_sum3A_19 = vector.multi_reduction <add>, %get3A_17, %reduce_sum3A_18 [0] : vector<40x1x32xf32> to vector<1x32xf32>
    %div3A_20 = vector.broadcast %reduce_sum3A_6 : f32 to vector<1x32xf32>
    %div3A_21 = arith.divf %reduce_sum3A_19, %div3A_20 : vector<1x32xf32>
    %mul3A = arith.mulf %div3A_13, %div3A_13 : vector<1x32xf32>
    %sub3A = arith.subf %div3A_21, %mul3A : vector<1x32xf32>
    %get3A_22 = arith.constant 0 : index
    %get3A_23 = arith.constant 0 : index
    %get3A_24 = vector.load %arg1[%get3A_22, %get3A_23] : memref<256x32xf32, #tpu.memory_space<vmem>>, vector<256x32xf32>
    %get3A_25 = arith.constant 0 : index
    %get3A_26 = arith.constant 0 : index
    %get3A_27 = vector.load %arg5[%get3A_25, %get3A_26] : memref<1x32xf32, #tpu.memory_space<vmem>>, vector<1x32xf32>
    %sub3A_28 = vector.broadcast %div3A_13 : vector<1x32xf32> to vector<256x32xf32>
    %sub3A_29 = arith.subf %get3A_24, %sub3A_28 : vector<256x32xf32>
    %mul3A_30 = vector.broadcast %get3A_27 : vector<1x32xf32> to vector<256x32xf32>
    %mul3A_31 = arith.mulf %mul3A_30, %sub3A_29 : vector<256x32xf32>
    %add3A = arith.constant 9.99999974E-6 : f32
    %add3A_32 = vector.broadcast %add3A : f32 to vector<1x32xf32>
    %add3A_33 = arith.addf %sub3A, %add3A_32 : vector<1x32xf32>
    %sqrt3A = math.sqrt %add3A_33 : vector<1x32xf32>
    %div3A_34 = vector.broadcast %sqrt3A : vector<1x32xf32> to vector<256x32xf32>
    %div3A_35 = arith.divf %mul3A_31, %div3A_34 : vector<256x32xf32>
    %get3A_36 = arith.constant 0 : index
    %get3A_37 = arith.constant 0 : index
    %get3A_38 = vector.load %arg6[%get3A_36, %get3A_37] : memref<1x32xf32, #tpu.memory_space<vmem>>, vector<1x32xf32>
    %add3A_39 = vector.broadcast %get3A_38 : vector<1x32xf32> to vector<256x32xf32>
    %add3A_40 = arith.addf %div3A_35, %add3A_39 : vector<256x32xf32>
    %max3A = arith.constant 0.000000e+00 : f32
    %max3A_41 = vector.broadcast %max3A : f32 to vector<256x32xf32>
    %max3A_42 = arith.maximumf %add3A_40, %max3A_41 : vector<256x32xf32>
    %get3A_43 = arith.constant 0 : index
    %get3A_44 = arith.constant 0 : index
    %get3A_45 = vector.load %arg7[%get3A_43, %get3A_44] : memref<32x32xf32, #tpu.memory_space<vmem>>, vector<32x32xf32>
    %dot_general3A = arith.constant dense<0.000000e+00> : vector<256x32xf32>
    %dot_general3A_46 = tpu.matmul %max3A_42, %get3A_45, %dot_general3A {dimension_numbers = #tpu.dot_dimension_numbers<[1], [0], [0], [1], [0, 0, 1, 1], [], []>, transpose_lhs_hint = false} : vector<256x32xf32>, vector<32x32xf32>, vector<256x32xf32> -> vector<256x32xf32>
    %get3A_47 = arith.constant 0 : index
    %get3A_48 = arith.constant 0 : index
    %get3A_49 = vector.load %arg8[%get3A_47, %get3A_48] : memref<1x32xf32, #tpu.memory_space<vmem>>, vector<1x32xf32>
    %add3A_50 = vector.broadcast %get3A_49 : vector<1x32xf32> to vector<256x32xf32>
    %add3A_51 = arith.addf %dot_general3A_46, %add3A_50 : vector<256x32xf32>
    %swap3A = arith.constant 0 : index
    %swap3A_52 = arith.constant 0 : index
    %swap3A_53 = vector.load %arg10[%swap3A, %swap3A_52] : memref<256x32xf32, #tpu.memory_space<vmem>>, vector<256x32xf32>
    tpu.vector_store %arg10[%swap3A, %swap3A_52], %add3A_51 {strides = array<i32>} : memref<256x32xf32, #tpu.memory_space<vmem>>, vector<256x32xf32>,
    %get3A_54 = arith.constant 0 : index
    %get3A_55 = arith.constant 0 : index
    %get3A_56 = vector.load %arg9[%get3A_54, %get3A_55] : memref<256x1xf32, #tpu.memory_space<vmem>>, vector<256x1xf32>
    %mul3A_57 = vector.broadcast %get3A_56 : vector<256x1xf32> to vector<256x32xf32>
    %mul3A_58 = arith.mulf %add3A_51, %mul3A_57 : vector<256x32xf32>
    %reduce_sum3A_59 = arith.constant dense<0.000000e+00> : vector<32xf32>
    %reduce_sum3A_60 = vector.multi_reduction <add>, %mul3A_58, %reduce_sum3A_59 [0] : vector<256x32xf32> to vector<32xf32>
    %broadcast_in_dim3A = vector.shape_cast %reduce_sum3A_60 : vector<32xf32> to vector<1x32xf32>
    %broadcast_in_dim3A_61 = vector.shape_cast %broadcast_in_dim3A : vector<1x32xf32> to vector<1x1x32xf32>
    %swap3A_62 = arith.constant 0 : index
    %swap3A_63 = arith.constant 0 : index
    %swap3A_64 = arith.constant 0 : index
    %swap3A_65 = vector.load %arg11[%swap3A_62, %swap3A_63, %swap3A_64] : memref<1x1x32xf32, #tpu.memory_space<vmem>>, vector<1x1x32xf32>
    tpu.vector_store %arg11[%swap3A_62, %swap3A_63, %swap3A_64], %broadcast_in_dim3A_61 {strides = array<i32>} : memref<1x1x32xf32, #tpu.memory_space<vmem>>, vector<1x1x32xf32>,
    %mul3A_66 = arith.mulf %add3A_51, %mul3A_58 : vector<256x32xf32>
    %reduce_sum3A_67 = arith.constant dense<0.000000e+00> : vector<32xf32>
    %reduce_sum3A_68 = vector.multi_reduction <add>, %mul3A_66, %reduce_sum3A_67 [0] : vector<256x32xf32> to vector<32xf32>
    %broadcast_in_dim3A_69 = vector.shape_cast %reduce_sum3A_68 : vector<32xf32> to vector<1x32xf32>
    %broadcast_in_dim3A_70 = vector.shape_cast %broadcast_in_dim3A_69 : vector<1x32xf32> to vector<1x1x32xf32>
    %swap3A_71 = arith.constant 0 : index
    %swap3A_72 = arith.constant 0 : index
    %swap3A_73 = arith.constant 0 : index
    %swap3A_74 = vector.load %arg12[%swap3A_71, %swap3A_72, %swap3A_73] : memref<1x1x32xf32, #tpu.memory_space<vmem>>, vector<1x1x32xf32>
    tpu.vector_store %arg12[%swap3A_71, %swap3A_72, %swap3A_73], %broadcast_in_dim3A_70 {strides = array<i32>} : memref<1x1x32xf32, #tpu.memory_space<vmem>>, vector<1x1x32xf32>,
    return
  }
  func.func @transform_0(%arg0: i32) -> (i32, i32) {
    %c0_i32 = arith.constant 0 : i32
    %c0_i32_0 = arith.constant 0 : i32
    return %arg0, %c0_i32 : i32, i32
  }
  func.func @transform_1(%arg0: i32) -> (i32, i32, i32) {
    %c0_i32 = arith.constant 0 : i32
    %c0_i32_0 = arith.constant 0 : i32
    %c0_i32_1 = arith.constant 0 : i32
    %c0_i32_2 = arith.constant 0 : i32
    return %c0_i32, %c0_i32_0, %c0_i32_1 : i32, i32, i32
  }
  func.func @transform_2(%arg0: i32) -> (i32, i32, i32) {
    %c0_i32 = arith.constant 0 : i32
    %c0_i32_0 = arith.constant 0 : i32
    %c0_i32_1 = arith.constant 0 : i32
    %c0_i32_2 = arith.constant 0 : i32
    return %c0_i32, %c0_i32_0, %c0_i32_1 : i32, i32, i32
  }
  func.func @transform_3(%arg0: i32) -> (i32, i32, i32) {
    %c0_i32 = arith.constant 0 : i32
    %c0_i32_0 = arith.constant 0 : i32
    %c0_i32_1 = arith.constant 0 : i32
    %c0_i32_2 = arith.constant 0 : i32
    return %c0_i32, %c0_i32_0, %c0_i32_1 : i32, i32, i32
  }
  func.func @transform_4(%arg0: i32) -> (i32, i32) {
    %c0_i32 = arith.constant 0 : i32
    %c0_i32_0 = arith.constant 0 : i32
    %c0_i32_1 = arith.constant 0 : i32
    return %c0_i32, %c0_i32_0 : i32, i32
  }
  func.func @transform_5(%arg0: i32) -> (i32, i32) {
    %c0_i32 = arith.constant 0 : i32
    %c0_i32_0 = arith.constant 0 : i32
    %c0_i32_1 = arith.constant 0 : i32
    return %c0_i32, %c0_i32_0 : i32, i32
  }
  func.func @transform_6(%arg0: i32) -> (i32, i32) {
    %c0_i32 = arith.constant 0 : i32
    %c0_i32_0 = arith.constant 0 : i32
    %c0_i32_1 = arith.constant 0 : i32
    return %c0_i32, %c0_i32_0 : i32, i32
  }
  func.func @transform_7(%arg0: i32) -> (i32, i32) {
    %c0_i32 = arith.constant 0 : i32
    %c0_i32_0 = arith.constant 0 : i32
    %c0_i32_1 = arith.constant 0 : i32
    return %c0_i32, %c0_i32_0 : i32, i32
  }
  func.func @transform_8(%arg0: i32) -> (i32, i32) {
    %c0_i32 = arith.constant 0 : i32
    %c0_i32_0 = arith.constant 0 : i32
    return %arg0, %c0_i32 : i32, i32
  }
  func.func @transform_9(%arg0: i32) -> (i32, i32) {
    %c0_i32 = arith.constant 0 : i32
    %c0_i32_0 = arith.constant 0 : i32
    return %arg0, %c0_i32 : i32, i32
  }
  func.func @transform_10(%arg0: i32) -> (i32, i32, i32) {
    %c0_i32 = arith.constant 0 : i32
    %c0_i32_0 = arith.constant 0 : i32
    %c0_i32_1 = arith.constant 0 : i32
    return %arg0, %c0_i32, %c0_i32_0 : i32, i32, i32
  }
  func.func @transform_11(%arg0: i32) -> (i32, i32, i32) {
    %c0_i32 = arith.constant 0 : i32
    %c0_i32_0 = arith.constant 0 : i32
    %c0_i32_1 = arith.constant 0 : i32
    return %arg0, %c0_i32, %c0_i32_0 : i32, i32, i32
  }
}

module attributes {stable_mosaic.version = 14 : i64} {
  func.func @body(%arg0: i32, %arg1: memref<256x32xf32, #tpu.memory_space<vmem>>, %arg2: memref<40x1x32xf32, #tpu.memory_space<vmem>>, %arg3: memref<40x1x32xf32, #tpu.memory_space<vmem>>, %arg4: memref<40x1x1xf32, #tpu.memory_space<vmem>>, %arg5: memref<1x32xf32, #tpu.memory_space<vmem>>, %arg6: memref<1x32xf32, #tpu.memory_space<vmem>>, %arg7: memref<1x32xf32, #tpu.memory_space<vmem>>, %arg8: memref<256x32xf32, #tpu.memory_space<vmem>>, %arg9: memref<256x1xf32, #tpu.memory_space<vmem>>) attributes {dimension_semantics = [#tpu.dimension_semantics<arbitrary>], iteration_bounds = array<i64: 40>, scalar_prefetch = 0 : i64, scratch_operands = 0 : i64, tpu.core_type = #tpu.core_type<tc>, window_params = [{transform_indices = @transform_0, window_bounds = array<i64: 256, 32>}, {pipeline_mode = #tpu.pipeline_mode<synchronous>, transform_indices = @transform_1, window_bounds = array<i64: 40, 1, 32>}, {pipeline_mode = #tpu.pipeline_mode<synchronous>, transform_indices = @transform_2, window_bounds = array<i64: 40, 1, 32>}, {pipeline_mode = #tpu.pipeline_mode<synchronous>, transform_indices = @transform_3, window_bounds = array<i64: 40, 1, 1>}, {pipeline_mode = #tpu.pipeline_mode<synchronous>, transform_indices = @transform_4, window_bounds = array<i64: 1, 32>}, {pipeline_mode = #tpu.pipeline_mode<synchronous>, transform_indices = @transform_5, window_bounds = array<i64: 1, 32>}, {pipeline_mode = #tpu.pipeline_mode<synchronous>, transform_indices = @transform_6, window_bounds = array<i64: 1, 32>}, {transform_indices = @transform_7, window_bounds = array<i64: 256, 32>}, {transform_indices = @transform_8, window_bounds = array<i64: 256, 1>}]} {
    %get3A = arith.constant 0 : index
    %get3A_0 = arith.constant 0 : index
    %get3A_1 = arith.constant 0 : index
    %get3A_2 = vector.load %arg4[%get3A, %get3A_0, %get3A_1] : memref<40x1x1xf32, #tpu.memory_space<vmem>>, vector<40x1x1xf32>
    %reduce_sum3A = vector.shape_cast %get3A_2 : vector<40x1x1xf32> to vector<1x40x1x1xf32>
    %reduce_sum3A_3 = arith.constant dense<0.000000e+00> : vector<1xf32>
    %reduce_sum3A_4 = vector.multi_reduction <add>, %reduce_sum3A, %reduce_sum3A_3 [1, 2, 3] : vector<1x40x1x1xf32> to vector<1xf32>
    %reduce_sum3A_5 = vector.shape_cast %reduce_sum3A_4 : vector<1xf32> to vector<1x1x1x1xf32>
    %reduce_sum3A_6 = vector.extract %reduce_sum3A_5[0, 0, 0, 0] : f32 from vector<1x1x1x1xf32>
    %get3A_7 = arith.constant 0 : index
    %get3A_8 = arith.constant 0 : index
    %get3A_9 = arith.constant 0 : index
    %get3A_10 = vector.load %arg2[%get3A_7, %get3A_8, %get3A_9] : memref<40x1x32xf32, #tpu.memory_space<vmem>>, vector<40x1x32xf32>
    %reduce_sum3A_11 = arith.constant dense<0.000000e+00> : vector<1x32xf32>
    %reduce_sum3A_12 = vector.multi_reduction <add>, %get3A_10, %reduce_sum3A_11 [0] : vector<40x1x32xf32> to vector<1x32xf32>
    %div3A = vector.broadcast %reduce_sum3A_6 : f32 to vector<1x32xf32>
    %div3A_13 = arith.divf %reduce_sum3A_12, %div3A : vector<1x32xf32>
    %get3A_14 = arith.constant 0 : index
    %get3A_15 = arith.constant 0 : index
    %get3A_16 = arith.constant 0 : index
    %get3A_17 = vector.load %arg3[%get3A_14, %get3A_15, %get3A_16] : memref<40x1x32xf32, #tpu.memory_space<vmem>>, vector<40x1x32xf32>
    %reduce_sum3A_18 = arith.constant dense<0.000000e+00> : vector<1x32xf32>
    %reduce_sum3A_19 = vector.multi_reduction <add>, %get3A_17, %reduce_sum3A_18 [0] : vector<40x1x32xf32> to vector<1x32xf32>
    %div3A_20 = vector.broadcast %reduce_sum3A_6 : f32 to vector<1x32xf32>
    %div3A_21 = arith.divf %reduce_sum3A_19, %div3A_20 : vector<1x32xf32>
    %mul3A = arith.mulf %div3A_13, %div3A_13 : vector<1x32xf32>
    %sub3A = arith.subf %div3A_21, %mul3A : vector<1x32xf32>
    %get3A_22 = arith.constant 0 : index
    %get3A_23 = arith.constant 0 : index
    %get3A_24 = vector.load %arg1[%get3A_22, %get3A_23] : memref<256x32xf32, #tpu.memory_space<vmem>>, vector<256x32xf32>
    %get3A_25 = arith.constant 0 : index
    %get3A_26 = arith.constant 0 : index
    %get3A_27 = vector.load %arg5[%get3A_25, %get3A_26] : memref<1x32xf32, #tpu.memory_space<vmem>>, vector<1x32xf32>
    %sub3A_28 = vector.broadcast %div3A_13 : vector<1x32xf32> to vector<256x32xf32>
    %sub3A_29 = arith.subf %get3A_24, %sub3A_28 : vector<256x32xf32>
    %mul3A_30 = vector.broadcast %get3A_27 : vector<1x32xf32> to vector<256x32xf32>
    %mul3A_31 = arith.mulf %mul3A_30, %sub3A_29 : vector<256x32xf32>
    %add3A = arith.constant 9.99999974E-6 : f32
    %add3A_32 = vector.broadcast %add3A : f32 to vector<1x32xf32>
    %add3A_33 = arith.addf %sub3A, %add3A_32 : vector<1x32xf32>
    %sqrt3A = math.sqrt %add3A_33 : vector<1x32xf32>
    %div3A_34 = vector.broadcast %sqrt3A : vector<1x32xf32> to vector<256x32xf32>
    %div3A_35 = arith.divf %mul3A_31, %div3A_34 : vector<256x32xf32>
    %get3A_36 = arith.constant 0 : index
    %get3A_37 = arith.constant 0 : index
    %get3A_38 = vector.load %arg6[%get3A_36, %get3A_37] : memref<1x32xf32, #tpu.memory_space<vmem>>, vector<1x32xf32>
    %add3A_39 = vector.broadcast %get3A_38 : vector<1x32xf32> to vector<256x32xf32>
    %add3A_40 = arith.addf %div3A_35, %add3A_39 : vector<256x32xf32>
    %max3A = arith.constant 0.000000e+00 : f32
    %max3A_41 = vector.broadcast %max3A : f32 to vector<256x32xf32>
    %max3A_42 = arith.maximumf %add3A_40, %max3A_41 : vector<256x32xf32>
    %swap3A = arith.constant 0 : index
    %swap3A_43 = arith.constant 0 : index
    %swap3A_44 = vector.load %arg8[%swap3A, %swap3A_43] : memref<256x32xf32, #tpu.memory_space<vmem>>, vector<256x32xf32>
    tpu.vector_store %arg8[%swap3A, %swap3A_43], %max3A_42 {strides = array<i32>} : memref<256x32xf32, #tpu.memory_space<vmem>>, vector<256x32xf32>,
    %get3A_45 = arith.constant 0 : index
    %get3A_46 = arith.constant 0 : index
    %get3A_47 = vector.load %arg7[%get3A_45, %get3A_46] : memref<1x32xf32, #tpu.memory_space<vmem>>, vector<1x32xf32>
    %mul3A_48 = arith.mulf %get3A_47, %get3A_47 : vector<1x32xf32>
    %reduce_sum3A_49 = vector.shape_cast %mul3A_48 : vector<1x32xf32> to vector<1x1x32xf32>
    %reduce_sum3A_50 = arith.constant dense<0.000000e+00> : vector<1xf32>
    %reduce_sum3A_51 = vector.multi_reduction <add>, %reduce_sum3A_49, %reduce_sum3A_50 [1, 2] : vector<1x1x32xf32> to vector<1xf32>
    %reduce_sum3A_52 = vector.shape_cast %reduce_sum3A_51 : vector<1xf32> to vector<1x1x1xf32>
    %reduce_sum3A_53 = vector.extract %reduce_sum3A_52[0, 0, 0] : f32 from vector<1x1x1xf32>
    %sqrt3A_54 = math.sqrt %reduce_sum3A_53 : f32
    %reshape3A = vector.shape_cast %get3A_47 : vector<1x32xf32> to vector<32x1xf32>
    %dot_general3A = arith.constant dense<0.000000e+00> : vector<256x1xf32>
    %dot_general3A_55 = tpu.matmul %max3A_42, %reshape3A, %dot_general3A {dimension_numbers = #tpu.dot_dimension_numbers<[1], [0], [0], [1], [0, 0, 1, 1], [], []>, transpose_lhs_hint = false} : vector<256x32xf32>, vector<32x1xf32>, vector<256x1xf32> -> vector<256x1xf32>
    %div3A_56 = vector.broadcast %sqrt3A_54 : f32 to vector<256x1xf32>
    %div3A_57 = arith.divf %dot_general3A_55, %div3A_56 : vector<256x1xf32>
    %tanh3A = math.tanh %div3A_57 : vector<256x1xf32>
    %swap3A_58 = arith.constant 0 : index
    %swap3A_59 = arith.constant 0 : index
    %swap3A_60 = vector.load %arg9[%swap3A_58, %swap3A_59] : memref<256x1xf32, #tpu.memory_space<vmem>>, vector<256x1xf32>
    tpu.vector_store %arg9[%swap3A_58, %swap3A_59], %tanh3A {strides = array<i32>} : memref<256x1xf32, #tpu.memory_space<vmem>>, vector<256x1xf32>,
    return
  }
  func.func @transform_0(%arg0: i32) -> (i32, i32) {
    %c0_i32 = arith.constant 0 : i32
    %c0_i32_0 = arith.constant 0 : i32
    return %arg0, %c0_i32 : i32, i32
  }
  func.func @transform_1(%arg0: i32) -> (i32, i32, i32) {
    %c0_i32 = arith.constant 0 : i32
    %c0_i32_0 = arith.constant 0 : i32
    %c0_i32_1 = arith.constant 0 : i32
    %c0_i32_2 = arith.constant 0 : i32
    return %c0_i32, %c0_i32_0, %c0_i32_1 : i32, i32, i32
  }
  func.func @transform_2(%arg0: i32) -> (i32, i32, i32) {
    %c0_i32 = arith.constant 0 : i32
    %c0_i32_0 = arith.constant 0 : i32
    %c0_i32_1 = arith.constant 0 : i32
    %c0_i32_2 = arith.constant 0 : i32
    return %c0_i32, %c0_i32_0, %c0_i32_1 : i32, i32, i32
  }
  func.func @transform_3(%arg0: i32) -> (i32, i32, i32) {
    %c0_i32 = arith.constant 0 : i32
    %c0_i32_0 = arith.constant 0 : i32
    %c0_i32_1 = arith.constant 0 : i32
    %c0_i32_2 = arith.constant 0 : i32
    return %c0_i32, %c0_i32_0, %c0_i32_1 : i32, i32, i32
  }
  func.func @transform_4(%arg0: i32) -> (i32, i32) {
    %c0_i32 = arith.constant 0 : i32
    %c0_i32_0 = arith.constant 0 : i32
    %c0_i32_1 = arith.constant 0 : i32
    return %c0_i32, %c0_i32_0 : i32, i32
  }
  func.func @transform_5(%arg0: i32) -> (i32, i32) {
    %c0_i32 = arith.constant 0 : i32
    %c0_i32_0 = arith.constant 0 : i32
    %c0_i32_1 = arith.constant 0 : i32
    return %c0_i32, %c0_i32_0 : i32, i32
  }
  func.func @transform_6(%arg0: i32) -> (i32, i32) {
    %c0_i32 = arith.constant 0 : i32
    %c0_i32_0 = arith.constant 0 : i32
    %c0_i32_1 = arith.constant 0 : i32
    return %c0_i32, %c0_i32_0 : i32, i32
  }
  func.func @transform_7(%arg0: i32) -> (i32, i32) {
    %c0_i32 = arith.constant 0 : i32
    %c0_i32_0 = arith.constant 0 : i32
    return %arg0, %c0_i32 : i32, i32
  }
  func.func @transform_8(%arg0: i32) -> (i32, i32) {
    %c0_i32 = arith.constant 0 : i32
    %c0_i32_0 = arith.constant 0 : i32
    return %arg0, %c0_i32 : i32, i32
  }
}

module attributes {stable_mosaic.version = 14 : i64} {
  func.func @body(%arg0: i32, %arg1: memref<512x32xf32, #tpu.memory_space<vmem>>, %arg2: memref<512x1xf32, #tpu.memory_space<vmem>>, %arg3: memref<512x1xi32, #tpu.memory_space<vmem>>, %arg4: memref<512x1xf32, #tpu.memory_space<vmem>>, %arg5: memref<1x10240xf32, #tpu.memory_space<vmem>>, %arg6: memref<1x10240xi32, #tpu.memory_space<vmem>>, %arg7: memref<1x10240xf32, #tpu.memory_space<vmem>>, %arg8: memref<1x1x1xi32, #tpu.memory_space<vmem>>, %arg9: memref<1x1x1xi32, #tpu.memory_space<vmem>>, %arg10: memref<512x1xf32, #tpu.memory_space<vmem>>, %arg11: memref<512x128xf32, #tpu.memory_space<vmem>>, %arg12: memref<1x16x32xf32, #tpu.memory_space<vmem>>, %arg13: memref<1x16x32xf32, #tpu.memory_space<vmem>>, %arg14: memref<1x1x16xf32, #tpu.memory_space<vmem>>) attributes {dimension_semantics = [#tpu.dimension_semantics<arbitrary>], iteration_bounds = array<i64: 20>, scalar_prefetch = 0 : i64, scratch_operands = 0 : i64, tpu.core_type = #tpu.core_type<tc>, window_params = [{transform_indices = @transform_0, window_bounds = array<i64: 512, 32>}, {transform_indices = @transform_1, window_bounds = array<i64: 512, 1>}, {transform_indices = @transform_2, window_bounds = array<i64: 512, 1>}, {transform_indices = @transform_3, window_bounds = array<i64: 512, 1>}, {pipeline_mode = #tpu.pipeline_mode<synchronous>, transform_indices = @transform_4, window_bounds = array<i64: 1, 10240>}, {pipeline_mode = #tpu.pipeline_mode<synchronous>, transform_indices = @transform_5, window_bounds = array<i64: 1, 10240>}, {pipeline_mode = #tpu.pipeline_mode<synchronous>, transform_indices = @transform_6, window_bounds = array<i64: 1, 10240>}, {transform_indices = @transform_7, window_bounds = array<i64: 1, 1, 1>}, {transform_indices = @transform_8, window_bounds = array<i64: 1, 1, 1>}, {transform_indices = @transform_9, window_bounds = array<i64: 512, 1>}, {transform_indices = @transform_10, window_bounds = array<i64: 512, 128>}, {transform_indices = @transform_11, window_bounds = array<i64: 1, 16, 32>}, {transform_indices = @transform_12, window_bounds = array<i64: 1, 16, 32>}, {transform_indices = @transform_13, window_bounds = array<i64: 1, 1, 16>}]} {
    %get3A = arith.constant 0 : index
    %get3A_0 = arith.constant 0 : index
    %get3A_1 = vector.load %arg2[%get3A, %get3A_0] : memref<512x1xf32, #tpu.memory_space<vmem>>, vector<512x1xf32>
    %get3A_2 = arith.constant 0 : index
    %get3A_3 = arith.constant 0 : index
    %get3A_4 = vector.load %arg3[%get3A_2, %get3A_3] : memref<512x1xi32, #tpu.memory_space<vmem>>, vector<512x1xi32>
    %get3A_5 = arith.constant 0 : index
    %get3A_6 = arith.constant 0 : index
    %get3A_7 = vector.load %arg4[%get3A_5, %get3A_6] : memref<512x1xf32, #tpu.memory_space<vmem>>, vector<512x1xf32>
    %mul3A = arith.constant 512 : i32
    %mul3A_8 = arith.muli %arg0, %mul3A : i32
    %iota3A = tpu.iota {dimensions = array<i32: 0>} : vector<512x1xi32>
    %add3A = vector.broadcast %mul3A_8 : i32 to vector<512x1xi32>
    %add3A_9 = arith.addi %add3A, %iota3A : vector<512x1xi32>
    %get3A_10 = arith.constant 0 : index
    %get3A_11 = arith.constant 0 : index
    %get3A_12 = arith.constant 0 : index
    %get3A_13 = vector.load %arg8[%get3A_10, %get3A_11, %get3A_12] : memref<1x1x1xi32, #tpu.memory_space<vmem>>, vector<1x1x1xi32>
    %get3A_14 = vector.extract %get3A_13[0, 0, 0] : i32 from vector<1x1x1xi32>
    %get3A_15 = arith.constant 0 : index
    %get3A_16 = arith.constant 0 : index
    %get3A_17 = arith.constant 0 : index
    %get3A_18 = vector.load %arg9[%get3A_15, %get3A_16, %get3A_17] : memref<1x1x1xi32, #tpu.memory_space<vmem>>, vector<1x1x1xi32>
    %get3A_19 = vector.extract %get3A_18[0, 0, 0] : i32 from vector<1x1x1xi32>
    %broadcast_in_dim3A = arith.constant 0 : i32
    %broadcast_in_dim3A_20 = vector.broadcast %broadcast_in_dim3A : i32 to vector<512x1xi32>
    %broadcast_in_dim3A_21 = arith.constant 0 : i32
    %broadcast_in_dim3A_22 = vector.broadcast %broadcast_in_dim3A_21 : i32 to vector<512x1xi32>
    %while3A = arith.subi %get3A_19, %get3A_14 : i32
    %while3A_23 = arith.addi %get3A_14, %while3A : i32
    %while3A_24 = arith.constant 1 : i32
    %while3A_25 = arith.divsi %while3A, %while3A_24 : i32
    %while3A_26 = arith.muli %while3A_25, %while3A_24 : i32
    %while3A_27 = arith.addi %get3A_14, %while3A_26 : i32
    %while3A_28 = arith.constant 1 : i32
    %while3A_29:2 = scf.for %while3A_479 = %get3A_14 to %while3A_27 step %while3A_28 iter_args(%while3A_480 = %broadcast_in_dim3A_20, %while3A_481 = %broadcast_in_dim3A_22) -> (vector<512x1xi32>, vector<512x1xi32>)  : i32 {
      %mul3A_482 = arith.constant 512 : i32
      %mul3A_483 = arith.muli %while3A_479, %mul3A_482 : i32
      %get3A_484 = arith.constant 0 : index
      %get3A_485 = arith.index_cast %mul3A_483 : i32 to index
      %get3A_486 = vector.load %arg5[%get3A_484, %get3A_485] : memref<1x10240xf32, #tpu.memory_space<vmem>>, vector<1x512xf32>
      %mul3A_487 = arith.constant 512 : i32
      %mul3A_488 = arith.muli %while3A_479, %mul3A_487 : i32
      %get3A_489 = arith.constant 0 : index
      %get3A_490 = arith.index_cast %mul3A_488 : i32 to index
      %get3A_491 = vector.load %arg6[%get3A_489, %get3A_490] : memref<1x10240xi32, #tpu.memory_space<vmem>>, vector<1x512xi32>
      %mul3A_492 = arith.constant 512 : i32
      %mul3A_493 = arith.muli %while3A_479, %mul3A_492 : i32
      %get3A_494 = arith.constant 0 : index
      %get3A_495 = arith.index_cast %mul3A_493 : i32 to index
      %get3A_496 = vector.load %arg7[%get3A_494, %get3A_495] : memref<1x10240xf32, #tpu.memory_space<vmem>>, vector<1x512xf32>
      %mul3A_497 = arith.constant 512 : i32
      %mul3A_498 = arith.muli %while3A_479, %mul3A_497 : i32
      %iota3A_499 = tpu.iota {dimensions = array<i32: 1>} : vector<1x512xi32>
      %add3A_500 = vector.broadcast %mul3A_498 : i32 to vector<1x512xi32>
      %add3A_501 = arith.addi %add3A_500, %iota3A_499 : vector<1x512xi32>
      %eq3A_502 = vector.broadcast %get3A_491 : vector<1x512xi32> to vector<512x512xi32>
      %eq3A_503 = vector.broadcast %get3A_4 : vector<512x1xi32> to vector<512x512xi32>
      %eq3A_504 = arith.cmpi eq, %eq3A_502, %eq3A_503 : vector<512x512xi32>
      %gt3A_505 = arith.constant 0.000000e+00 : f32
      %gt3A_506 = vector.broadcast %gt3A_505 : f32 to vector<1x512xf32>
      %gt3A_507 = arith.cmpf ogt, %get3A_496, %gt3A_506 : vector<1x512xf32>
      %and3A_508 = vector.broadcast %gt3A_507 : vector<1x512xi1> to vector<512x512xi1>
      %and3A_509 = arith.andi %eq3A_504, %and3A_508 : vector<512x512xi1>
      %gt3A_510 = vector.broadcast %get3A_486 : vector<1x512xf32> to vector<512x512xf32>
      %gt3A_511 = vector.broadcast %get3A_1 : vector<512x1xf32> to vector<512x512xf32>
      %gt3A_512 = arith.cmpf ogt, %gt3A_510, %gt3A_511 : vector<512x512xf32>
      %eq3A_513 = vector.broadcast %get3A_486 : vector<1x512xf32> to vector<512x512xf32>
      %eq3A_514 = vector.broadcast %get3A_1 : vector<512x1xf32> to vector<512x512xf32>
      %eq3A_515 = arith.cmpf oeq, %eq3A_513, %eq3A_514 : vector<512x512xf32>
      %lt3A_516 = vector.broadcast %add3A_501 : vector<1x512xi32> to vector<512x512xi32>
      %lt3A_517 = vector.broadcast %add3A_9 : vector<512x1xi32> to vector<512x512xi32>
      %lt3A_518 = arith.cmpi slt, %lt3A_516, %lt3A_517 : vector<512x512xi32>
      %and3A_519 = arith.andi %eq3A_515, %lt3A_518 : vector<512x512xi1>
      %or3A = arith.ori %gt3A_512, %and3A_519 : vector<512x512xi1>
      %and3A_520 = arith.andi %and3A_509, %or3A : vector<512x512xi1>
      %convert_element_type3A_521 = arith.extui %and3A_520 : vector<512x512xi1> to vector<512x512xi32>
      %reduce_sum3A_522 = arith.constant dense<0> : vector<512xi32>
      %reduce_sum3A_523 = vector.multi_reduction <add>, %convert_element_type3A_521, %reduce_sum3A_522 [1] : vector<512x512xi32> to vector<512xi32>
      %broadcast_in_dim3A_524 = vector.shape_cast %reduce_sum3A_523 : vector<512xi32> to vector<512x1xi32>
      %add3A_525 = arith.addi %while3A_480, %broadcast_in_dim3A_524 : vector<512x1xi32>
      %convert_element_type3A_526 = arith.extui %and3A_509 : vector<512x512xi1> to vector<512x512xi32>
      %reduce_sum3A_527 = arith.constant dense<0> : vector<512xi32>
      %reduce_sum3A_528 = vector.multi_reduction <add>, %convert_element_type3A_526, %reduce_sum3A_527 [1] : vector<512x512xi32> to vector<512xi32>
      %broadcast_in_dim3A_529 = vector.shape_cast %reduce_sum3A_528 : vector<512xi32> to vector<512x1xi32>
      %add3A_530 = arith.addi %while3A_481, %broadcast_in_dim3A_529 : vector<512x1xi32>
      scf.yield %add3A_525, %add3A_530 : vector<512x1xi32>, vector<512x1xi32>
    }
    %while3A_30 = arith.constant 1 : i32
    %while3A_31:2 = scf.for %while3A_479 = %while3A_27 to %while3A_23 step %while3A_30 iter_args(%while3A_480 = %while3A_29#0, %while3A_481 = %while3A_29#1) -> (vector<512x1xi32>, vector<512x1xi32>)  : i32 {
      %mul3A_482 = arith.constant 512 : i32
      %mul3A_483 = arith.muli %while3A_479, %mul3A_482 : i32
      %get3A_484 = arith.constant 0 : index
      %get3A_485 = arith.index_cast %mul3A_483 : i32 to index
      %get3A_486 = vector.load %arg5[%get3A_484, %get3A_485] : memref<1x10240xf32, #tpu.memory_space<vmem>>, vector<1x512xf32>
      %mul3A_487 = arith.constant 512 : i32
      %mul3A_488 = arith.muli %while3A_479, %mul3A_487 : i32
      %get3A_489 = arith.constant 0 : index
      %get3A_490 = arith.index_cast %mul3A_488 : i32 to index
      %get3A_491 = vector.load %arg6[%get3A_489, %get3A_490] : memref<1x10240xi32, #tpu.memory_space<vmem>>, vector<1x512xi32>
      %mul3A_492 = arith.constant 512 : i32
      %mul3A_493 = arith.muli %while3A_479, %mul3A_492 : i32
      %get3A_494 = arith.constant 0 : index
      %get3A_495 = arith.index_cast %mul3A_493 : i32 to index
      %get3A_496 = vector.load %arg7[%get3A_494, %get3A_495] : memref<1x10240xf32, #tpu.memory_space<vmem>>, vector<1x512xf32>
      %mul3A_497 = arith.constant 512 : i32
      %mul3A_498 = arith.muli %while3A_479, %mul3A_497 : i32
      %iota3A_499 = tpu.iota {dimensions = array<i32: 1>} : vector<1x512xi32>
      %add3A_500 = vector.broadcast %mul3A_498 : i32 to vector<1x512xi32>
      %add3A_501 = arith.addi %add3A_500, %iota3A_499 : vector<1x512xi32>
      %eq3A_502 = vector.broadcast %get3A_491 : vector<1x512xi32> to vector<512x512xi32>
      %eq3A_503 = vector.broadcast %get3A_4 : vector<512x1xi32> to vector<512x512xi32>
      %eq3A_504 = arith.cmpi eq, %eq3A_502, %eq3A_503 : vector<512x512xi32>
      %gt3A_505 = arith.constant 0.000000e+00 : f32
      %gt3A_506 = vector.broadcast %gt3A_505 : f32 to vector<1x512xf32>
      %gt3A_507 = arith.cmpf ogt, %get3A_496, %gt3A_506 : vector<1x512xf32>
      %and3A_508 = vector.broadcast %gt3A_507 : vector<1x512xi1> to vector<512x512xi1>
      %and3A_509 = arith.andi %eq3A_504, %and3A_508 : vector<512x512xi1>
      %gt3A_510 = vector.broadcast %get3A_486 : vector<1x512xf32> to vector<512x512xf32>
      %gt3A_511 = vector.broadcast %get3A_1 : vector<512x1xf32> to vector<512x512xf32>
      %gt3A_512 = arith.cmpf ogt, %gt3A_510, %gt3A_511 : vector<512x512xf32>
      %eq3A_513 = vector.broadcast %get3A_486 : vector<1x512xf32> to vector<512x512xf32>
      %eq3A_514 = vector.broadcast %get3A_1 : vector<512x1xf32> to vector<512x512xf32>
      %eq3A_515 = arith.cmpf oeq, %eq3A_513, %eq3A_514 : vector<512x512xf32>
      %lt3A_516 = vector.broadcast %add3A_501 : vector<1x512xi32> to vector<512x512xi32>
      %lt3A_517 = vector.broadcast %add3A_9 : vector<512x1xi32> to vector<512x512xi32>
      %lt3A_518 = arith.cmpi slt, %lt3A_516, %lt3A_517 : vector<512x512xi32>
      %and3A_519 = arith.andi %eq3A_515, %lt3A_518 : vector<512x512xi1>
      %or3A = arith.ori %gt3A_512, %and3A_519 : vector<512x512xi1>
      %and3A_520 = arith.andi %and3A_509, %or3A : vector<512x512xi1>
      %convert_element_type3A_521 = arith.extui %and3A_520 : vector<512x512xi1> to vector<512x512xi32>
      %reduce_sum3A_522 = arith.constant dense<0> : vector<512xi32>
      %reduce_sum3A_523 = vector.multi_reduction <add>, %convert_element_type3A_521, %reduce_sum3A_522 [1] : vector<512x512xi32> to vector<512xi32>
      %broadcast_in_dim3A_524 = vector.shape_cast %reduce_sum3A_523 : vector<512xi32> to vector<512x1xi32>
      %add3A_525 = arith.addi %while3A_480, %broadcast_in_dim3A_524 : vector<512x1xi32>
      %convert_element_type3A_526 = arith.extui %and3A_509 : vector<512x512xi1> to vector<512x512xi32>
      %reduce_sum3A_527 = arith.constant dense<0> : vector<512xi32>
      %reduce_sum3A_528 = vector.multi_reduction <add>, %convert_element_type3A_526, %reduce_sum3A_527 [1] : vector<512x512xi32> to vector<512xi32>
      %broadcast_in_dim3A_529 = vector.shape_cast %reduce_sum3A_528 : vector<512xi32> to vector<512x1xi32>
      %add3A_530 = arith.addi %while3A_481, %broadcast_in_dim3A_529 : vector<512x1xi32>
      scf.yield %add3A_525, %add3A_530 : vector<512x1xi32>, vector<512x1xi32>
    }
    %mul3A_32 = arith.constant 4 : i32
    %mul3A_33 = vector.broadcast %mul3A_32 : i32 to vector<512x1xi32>
    %mul3A_34 = arith.muli %mul3A_33, %while3A_31#1 : vector<512x1xi32>
    %add3A_35 = arith.constant 4 : i32
    %add3A_36 = vector.broadcast %add3A_35 : i32 to vector<512x1xi32>
    %add3A_37 = arith.addi %mul3A_34, %add3A_36 : vector<512x1xi32>
    %jit3A = arith.constant 5 : i32
    %div3A = vector.broadcast %jit3A : i32 to vector<512x1xi32>
    %div3A_38 = arith.divsi %add3A_37, %div3A : vector<512x1xi32>
    %sign3A = arith.constant 0 : i32
    %sign3A_39 = vector.broadcast %sign3A : i32 to vector<512x1xi32>
    %sign3A_40 = arith.cmpi sgt, %add3A_37, %sign3A_39 : vector<512x1xi32>
    %sign3A_41 = arith.extui %sign3A_40 : vector<512x1xi1> to vector<512x1xi32>
    %sign3A_42 = arith.constant 0 : i32
    %sign3A_43 = vector.broadcast %sign3A_42 : i32 to vector<512x1xi32>
    %sign3A_44 = arith.cmpi slt, %add3A_37, %sign3A_43 : vector<512x1xi32>
    %sign3A_45 = arith.extui %sign3A_44 : vector<512x1xi1> to vector<512x1xi32>
    %sign3A_46 = arith.subi %sign3A_41, %sign3A_45 : vector<512x1xi32>
    %sign3A_47 = arith.constant 0 : i32
    %sign3A_48 = arith.cmpi sgt, %jit3A, %sign3A_47 : i32
    %sign3A_49 = arith.extui %sign3A_48 : i1 to i32
    %sign3A_50 = arith.constant 0 : i32
    %sign3A_51 = arith.cmpi slt, %jit3A, %sign3A_50 : i32
    %sign3A_52 = arith.extui %sign3A_51 : i1 to i32
    %sign3A_53 = arith.subi %sign3A_49, %sign3A_52 : i32
    %ne3A = vector.broadcast %sign3A_53 : i32 to vector<512x1xi32>
    %ne3A_54 = arith.cmpi ne, %sign3A_46, %ne3A : vector<512x1xi32>
    %rem3A = vector.broadcast %jit3A : i32 to vector<512x1xi32>
    %rem3A_55 = arith.remsi %add3A_37, %rem3A : vector<512x1xi32>
    %ne3A_56 = arith.constant 0 : i32
    %ne3A_57 = vector.broadcast %ne3A_56 : i32 to vector<512x1xi32>
    %ne3A_58 = arith.cmpi ne, %rem3A_55, %ne3A_57 : vector<512x1xi32>
    %and3A = arith.andi %ne3A_54, %ne3A_58 : vector<512x1xi1>
    %sub3A = arith.constant 1 : i32
    %sub3A_59 = vector.broadcast %sub3A : i32 to vector<512x1xi32>
    %sub3A_60 = arith.subi %div3A_38, %sub3A_59 : vector<512x1xi32>
    %select_n3A = arith.select %and3A, %sub3A_60, %div3A_38 : vector<512x1xi1>, vector<512x1xi32>
    %gt3A = arith.constant 0.000000e+00 : f32
    %gt3A_61 = vector.broadcast %gt3A : f32 to vector<512x1xf32>
    %gt3A_62 = arith.cmpf ogt, %get3A_7, %gt3A_61 : vector<512x1xf32>
    %lt3A = arith.cmpi slt, %while3A_31#0, %select_n3A : vector<512x1xi32>
    %and3A_63 = arith.andi %gt3A_62, %lt3A : vector<512x1xi1>
    %convert_element_type3A = arith.extui %and3A_63 : vector<512x1xi1> to vector<512x1xi32>
    %convert_element_type3A_64 = arith.sitofp %convert_element_type3A : vector<512x1xi32> to vector<512x1xf32>
    %swap3A = arith.constant 0 : index
    %swap3A_65 = arith.constant 0 : index
    %swap3A_66 = vector.load %arg10[%swap3A, %swap3A_65] : memref<512x1xf32, #tpu.memory_space<vmem>>, vector<512x1xf32>
    tpu.vector_store %arg10[%swap3A, %swap3A_65], %convert_element_type3A_64 {strides = array<i32>} : memref<512x1xf32, #tpu.memory_space<vmem>>, vector<512x1xf32>,
    %get3A_67 = arith.constant 0 : index
    %get3A_68 = arith.constant 0 : index
    %get3A_69 = vector.load %arg1[%get3A_67, %get3A_68] : memref<512x32xf32, #tpu.memory_space<vmem>>, vector<512x32xf32>
    %mul3A_70 = vector.broadcast %get3A_1 : vector<512x1xf32> to vector<512x32xf32>
    %mul3A_71 = arith.mulf %get3A_69, %mul3A_70 : vector<512x32xf32>
    %jit3A_72 = arith.constant 0.000000e+00 : f32
    %broadcast_in_dim3A_73 = vector.shape_cast %and3A_63 : vector<512x1xi1> to vector<512x1xi1>
    %broadcast_in_dim3A_74 = vector.broadcast %broadcast_in_dim3A_73 : vector<512x1xi1> to vector<512x32xi1>
    %broadcast_in_dim3A_75 = vector.broadcast %jit3A_72 : f32 to vector<512x32xf32>
    %select_n3A_76 = arith.select %broadcast_in_dim3A_74, %mul3A_71, %broadcast_in_dim3A_75 : vector<512x32xi1>, vector<512x32xf32>
    %broadcast_in_dim3A_77 = arith.constant 0.000000e+00 : f32
    %broadcast_in_dim3A_78 = vector.broadcast %broadcast_in_dim3A_77 : f32 to vector<512x96xf32>
    %concatenate3A = tpu.concatenate %select_n3A_76, %broadcast_in_dim3A_78 in 1 : vector<512x32xf32>, vector<512x96xf32> -> vector<512x128xf32>
    %swap3A_79 = arith.constant 0 : index
    %swap3A_80 = arith.constant 0 : index
    %swap3A_81 = vector.load %arg11[%swap3A_79, %swap3A_80] : memref<512x128xf32, #tpu.memory_space<vmem>>, vector<512x128xf32>
    tpu.vector_store %arg11[%swap3A_79, %swap3A_80], %concatenate3A {strides = array<i32>} : memref<512x128xf32, #tpu.memory_space<vmem>>, vector<512x128xf32>,
    %eq3A = arith.constant 0 : i32
    %eq3A_82 = vector.broadcast %eq3A : i32 to vector<512x1xi32>
    %eq3A_83 = arith.cmpi eq, %get3A_4, %eq3A_82 : vector<512x1xi32>
    %and3A_84 = arith.andi %and3A_63, %eq3A_83 : vector<512x1xi1>
    %jit3A_85 = arith.constant 0xFF800000 : f32
    %broadcast_in_dim3A_86 = vector.shape_cast %and3A_84 : vector<512x1xi1> to vector<512x1xi1>
    %broadcast_in_dim3A_87 = vector.broadcast %broadcast_in_dim3A_86 : vector<512x1xi1> to vector<512x32xi1>
    %broadcast_in_dim3A_88 = vector.broadcast %jit3A_85 : f32 to vector<512x32xf32>
    %select_n3A_89 = arith.select %broadcast_in_dim3A_87, %select_n3A_76, %broadcast_in_dim3A_88 : vector<512x32xi1>, vector<512x32xf32>
    %reduce_max3A = arith.constant dense<0xFF800000> : vector<32xf32>
    %reduce_max3A_90 = vector.multi_reduction <maximumf>, %select_n3A_89, %reduce_max3A [0] : vector<512x32xf32> to vector<32xf32>
    %jit3A_91 = arith.constant 0.000000e+00 : f32
    %broadcast_in_dim3A_92 = vector.shape_cast %and3A_84 : vector<512x1xi1> to vector<512x1xi1>
    %broadcast_in_dim3A_93 = vector.broadcast %broadcast_in_dim3A_92 : vector<512x1xi1> to vector<512x32xi1>
    %broadcast_in_dim3A_94 = vector.broadcast %jit3A_91 : f32 to vector<512x32xf32>
    %select_n3A_95 = arith.select %broadcast_in_dim3A_93, %select_n3A_76, %broadcast_in_dim3A_94 : vector<512x32xi1>, vector<512x32xf32>
    %reduce_sum3A = arith.constant dense<0.000000e+00> : vector<32xf32>
    %reduce_sum3A_96 = vector.multi_reduction <add>, %select_n3A_95, %reduce_sum3A [0] : vector<512x32xf32> to vector<32xf32>
    %convert_element_type3A_97 = arith.extui %and3A_84 : vector<512x1xi1> to vector<512x1xi32>
    %convert_element_type3A_98 = arith.sitofp %convert_element_type3A_97 : vector<512x1xi32> to vector<512x1xf32>
    %reduce_sum3A_99 = arith.constant dense<0.000000e+00> : vector<1xf32>
    %reduce_sum3A_100 = vector.multi_reduction <add>, %convert_element_type3A_98, %reduce_sum3A_99 [0] : vector<512x1xf32> to vector<1xf32>
    %eq3A_101 = arith.constant 1 : i32
    %eq3A_102 = vector.broadcast %eq3A_101 : i32 to vector<512x1xi32>
    %eq3A_103 = arith.cmpi eq, %get3A_4, %eq3A_102 : vector<512x1xi32>
    %and3A_104 = arith.andi %and3A_63, %eq3A_103 : vector<512x1xi1>
    %jit3A_105 = arith.constant 0xFF800000 : f32
    %broadcast_in_dim3A_106 = vector.shape_cast %and3A_104 : vector<512x1xi1> to vector<512x1xi1>
    %broadcast_in_dim3A_107 = vector.broadcast %broadcast_in_dim3A_106 : vector<512x1xi1> to vector<512x32xi1>
    %broadcast_in_dim3A_108 = vector.broadcast %jit3A_105 : f32 to vector<512x32xf32>
    %select_n3A_109 = arith.select %broadcast_in_dim3A_107, %select_n3A_76, %broadcast_in_dim3A_108 : vector<512x32xi1>, vector<512x32xf32>
    %reduce_max3A_110 = arith.constant dense<0xFF800000> : vector<32xf32>
    %reduce_max3A_111 = vector.multi_reduction <maximumf>, %select_n3A_109, %reduce_max3A_110 [0] : vector<512x32xf32> to vector<32xf32>
    %jit3A_112 = arith.constant 0.000000e+00 : f32
    %broadcast_in_dim3A_113 = vector.shape_cast %and3A_104 : vector<512x1xi1> to vector<512x1xi1>
    %broadcast_in_dim3A_114 = vector.broadcast %broadcast_in_dim3A_113 : vector<512x1xi1> to vector<512x32xi1>
    %broadcast_in_dim3A_115 = vector.broadcast %jit3A_112 : f32 to vector<512x32xf32>
    %select_n3A_116 = arith.select %broadcast_in_dim3A_114, %select_n3A_76, %broadcast_in_dim3A_115 : vector<512x32xi1>, vector<512x32xf32>
    %reduce_sum3A_117 = arith.constant dense<0.000000e+00> : vector<32xf32>
    %reduce_sum3A_118 = vector.multi_reduction <add>, %select_n3A_116, %reduce_sum3A_117 [0] : vector<512x32xf32> to vector<32xf32>
    %convert_element_type3A_119 = arith.extui %and3A_104 : vector<512x1xi1> to vector<512x1xi32>
    %convert_element_type3A_120 = arith.sitofp %convert_element_type3A_119 : vector<512x1xi32> to vector<512x1xf32>
    %reduce_sum3A_121 = arith.constant dense<0.000000e+00> : vector<1xf32>
    %reduce_sum3A_122 = vector.multi_reduction <add>, %convert_element_type3A_120, %reduce_sum3A_121 [0] : vector<512x1xf32> to vector<1xf32>
    %eq3A_123 = arith.constant 2 : i32
    %eq3A_124 = vector.broadcast %eq3A_123 : i32 to vector<512x1xi32>
    %eq3A_125 = arith.cmpi eq, %get3A_4, %eq3A_124 : vector<512x1xi32>
    %and3A_126 = arith.andi %and3A_63, %eq3A_125 : vector<512x1xi1>
    %jit3A_127 = arith.constant 0xFF800000 : f32
    %broadcast_in_dim3A_128 = vector.shape_cast %and3A_126 : vector<512x1xi1> to vector<512x1xi1>
    %broadcast_in_dim3A_129 = vector.broadcast %broadcast_in_dim3A_128 : vector<512x1xi1> to vector<512x32xi1>
    %broadcast_in_dim3A_130 = vector.broadcast %jit3A_127 : f32 to vector<512x32xf32>
    %select_n3A_131 = arith.select %broadcast_in_dim3A_129, %select_n3A_76, %broadcast_in_dim3A_130 : vector<512x32xi1>, vector<512x32xf32>
    %reduce_max3A_132 = arith.constant dense<0xFF800000> : vector<32xf32>
    %reduce_max3A_133 = vector.multi_reduction <maximumf>, %select_n3A_131, %reduce_max3A_132 [0] : vector<512x32xf32> to vector<32xf32>
    %jit3A_134 = arith.constant 0.000000e+00 : f32
    %broadcast_in_dim3A_135 = vector.shape_cast %and3A_126 : vector<512x1xi1> to vector<512x1xi1>
    %broadcast_in_dim3A_136 = vector.broadcast %broadcast_in_dim3A_135 : vector<512x1xi1> to vector<512x32xi1>
    %broadcast_in_dim3A_137 = vector.broadcast %jit3A_134 : f32 to vector<512x32xf32>
    %select_n3A_138 = arith.select %broadcast_in_dim3A_136, %select_n3A_76, %broadcast_in_dim3A_137 : vector<512x32xi1>, vector<512x32xf32>
    %reduce_sum3A_139 = arith.constant dense<0.000000e+00> : vector<32xf32>
    %reduce_sum3A_140 = vector.multi_reduction <add>, %select_n3A_138, %reduce_sum3A_139 [0] : vector<512x32xf32> to vector<32xf32>
    %convert_element_type3A_141 = arith.extui %and3A_126 : vector<512x1xi1> to vector<512x1xi32>
    %convert_element_type3A_142 = arith.sitofp %convert_element_type3A_141 : vector<512x1xi32> to vector<512x1xf32>
    %reduce_sum3A_143 = arith.constant dense<0.000000e+00> : vector<1xf32>
    %reduce_sum3A_144 = vector.multi_reduction <add>, %convert_element_type3A_142, %reduce_sum3A_143 [0] : vector<512x1xf32> to vector<1xf32>
    %eq3A_145 = arith.constant 3 : i32
    %eq3A_146 = vector.broadcast %eq3A_145 : i32 to vector<512x1xi32>
    %eq3A_147 = arith.cmpi eq, %get3A_4, %eq3A_146 : vector<512x1xi32>
    %and3A_148 = arith.andi %and3A_63, %eq3A_147 : vector<512x1xi1>
    %jit3A_149 = arith.constant 0xFF800000 : f32
    %broadcast_in_dim3A_150 = vector.shape_cast %and3A_148 : vector<512x1xi1> to vector<512x1xi1>
    %broadcast_in_dim3A_151 = vector.broadcast %broadcast_in_dim3A_150 : vector<512x1xi1> to vector<512x32xi1>
    %broadcast_in_dim3A_152 = vector.broadcast %jit3A_149 : f32 to vector<512x32xf32>
    %select_n3A_153 = arith.select %broadcast_in_dim3A_151, %select_n3A_76, %broadcast_in_dim3A_152 : vector<512x32xi1>, vector<512x32xf32>
    %reduce_max3A_154 = arith.constant dense<0xFF800000> : vector<32xf32>
    %reduce_max3A_155 = vector.multi_reduction <maximumf>, %select_n3A_153, %reduce_max3A_154 [0] : vector<512x32xf32> to vector<32xf32>
    %jit3A_156 = arith.constant 0.000000e+00 : f32
    %broadcast_in_dim3A_157 = vector.shape_cast %and3A_148 : vector<512x1xi1> to vector<512x1xi1>
    %broadcast_in_dim3A_158 = vector.broadcast %broadcast_in_dim3A_157 : vector<512x1xi1> to vector<512x32xi1>
    %broadcast_in_dim3A_159 = vector.broadcast %jit3A_156 : f32 to vector<512x32xf32>
    %select_n3A_160 = arith.select %broadcast_in_dim3A_158, %select_n3A_76, %broadcast_in_dim3A_159 : vector<512x32xi1>, vector<512x32xf32>
    %reduce_sum3A_161 = arith.constant dense<0.000000e+00> : vector<32xf32>
    %reduce_sum3A_162 = vector.multi_reduction <add>, %select_n3A_160, %reduce_sum3A_161 [0] : vector<512x32xf32> to vector<32xf32>
    %convert_element_type3A_163 = arith.extui %and3A_148 : vector<512x1xi1> to vector<512x1xi32>
    %convert_element_type3A_164 = arith.sitofp %convert_element_type3A_163 : vector<512x1xi32> to vector<512x1xf32>
    %reduce_sum3A_165 = arith.constant dense<0.000000e+00> : vector<1xf32>
    %reduce_sum3A_166 = vector.multi_reduction <add>, %convert_element_type3A_164, %reduce_sum3A_165 [0] : vector<512x1xf32> to vector<1xf32>
    %eq3A_167 = arith.constant 4 : i32
    %eq3A_168 = vector.broadcast %eq3A_167 : i32 to vector<512x1xi32>
    %eq3A_169 = arith.cmpi eq, %get3A_4, %eq3A_168 : vector<512x1xi32>
    %and3A_170 = arith.andi %and3A_63, %eq3A_169 : vector<512x1xi1>
    %jit3A_171 = arith.constant 0xFF800000 : f32
    %broadcast_in_dim3A_172 = vector.shape_cast %and3A_170 : vector<512x1xi1> to vector<512x1xi1>
    %broadcast_in_dim3A_173 = vector.broadcast %broadcast_in_dim3A_172 : vector<512x1xi1> to vector<512x32xi1>
    %broadcast_in_dim3A_174 = vector.broadcast %jit3A_171 : f32 to vector<512x32xf32>
    %select_n3A_175 = arith.select %broadcast_in_dim3A_173, %select_n3A_76, %broadcast_in_dim3A_174 : vector<512x32xi1>, vector<512x32xf32>
    %reduce_max3A_176 = arith.constant dense<0xFF800000> : vector<32xf32>
    %reduce_max3A_177 = vector.multi_reduction <maximumf>, %select_n3A_175, %reduce_max3A_176 [0] : vector<512x32xf32> to vector<32xf32>
    %jit3A_178 = arith.constant 0.000000e+00 : f32
    %broadcast_in_dim3A_179 = vector.shape_cast %and3A_170 : vector<512x1xi1> to vector<512x1xi1>
    %broadcast_in_dim3A_180 = vector.broadcast %broadcast_in_dim3A_179 : vector<512x1xi1> to vector<512x32xi1>
    %broadcast_in_dim3A_181 = vector.broadcast %jit3A_178 : f32 to vector<512x32xf32>
    %select_n3A_182 = arith.select %broadcast_in_dim3A_180, %select_n3A_76, %broadcast_in_dim3A_181 : vector<512x32xi1>, vector<512x32xf32>
    %reduce_sum3A_183 = arith.constant dense<0.000000e+00> : vector<32xf32>
    %reduce_sum3A_184 = vector.multi_reduction <add>, %select_n3A_182, %reduce_sum3A_183 [0] : vector<512x32xf32> to vector<32xf32>
    %convert_element_type3A_185 = arith.extui %and3A_170 : vector<512x1xi1> to vector<512x1xi32>
    %convert_element_type3A_186 = arith.sitofp %convert_element_type3A_185 : vector<512x1xi32> to vector<512x1xf32>
    %reduce_sum3A_187 = arith.constant dense<0.000000e+00> : vector<1xf32>
    %reduce_sum3A_188 = vector.multi_reduction <add>, %convert_element_type3A_186, %reduce_sum3A_187 [0] : vector<512x1xf32> to vector<1xf32>
    %eq3A_189 = arith.constant 5 : i32
    %eq3A_190 = vector.broadcast %eq3A_189 : i32 to vector<512x1xi32>
    %eq3A_191 = arith.cmpi eq, %get3A_4, %eq3A_190 : vector<512x1xi32>
    %and3A_192 = arith.andi %and3A_63, %eq3A_191 : vector<512x1xi1>
    %jit3A_193 = arith.constant 0xFF800000 : f32
    %broadcast_in_dim3A_194 = vector.shape_cast %and3A_192 : vector<512x1xi1> to vector<512x1xi1>
    %broadcast_in_dim3A_195 = vector.broadcast %broadcast_in_dim3A_194 : vector<512x1xi1> to vector<512x32xi1>
    %broadcast_in_dim3A_196 = vector.broadcast %jit3A_193 : f32 to vector<512x32xf32>
    %select_n3A_197 = arith.select %broadcast_in_dim3A_195, %select_n3A_76, %broadcast_in_dim3A_196 : vector<512x32xi1>, vector<512x32xf32>
    %reduce_max3A_198 = arith.constant dense<0xFF800000> : vector<32xf32>
    %reduce_max3A_199 = vector.multi_reduction <maximumf>, %select_n3A_197, %reduce_max3A_198 [0] : vector<512x32xf32> to vector<32xf32>
    %jit3A_200 = arith.constant 0.000000e+00 : f32
    %broadcast_in_dim3A_201 = vector.shape_cast %and3A_192 : vector<512x1xi1> to vector<512x1xi1>
    %broadcast_in_dim3A_202 = vector.broadcast %broadcast_in_dim3A_201 : vector<512x1xi1> to vector<512x32xi1>
    %broadcast_in_dim3A_203 = vector.broadcast %jit3A_200 : f32 to vector<512x32xf32>
    %select_n3A_204 = arith.select %broadcast_in_dim3A_202, %select_n3A_76, %broadcast_in_dim3A_203 : vector<512x32xi1>, vector<512x32xf32>
    %reduce_sum3A_205 = arith.constant dense<0.000000e+00> : vector<32xf32>
    %reduce_sum3A_206 = vector.multi_reduction <add>, %select_n3A_204, %reduce_sum3A_205 [0] : vector<512x32xf32> to vector<32xf32>
    %convert_element_type3A_207 = arith.extui %and3A_192 : vector<512x1xi1> to vector<512x1xi32>
    %convert_element_type3A_208 = arith.sitofp %convert_element_type3A_207 : vector<512x1xi32> to vector<512x1xf32>
    %reduce_sum3A_209 = arith.constant dense<0.000000e+00> : vector<1xf32>
    %reduce_sum3A_210 = vector.multi_reduction <add>, %convert_element_type3A_208, %reduce_sum3A_209 [0] : vector<512x1xf32> to vector<1xf32>
    %eq3A_211 = arith.constant 6 : i32
    %eq3A_212 = vector.broadcast %eq3A_211 : i32 to vector<512x1xi32>
    %eq3A_213 = arith.cmpi eq, %get3A_4, %eq3A_212 : vector<512x1xi32>
    %and3A_214 = arith.andi %and3A_63, %eq3A_213 : vector<512x1xi1>
    %jit3A_215 = arith.constant 0xFF800000 : f32
    %broadcast_in_dim3A_216 = vector.shape_cast %and3A_214 : vector<512x1xi1> to vector<512x1xi1>
    %broadcast_in_dim3A_217 = vector.broadcast %broadcast_in_dim3A_216 : vector<512x1xi1> to vector<512x32xi1>
    %broadcast_in_dim3A_218 = vector.broadcast %jit3A_215 : f32 to vector<512x32xf32>
    %select_n3A_219 = arith.select %broadcast_in_dim3A_217, %select_n3A_76, %broadcast_in_dim3A_218 : vector<512x32xi1>, vector<512x32xf32>
    %reduce_max3A_220 = arith.constant dense<0xFF800000> : vector<32xf32>
    %reduce_max3A_221 = vector.multi_reduction <maximumf>, %select_n3A_219, %reduce_max3A_220 [0] : vector<512x32xf32> to vector<32xf32>
    %jit3A_222 = arith.constant 0.000000e+00 : f32
    %broadcast_in_dim3A_223 = vector.shape_cast %and3A_214 : vector<512x1xi1> to vector<512x1xi1>
    %broadcast_in_dim3A_224 = vector.broadcast %broadcast_in_dim3A_223 : vector<512x1xi1> to vector<512x32xi1>
    %broadcast_in_dim3A_225 = vector.broadcast %jit3A_222 : f32 to vector<512x32xf32>
    %select_n3A_226 = arith.select %broadcast_in_dim3A_224, %select_n3A_76, %broadcast_in_dim3A_225 : vector<512x32xi1>, vector<512x32xf32>
    %reduce_sum3A_227 = arith.constant dense<0.000000e+00> : vector<32xf32>
    %reduce_sum3A_228 = vector.multi_reduction <add>, %select_n3A_226, %reduce_sum3A_227 [0] : vector<512x32xf32> to vector<32xf32>
    %convert_element_type3A_229 = arith.extui %and3A_214 : vector<512x1xi1> to vector<512x1xi32>
    %convert_element_type3A_230 = arith.sitofp %convert_element_type3A_229 : vector<512x1xi32> to vector<512x1xf32>
    %reduce_sum3A_231 = arith.constant dense<0.000000e+00> : vector<1xf32>
    %reduce_sum3A_232 = vector.multi_reduction <add>, %convert_element_type3A_230, %reduce_sum3A_231 [0] : vector<512x1xf32> to vector<1xf32>
    %eq3A_233 = arith.constant 7 : i32
    %eq3A_234 = vector.broadcast %eq3A_233 : i32 to vector<512x1xi32>
    %eq3A_235 = arith.cmpi eq, %get3A_4, %eq3A_234 : vector<512x1xi32>
    %and3A_236 = arith.andi %and3A_63, %eq3A_235 : vector<512x1xi1>
    %jit3A_237 = arith.constant 0xFF800000 : f32
    %broadcast_in_dim3A_238 = vector.shape_cast %and3A_236 : vector<512x1xi1> to vector<512x1xi1>
    %broadcast_in_dim3A_239 = vector.broadcast %broadcast_in_dim3A_238 : vector<512x1xi1> to vector<512x32xi1>
    %broadcast_in_dim3A_240 = vector.broadcast %jit3A_237 : f32 to vector<512x32xf32>
    %select_n3A_241 = arith.select %broadcast_in_dim3A_239, %select_n3A_76, %broadcast_in_dim3A_240 : vector<512x32xi1>, vector<512x32xf32>
    %reduce_max3A_242 = arith.constant dense<0xFF800000> : vector<32xf32>
    %reduce_max3A_243 = vector.multi_reduction <maximumf>, %select_n3A_241, %reduce_max3A_242 [0] : vector<512x32xf32> to vector<32xf32>
    %jit3A_244 = arith.constant 0.000000e+00 : f32
    %broadcast_in_dim3A_245 = vector.shape_cast %and3A_236 : vector<512x1xi1> to vector<512x1xi1>
    %broadcast_in_dim3A_246 = vector.broadcast %broadcast_in_dim3A_245 : vector<512x1xi1> to vector<512x32xi1>
    %broadcast_in_dim3A_247 = vector.broadcast %jit3A_244 : f32 to vector<512x32xf32>
    %select_n3A_248 = arith.select %broadcast_in_dim3A_246, %select_n3A_76, %broadcast_in_dim3A_247 : vector<512x32xi1>, vector<512x32xf32>
    %reduce_sum3A_249 = arith.constant dense<0.000000e+00> : vector<32xf32>
    %reduce_sum3A_250 = vector.multi_reduction <add>, %select_n3A_248, %reduce_sum3A_249 [0] : vector<512x32xf32> to vector<32xf32>
    %convert_element_type3A_251 = arith.extui %and3A_236 : vector<512x1xi1> to vector<512x1xi32>
    %convert_element_type3A_252 = arith.sitofp %convert_element_type3A_251 : vector<512x1xi32> to vector<512x1xf32>
    %reduce_sum3A_253 = arith.constant dense<0.000000e+00> : vector<1xf32>
    %reduce_sum3A_254 = vector.multi_reduction <add>, %convert_element_type3A_252, %reduce_sum3A_253 [0] : vector<512x1xf32> to vector<1xf32>
    %eq3A_255 = arith.constant 8 : i32
    %eq3A_256 = vector.broadcast %eq3A_255 : i32 to vector<512x1xi32>
    %eq3A_257 = arith.cmpi eq, %get3A_4, %eq3A_256 : vector<512x1xi32>
    %and3A_258 = arith.andi %and3A_63, %eq3A_257 : vector<512x1xi1>
    %jit3A_259 = arith.constant 0xFF800000 : f32
    %broadcast_in_dim3A_260 = vector.shape_cast %and3A_258 : vector<512x1xi1> to vector<512x1xi1>
    %broadcast_in_dim3A_261 = vector.broadcast %broadcast_in_dim3A_260 : vector<512x1xi1> to vector<512x32xi1>
    %broadcast_in_dim3A_262 = vector.broadcast %jit3A_259 : f32 to vector<512x32xf32>
    %select_n3A_263 = arith.select %broadcast_in_dim3A_261, %select_n3A_76, %broadcast_in_dim3A_262 : vector<512x32xi1>, vector<512x32xf32>
    %reduce_max3A_264 = arith.constant dense<0xFF800000> : vector<32xf32>
    %reduce_max3A_265 = vector.multi_reduction <maximumf>, %select_n3A_263, %reduce_max3A_264 [0] : vector<512x32xf32> to vector<32xf32>
    %jit3A_266 = arith.constant 0.000000e+00 : f32
    %broadcast_in_dim3A_267 = vector.shape_cast %and3A_258 : vector<512x1xi1> to vector<512x1xi1>
    %broadcast_in_dim3A_268 = vector.broadcast %broadcast_in_dim3A_267 : vector<512x1xi1> to vector<512x32xi1>
    %broadcast_in_dim3A_269 = vector.broadcast %jit3A_266 : f32 to vector<512x32xf32>
    %select_n3A_270 = arith.select %broadcast_in_dim3A_268, %select_n3A_76, %broadcast_in_dim3A_269 : vector<512x32xi1>, vector<512x32xf32>
    %reduce_sum3A_271 = arith.constant dense<0.000000e+00> : vector<32xf32>
    %reduce_sum3A_272 = vector.multi_reduction <add>, %select_n3A_270, %reduce_sum3A_271 [0] : vector<512x32xf32> to vector<32xf32>
    %convert_element_type3A_273 = arith.extui %and3A_258 : vector<512x1xi1> to vector<512x1xi32>
    %convert_element_type3A_274 = arith.sitofp %convert_element_type3A_273 : vector<512x1xi32> to vector<512x1xf32>
    %reduce_sum3A_275 = arith.constant dense<0.000000e+00> : vector<1xf32>
    %reduce_sum3A_276 = vector.multi_reduction <add>, %convert_element_type3A_274, %reduce_sum3A_275 [0] : vector<512x1xf32> to vector<1xf32>
    %eq3A_277 = arith.constant 9 : i32
    %eq3A_278 = vector.broadcast %eq3A_277 : i32 to vector<512x1xi32>
    %eq3A_279 = arith.cmpi eq, %get3A_4, %eq3A_278 : vector<512x1xi32>
    %and3A_280 = arith.andi %and3A_63, %eq3A_279 : vector<512x1xi1>
    %jit3A_281 = arith.constant 0xFF800000 : f32
    %broadcast_in_dim3A_282 = vector.shape_cast %and3A_280 : vector<512x1xi1> to vector<512x1xi1>
    %broadcast_in_dim3A_283 = vector.broadcast %broadcast_in_dim3A_282 : vector<512x1xi1> to vector<512x32xi1>
    %broadcast_in_dim3A_284 = vector.broadcast %jit3A_281 : f32 to vector<512x32xf32>
    %select_n3A_285 = arith.select %broadcast_in_dim3A_283, %select_n3A_76, %broadcast_in_dim3A_284 : vector<512x32xi1>, vector<512x32xf32>
    %reduce_max3A_286 = arith.constant dense<0xFF800000> : vector<32xf32>
    %reduce_max3A_287 = vector.multi_reduction <maximumf>, %select_n3A_285, %reduce_max3A_286 [0] : vector<512x32xf32> to vector<32xf32>
    %jit3A_288 = arith.constant 0.000000e+00 : f32
    %broadcast_in_dim3A_289 = vector.shape_cast %and3A_280 : vector<512x1xi1> to vector<512x1xi1>
    %broadcast_in_dim3A_290 = vector.broadcast %broadcast_in_dim3A_289 : vector<512x1xi1> to vector<512x32xi1>
    %broadcast_in_dim3A_291 = vector.broadcast %jit3A_288 : f32 to vector<512x32xf32>
    %select_n3A_292 = arith.select %broadcast_in_dim3A_290, %select_n3A_76, %broadcast_in_dim3A_291 : vector<512x32xi1>, vector<512x32xf32>
    %reduce_sum3A_293 = arith.constant dense<0.000000e+00> : vector<32xf32>
    %reduce_sum3A_294 = vector.multi_reduction <add>, %select_n3A_292, %reduce_sum3A_293 [0] : vector<512x32xf32> to vector<32xf32>
    %convert_element_type3A_295 = arith.extui %and3A_280 : vector<512x1xi1> to vector<512x1xi32>
    %convert_element_type3A_296 = arith.sitofp %convert_element_type3A_295 : vector<512x1xi32> to vector<512x1xf32>
    %reduce_sum3A_297 = arith.constant dense<0.000000e+00> : vector<1xf32>
    %reduce_sum3A_298 = vector.multi_reduction <add>, %convert_element_type3A_296, %reduce_sum3A_297 [0] : vector<512x1xf32> to vector<1xf32>
    %eq3A_299 = arith.constant 10 : i32
    %eq3A_300 = vector.broadcast %eq3A_299 : i32 to vector<512x1xi32>
    %eq3A_301 = arith.cmpi eq, %get3A_4, %eq3A_300 : vector<512x1xi32>
    %and3A_302 = arith.andi %and3A_63, %eq3A_301 : vector<512x1xi1>
    %jit3A_303 = arith.constant 0xFF800000 : f32
    %broadcast_in_dim3A_304 = vector.shape_cast %and3A_302 : vector<512x1xi1> to vector<512x1xi1>
    %broadcast_in_dim3A_305 = vector.broadcast %broadcast_in_dim3A_304 : vector<512x1xi1> to vector<512x32xi1>
    %broadcast_in_dim3A_306 = vector.broadcast %jit3A_303 : f32 to vector<512x32xf32>
    %select_n3A_307 = arith.select %broadcast_in_dim3A_305, %select_n3A_76, %broadcast_in_dim3A_306 : vector<512x32xi1>, vector<512x32xf32>
    %reduce_max3A_308 = arith.constant dense<0xFF800000> : vector<32xf32>
    %reduce_max3A_309 = vector.multi_reduction <maximumf>, %select_n3A_307, %reduce_max3A_308 [0] : vector<512x32xf32> to vector<32xf32>
    %jit3A_310 = arith.constant 0.000000e+00 : f32
    %broadcast_in_dim3A_311 = vector.shape_cast %and3A_302 : vector<512x1xi1> to vector<512x1xi1>
    %broadcast_in_dim3A_312 = vector.broadcast %broadcast_in_dim3A_311 : vector<512x1xi1> to vector<512x32xi1>
    %broadcast_in_dim3A_313 = vector.broadcast %jit3A_310 : f32 to vector<512x32xf32>
    %select_n3A_314 = arith.select %broadcast_in_dim3A_312, %select_n3A_76, %broadcast_in_dim3A_313 : vector<512x32xi1>, vector<512x32xf32>
    %reduce_sum3A_315 = arith.constant dense<0.000000e+00> : vector<32xf32>
    %reduce_sum3A_316 = vector.multi_reduction <add>, %select_n3A_314, %reduce_sum3A_315 [0] : vector<512x32xf32> to vector<32xf32>
    %convert_element_type3A_317 = arith.extui %and3A_302 : vector<512x1xi1> to vector<512x1xi32>
    %convert_element_type3A_318 = arith.sitofp %convert_element_type3A_317 : vector<512x1xi32> to vector<512x1xf32>
    %reduce_sum3A_319 = arith.constant dense<0.000000e+00> : vector<1xf32>
    %reduce_sum3A_320 = vector.multi_reduction <add>, %convert_element_type3A_318, %reduce_sum3A_319 [0] : vector<512x1xf32> to vector<1xf32>
    %eq3A_321 = arith.constant 11 : i32
    %eq3A_322 = vector.broadcast %eq3A_321 : i32 to vector<512x1xi32>
    %eq3A_323 = arith.cmpi eq, %get3A_4, %eq3A_322 : vector<512x1xi32>
    %and3A_324 = arith.andi %and3A_63, %eq3A_323 : vector<512x1xi1>
    %jit3A_325 = arith.constant 0xFF800000 : f32
    %broadcast_in_dim3A_326 = vector.shape_cast %and3A_324 : vector<512x1xi1> to vector<512x1xi1>
    %broadcast_in_dim3A_327 = vector.broadcast %broadcast_in_dim3A_326 : vector<512x1xi1> to vector<512x32xi1>
    %broadcast_in_dim3A_328 = vector.broadcast %jit3A_325 : f32 to vector<512x32xf32>
    %select_n3A_329 = arith.select %broadcast_in_dim3A_327, %select_n3A_76, %broadcast_in_dim3A_328 : vector<512x32xi1>, vector<512x32xf32>
    %reduce_max3A_330 = arith.constant dense<0xFF800000> : vector<32xf32>
    %reduce_max3A_331 = vector.multi_reduction <maximumf>, %select_n3A_329, %reduce_max3A_330 [0] : vector<512x32xf32> to vector<32xf32>
    %jit3A_332 = arith.constant 0.000000e+00 : f32
    %broadcast_in_dim3A_333 = vector.shape_cast %and3A_324 : vector<512x1xi1> to vector<512x1xi1>
    %broadcast_in_dim3A_334 = vector.broadcast %broadcast_in_dim3A_333 : vector<512x1xi1> to vector<512x32xi1>
    %broadcast_in_dim3A_335 = vector.broadcast %jit3A_332 : f32 to vector<512x32xf32>
    %select_n3A_336 = arith.select %broadcast_in_dim3A_334, %select_n3A_76, %broadcast_in_dim3A_335 : vector<512x32xi1>, vector<512x32xf32>
    %reduce_sum3A_337 = arith.constant dense<0.000000e+00> : vector<32xf32>
    %reduce_sum3A_338 = vector.multi_reduction <add>, %select_n3A_336, %reduce_sum3A_337 [0] : vector<512x32xf32> to vector<32xf32>
    %convert_element_type3A_339 = arith.extui %and3A_324 : vector<512x1xi1> to vector<512x1xi32>
    %convert_element_type3A_340 = arith.sitofp %convert_element_type3A_339 : vector<512x1xi32> to vector<512x1xf32>
    %reduce_sum3A_341 = arith.constant dense<0.000000e+00> : vector<1xf32>
    %reduce_sum3A_342 = vector.multi_reduction <add>, %convert_element_type3A_340, %reduce_sum3A_341 [0] : vector<512x1xf32> to vector<1xf32>
    %eq3A_343 = arith.constant 12 : i32
    %eq3A_344 = vector.broadcast %eq3A_343 : i32 to vector<512x1xi32>
    %eq3A_345 = arith.cmpi eq, %get3A_4, %eq3A_344 : vector<512x1xi32>
    %and3A_346 = arith.andi %and3A_63, %eq3A_345 : vector<512x1xi1>
    %jit3A_347 = arith.constant 0xFF800000 : f32
    %broadcast_in_dim3A_348 = vector.shape_cast %and3A_346 : vector<512x1xi1> to vector<512x1xi1>
    %broadcast_in_dim3A_349 = vector.broadcast %broadcast_in_dim3A_348 : vector<512x1xi1> to vector<512x32xi1>
    %broadcast_in_dim3A_350 = vector.broadcast %jit3A_347 : f32 to vector<512x32xf32>
    %select_n3A_351 = arith.select %broadcast_in_dim3A_349, %select_n3A_76, %broadcast_in_dim3A_350 : vector<512x32xi1>, vector<512x32xf32>
    %reduce_max3A_352 = arith.constant dense<0xFF800000> : vector<32xf32>
    %reduce_max3A_353 = vector.multi_reduction <maximumf>, %select_n3A_351, %reduce_max3A_352 [0] : vector<512x32xf32> to vector<32xf32>
    %jit3A_354 = arith.constant 0.000000e+00 : f32
    %broadcast_in_dim3A_355 = vector.shape_cast %and3A_346 : vector<512x1xi1> to vector<512x1xi1>
    %broadcast_in_dim3A_356 = vector.broadcast %broadcast_in_dim3A_355 : vector<512x1xi1> to vector<512x32xi1>
    %broadcast_in_dim3A_357 = vector.broadcast %jit3A_354 : f32 to vector<512x32xf32>
    %select_n3A_358 = arith.select %broadcast_in_dim3A_356, %select_n3A_76, %broadcast_in_dim3A_357 : vector<512x32xi1>, vector<512x32xf32>
    %reduce_sum3A_359 = arith.constant dense<0.000000e+00> : vector<32xf32>
    %reduce_sum3A_360 = vector.multi_reduction <add>, %select_n3A_358, %reduce_sum3A_359 [0] : vector<512x32xf32> to vector<32xf32>
    %convert_element_type3A_361 = arith.extui %and3A_346 : vector<512x1xi1> to vector<512x1xi32>
    %convert_element_type3A_362 = arith.sitofp %convert_element_type3A_361 : vector<512x1xi32> to vector<512x1xf32>
    %reduce_sum3A_363 = arith.constant dense<0.000000e+00> : vector<1xf32>
    %reduce_sum3A_364 = vector.multi_reduction <add>, %convert_element_type3A_362, %reduce_sum3A_363 [0] : vector<512x1xf32> to vector<1xf32>
    %eq3A_365 = arith.constant 13 : i32
    %eq3A_366 = vector.broadcast %eq3A_365 : i32 to vector<512x1xi32>
    %eq3A_367 = arith.cmpi eq, %get3A_4, %eq3A_366 : vector<512x1xi32>
    %and3A_368 = arith.andi %and3A_63, %eq3A_367 : vector<512x1xi1>
    %jit3A_369 = arith.constant 0xFF800000 : f32
    %broadcast_in_dim3A_370 = vector.shape_cast %and3A_368 : vector<512x1xi1> to vector<512x1xi1>
    %broadcast_in_dim3A_371 = vector.broadcast %broadcast_in_dim3A_370 : vector<512x1xi1> to vector<512x32xi1>
    %broadcast_in_dim3A_372 = vector.broadcast %jit3A_369 : f32 to vector<512x32xf32>
    %select_n3A_373 = arith.select %broadcast_in_dim3A_371, %select_n3A_76, %broadcast_in_dim3A_372 : vector<512x32xi1>, vector<512x32xf32>
    %reduce_max3A_374 = arith.constant dense<0xFF800000> : vector<32xf32>
    %reduce_max3A_375 = vector.multi_reduction <maximumf>, %select_n3A_373, %reduce_max3A_374 [0] : vector<512x32xf32> to vector<32xf32>
    %jit3A_376 = arith.constant 0.000000e+00 : f32
    %broadcast_in_dim3A_377 = vector.shape_cast %and3A_368 : vector<512x1xi1> to vector<512x1xi1>
    %broadcast_in_dim3A_378 = vector.broadcast %broadcast_in_dim3A_377 : vector<512x1xi1> to vector<512x32xi1>
    %broadcast_in_dim3A_379 = vector.broadcast %jit3A_376 : f32 to vector<512x32xf32>
    %select_n3A_380 = arith.select %broadcast_in_dim3A_378, %select_n3A_76, %broadcast_in_dim3A_379 : vector<512x32xi1>, vector<512x32xf32>
    %reduce_sum3A_381 = arith.constant dense<0.000000e+00> : vector<32xf32>
    %reduce_sum3A_382 = vector.multi_reduction <add>, %select_n3A_380, %reduce_sum3A_381 [0] : vector<512x32xf32> to vector<32xf32>
    %convert_element_type3A_383 = arith.extui %and3A_368 : vector<512x1xi1> to vector<512x1xi32>
    %convert_element_type3A_384 = arith.sitofp %convert_element_type3A_383 : vector<512x1xi32> to vector<512x1xf32>
    %reduce_sum3A_385 = arith.constant dense<0.000000e+00> : vector<1xf32>
    %reduce_sum3A_386 = vector.multi_reduction <add>, %convert_element_type3A_384, %reduce_sum3A_385 [0] : vector<512x1xf32> to vector<1xf32>
    %eq3A_387 = arith.constant 14 : i32
    %eq3A_388 = vector.broadcast %eq3A_387 : i32 to vector<512x1xi32>
    %eq3A_389 = arith.cmpi eq, %get3A_4, %eq3A_388 : vector<512x1xi32>
    %and3A_390 = arith.andi %and3A_63, %eq3A_389 : vector<512x1xi1>
    %jit3A_391 = arith.constant 0xFF800000 : f32
    %broadcast_in_dim3A_392 = vector.shape_cast %and3A_390 : vector<512x1xi1> to vector<512x1xi1>
    %broadcast_in_dim3A_393 = vector.broadcast %broadcast_in_dim3A_392 : vector<512x1xi1> to vector<512x32xi1>
    %broadcast_in_dim3A_394 = vector.broadcast %jit3A_391 : f32 to vector<512x32xf32>
    %select_n3A_395 = arith.select %broadcast_in_dim3A_393, %select_n3A_76, %broadcast_in_dim3A_394 : vector<512x32xi1>, vector<512x32xf32>
    %reduce_max3A_396 = arith.constant dense<0xFF800000> : vector<32xf32>
    %reduce_max3A_397 = vector.multi_reduction <maximumf>, %select_n3A_395, %reduce_max3A_396 [0] : vector<512x32xf32> to vector<32xf32>
    %jit3A_398 = arith.constant 0.000000e+00 : f32
    %broadcast_in_dim3A_399 = vector.shape_cast %and3A_390 : vector<512x1xi1> to vector<512x1xi1>
    %broadcast_in_dim3A_400 = vector.broadcast %broadcast_in_dim3A_399 : vector<512x1xi1> to vector<512x32xi1>
    %broadcast_in_dim3A_401 = vector.broadcast %jit3A_398 : f32 to vector<512x32xf32>
    %select_n3A_402 = arith.select %broadcast_in_dim3A_400, %select_n3A_76, %broadcast_in_dim3A_401 : vector<512x32xi1>, vector<512x32xf32>
    %reduce_sum3A_403 = arith.constant dense<0.000000e+00> : vector<32xf32>
    %reduce_sum3A_404 = vector.multi_reduction <add>, %select_n3A_402, %reduce_sum3A_403 [0] : vector<512x32xf32> to vector<32xf32>
    %convert_element_type3A_405 = arith.extui %and3A_390 : vector<512x1xi1> to vector<512x1xi32>
    %convert_element_type3A_406 = arith.sitofp %convert_element_type3A_405 : vector<512x1xi32> to vector<512x1xf32>
    %reduce_sum3A_407 = arith.constant dense<0.000000e+00> : vector<1xf32>
    %reduce_sum3A_408 = vector.multi_reduction <add>, %convert_element_type3A_406, %reduce_sum3A_407 [0] : vector<512x1xf32> to vector<1xf32>
    %eq3A_409 = arith.constant 15 : i32
    %eq3A_410 = vector.broadcast %eq3A_409 : i32 to vector<512x1xi32>
    %eq3A_411 = arith.cmpi eq, %get3A_4, %eq3A_410 : vector<512x1xi32>
    %and3A_412 = arith.andi %and3A_63, %eq3A_411 : vector<512x1xi1>
    %jit3A_413 = arith.constant 0xFF800000 : f32
    %broadcast_in_dim3A_414 = vector.shape_cast %and3A_412 : vector<512x1xi1> to vector<512x1xi1>
    %broadcast_in_dim3A_415 = vector.broadcast %broadcast_in_dim3A_414 : vector<512x1xi1> to vector<512x32xi1>
    %broadcast_in_dim3A_416 = vector.broadcast %jit3A_413 : f32 to vector<512x32xf32>
    %select_n3A_417 = arith.select %broadcast_in_dim3A_415, %select_n3A_76, %broadcast_in_dim3A_416 : vector<512x32xi1>, vector<512x32xf32>
    %reduce_max3A_418 = arith.constant dense<0xFF800000> : vector<32xf32>
    %reduce_max3A_419 = vector.multi_reduction <maximumf>, %select_n3A_417, %reduce_max3A_418 [0] : vector<512x32xf32> to vector<32xf32>
    %jit3A_420 = arith.constant 0.000000e+00 : f32
    %broadcast_in_dim3A_421 = vector.shape_cast %and3A_412 : vector<512x1xi1> to vector<512x1xi1>
    %broadcast_in_dim3A_422 = vector.broadcast %broadcast_in_dim3A_421 : vector<512x1xi1> to vector<512x32xi1>
    %broadcast_in_dim3A_423 = vector.broadcast %jit3A_420 : f32 to vector<512x32xf32>
    %select_n3A_424 = arith.select %broadcast_in_dim3A_422, %select_n3A_76, %broadcast_in_dim3A_423 : vector<512x32xi1>, vector<512x32xf32>
    %reduce_sum3A_425 = arith.constant dense<0.000000e+00> : vector<32xf32>
    %reduce_sum3A_426 = vector.multi_reduction <add>, %select_n3A_424, %reduce_sum3A_425 [0] : vector<512x32xf32> to vector<32xf32>
    %convert_element_type3A_427 = arith.extui %and3A_412 : vector<512x1xi1> to vector<512x1xi32>
    %convert_element_type3A_428 = arith.sitofp %convert_element_type3A_427 : vector<512x1xi32> to vector<512x1xf32>
    %reduce_sum3A_429 = arith.constant dense<0.000000e+00> : vector<1xf32>
    %reduce_sum3A_430 = vector.multi_reduction <add>, %convert_element_type3A_428, %reduce_sum3A_429 [0] : vector<512x1xf32> to vector<1xf32>
    %stack3A = vector.shape_cast %reduce_max3A_90 : vector<32xf32> to vector<1x32xf32>
    %stack3A_431 = vector.shape_cast %reduce_max3A_111 : vector<32xf32> to vector<1x32xf32>
    %stack3A_432 = vector.shape_cast %reduce_max3A_133 : vector<32xf32> to vector<1x32xf32>
    %stack3A_433 = vector.shape_cast %reduce_max3A_155 : vector<32xf32> to vector<1x32xf32>
    %stack3A_434 = vector.shape_cast %reduce_max3A_177 : vector<32xf32> to vector<1x32xf32>
    %stack3A_435 = vector.shape_cast %reduce_max3A_199 : vector<32xf32> to vector<1x32xf32>
    %stack3A_436 = vector.shape_cast %reduce_max3A_221 : vector<32xf32> to vector<1x32xf32>
    %stack3A_437 = vector.shape_cast %reduce_max3A_243 : vector<32xf32> to vector<1x32xf32>
    %stack3A_438 = vector.shape_cast %reduce_max3A_265 : vector<32xf32> to vector<1x32xf32>
    %stack3A_439 = vector.shape_cast %reduce_max3A_287 : vector<32xf32> to vector<1x32xf32>
    %stack3A_440 = vector.shape_cast %reduce_max3A_309 : vector<32xf32> to vector<1x32xf32>
    %stack3A_441 = vector.shape_cast %reduce_max3A_331 : vector<32xf32> to vector<1x32xf32>
    %stack3A_442 = vector.shape_cast %reduce_max3A_353 : vector<32xf32> to vector<1x32xf32>
    %stack3A_443 = vector.shape_cast %reduce_max3A_375 : vector<32xf32> to vector<1x32xf32>
    %stack3A_444 = vector.shape_cast %reduce_max3A_397 : vector<32xf32> to vector<1x32xf32>
    %stack3A_445 = vector.shape_cast %reduce_max3A_419 : vector<32xf32> to vector<1x32xf32>
    %stack3A_446 = tpu.concatenate %stack3A, %stack3A_431, %stack3A_432, %stack3A_433, %stack3A_434, %stack3A_435, %stack3A_436, %stack3A_437, %stack3A_438, %stack3A_439, %stack3A_440, %stack3A_441, %stack3A_442, %stack3A_443, %stack3A_444, %stack3A_445 in 0 : vector<1x32xf32>, vector<1x32xf32>, vector<1x32xf32>, vector<1x32xf32>, vector<1x32xf32>, vector<1x32xf32>, vector<1x32xf32>, vector<1x32xf32>, vector<1x32xf32>, vector<1x32xf32>, vector<1x32xf32>, vector<1x32xf32>, vector<1x32xf32>, vector<1x32xf32>, vector<1x32xf32>, vector<1x32xf32> -> vector<16x32xf32>
    %broadcast_in_dim3A_447 = vector.shape_cast %stack3A_446 : vector<16x32xf32> to vector<1x16x32xf32>
    %swap3A_448 = arith.constant 0 : index
    %swap3A_449 = arith.constant 0 : index
    %swap3A_450 = arith.constant 0 : index
    %swap3A_451 = vector.load %arg12[%swap3A_448, %swap3A_449, %swap3A_450] : memref<1x16x32xf32, #tpu.memory_space<vmem>>, vector<1x16x32xf32>
    tpu.vector_store %arg12[%swap3A_448, %swap3A_449, %swap3A_450], %broadcast_in_dim3A_447 {strides = array<i32>} : memref<1x16x32xf32, #tpu.memory_space<vmem>>, vector<1x16x32xf32>,
    %stack3A_452 = vector.shape_cast %reduce_sum3A_96 : vector<32xf32> to vector<1x32xf32>
    %stack3A_453 = vector.shape_cast %reduce_sum3A_118 : vector<32xf32> to vector<1x32xf32>
    %stack3A_454 = vector.shape_cast %reduce_sum3A_140 : vector<32xf32> to vector<1x32xf32>
    %stack3A_455 = vector.shape_cast %reduce_sum3A_162 : vector<32xf32> to vector<1x32xf32>
    %stack3A_456 = vector.shape_cast %reduce_sum3A_184 : vector<32xf32> to vector<1x32xf32>
    %stack3A_457 = vector.shape_cast %reduce_sum3A_206 : vector<32xf32> to vector<1x32xf32>
    %stack3A_458 = vector.shape_cast %reduce_sum3A_228 : vector<32xf32> to vector<1x32xf32>
    %stack3A_459 = vector.shape_cast %reduce_sum3A_250 : vector<32xf32> to vector<1x32xf32>
    %stack3A_460 = vector.shape_cast %reduce_sum3A_272 : vector<32xf32> to vector<1x32xf32>
    %stack3A_461 = vector.shape_cast %reduce_sum3A_294 : vector<32xf32> to vector<1x32xf32>
    %stack3A_462 = vector.shape_cast %reduce_sum3A_316 : vector<32xf32> to vector<1x32xf32>
    %stack3A_463 = vector.shape_cast %reduce_sum3A_338 : vector<32xf32> to vector<1x32xf32>
    %stack3A_464 = vector.shape_cast %reduce_sum3A_360 : vector<32xf32> to vector<1x32xf32>
    %stack3A_465 = vector.shape_cast %reduce_sum3A_382 : vector<32xf32> to vector<1x32xf32>
    %stack3A_466 = vector.shape_cast %reduce_sum3A_404 : vector<32xf32> to vector<1x32xf32>
    %stack3A_467 = vector.shape_cast %reduce_sum3A_426 : vector<32xf32> to vector<1x32xf32>
    %stack3A_468 = tpu.concatenate %stack3A_452, %stack3A_453, %stack3A_454, %stack3A_455, %stack3A_456, %stack3A_457, %stack3A_458, %stack3A_459, %stack3A_460, %stack3A_461, %stack3A_462, %stack3A_463, %stack3A_464, %stack3A_465, %stack3A_466, %stack3A_467 in 0 : vector<1x32xf32>, vector<1x32xf32>, vector<1x32xf32>, vector<1x32xf32>, vector<1x32xf32>, vector<1x32xf32>, vector<1x32xf32>, vector<1x32xf32>, vector<1x32xf32>, vector<1x32xf32>, vector<1x32xf32>, vector<1x32xf32>, vector<1x32xf32>, vector<1x32xf32>, vector<1x32xf32>, vector<1x32xf32> -> vector<16x32xf32>
    %broadcast_in_dim3A_469 = vector.shape_cast %stack3A_468 : vector<16x32xf32> to vector<1x16x32xf32>
    %swap3A_470 = arith.constant 0 : index
    %swap3A_471 = arith.constant 0 : index
    %swap3A_472 = arith.constant 0 : index
    %swap3A_473 = vector.load %arg13[%swap3A_470, %swap3A_471, %swap3A_472] : memref<1x16x32xf32, #tpu.memory_space<vmem>>, vector<1x16x32xf32>
    tpu.vector_store %arg13[%swap3A_470, %swap3A_471, %swap3A_472], %broadcast_in_dim3A_469 {strides = array<i32>} : memref<1x16x32xf32, #tpu.memory_space<vmem>>, vector<1x16x32xf32>,
    %concatenate3A_474 = tpu.concatenate %reduce_sum3A_100, %reduce_sum3A_122, %reduce_sum3A_144, %reduce_sum3A_166, %reduce_sum3A_188, %reduce_sum3A_210, %reduce_sum3A_232, %reduce_sum3A_254, %reduce_sum3A_276, %reduce_sum3A_298, %reduce_sum3A_320, %reduce_sum3A_342, %reduce_sum3A_364, %reduce_sum3A_386, %reduce_sum3A_408, %reduce_sum3A_430 in 0 : vector<1xf32>, vector<1xf32>, vector<1xf32>, vector<1xf32>, vector<1xf32>, vector<1xf32>, vector<1xf32>, vector<1xf32>, vector<1xf32>, vector<1xf32>, vector<1xf32>, vector<1xf32>, vector<1xf32>, vector<1xf32>, vector<1xf32>, vector<1xf32> -> vector<16xf32>
    %reshape3A = vector.shape_cast %concatenate3A_474 : vector<16xf32> to vector<1x1x16xf32>
    %swap3A_475 = arith.constant 0 : index
    %swap3A_476 = arith.constant 0 : index
    %swap3A_477 = arith.constant 0 : index
    %swap3A_478 = vector.load %arg14[%swap3A_475, %swap3A_476, %swap3A_477] : memref<1x1x16xf32, #tpu.memory_space<vmem>>, vector<1x1x16xf32>
    tpu.vector_store %arg14[%swap3A_475, %swap3A_476, %swap3A_477], %reshape3A {strides = array<i32>} : memref<1x1x16xf32, #tpu.memory_space<vmem>>, vector<1x1x16xf32>,
    return
  }
  func.func @transform_0(%arg0: i32) -> (i32, i32) {
    %c0_i32 = arith.constant 0 : i32
    %c0_i32_0 = arith.constant 0 : i32
    return %arg0, %c0_i32 : i32, i32
  }
  func.func @transform_1(%arg0: i32) -> (i32, i32) {
    %c0_i32 = arith.constant 0 : i32
    %c0_i32_0 = arith.constant 0 : i32
    return %arg0, %c0_i32 : i32, i32
  }
  func.func @transform_2(%arg0: i32) -> (i32, i32) {
    %c0_i32 = arith.constant 0 : i32
    %c0_i32_0 = arith.constant 0 : i32
    return %arg0, %c0_i32 : i32, i32
  }
  func.func @transform_3(%arg0: i32) -> (i32, i32) {
    %c0_i32 = arith.constant 0 : i32
    %c0_i32_0 = arith.constant 0 : i32
    return %arg0, %c0_i32 : i32, i32
  }
  func.func @transform_4(%arg0: i32) -> (i32, i32) {
    %c0_i32 = arith.constant 0 : i32
    %c0_i32_0 = arith.constant 0 : i32
    %c0_i32_1 = arith.constant 0 : i32
    return %c0_i32, %c0_i32_0 : i32, i32
  }
  func.func @transform_5(%arg0: i32) -> (i32, i32) {
    %c0_i32 = arith.constant 0 : i32
    %c0_i32_0 = arith.constant 0 : i32
    %c0_i32_1 = arith.constant 0 : i32
    return %c0_i32, %c0_i32_0 : i32, i32
  }
  func.func @transform_6(%arg0: i32) -> (i32, i32) {
    %c0_i32 = arith.constant 0 : i32
    %c0_i32_0 = arith.constant 0 : i32
    %c0_i32_1 = arith.constant 0 : i32
    return %c0_i32, %c0_i32_0 : i32, i32
  }
  func.func @transform_7(%arg0: i32) -> (i32, i32, i32) {
    %c0_i32 = arith.constant 0 : i32
    %c0_i32_0 = arith.constant 0 : i32
    %c0_i32_1 = arith.constant 0 : i32
    return %arg0, %c0_i32, %c0_i32_0 : i32, i32, i32
  }
  func.func @transform_8(%arg0: i32) -> (i32, i32, i32) {
    %c0_i32 = arith.constant 0 : i32
    %c0_i32_0 = arith.constant 0 : i32
    %c0_i32_1 = arith.constant 0 : i32
    return %arg0, %c0_i32, %c0_i32_0 : i32, i32, i32
  }
  func.func @transform_9(%arg0: i32) -> (i32, i32) {
    %c0_i32 = arith.constant 0 : i32
    %c0_i32_0 = arith.constant 0 : i32
    return %arg0, %c0_i32 : i32, i32
  }
  func.func @transform_10(%arg0: i32) -> (i32, i32) {
    %c0_i32 = arith.constant 0 : i32
    %c0_i32_0 = arith.constant 0 : i32
    return %arg0, %c0_i32 : i32, i32
  }
  func.func @transform_11(%arg0: i32) -> (i32, i32, i32) {
    %c0_i32 = arith.constant 0 : i32
    %c0_i32_0 = arith.constant 0 : i32
    %c0_i32_1 = arith.constant 0 : i32
    return %arg0, %c0_i32, %c0_i32_0 : i32, i32, i32
  }
  func.func @transform_12(%arg0: i32) -> (i32, i32, i32) {
    %c0_i32 = arith.constant 0 : i32
    %c0_i32_0 = arith.constant 0 : i32
    %c0_i32_1 = arith.constant 0 : i32
    return %arg0, %c0_i32, %c0_i32_0 : i32, i32, i32
  }
  func.func @transform_13(%arg0: i32) -> (i32, i32, i32) {
    %c0_i32 = arith.constant 0 : i32
    %c0_i32_0 = arith.constant 0 : i32
    %c0_i32_1 = arith.constant 0 : i32
    return %arg0, %c0_i32, %c0_i32_0 : i32, i32, i32
  }
}

module attributes {stable_mosaic.version = 14 : i64} {
  func.func @body(%arg0: i32, %arg1: memref<256x128xf32, #tpu.memory_space<vmem>>, %arg2: memref<256x128xf32, #tpu.memory_space<vmem>>, %arg3: memref<256x128xf32, #tpu.memory_space<vmem>>, %arg4: memref<128x64xf32, #tpu.memory_space<vmem>>, %arg5: memref<1x64xf32, #tpu.memory_space<vmem>>, %arg6: memref<256x1xf32, #tpu.memory_space<vmem>>, %arg7: memref<256x64xf32, #tpu.memory_space<vmem>>, %arg8: memref<1x1x64xf32, #tpu.memory_space<vmem>>, %arg9: memref<1x1x64xf32, #tpu.memory_space<vmem>>, %arg10: memref<1x1x1xf32, #tpu.memory_space<vmem>>) attributes {dimension_semantics = [#tpu.dimension_semantics<arbitrary>], iteration_bounds = array<i64: 40>, scalar_prefetch = 0 : i64, scratch_operands = 0 : i64, tpu.core_type = #tpu.core_type<tc>, window_params = [{transform_indices = @transform_0, window_bounds = array<i64: 256, 128>}, {transform_indices = @transform_1, window_bounds = array<i64: 256, 128>}, {transform_indices = @transform_2, window_bounds = array<i64: 256, 128>}, {pipeline_mode = #tpu.pipeline_mode<synchronous>, transform_indices = @transform_3, window_bounds = array<i64: 128, 64>}, {pipeline_mode = #tpu.pipeline_mode<synchronous>, transform_indices = @transform_4, window_bounds = array<i64: 1, 64>}, {transform_indices = @transform_5, window_bounds = array<i64: 256, 1>}, {transform_indices = @transform_6, window_bounds = array<i64: 256, 64>}, {transform_indices = @transform_7, window_bounds = array<i64: 1, 1, 64>}, {transform_indices = @transform_8, window_bounds = array<i64: 1, 1, 64>}, {transform_indices = @transform_9, window_bounds = array<i64: 1, 1, 1>}]} {
    %get3A = arith.constant 0 : index
    %get3A_0 = arith.constant 0 : index
    %get3A_1 = vector.load %arg1[%get3A, %get3A_0] : memref<256x128xf32, #tpu.memory_space<vmem>>, vector<256x128xf32>
    %get3A_2 = arith.constant 0 : index
    %get3A_3 = arith.constant 0 : index
    %get3A_4 = vector.load %arg2[%get3A_2, %get3A_3] : memref<256x128xf32, #tpu.memory_space<vmem>>, vector<256x128xf32>
    %add3A = arith.addf %get3A_1, %get3A_4 : vector<256x128xf32>
    %get3A_5 = arith.constant 0 : index
    %get3A_6 = arith.constant 0 : index
    %get3A_7 = vector.load %arg3[%get3A_5, %get3A_6] : memref<256x128xf32, #tpu.memory_space<vmem>>, vector<256x128xf32>
    %add3A_8 = arith.addf %add3A, %get3A_7 : vector<256x128xf32>
    %get3A_9 = arith.constant 0 : index
    %get3A_10 = arith.constant 0 : index
    %get3A_11 = vector.load %arg4[%get3A_9, %get3A_10] : memref<128x64xf32, #tpu.memory_space<vmem>>, vector<128x64xf32>
    %dot_general3A = arith.constant dense<0.000000e+00> : vector<256x64xf32>
    %dot_general3A_12 = tpu.matmul %add3A_8, %get3A_11, %dot_general3A {dimension_numbers = #tpu.dot_dimension_numbers<[1], [0], [0], [1], [0, 0, 1, 1], [], []>, transpose_lhs_hint = false} : vector<256x128xf32>, vector<128x64xf32>, vector<256x64xf32> -> vector<256x64xf32>
    %get3A_13 = arith.constant 0 : index
    %get3A_14 = arith.constant 0 : index
    %get3A_15 = vector.load %arg5[%get3A_13, %get3A_14] : memref<1x64xf32, #tpu.memory_space<vmem>>, vector<1x64xf32>
    %add3A_16 = vector.broadcast %get3A_15 : vector<1x64xf32> to vector<256x64xf32>
    %add3A_17 = arith.addf %dot_general3A_12, %add3A_16 : vector<256x64xf32>
    %swap3A = arith.constant 0 : index
    %swap3A_18 = arith.constant 0 : index
    %swap3A_19 = vector.load %arg7[%swap3A, %swap3A_18] : memref<256x64xf32, #tpu.memory_space<vmem>>, vector<256x64xf32>
    tpu.vector_store %arg7[%swap3A, %swap3A_18], %add3A_17 {strides = array<i32>} : memref<256x64xf32, #tpu.memory_space<vmem>>, vector<256x64xf32>,
    %get3A_20 = arith.constant 0 : index
    %get3A_21 = arith.constant 0 : index
    %get3A_22 = vector.load %arg6[%get3A_20, %get3A_21] : memref<256x1xf32, #tpu.memory_space<vmem>>, vector<256x1xf32>
    %mul3A = vector.broadcast %get3A_22 : vector<256x1xf32> to vector<256x64xf32>
    %mul3A_23 = arith.mulf %add3A_17, %mul3A : vector<256x64xf32>
    %reduce_sum3A = arith.constant dense<0.000000e+00> : vector<64xf32>
    %reduce_sum3A_24 = vector.multi_reduction <add>, %mul3A_23, %reduce_sum3A [0] : vector<256x64xf32> to vector<64xf32>
    %broadcast_in_dim3A = vector.shape_cast %reduce_sum3A_24 : vector<64xf32> to vector<1x64xf32>
    %broadcast_in_dim3A_25 = vector.shape_cast %broadcast_in_dim3A : vector<1x64xf32> to vector<1x1x64xf32>
    %swap3A_26 = arith.constant 0 : index
    %swap3A_27 = arith.constant 0 : index
    %swap3A_28 = arith.constant 0 : index
    %swap3A_29 = vector.load %arg8[%swap3A_26, %swap3A_27, %swap3A_28] : memref<1x1x64xf32, #tpu.memory_space<vmem>>, vector<1x1x64xf32>
    tpu.vector_store %arg8[%swap3A_26, %swap3A_27, %swap3A_28], %broadcast_in_dim3A_25 {strides = array<i32>} : memref<1x1x64xf32, #tpu.memory_space<vmem>>, vector<1x1x64xf32>,
    %mul3A_30 = arith.mulf %add3A_17, %mul3A_23 : vector<256x64xf32>
    %reduce_sum3A_31 = arith.constant dense<0.000000e+00> : vector<64xf32>
    %reduce_sum3A_32 = vector.multi_reduction <add>, %mul3A_30, %reduce_sum3A_31 [0] : vector<256x64xf32> to vector<64xf32>
    %broadcast_in_dim3A_33 = vector.shape_cast %reduce_sum3A_32 : vector<64xf32> to vector<1x64xf32>
    %broadcast_in_dim3A_34 = vector.shape_cast %broadcast_in_dim3A_33 : vector<1x64xf32> to vector<1x1x64xf32>
    %swap3A_35 = arith.constant 0 : index
    %swap3A_36 = arith.constant 0 : index
    %swap3A_37 = arith.constant 0 : index
    %swap3A_38 = vector.load %arg9[%swap3A_35, %swap3A_36, %swap3A_37] : memref<1x1x64xf32, #tpu.memory_space<vmem>>, vector<1x1x64xf32>
    tpu.vector_store %arg9[%swap3A_35, %swap3A_36, %swap3A_37], %broadcast_in_dim3A_34 {strides = array<i32>} : memref<1x1x64xf32, #tpu.memory_space<vmem>>, vector<1x1x64xf32>,
    %reduce_sum3A_39 = arith.constant dense<0.000000e+00> : vector<1xf32>
    %reduce_sum3A_40 = vector.multi_reduction <add>, %get3A_22, %reduce_sum3A_39 [0] : vector<256x1xf32> to vector<1xf32>
    %broadcast_in_dim3A_41 = vector.shape_cast %reduce_sum3A_40 : vector<1xf32> to vector<1x1xf32>
    %broadcast_in_dim3A_42 = vector.shape_cast %broadcast_in_dim3A_41 : vector<1x1xf32> to vector<1x1x1xf32>
    %swap3A_43 = arith.constant 0 : index
    %swap3A_44 = arith.constant 0 : index
    %swap3A_45 = arith.constant 0 : index
    %swap3A_46 = vector.load %arg10[%swap3A_43, %swap3A_44, %swap3A_45] : memref<1x1x1xf32, #tpu.memory_space<vmem>>, vector<1x1x1xf32>
    tpu.vector_store %arg10[%swap3A_43, %swap3A_44, %swap3A_45], %broadcast_in_dim3A_42 {strides = array<i32>} : memref<1x1x1xf32, #tpu.memory_space<vmem>>, vector<1x1x1xf32>,
    return
  }
  func.func @transform_0(%arg0: i32) -> (i32, i32) {
    %c0_i32 = arith.constant 0 : i32
    %c0_i32_0 = arith.constant 0 : i32
    return %arg0, %c0_i32 : i32, i32
  }
  func.func @transform_1(%arg0: i32) -> (i32, i32) {
    %c0_i32 = arith.constant 0 : i32
    %c0_i32_0 = arith.constant 0 : i32
    return %arg0, %c0_i32 : i32, i32
  }
  func.func @transform_2(%arg0: i32) -> (i32, i32) {
    %add3A = arith.constant 40 : i32
    %add3A_0 = arith.addi %arg0, %add3A : i32
    %c0_i32 = arith.constant 0 : i32
    %c0_i32_1 = arith.constant 0 : i32
    return %add3A_0, %c0_i32 : i32, i32
  }
  func.func @transform_3(%arg0: i32) -> (i32, i32) {
    %c0_i32 = arith.constant 0 : i32
    %c0_i32_0 = arith.constant 0 : i32
    %c0_i32_1 = arith.constant 0 : i32
    return %c0_i32, %c0_i32_0 : i32, i32
  }
  func.func @transform_4(%arg0: i32) -> (i32, i32) {
    %c0_i32 = arith.constant 0 : i32
    %c0_i32_0 = arith.constant 0 : i32
    %c0_i32_1 = arith.constant 0 : i32
    return %c0_i32, %c0_i32_0 : i32, i32
  }
  func.func @transform_5(%arg0: i32) -> (i32, i32) {
    %c0_i32 = arith.constant 0 : i32
    %c0_i32_0 = arith.constant 0 : i32
    return %arg0, %c0_i32 : i32, i32
  }
  func.func @transform_6(%arg0: i32) -> (i32, i32) {
    %c0_i32 = arith.constant 0 : i32
    %c0_i32_0 = arith.constant 0 : i32
    return %arg0, %c0_i32 : i32, i32
  }
  func.func @transform_7(%arg0: i32) -> (i32, i32, i32) {
    %c0_i32 = arith.constant 0 : i32
    %c0_i32_0 = arith.constant 0 : i32
    %c0_i32_1 = arith.constant 0 : i32
    return %arg0, %c0_i32, %c0_i32_0 : i32, i32, i32
  }
  func.func @transform_8(%arg0: i32) -> (i32, i32, i32) {
    %c0_i32 = arith.constant 0 : i32
    %c0_i32_0 = arith.constant 0 : i32
    %c0_i32_1 = arith.constant 0 : i32
    return %arg0, %c0_i32, %c0_i32_0 : i32, i32, i32
  }
  func.func @transform_9(%arg0: i32) -> (i32, i32, i32) {
    %c0_i32 = arith.constant 0 : i32
    %c0_i32_0 = arith.constant 0 : i32
    %c0_i32_1 = arith.constant 0 : i32
    return %arg0, %c0_i32, %c0_i32_0 : i32, i32, i32
  }
}

module attributes {stable_mosaic.version = 14 : i64} {
  func.func @body(%arg0: i32, %arg1: memref<256x64xf32, #tpu.memory_space<vmem>>, %arg2: memref<40x1x64xf32, #tpu.memory_space<vmem>>, %arg3: memref<40x1x64xf32, #tpu.memory_space<vmem>>, %arg4: memref<40x1x1xf32, #tpu.memory_space<vmem>>, %arg5: memref<1x64xf32, #tpu.memory_space<vmem>>, %arg6: memref<1x64xf32, #tpu.memory_space<vmem>>, %arg7: memref<64x64xf32, #tpu.memory_space<vmem>>, %arg8: memref<1x64xf32, #tpu.memory_space<vmem>>, %arg9: memref<256x1xf32, #tpu.memory_space<vmem>>, %arg10: memref<256x64xf32, #tpu.memory_space<vmem>>, %arg11: memref<1x1x64xf32, #tpu.memory_space<vmem>>, %arg12: memref<1x1x64xf32, #tpu.memory_space<vmem>>) attributes {dimension_semantics = [#tpu.dimension_semantics<arbitrary>], iteration_bounds = array<i64: 40>, scalar_prefetch = 0 : i64, scratch_operands = 0 : i64, tpu.core_type = #tpu.core_type<tc>, window_params = [{transform_indices = @transform_0, window_bounds = array<i64: 256, 64>}, {pipeline_mode = #tpu.pipeline_mode<synchronous>, transform_indices = @transform_1, window_bounds = array<i64: 40, 1, 64>}, {pipeline_mode = #tpu.pipeline_mode<synchronous>, transform_indices = @transform_2, window_bounds = array<i64: 40, 1, 64>}, {pipeline_mode = #tpu.pipeline_mode<synchronous>, transform_indices = @transform_3, window_bounds = array<i64: 40, 1, 1>}, {pipeline_mode = #tpu.pipeline_mode<synchronous>, transform_indices = @transform_4, window_bounds = array<i64: 1, 64>}, {pipeline_mode = #tpu.pipeline_mode<synchronous>, transform_indices = @transform_5, window_bounds = array<i64: 1, 64>}, {pipeline_mode = #tpu.pipeline_mode<synchronous>, transform_indices = @transform_6, window_bounds = array<i64: 64, 64>}, {pipeline_mode = #tpu.pipeline_mode<synchronous>, transform_indices = @transform_7, window_bounds = array<i64: 1, 64>}, {transform_indices = @transform_8, window_bounds = array<i64: 256, 1>}, {transform_indices = @transform_9, window_bounds = array<i64: 256, 64>}, {transform_indices = @transform_10, window_bounds = array<i64: 1, 1, 64>}, {transform_indices = @transform_11, window_bounds = array<i64: 1, 1, 64>}]} {
    %get3A = arith.constant 0 : index
    %get3A_0 = arith.constant 0 : index
    %get3A_1 = arith.constant 0 : index
    %get3A_2 = vector.load %arg4[%get3A, %get3A_0, %get3A_1] : memref<40x1x1xf32, #tpu.memory_space<vmem>>, vector<40x1x1xf32>
    %reduce_sum3A = vector.shape_cast %get3A_2 : vector<40x1x1xf32> to vector<1x40x1x1xf32>
    %reduce_sum3A_3 = arith.constant dense<0.000000e+00> : vector<1xf32>
    %reduce_sum3A_4 = vector.multi_reduction <add>, %reduce_sum3A, %reduce_sum3A_3 [1, 2, 3] : vector<1x40x1x1xf32> to vector<1xf32>
    %reduce_sum3A_5 = vector.shape_cast %reduce_sum3A_4 : vector<1xf32> to vector<1x1x1x1xf32>
    %reduce_sum3A_6 = vector.extract %reduce_sum3A_5[0, 0, 0, 0] : f32 from vector<1x1x1x1xf32>
    %get3A_7 = arith.constant 0 : index
    %get3A_8 = arith.constant 0 : index
    %get3A_9 = arith.constant 0 : index
    %get3A_10 = vector.load %arg2[%get3A_7, %get3A_8, %get3A_9] : memref<40x1x64xf32, #tpu.memory_space<vmem>>, vector<40x1x64xf32>
    %reduce_sum3A_11 = arith.constant dense<0.000000e+00> : vector<1x64xf32>
    %reduce_sum3A_12 = vector.multi_reduction <add>, %get3A_10, %reduce_sum3A_11 [0] : vector<40x1x64xf32> to vector<1x64xf32>
    %div3A = vector.broadcast %reduce_sum3A_6 : f32 to vector<1x64xf32>
    %div3A_13 = arith.divf %reduce_sum3A_12, %div3A : vector<1x64xf32>
    %get3A_14 = arith.constant 0 : index
    %get3A_15 = arith.constant 0 : index
    %get3A_16 = arith.constant 0 : index
    %get3A_17 = vector.load %arg3[%get3A_14, %get3A_15, %get3A_16] : memref<40x1x64xf32, #tpu.memory_space<vmem>>, vector<40x1x64xf32>
    %reduce_sum3A_18 = arith.constant dense<0.000000e+00> : vector<1x64xf32>
    %reduce_sum3A_19 = vector.multi_reduction <add>, %get3A_17, %reduce_sum3A_18 [0] : vector<40x1x64xf32> to vector<1x64xf32>
    %div3A_20 = vector.broadcast %reduce_sum3A_6 : f32 to vector<1x64xf32>
    %div3A_21 = arith.divf %reduce_sum3A_19, %div3A_20 : vector<1x64xf32>
    %mul3A = arith.mulf %div3A_13, %div3A_13 : vector<1x64xf32>
    %sub3A = arith.subf %div3A_21, %mul3A : vector<1x64xf32>
    %get3A_22 = arith.constant 0 : index
    %get3A_23 = arith.constant 0 : index
    %get3A_24 = vector.load %arg1[%get3A_22, %get3A_23] : memref<256x64xf32, #tpu.memory_space<vmem>>, vector<256x64xf32>
    %get3A_25 = arith.constant 0 : index
    %get3A_26 = arith.constant 0 : index
    %get3A_27 = vector.load %arg5[%get3A_25, %get3A_26] : memref<1x64xf32, #tpu.memory_space<vmem>>, vector<1x64xf32>
    %sub3A_28 = vector.broadcast %div3A_13 : vector<1x64xf32> to vector<256x64xf32>
    %sub3A_29 = arith.subf %get3A_24, %sub3A_28 : vector<256x64xf32>
    %mul3A_30 = vector.broadcast %get3A_27 : vector<1x64xf32> to vector<256x64xf32>
    %mul3A_31 = arith.mulf %mul3A_30, %sub3A_29 : vector<256x64xf32>
    %add3A = arith.constant 9.99999974E-6 : f32
    %add3A_32 = vector.broadcast %add3A : f32 to vector<1x64xf32>
    %add3A_33 = arith.addf %sub3A, %add3A_32 : vector<1x64xf32>
    %sqrt3A = math.sqrt %add3A_33 : vector<1x64xf32>
    %div3A_34 = vector.broadcast %sqrt3A : vector<1x64xf32> to vector<256x64xf32>
    %div3A_35 = arith.divf %mul3A_31, %div3A_34 : vector<256x64xf32>
    %get3A_36 = arith.constant 0 : index
    %get3A_37 = arith.constant 0 : index
    %get3A_38 = vector.load %arg6[%get3A_36, %get3A_37] : memref<1x64xf32, #tpu.memory_space<vmem>>, vector<1x64xf32>
    %add3A_39 = vector.broadcast %get3A_38 : vector<1x64xf32> to vector<256x64xf32>
    %add3A_40 = arith.addf %div3A_35, %add3A_39 : vector<256x64xf32>
    %max3A = arith.constant 0.000000e+00 : f32
    %max3A_41 = vector.broadcast %max3A : f32 to vector<256x64xf32>
    %max3A_42 = arith.maximumf %add3A_40, %max3A_41 : vector<256x64xf32>
    %get3A_43 = arith.constant 0 : index
    %get3A_44 = arith.constant 0 : index
    %get3A_45 = vector.load %arg7[%get3A_43, %get3A_44] : memref<64x64xf32, #tpu.memory_space<vmem>>, vector<64x64xf32>
    %dot_general3A = arith.constant dense<0.000000e+00> : vector<256x64xf32>
    %dot_general3A_46 = tpu.matmul %max3A_42, %get3A_45, %dot_general3A {dimension_numbers = #tpu.dot_dimension_numbers<[1], [0], [0], [1], [0, 0, 1, 1], [], []>, transpose_lhs_hint = false} : vector<256x64xf32>, vector<64x64xf32>, vector<256x64xf32> -> vector<256x64xf32>
    %get3A_47 = arith.constant 0 : index
    %get3A_48 = arith.constant 0 : index
    %get3A_49 = vector.load %arg8[%get3A_47, %get3A_48] : memref<1x64xf32, #tpu.memory_space<vmem>>, vector<1x64xf32>
    %add3A_50 = vector.broadcast %get3A_49 : vector<1x64xf32> to vector<256x64xf32>
    %add3A_51 = arith.addf %dot_general3A_46, %add3A_50 : vector<256x64xf32>
    %swap3A = arith.constant 0 : index
    %swap3A_52 = arith.constant 0 : index
    %swap3A_53 = vector.load %arg10[%swap3A, %swap3A_52] : memref<256x64xf32, #tpu.memory_space<vmem>>, vector<256x64xf32>
    tpu.vector_store %arg10[%swap3A, %swap3A_52], %add3A_51 {strides = array<i32>} : memref<256x64xf32, #tpu.memory_space<vmem>>, vector<256x64xf32>,
    %get3A_54 = arith.constant 0 : index
    %get3A_55 = arith.constant 0 : index
    %get3A_56 = vector.load %arg9[%get3A_54, %get3A_55] : memref<256x1xf32, #tpu.memory_space<vmem>>, vector<256x1xf32>
    %mul3A_57 = vector.broadcast %get3A_56 : vector<256x1xf32> to vector<256x64xf32>
    %mul3A_58 = arith.mulf %add3A_51, %mul3A_57 : vector<256x64xf32>
    %reduce_sum3A_59 = arith.constant dense<0.000000e+00> : vector<64xf32>
    %reduce_sum3A_60 = vector.multi_reduction <add>, %mul3A_58, %reduce_sum3A_59 [0] : vector<256x64xf32> to vector<64xf32>
    %broadcast_in_dim3A = vector.shape_cast %reduce_sum3A_60 : vector<64xf32> to vector<1x64xf32>
    %broadcast_in_dim3A_61 = vector.shape_cast %broadcast_in_dim3A : vector<1x64xf32> to vector<1x1x64xf32>
    %swap3A_62 = arith.constant 0 : index
    %swap3A_63 = arith.constant 0 : index
    %swap3A_64 = arith.constant 0 : index
    %swap3A_65 = vector.load %arg11[%swap3A_62, %swap3A_63, %swap3A_64] : memref<1x1x64xf32, #tpu.memory_space<vmem>>, vector<1x1x64xf32>
    tpu.vector_store %arg11[%swap3A_62, %swap3A_63, %swap3A_64], %broadcast_in_dim3A_61 {strides = array<i32>} : memref<1x1x64xf32, #tpu.memory_space<vmem>>, vector<1x1x64xf32>,
    %mul3A_66 = arith.mulf %add3A_51, %mul3A_58 : vector<256x64xf32>
    %reduce_sum3A_67 = arith.constant dense<0.000000e+00> : vector<64xf32>
    %reduce_sum3A_68 = vector.multi_reduction <add>, %mul3A_66, %reduce_sum3A_67 [0] : vector<256x64xf32> to vector<64xf32>
    %broadcast_in_dim3A_69 = vector.shape_cast %reduce_sum3A_68 : vector<64xf32> to vector<1x64xf32>
    %broadcast_in_dim3A_70 = vector.shape_cast %broadcast_in_dim3A_69 : vector<1x64xf32> to vector<1x1x64xf32>
    %swap3A_71 = arith.constant 0 : index
    %swap3A_72 = arith.constant 0 : index
    %swap3A_73 = arith.constant 0 : index
    %swap3A_74 = vector.load %arg12[%swap3A_71, %swap3A_72, %swap3A_73] : memref<1x1x64xf32, #tpu.memory_space<vmem>>, vector<1x1x64xf32>
    tpu.vector_store %arg12[%swap3A_71, %swap3A_72, %swap3A_73], %broadcast_in_dim3A_70 {strides = array<i32>} : memref<1x1x64xf32, #tpu.memory_space<vmem>>, vector<1x1x64xf32>,
    return
  }
  func.func @transform_0(%arg0: i32) -> (i32, i32) {
    %c0_i32 = arith.constant 0 : i32
    %c0_i32_0 = arith.constant 0 : i32
    return %arg0, %c0_i32 : i32, i32
  }
  func.func @transform_1(%arg0: i32) -> (i32, i32, i32) {
    %c0_i32 = arith.constant 0 : i32
    %c0_i32_0 = arith.constant 0 : i32
    %c0_i32_1 = arith.constant 0 : i32
    %c0_i32_2 = arith.constant 0 : i32
    return %c0_i32, %c0_i32_0, %c0_i32_1 : i32, i32, i32
  }
  func.func @transform_2(%arg0: i32) -> (i32, i32, i32) {
    %c0_i32 = arith.constant 0 : i32
    %c0_i32_0 = arith.constant 0 : i32
    %c0_i32_1 = arith.constant 0 : i32
    %c0_i32_2 = arith.constant 0 : i32
    return %c0_i32, %c0_i32_0, %c0_i32_1 : i32, i32, i32
  }
  func.func @transform_3(%arg0: i32) -> (i32, i32, i32) {
    %c0_i32 = arith.constant 0 : i32
    %c0_i32_0 = arith.constant 0 : i32
    %c0_i32_1 = arith.constant 0 : i32
    %c0_i32_2 = arith.constant 0 : i32
    return %c0_i32, %c0_i32_0, %c0_i32_1 : i32, i32, i32
  }
  func.func @transform_4(%arg0: i32) -> (i32, i32) {
    %c0_i32 = arith.constant 0 : i32
    %c0_i32_0 = arith.constant 0 : i32
    %c0_i32_1 = arith.constant 0 : i32
    return %c0_i32, %c0_i32_0 : i32, i32
  }
  func.func @transform_5(%arg0: i32) -> (i32, i32) {
    %c0_i32 = arith.constant 0 : i32
    %c0_i32_0 = arith.constant 0 : i32
    %c0_i32_1 = arith.constant 0 : i32
    return %c0_i32, %c0_i32_0 : i32, i32
  }
  func.func @transform_6(%arg0: i32) -> (i32, i32) {
    %c0_i32 = arith.constant 0 : i32
    %c0_i32_0 = arith.constant 0 : i32
    %c0_i32_1 = arith.constant 0 : i32
    return %c0_i32, %c0_i32_0 : i32, i32
  }
  func.func @transform_7(%arg0: i32) -> (i32, i32) {
    %c0_i32 = arith.constant 0 : i32
    %c0_i32_0 = arith.constant 0 : i32
    %c0_i32_1 = arith.constant 0 : i32
    return %c0_i32, %c0_i32_0 : i32, i32
  }
  func.func @transform_8(%arg0: i32) -> (i32, i32) {
    %c0_i32 = arith.constant 0 : i32
    %c0_i32_0 = arith.constant 0 : i32
    return %arg0, %c0_i32 : i32, i32
  }
  func.func @transform_9(%arg0: i32) -> (i32, i32) {
    %c0_i32 = arith.constant 0 : i32
    %c0_i32_0 = arith.constant 0 : i32
    return %arg0, %c0_i32 : i32, i32
  }
  func.func @transform_10(%arg0: i32) -> (i32, i32, i32) {
    %c0_i32 = arith.constant 0 : i32
    %c0_i32_0 = arith.constant 0 : i32
    %c0_i32_1 = arith.constant 0 : i32
    return %arg0, %c0_i32, %c0_i32_0 : i32, i32, i32
  }
  func.func @transform_11(%arg0: i32) -> (i32, i32, i32) {
    %c0_i32 = arith.constant 0 : i32
    %c0_i32_0 = arith.constant 0 : i32
    %c0_i32_1 = arith.constant 0 : i32
    return %arg0, %c0_i32, %c0_i32_0 : i32, i32, i32
  }
}

module attributes {stable_mosaic.version = 14 : i64} {
  func.func @body(%arg0: i32, %arg1: memref<256x64xf32, #tpu.memory_space<vmem>>, %arg2: memref<40x1x64xf32, #tpu.memory_space<vmem>>, %arg3: memref<40x1x64xf32, #tpu.memory_space<vmem>>, %arg4: memref<40x1x1xf32, #tpu.memory_space<vmem>>, %arg5: memref<1x64xf32, #tpu.memory_space<vmem>>, %arg6: memref<1x64xf32, #tpu.memory_space<vmem>>, %arg7: memref<1x64xf32, #tpu.memory_space<vmem>>, %arg8: memref<256x64xf32, #tpu.memory_space<vmem>>, %arg9: memref<256x1xf32, #tpu.memory_space<vmem>>) attributes {dimension_semantics = [#tpu.dimension_semantics<arbitrary>], iteration_bounds = array<i64: 40>, scalar_prefetch = 0 : i64, scratch_operands = 0 : i64, tpu.core_type = #tpu.core_type<tc>, window_params = [{transform_indices = @transform_0, window_bounds = array<i64: 256, 64>}, {pipeline_mode = #tpu.pipeline_mode<synchronous>, transform_indices = @transform_1, window_bounds = array<i64: 40, 1, 64>}, {pipeline_mode = #tpu.pipeline_mode<synchronous>, transform_indices = @transform_2, window_bounds = array<i64: 40, 1, 64>}, {pipeline_mode = #tpu.pipeline_mode<synchronous>, transform_indices = @transform_3, window_bounds = array<i64: 40, 1, 1>}, {pipeline_mode = #tpu.pipeline_mode<synchronous>, transform_indices = @transform_4, window_bounds = array<i64: 1, 64>}, {pipeline_mode = #tpu.pipeline_mode<synchronous>, transform_indices = @transform_5, window_bounds = array<i64: 1, 64>}, {pipeline_mode = #tpu.pipeline_mode<synchronous>, transform_indices = @transform_6, window_bounds = array<i64: 1, 64>}, {transform_indices = @transform_7, window_bounds = array<i64: 256, 64>}, {transform_indices = @transform_8, window_bounds = array<i64: 256, 1>}]} {
    %get3A = arith.constant 0 : index
    %get3A_0 = arith.constant 0 : index
    %get3A_1 = arith.constant 0 : index
    %get3A_2 = vector.load %arg4[%get3A, %get3A_0, %get3A_1] : memref<40x1x1xf32, #tpu.memory_space<vmem>>, vector<40x1x1xf32>
    %reduce_sum3A = vector.shape_cast %get3A_2 : vector<40x1x1xf32> to vector<1x40x1x1xf32>
    %reduce_sum3A_3 = arith.constant dense<0.000000e+00> : vector<1xf32>
    %reduce_sum3A_4 = vector.multi_reduction <add>, %reduce_sum3A, %reduce_sum3A_3 [1, 2, 3] : vector<1x40x1x1xf32> to vector<1xf32>
    %reduce_sum3A_5 = vector.shape_cast %reduce_sum3A_4 : vector<1xf32> to vector<1x1x1x1xf32>
    %reduce_sum3A_6 = vector.extract %reduce_sum3A_5[0, 0, 0, 0] : f32 from vector<1x1x1x1xf32>
    %get3A_7 = arith.constant 0 : index
    %get3A_8 = arith.constant 0 : index
    %get3A_9 = arith.constant 0 : index
    %get3A_10 = vector.load %arg2[%get3A_7, %get3A_8, %get3A_9] : memref<40x1x64xf32, #tpu.memory_space<vmem>>, vector<40x1x64xf32>
    %reduce_sum3A_11 = arith.constant dense<0.000000e+00> : vector<1x64xf32>
    %reduce_sum3A_12 = vector.multi_reduction <add>, %get3A_10, %reduce_sum3A_11 [0] : vector<40x1x64xf32> to vector<1x64xf32>
    %div3A = vector.broadcast %reduce_sum3A_6 : f32 to vector<1x64xf32>
    %div3A_13 = arith.divf %reduce_sum3A_12, %div3A : vector<1x64xf32>
    %get3A_14 = arith.constant 0 : index
    %get3A_15 = arith.constant 0 : index
    %get3A_16 = arith.constant 0 : index
    %get3A_17 = vector.load %arg3[%get3A_14, %get3A_15, %get3A_16] : memref<40x1x64xf32, #tpu.memory_space<vmem>>, vector<40x1x64xf32>
    %reduce_sum3A_18 = arith.constant dense<0.000000e+00> : vector<1x64xf32>
    %reduce_sum3A_19 = vector.multi_reduction <add>, %get3A_17, %reduce_sum3A_18 [0] : vector<40x1x64xf32> to vector<1x64xf32>
    %div3A_20 = vector.broadcast %reduce_sum3A_6 : f32 to vector<1x64xf32>
    %div3A_21 = arith.divf %reduce_sum3A_19, %div3A_20 : vector<1x64xf32>
    %mul3A = arith.mulf %div3A_13, %div3A_13 : vector<1x64xf32>
    %sub3A = arith.subf %div3A_21, %mul3A : vector<1x64xf32>
    %get3A_22 = arith.constant 0 : index
    %get3A_23 = arith.constant 0 : index
    %get3A_24 = vector.load %arg1[%get3A_22, %get3A_23] : memref<256x64xf32, #tpu.memory_space<vmem>>, vector<256x64xf32>
    %get3A_25 = arith.constant 0 : index
    %get3A_26 = arith.constant 0 : index
    %get3A_27 = vector.load %arg5[%get3A_25, %get3A_26] : memref<1x64xf32, #tpu.memory_space<vmem>>, vector<1x64xf32>
    %sub3A_28 = vector.broadcast %div3A_13 : vector<1x64xf32> to vector<256x64xf32>
    %sub3A_29 = arith.subf %get3A_24, %sub3A_28 : vector<256x64xf32>
    %mul3A_30 = vector.broadcast %get3A_27 : vector<1x64xf32> to vector<256x64xf32>
    %mul3A_31 = arith.mulf %mul3A_30, %sub3A_29 : vector<256x64xf32>
    %add3A = arith.constant 9.99999974E-6 : f32
    %add3A_32 = vector.broadcast %add3A : f32 to vector<1x64xf32>
    %add3A_33 = arith.addf %sub3A, %add3A_32 : vector<1x64xf32>
    %sqrt3A = math.sqrt %add3A_33 : vector<1x64xf32>
    %div3A_34 = vector.broadcast %sqrt3A : vector<1x64xf32> to vector<256x64xf32>
    %div3A_35 = arith.divf %mul3A_31, %div3A_34 : vector<256x64xf32>
    %get3A_36 = arith.constant 0 : index
    %get3A_37 = arith.constant 0 : index
    %get3A_38 = vector.load %arg6[%get3A_36, %get3A_37] : memref<1x64xf32, #tpu.memory_space<vmem>>, vector<1x64xf32>
    %add3A_39 = vector.broadcast %get3A_38 : vector<1x64xf32> to vector<256x64xf32>
    %add3A_40 = arith.addf %div3A_35, %add3A_39 : vector<256x64xf32>
    %max3A = arith.constant 0.000000e+00 : f32
    %max3A_41 = vector.broadcast %max3A : f32 to vector<256x64xf32>
    %max3A_42 = arith.maximumf %add3A_40, %max3A_41 : vector<256x64xf32>
    %swap3A = arith.constant 0 : index
    %swap3A_43 = arith.constant 0 : index
    %swap3A_44 = vector.load %arg8[%swap3A, %swap3A_43] : memref<256x64xf32, #tpu.memory_space<vmem>>, vector<256x64xf32>
    tpu.vector_store %arg8[%swap3A, %swap3A_43], %max3A_42 {strides = array<i32>} : memref<256x64xf32, #tpu.memory_space<vmem>>, vector<256x64xf32>,
    %get3A_45 = arith.constant 0 : index
    %get3A_46 = arith.constant 0 : index
    %get3A_47 = vector.load %arg7[%get3A_45, %get3A_46] : memref<1x64xf32, #tpu.memory_space<vmem>>, vector<1x64xf32>
    %mul3A_48 = arith.mulf %get3A_47, %get3A_47 : vector<1x64xf32>
    %reduce_sum3A_49 = vector.shape_cast %mul3A_48 : vector<1x64xf32> to vector<1x1x64xf32>
    %reduce_sum3A_50 = arith.constant dense<0.000000e+00> : vector<1xf32>
    %reduce_sum3A_51 = vector.multi_reduction <add>, %reduce_sum3A_49, %reduce_sum3A_50 [1, 2] : vector<1x1x64xf32> to vector<1xf32>
    %reduce_sum3A_52 = vector.shape_cast %reduce_sum3A_51 : vector<1xf32> to vector<1x1x1xf32>
    %reduce_sum3A_53 = vector.extract %reduce_sum3A_52[0, 0, 0] : f32 from vector<1x1x1xf32>
    %sqrt3A_54 = math.sqrt %reduce_sum3A_53 : f32
    %reshape3A = vector.shape_cast %get3A_47 : vector<1x64xf32> to vector<64x1xf32>
    %dot_general3A = arith.constant dense<0.000000e+00> : vector<256x1xf32>
    %dot_general3A_55 = tpu.matmul %max3A_42, %reshape3A, %dot_general3A {dimension_numbers = #tpu.dot_dimension_numbers<[1], [0], [0], [1], [0, 0, 1, 1], [], []>, transpose_lhs_hint = false} : vector<256x64xf32>, vector<64x1xf32>, vector<256x1xf32> -> vector<256x1xf32>
    %div3A_56 = vector.broadcast %sqrt3A_54 : f32 to vector<256x1xf32>
    %div3A_57 = arith.divf %dot_general3A_55, %div3A_56 : vector<256x1xf32>
    %tanh3A = math.tanh %div3A_57 : vector<256x1xf32>
    %swap3A_58 = arith.constant 0 : index
    %swap3A_59 = arith.constant 0 : index
    %swap3A_60 = vector.load %arg9[%swap3A_58, %swap3A_59] : memref<256x1xf32, #tpu.memory_space<vmem>>, vector<256x1xf32>
    tpu.vector_store %arg9[%swap3A_58, %swap3A_59], %tanh3A {strides = array<i32>} : memref<256x1xf32, #tpu.memory_space<vmem>>, vector<256x1xf32>,
    return
  }
  func.func @transform_0(%arg0: i32) -> (i32, i32) {
    %c0_i32 = arith.constant 0 : i32
    %c0_i32_0 = arith.constant 0 : i32
    return %arg0, %c0_i32 : i32, i32
  }
  func.func @transform_1(%arg0: i32) -> (i32, i32, i32) {
    %c0_i32 = arith.constant 0 : i32
    %c0_i32_0 = arith.constant 0 : i32
    %c0_i32_1 = arith.constant 0 : i32
    %c0_i32_2 = arith.constant 0 : i32
    return %c0_i32, %c0_i32_0, %c0_i32_1 : i32, i32, i32
  }
  func.func @transform_2(%arg0: i32) -> (i32, i32, i32) {
    %c0_i32 = arith.constant 0 : i32
    %c0_i32_0 = arith.constant 0 : i32
    %c0_i32_1 = arith.constant 0 : i32
    %c0_i32_2 = arith.constant 0 : i32
    return %c0_i32, %c0_i32_0, %c0_i32_1 : i32, i32, i32
  }
  func.func @transform_3(%arg0: i32) -> (i32, i32, i32) {
    %c0_i32 = arith.constant 0 : i32
    %c0_i32_0 = arith.constant 0 : i32
    %c0_i32_1 = arith.constant 0 : i32
    %c0_i32_2 = arith.constant 0 : i32
    return %c0_i32, %c0_i32_0, %c0_i32_1 : i32, i32, i32
  }
  func.func @transform_4(%arg0: i32) -> (i32, i32) {
    %c0_i32 = arith.constant 0 : i32
    %c0_i32_0 = arith.constant 0 : i32
    %c0_i32_1 = arith.constant 0 : i32
    return %c0_i32, %c0_i32_0 : i32, i32
  }
  func.func @transform_5(%arg0: i32) -> (i32, i32) {
    %c0_i32 = arith.constant 0 : i32
    %c0_i32_0 = arith.constant 0 : i32
    %c0_i32_1 = arith.constant 0 : i32
    return %c0_i32, %c0_i32_0 : i32, i32
  }
  func.func @transform_6(%arg0: i32) -> (i32, i32) {
    %c0_i32 = arith.constant 0 : i32
    %c0_i32_0 = arith.constant 0 : i32
    %c0_i32_1 = arith.constant 0 : i32
    return %c0_i32, %c0_i32_0 : i32, i32
  }
  func.func @transform_7(%arg0: i32) -> (i32, i32) {
    %c0_i32 = arith.constant 0 : i32
    %c0_i32_0 = arith.constant 0 : i32
    return %arg0, %c0_i32 : i32, i32
  }
  func.func @transform_8(%arg0: i32) -> (i32, i32) {
    %c0_i32 = arith.constant 0 : i32
    %c0_i32_0 = arith.constant 0 : i32
    return %arg0, %c0_i32 : i32, i32
  }
}

module attributes {stable_mosaic.version = 14 : i64} {
  func.func @body(%arg0: i32, %arg1: memref<512x64xf32, #tpu.memory_space<vmem>>, %arg2: memref<512x1xf32, #tpu.memory_space<vmem>>, %arg3: memref<512x1xi32, #tpu.memory_space<vmem>>, %arg4: memref<512x1xf32, #tpu.memory_space<vmem>>, %arg5: memref<1x10240xf32, #tpu.memory_space<vmem>>, %arg6: memref<1x10240xi32, #tpu.memory_space<vmem>>, %arg7: memref<1x10240xf32, #tpu.memory_space<vmem>>, %arg8: memref<1x1x1xi32, #tpu.memory_space<vmem>>, %arg9: memref<1x1x1xi32, #tpu.memory_space<vmem>>, %arg10: memref<512x1xf32, #tpu.memory_space<vmem>>, %arg11: memref<512x128xf32, #tpu.memory_space<vmem>>, %arg12: memref<1x16x64xf32, #tpu.memory_space<vmem>>, %arg13: memref<1x16x64xf32, #tpu.memory_space<vmem>>, %arg14: memref<1x1x16xf32, #tpu.memory_space<vmem>>) attributes {dimension_semantics = [#tpu.dimension_semantics<arbitrary>], iteration_bounds = array<i64: 20>, scalar_prefetch = 0 : i64, scratch_operands = 0 : i64, tpu.core_type = #tpu.core_type<tc>, window_params = [{transform_indices = @transform_0, window_bounds = array<i64: 512, 64>}, {transform_indices = @transform_1, window_bounds = array<i64: 512, 1>}, {transform_indices = @transform_2, window_bounds = array<i64: 512, 1>}, {transform_indices = @transform_3, window_bounds = array<i64: 512, 1>}, {pipeline_mode = #tpu.pipeline_mode<synchronous>, transform_indices = @transform_4, window_bounds = array<i64: 1, 10240>}, {pipeline_mode = #tpu.pipeline_mode<synchronous>, transform_indices = @transform_5, window_bounds = array<i64: 1, 10240>}, {pipeline_mode = #tpu.pipeline_mode<synchronous>, transform_indices = @transform_6, window_bounds = array<i64: 1, 10240>}, {transform_indices = @transform_7, window_bounds = array<i64: 1, 1, 1>}, {transform_indices = @transform_8, window_bounds = array<i64: 1, 1, 1>}, {transform_indices = @transform_9, window_bounds = array<i64: 512, 1>}, {transform_indices = @transform_10, window_bounds = array<i64: 512, 128>}, {transform_indices = @transform_11, window_bounds = array<i64: 1, 16, 64>}, {transform_indices = @transform_12, window_bounds = array<i64: 1, 16, 64>}, {transform_indices = @transform_13, window_bounds = array<i64: 1, 1, 16>}]} {
    %get3A = arith.constant 0 : index
    %get3A_0 = arith.constant 0 : index
    %get3A_1 = vector.load %arg2[%get3A, %get3A_0] : memref<512x1xf32, #tpu.memory_space<vmem>>, vector<512x1xf32>
    %get3A_2 = arith.constant 0 : index
    %get3A_3 = arith.constant 0 : index
    %get3A_4 = vector.load %arg3[%get3A_2, %get3A_3] : memref<512x1xi32, #tpu.memory_space<vmem>>, vector<512x1xi32>
    %get3A_5 = arith.constant 0 : index
    %get3A_6 = arith.constant 0 : index
    %get3A_7 = vector.load %arg4[%get3A_5, %get3A_6] : memref<512x1xf32, #tpu.memory_space<vmem>>, vector<512x1xf32>
    %mul3A = arith.constant 512 : i32
    %mul3A_8 = arith.muli %arg0, %mul3A : i32
    %iota3A = tpu.iota {dimensions = array<i32: 0>} : vector<512x1xi32>
    %add3A = vector.broadcast %mul3A_8 : i32 to vector<512x1xi32>
    %add3A_9 = arith.addi %add3A, %iota3A : vector<512x1xi32>
    %get3A_10 = arith.constant 0 : index
    %get3A_11 = arith.constant 0 : index
    %get3A_12 = arith.constant 0 : index
    %get3A_13 = vector.load %arg8[%get3A_10, %get3A_11, %get3A_12] : memref<1x1x1xi32, #tpu.memory_space<vmem>>, vector<1x1x1xi32>
    %get3A_14 = vector.extract %get3A_13[0, 0, 0] : i32 from vector<1x1x1xi32>
    %get3A_15 = arith.constant 0 : index
    %get3A_16 = arith.constant 0 : index
    %get3A_17 = arith.constant 0 : index
    %get3A_18 = vector.load %arg9[%get3A_15, %get3A_16, %get3A_17] : memref<1x1x1xi32, #tpu.memory_space<vmem>>, vector<1x1x1xi32>
    %get3A_19 = vector.extract %get3A_18[0, 0, 0] : i32 from vector<1x1x1xi32>
    %broadcast_in_dim3A = arith.constant 0 : i32
    %broadcast_in_dim3A_20 = vector.broadcast %broadcast_in_dim3A : i32 to vector<512x1xi32>
    %broadcast_in_dim3A_21 = arith.constant 0 : i32
    %broadcast_in_dim3A_22 = vector.broadcast %broadcast_in_dim3A_21 : i32 to vector<512x1xi32>
    %while3A = arith.subi %get3A_19, %get3A_14 : i32
    %while3A_23 = arith.addi %get3A_14, %while3A : i32
    %while3A_24 = arith.constant 1 : i32
    %while3A_25 = arith.divsi %while3A, %while3A_24 : i32
    %while3A_26 = arith.muli %while3A_25, %while3A_24 : i32
    %while3A_27 = arith.addi %get3A_14, %while3A_26 : i32
    %while3A_28 = arith.constant 1 : i32
    %while3A_29:2 = scf.for %while3A_479 = %get3A_14 to %while3A_27 step %while3A_28 iter_args(%while3A_480 = %broadcast_in_dim3A_20, %while3A_481 = %broadcast_in_dim3A_22) -> (vector<512x1xi32>, vector<512x1xi32>)  : i32 {
      %mul3A_482 = arith.constant 512 : i32
      %mul3A_483 = arith.muli %while3A_479, %mul3A_482 : i32
      %get3A_484 = arith.constant 0 : index
      %get3A_485 = arith.index_cast %mul3A_483 : i32 to index
      %get3A_486 = vector.load %arg5[%get3A_484, %get3A_485] : memref<1x10240xf32, #tpu.memory_space<vmem>>, vector<1x512xf32>
      %mul3A_487 = arith.constant 512 : i32
      %mul3A_488 = arith.muli %while3A_479, %mul3A_487 : i32
      %get3A_489 = arith.constant 0 : index
      %get3A_490 = arith.index_cast %mul3A_488 : i32 to index
      %get3A_491 = vector.load %arg6[%get3A_489, %get3A_490] : memref<1x10240xi32, #tpu.memory_space<vmem>>, vector<1x512xi32>
      %mul3A_492 = arith.constant 512 : i32
      %mul3A_493 = arith.muli %while3A_479, %mul3A_492 : i32
      %get3A_494 = arith.constant 0 : index
      %get3A_495 = arith.index_cast %mul3A_493 : i32 to index
      %get3A_496 = vector.load %arg7[%get3A_494, %get3A_495] : memref<1x10240xf32, #tpu.memory_space<vmem>>, vector<1x512xf32>
      %mul3A_497 = arith.constant 512 : i32
      %mul3A_498 = arith.muli %while3A_479, %mul3A_497 : i32
      %iota3A_499 = tpu.iota {dimensions = array<i32: 1>} : vector<1x512xi32>
      %add3A_500 = vector.broadcast %mul3A_498 : i32 to vector<1x512xi32>
      %add3A_501 = arith.addi %add3A_500, %iota3A_499 : vector<1x512xi32>
      %eq3A_502 = vector.broadcast %get3A_491 : vector<1x512xi32> to vector<512x512xi32>
      %eq3A_503 = vector.broadcast %get3A_4 : vector<512x1xi32> to vector<512x512xi32>
      %eq3A_504 = arith.cmpi eq, %eq3A_502, %eq3A_503 : vector<512x512xi32>
      %gt3A_505 = arith.constant 0.000000e+00 : f32
      %gt3A_506 = vector.broadcast %gt3A_505 : f32 to vector<1x512xf32>
      %gt3A_507 = arith.cmpf ogt, %get3A_496, %gt3A_506 : vector<1x512xf32>
      %and3A_508 = vector.broadcast %gt3A_507 : vector<1x512xi1> to vector<512x512xi1>
      %and3A_509 = arith.andi %eq3A_504, %and3A_508 : vector<512x512xi1>
      %gt3A_510 = vector.broadcast %get3A_486 : vector<1x512xf32> to vector<512x512xf32>
      %gt3A_511 = vector.broadcast %get3A_1 : vector<512x1xf32> to vector<512x512xf32>
      %gt3A_512 = arith.cmpf ogt, %gt3A_510, %gt3A_511 : vector<512x512xf32>
      %eq3A_513 = vector.broadcast %get3A_486 : vector<1x512xf32> to vector<512x512xf32>
      %eq3A_514 = vector.broadcast %get3A_1 : vector<512x1xf32> to vector<512x512xf32>
      %eq3A_515 = arith.cmpf oeq, %eq3A_513, %eq3A_514 : vector<512x512xf32>
      %lt3A_516 = vector.broadcast %add3A_501 : vector<1x512xi32> to vector<512x512xi32>
      %lt3A_517 = vector.broadcast %add3A_9 : vector<512x1xi32> to vector<512x512xi32>
      %lt3A_518 = arith.cmpi slt, %lt3A_516, %lt3A_517 : vector<512x512xi32>
      %and3A_519 = arith.andi %eq3A_515, %lt3A_518 : vector<512x512xi1>
      %or3A = arith.ori %gt3A_512, %and3A_519 : vector<512x512xi1>
      %and3A_520 = arith.andi %and3A_509, %or3A : vector<512x512xi1>
      %convert_element_type3A_521 = arith.extui %and3A_520 : vector<512x512xi1> to vector<512x512xi32>
      %reduce_sum3A_522 = arith.constant dense<0> : vector<512xi32>
      %reduce_sum3A_523 = vector.multi_reduction <add>, %convert_element_type3A_521, %reduce_sum3A_522 [1] : vector<512x512xi32> to vector<512xi32>
      %broadcast_in_dim3A_524 = vector.shape_cast %reduce_sum3A_523 : vector<512xi32> to vector<512x1xi32>
      %add3A_525 = arith.addi %while3A_480, %broadcast_in_dim3A_524 : vector<512x1xi32>
      %convert_element_type3A_526 = arith.extui %and3A_509 : vector<512x512xi1> to vector<512x512xi32>
      %reduce_sum3A_527 = arith.constant dense<0> : vector<512xi32>
      %reduce_sum3A_528 = vector.multi_reduction <add>, %convert_element_type3A_526, %reduce_sum3A_527 [1] : vector<512x512xi32> to vector<512xi32>
      %broadcast_in_dim3A_529 = vector.shape_cast %reduce_sum3A_528 : vector<512xi32> to vector<512x1xi32>
      %add3A_530 = arith.addi %while3A_481, %broadcast_in_dim3A_529 : vector<512x1xi32>
      scf.yield %add3A_525, %add3A_530 : vector<512x1xi32>, vector<512x1xi32>
    }
    %while3A_30 = arith.constant 1 : i32
    %while3A_31:2 = scf.for %while3A_479 = %while3A_27 to %while3A_23 step %while3A_30 iter_args(%while3A_480 = %while3A_29#0, %while3A_481 = %while3A_29#1) -> (vector<512x1xi32>, vector<512x1xi32>)  : i32 {
      %mul3A_482 = arith.constant 512 : i32
      %mul3A_483 = arith.muli %while3A_479, %mul3A_482 : i32
      %get3A_484 = arith.constant 0 : index
      %get3A_485 = arith.index_cast %mul3A_483 : i32 to index
      %get3A_486 = vector.load %arg5[%get3A_484, %get3A_485] : memref<1x10240xf32, #tpu.memory_space<vmem>>, vector<1x512xf32>
      %mul3A_487 = arith.constant 512 : i32
      %mul3A_488 = arith.muli %while3A_479, %mul3A_487 : i32
      %get3A_489 = arith.constant 0 : index
      %get3A_490 = arith.index_cast %mul3A_488 : i32 to index
      %get3A_491 = vector.load %arg6[%get3A_489, %get3A_490] : memref<1x10240xi32, #tpu.memory_space<vmem>>, vector<1x512xi32>
      %mul3A_492 = arith.constant 512 : i32
      %mul3A_493 = arith.muli %while3A_479, %mul3A_492 : i32
      %get3A_494 = arith.constant 0 : index
      %get3A_495 = arith.index_cast %mul3A_493 : i32 to index
      %get3A_496 = vector.load %arg7[%get3A_494, %get3A_495] : memref<1x10240xf32, #tpu.memory_space<vmem>>, vector<1x512xf32>
      %mul3A_497 = arith.constant 512 : i32
      %mul3A_498 = arith.muli %while3A_479, %mul3A_497 : i32
      %iota3A_499 = tpu.iota {dimensions = array<i32: 1>} : vector<1x512xi32>
      %add3A_500 = vector.broadcast %mul3A_498 : i32 to vector<1x512xi32>
      %add3A_501 = arith.addi %add3A_500, %iota3A_499 : vector<1x512xi32>
      %eq3A_502 = vector.broadcast %get3A_491 : vector<1x512xi32> to vector<512x512xi32>
      %eq3A_503 = vector.broadcast %get3A_4 : vector<512x1xi32> to vector<512x512xi32>
      %eq3A_504 = arith.cmpi eq, %eq3A_502, %eq3A_503 : vector<512x512xi32>
      %gt3A_505 = arith.constant 0.000000e+00 : f32
      %gt3A_506 = vector.broadcast %gt3A_505 : f32 to vector<1x512xf32>
      %gt3A_507 = arith.cmpf ogt, %get3A_496, %gt3A_506 : vector<1x512xf32>
      %and3A_508 = vector.broadcast %gt3A_507 : vector<1x512xi1> to vector<512x512xi1>
      %and3A_509 = arith.andi %eq3A_504, %and3A_508 : vector<512x512xi1>
      %gt3A_510 = vector.broadcast %get3A_486 : vector<1x512xf32> to vector<512x512xf32>
      %gt3A_511 = vector.broadcast %get3A_1 : vector<512x1xf32> to vector<512x512xf32>
      %gt3A_512 = arith.cmpf ogt, %gt3A_510, %gt3A_511 : vector<512x512xf32>
      %eq3A_513 = vector.broadcast %get3A_486 : vector<1x512xf32> to vector<512x512xf32>
      %eq3A_514 = vector.broadcast %get3A_1 : vector<512x1xf32> to vector<512x512xf32>
      %eq3A_515 = arith.cmpf oeq, %eq3A_513, %eq3A_514 : vector<512x512xf32>
      %lt3A_516 = vector.broadcast %add3A_501 : vector<1x512xi32> to vector<512x512xi32>
      %lt3A_517 = vector.broadcast %add3A_9 : vector<512x1xi32> to vector<512x512xi32>
      %lt3A_518 = arith.cmpi slt, %lt3A_516, %lt3A_517 : vector<512x512xi32>
      %and3A_519 = arith.andi %eq3A_515, %lt3A_518 : vector<512x512xi1>
      %or3A = arith.ori %gt3A_512, %and3A_519 : vector<512x512xi1>
      %and3A_520 = arith.andi %and3A_509, %or3A : vector<512x512xi1>
      %convert_element_type3A_521 = arith.extui %and3A_520 : vector<512x512xi1> to vector<512x512xi32>
      %reduce_sum3A_522 = arith.constant dense<0> : vector<512xi32>
      %reduce_sum3A_523 = vector.multi_reduction <add>, %convert_element_type3A_521, %reduce_sum3A_522 [1] : vector<512x512xi32> to vector<512xi32>
      %broadcast_in_dim3A_524 = vector.shape_cast %reduce_sum3A_523 : vector<512xi32> to vector<512x1xi32>
      %add3A_525 = arith.addi %while3A_480, %broadcast_in_dim3A_524 : vector<512x1xi32>
      %convert_element_type3A_526 = arith.extui %and3A_509 : vector<512x512xi1> to vector<512x512xi32>
      %reduce_sum3A_527 = arith.constant dense<0> : vector<512xi32>
      %reduce_sum3A_528 = vector.multi_reduction <add>, %convert_element_type3A_526, %reduce_sum3A_527 [1] : vector<512x512xi32> to vector<512xi32>
      %broadcast_in_dim3A_529 = vector.shape_cast %reduce_sum3A_528 : vector<512xi32> to vector<512x1xi32>
      %add3A_530 = arith.addi %while3A_481, %broadcast_in_dim3A_529 : vector<512x1xi32>
      scf.yield %add3A_525, %add3A_530 : vector<512x1xi32>, vector<512x1xi32>
    }
    %mul3A_32 = arith.constant 4 : i32
    %mul3A_33 = vector.broadcast %mul3A_32 : i32 to vector<512x1xi32>
    %mul3A_34 = arith.muli %mul3A_33, %while3A_31#1 : vector<512x1xi32>
    %add3A_35 = arith.constant 4 : i32
    %add3A_36 = vector.broadcast %add3A_35 : i32 to vector<512x1xi32>
    %add3A_37 = arith.addi %mul3A_34, %add3A_36 : vector<512x1xi32>
    %jit3A = arith.constant 5 : i32
    %div3A = vector.broadcast %jit3A : i32 to vector<512x1xi32>
    %div3A_38 = arith.divsi %add3A_37, %div3A : vector<512x1xi32>
    %sign3A = arith.constant 0 : i32
    %sign3A_39 = vector.broadcast %sign3A : i32 to vector<512x1xi32>
    %sign3A_40 = arith.cmpi sgt, %add3A_37, %sign3A_39 : vector<512x1xi32>
    %sign3A_41 = arith.extui %sign3A_40 : vector<512x1xi1> to vector<512x1xi32>
    %sign3A_42 = arith.constant 0 : i32
    %sign3A_43 = vector.broadcast %sign3A_42 : i32 to vector<512x1xi32>
    %sign3A_44 = arith.cmpi slt, %add3A_37, %sign3A_43 : vector<512x1xi32>
    %sign3A_45 = arith.extui %sign3A_44 : vector<512x1xi1> to vector<512x1xi32>
    %sign3A_46 = arith.subi %sign3A_41, %sign3A_45 : vector<512x1xi32>
    %sign3A_47 = arith.constant 0 : i32
    %sign3A_48 = arith.cmpi sgt, %jit3A, %sign3A_47 : i32
    %sign3A_49 = arith.extui %sign3A_48 : i1 to i32
    %sign3A_50 = arith.constant 0 : i32
    %sign3A_51 = arith.cmpi slt, %jit3A, %sign3A_50 : i32
    %sign3A_52 = arith.extui %sign3A_51 : i1 to i32
    %sign3A_53 = arith.subi %sign3A_49, %sign3A_52 : i32
    %ne3A = vector.broadcast %sign3A_53 : i32 to vector<512x1xi32>
    %ne3A_54 = arith.cmpi ne, %sign3A_46, %ne3A : vector<512x1xi32>
    %rem3A = vector.broadcast %jit3A : i32 to vector<512x1xi32>
    %rem3A_55 = arith.remsi %add3A_37, %rem3A : vector<512x1xi32>
    %ne3A_56 = arith.constant 0 : i32
    %ne3A_57 = vector.broadcast %ne3A_56 : i32 to vector<512x1xi32>
    %ne3A_58 = arith.cmpi ne, %rem3A_55, %ne3A_57 : vector<512x1xi32>
    %and3A = arith.andi %ne3A_54, %ne3A_58 : vector<512x1xi1>
    %sub3A = arith.constant 1 : i32
    %sub3A_59 = vector.broadcast %sub3A : i32 to vector<512x1xi32>
    %sub3A_60 = arith.subi %div3A_38, %sub3A_59 : vector<512x1xi32>
    %select_n3A = arith.select %and3A, %sub3A_60, %div3A_38 : vector<512x1xi1>, vector<512x1xi32>
    %gt3A = arith.constant 0.000000e+00 : f32
    %gt3A_61 = vector.broadcast %gt3A : f32 to vector<512x1xf32>
    %gt3A_62 = arith.cmpf ogt, %get3A_7, %gt3A_61 : vector<512x1xf32>
    %lt3A = arith.cmpi slt, %while3A_31#0, %select_n3A : vector<512x1xi32>
    %and3A_63 = arith.andi %gt3A_62, %lt3A : vector<512x1xi1>
    %convert_element_type3A = arith.extui %and3A_63 : vector<512x1xi1> to vector<512x1xi32>
    %convert_element_type3A_64 = arith.sitofp %convert_element_type3A : vector<512x1xi32> to vector<512x1xf32>
    %swap3A = arith.constant 0 : index
    %swap3A_65 = arith.constant 0 : index
    %swap3A_66 = vector.load %arg10[%swap3A, %swap3A_65] : memref<512x1xf32, #tpu.memory_space<vmem>>, vector<512x1xf32>
    tpu.vector_store %arg10[%swap3A, %swap3A_65], %convert_element_type3A_64 {strides = array<i32>} : memref<512x1xf32, #tpu.memory_space<vmem>>, vector<512x1xf32>,
    %get3A_67 = arith.constant 0 : index
    %get3A_68 = arith.constant 0 : index
    %get3A_69 = vector.load %arg1[%get3A_67, %get3A_68] : memref<512x64xf32, #tpu.memory_space<vmem>>, vector<512x64xf32>
    %mul3A_70 = vector.broadcast %get3A_1 : vector<512x1xf32> to vector<512x64xf32>
    %mul3A_71 = arith.mulf %get3A_69, %mul3A_70 : vector<512x64xf32>
    %jit3A_72 = arith.constant 0.000000e+00 : f32
    %broadcast_in_dim3A_73 = vector.shape_cast %and3A_63 : vector<512x1xi1> to vector<512x1xi1>
    %broadcast_in_dim3A_74 = vector.broadcast %broadcast_in_dim3A_73 : vector<512x1xi1> to vector<512x64xi1>
    %broadcast_in_dim3A_75 = vector.broadcast %jit3A_72 : f32 to vector<512x64xf32>
    %select_n3A_76 = arith.select %broadcast_in_dim3A_74, %mul3A_71, %broadcast_in_dim3A_75 : vector<512x64xi1>, vector<512x64xf32>
    %broadcast_in_dim3A_77 = arith.constant 0.000000e+00 : f32
    %broadcast_in_dim3A_78 = vector.broadcast %broadcast_in_dim3A_77 : f32 to vector<512x64xf32>
    %concatenate3A = tpu.concatenate %select_n3A_76, %broadcast_in_dim3A_78 in 1 : vector<512x64xf32>, vector<512x64xf32> -> vector<512x128xf32>
    %swap3A_79 = arith.constant 0 : index
    %swap3A_80 = arith.constant 0 : index
    %swap3A_81 = vector.load %arg11[%swap3A_79, %swap3A_80] : memref<512x128xf32, #tpu.memory_space<vmem>>, vector<512x128xf32>
    tpu.vector_store %arg11[%swap3A_79, %swap3A_80], %concatenate3A {strides = array<i32>} : memref<512x128xf32, #tpu.memory_space<vmem>>, vector<512x128xf32>,
    %eq3A = arith.constant 0 : i32
    %eq3A_82 = vector.broadcast %eq3A : i32 to vector<512x1xi32>
    %eq3A_83 = arith.cmpi eq, %get3A_4, %eq3A_82 : vector<512x1xi32>
    %and3A_84 = arith.andi %and3A_63, %eq3A_83 : vector<512x1xi1>
    %jit3A_85 = arith.constant 0xFF800000 : f32
    %broadcast_in_dim3A_86 = vector.shape_cast %and3A_84 : vector<512x1xi1> to vector<512x1xi1>
    %broadcast_in_dim3A_87 = vector.broadcast %broadcast_in_dim3A_86 : vector<512x1xi1> to vector<512x64xi1>
    %broadcast_in_dim3A_88 = vector.broadcast %jit3A_85 : f32 to vector<512x64xf32>
    %select_n3A_89 = arith.select %broadcast_in_dim3A_87, %select_n3A_76, %broadcast_in_dim3A_88 : vector<512x64xi1>, vector<512x64xf32>
    %reduce_max3A = arith.constant dense<0xFF800000> : vector<64xf32>
    %reduce_max3A_90 = vector.multi_reduction <maximumf>, %select_n3A_89, %reduce_max3A [0] : vector<512x64xf32> to vector<64xf32>
    %jit3A_91 = arith.constant 0.000000e+00 : f32
    %broadcast_in_dim3A_92 = vector.shape_cast %and3A_84 : vector<512x1xi1> to vector<512x1xi1>
    %broadcast_in_dim3A_93 = vector.broadcast %broadcast_in_dim3A_92 : vector<512x1xi1> to vector<512x64xi1>
    %broadcast_in_dim3A_94 = vector.broadcast %jit3A_91 : f32 to vector<512x64xf32>
    %select_n3A_95 = arith.select %broadcast_in_dim3A_93, %select_n3A_76, %broadcast_in_dim3A_94 : vector<512x64xi1>, vector<512x64xf32>
    %reduce_sum3A = arith.constant dense<0.000000e+00> : vector<64xf32>
    %reduce_sum3A_96 = vector.multi_reduction <add>, %select_n3A_95, %reduce_sum3A [0] : vector<512x64xf32> to vector<64xf32>
    %convert_element_type3A_97 = arith.extui %and3A_84 : vector<512x1xi1> to vector<512x1xi32>
    %convert_element_type3A_98 = arith.sitofp %convert_element_type3A_97 : vector<512x1xi32> to vector<512x1xf32>
    %reduce_sum3A_99 = arith.constant dense<0.000000e+00> : vector<1xf32>
    %reduce_sum3A_100 = vector.multi_reduction <add>, %convert_element_type3A_98, %reduce_sum3A_99 [0] : vector<512x1xf32> to vector<1xf32>
    %eq3A_101 = arith.constant 1 : i32
    %eq3A_102 = vector.broadcast %eq3A_101 : i32 to vector<512x1xi32>
    %eq3A_103 = arith.cmpi eq, %get3A_4, %eq3A_102 : vector<512x1xi32>
    %and3A_104 = arith.andi %and3A_63, %eq3A_103 : vector<512x1xi1>
    %jit3A_105 = arith.constant 0xFF800000 : f32
    %broadcast_in_dim3A_106 = vector.shape_cast %and3A_104 : vector<512x1xi1> to vector<512x1xi1>
    %broadcast_in_dim3A_107 = vector.broadcast %broadcast_in_dim3A_106 : vector<512x1xi1> to vector<512x64xi1>
    %broadcast_in_dim3A_108 = vector.broadcast %jit3A_105 : f32 to vector<512x64xf32>
    %select_n3A_109 = arith.select %broadcast_in_dim3A_107, %select_n3A_76, %broadcast_in_dim3A_108 : vector<512x64xi1>, vector<512x64xf32>
    %reduce_max3A_110 = arith.constant dense<0xFF800000> : vector<64xf32>
    %reduce_max3A_111 = vector.multi_reduction <maximumf>, %select_n3A_109, %reduce_max3A_110 [0] : vector<512x64xf32> to vector<64xf32>
    %jit3A_112 = arith.constant 0.000000e+00 : f32
    %broadcast_in_dim3A_113 = vector.shape_cast %and3A_104 : vector<512x1xi1> to vector<512x1xi1>
    %broadcast_in_dim3A_114 = vector.broadcast %broadcast_in_dim3A_113 : vector<512x1xi1> to vector<512x64xi1>
    %broadcast_in_dim3A_115 = vector.broadcast %jit3A_112 : f32 to vector<512x64xf32>
    %select_n3A_116 = arith.select %broadcast_in_dim3A_114, %select_n3A_76, %broadcast_in_dim3A_115 : vector<512x64xi1>, vector<512x64xf32>
    %reduce_sum3A_117 = arith.constant dense<0.000000e+00> : vector<64xf32>
    %reduce_sum3A_118 = vector.multi_reduction <add>, %select_n3A_116, %reduce_sum3A_117 [0] : vector<512x64xf32> to vector<64xf32>
    %convert_element_type3A_119 = arith.extui %and3A_104 : vector<512x1xi1> to vector<512x1xi32>
    %convert_element_type3A_120 = arith.sitofp %convert_element_type3A_119 : vector<512x1xi32> to vector<512x1xf32>
    %reduce_sum3A_121 = arith.constant dense<0.000000e+00> : vector<1xf32>
    %reduce_sum3A_122 = vector.multi_reduction <add>, %convert_element_type3A_120, %reduce_sum3A_121 [0] : vector<512x1xf32> to vector<1xf32>
    %eq3A_123 = arith.constant 2 : i32
    %eq3A_124 = vector.broadcast %eq3A_123 : i32 to vector<512x1xi32>
    %eq3A_125 = arith.cmpi eq, %get3A_4, %eq3A_124 : vector<512x1xi32>
    %and3A_126 = arith.andi %and3A_63, %eq3A_125 : vector<512x1xi1>
    %jit3A_127 = arith.constant 0xFF800000 : f32
    %broadcast_in_dim3A_128 = vector.shape_cast %and3A_126 : vector<512x1xi1> to vector<512x1xi1>
    %broadcast_in_dim3A_129 = vector.broadcast %broadcast_in_dim3A_128 : vector<512x1xi1> to vector<512x64xi1>
    %broadcast_in_dim3A_130 = vector.broadcast %jit3A_127 : f32 to vector<512x64xf32>
    %select_n3A_131 = arith.select %broadcast_in_dim3A_129, %select_n3A_76, %broadcast_in_dim3A_130 : vector<512x64xi1>, vector<512x64xf32>
    %reduce_max3A_132 = arith.constant dense<0xFF800000> : vector<64xf32>
    %reduce_max3A_133 = vector.multi_reduction <maximumf>, %select_n3A_131, %reduce_max3A_132 [0] : vector<512x64xf32> to vector<64xf32>
    %jit3A_134 = arith.constant 0.000000e+00 : f32
    %broadcast_in_dim3A_135 = vector.shape_cast %and3A_126 : vector<512x1xi1> to vector<512x1xi1>
    %broadcast_in_dim3A_136 = vector.broadcast %broadcast_in_dim3A_135 : vector<512x1xi1> to vector<512x64xi1>
    %broadcast_in_dim3A_137 = vector.broadcast %jit3A_134 : f32 to vector<512x64xf32>
    %select_n3A_138 = arith.select %broadcast_in_dim3A_136, %select_n3A_76, %broadcast_in_dim3A_137 : vector<512x64xi1>, vector<512x64xf32>
    %reduce_sum3A_139 = arith.constant dense<0.000000e+00> : vector<64xf32>
    %reduce_sum3A_140 = vector.multi_reduction <add>, %select_n3A_138, %reduce_sum3A_139 [0] : vector<512x64xf32> to vector<64xf32>
    %convert_element_type3A_141 = arith.extui %and3A_126 : vector<512x1xi1> to vector<512x1xi32>
    %convert_element_type3A_142 = arith.sitofp %convert_element_type3A_141 : vector<512x1xi32> to vector<512x1xf32>
    %reduce_sum3A_143 = arith.constant dense<0.000000e+00> : vector<1xf32>
    %reduce_sum3A_144 = vector.multi_reduction <add>, %convert_element_type3A_142, %reduce_sum3A_143 [0] : vector<512x1xf32> to vector<1xf32>
    %eq3A_145 = arith.constant 3 : i32
    %eq3A_146 = vector.broadcast %eq3A_145 : i32 to vector<512x1xi32>
    %eq3A_147 = arith.cmpi eq, %get3A_4, %eq3A_146 : vector<512x1xi32>
    %and3A_148 = arith.andi %and3A_63, %eq3A_147 : vector<512x1xi1>
    %jit3A_149 = arith.constant 0xFF800000 : f32
    %broadcast_in_dim3A_150 = vector.shape_cast %and3A_148 : vector<512x1xi1> to vector<512x1xi1>
    %broadcast_in_dim3A_151 = vector.broadcast %broadcast_in_dim3A_150 : vector<512x1xi1> to vector<512x64xi1>
    %broadcast_in_dim3A_152 = vector.broadcast %jit3A_149 : f32 to vector<512x64xf32>
    %select_n3A_153 = arith.select %broadcast_in_dim3A_151, %select_n3A_76, %broadcast_in_dim3A_152 : vector<512x64xi1>, vector<512x64xf32>
    %reduce_max3A_154 = arith.constant dense<0xFF800000> : vector<64xf32>
    %reduce_max3A_155 = vector.multi_reduction <maximumf>, %select_n3A_153, %reduce_max3A_154 [0] : vector<512x64xf32> to vector<64xf32>
    %jit3A_156 = arith.constant 0.000000e+00 : f32
    %broadcast_in_dim3A_157 = vector.shape_cast %and3A_148 : vector<512x1xi1> to vector<512x1xi1>
    %broadcast_in_dim3A_158 = vector.broadcast %broadcast_in_dim3A_157 : vector<512x1xi1> to vector<512x64xi1>
    %broadcast_in_dim3A_159 = vector.broadcast %jit3A_156 : f32 to vector<512x64xf32>
    %select_n3A_160 = arith.select %broadcast_in_dim3A_158, %select_n3A_76, %broadcast_in_dim3A_159 : vector<512x64xi1>, vector<512x64xf32>
    %reduce_sum3A_161 = arith.constant dense<0.000000e+00> : vector<64xf32>
    %reduce_sum3A_162 = vector.multi_reduction <add>, %select_n3A_160, %reduce_sum3A_161 [0] : vector<512x64xf32> to vector<64xf32>
    %convert_element_type3A_163 = arith.extui %and3A_148 : vector<512x1xi1> to vector<512x1xi32>
    %convert_element_type3A_164 = arith.sitofp %convert_element_type3A_163 : vector<512x1xi32> to vector<512x1xf32>
    %reduce_sum3A_165 = arith.constant dense<0.000000e+00> : vector<1xf32>
    %reduce_sum3A_166 = vector.multi_reduction <add>, %convert_element_type3A_164, %reduce_sum3A_165 [0] : vector<512x1xf32> to vector<1xf32>
    %eq3A_167 = arith.constant 4 : i32
    %eq3A_168 = vector.broadcast %eq3A_167 : i32 to vector<512x1xi32>
    %eq3A_169 = arith.cmpi eq, %get3A_4, %eq3A_168 : vector<512x1xi32>
    %and3A_170 = arith.andi %and3A_63, %eq3A_169 : vector<512x1xi1>
    %jit3A_171 = arith.constant 0xFF800000 : f32
    %broadcast_in_dim3A_172 = vector.shape_cast %and3A_170 : vector<512x1xi1> to vector<512x1xi1>
    %broadcast_in_dim3A_173 = vector.broadcast %broadcast_in_dim3A_172 : vector<512x1xi1> to vector<512x64xi1>
    %broadcast_in_dim3A_174 = vector.broadcast %jit3A_171 : f32 to vector<512x64xf32>
    %select_n3A_175 = arith.select %broadcast_in_dim3A_173, %select_n3A_76, %broadcast_in_dim3A_174 : vector<512x64xi1>, vector<512x64xf32>
    %reduce_max3A_176 = arith.constant dense<0xFF800000> : vector<64xf32>
    %reduce_max3A_177 = vector.multi_reduction <maximumf>, %select_n3A_175, %reduce_max3A_176 [0] : vector<512x64xf32> to vector<64xf32>
    %jit3A_178 = arith.constant 0.000000e+00 : f32
    %broadcast_in_dim3A_179 = vector.shape_cast %and3A_170 : vector<512x1xi1> to vector<512x1xi1>
    %broadcast_in_dim3A_180 = vector.broadcast %broadcast_in_dim3A_179 : vector<512x1xi1> to vector<512x64xi1>
    %broadcast_in_dim3A_181 = vector.broadcast %jit3A_178 : f32 to vector<512x64xf32>
    %select_n3A_182 = arith.select %broadcast_in_dim3A_180, %select_n3A_76, %broadcast_in_dim3A_181 : vector<512x64xi1>, vector<512x64xf32>
    %reduce_sum3A_183 = arith.constant dense<0.000000e+00> : vector<64xf32>
    %reduce_sum3A_184 = vector.multi_reduction <add>, %select_n3A_182, %reduce_sum3A_183 [0] : vector<512x64xf32> to vector<64xf32>
    %convert_element_type3A_185 = arith.extui %and3A_170 : vector<512x1xi1> to vector<512x1xi32>
    %convert_element_type3A_186 = arith.sitofp %convert_element_type3A_185 : vector<512x1xi32> to vector<512x1xf32>
    %reduce_sum3A_187 = arith.constant dense<0.000000e+00> : vector<1xf32>
    %reduce_sum3A_188 = vector.multi_reduction <add>, %convert_element_type3A_186, %reduce_sum3A_187 [0] : vector<512x1xf32> to vector<1xf32>
    %eq3A_189 = arith.constant 5 : i32
    %eq3A_190 = vector.broadcast %eq3A_189 : i32 to vector<512x1xi32>
    %eq3A_191 = arith.cmpi eq, %get3A_4, %eq3A_190 : vector<512x1xi32>
    %and3A_192 = arith.andi %and3A_63, %eq3A_191 : vector<512x1xi1>
    %jit3A_193 = arith.constant 0xFF800000 : f32
    %broadcast_in_dim3A_194 = vector.shape_cast %and3A_192 : vector<512x1xi1> to vector<512x1xi1>
    %broadcast_in_dim3A_195 = vector.broadcast %broadcast_in_dim3A_194 : vector<512x1xi1> to vector<512x64xi1>
    %broadcast_in_dim3A_196 = vector.broadcast %jit3A_193 : f32 to vector<512x64xf32>
    %select_n3A_197 = arith.select %broadcast_in_dim3A_195, %select_n3A_76, %broadcast_in_dim3A_196 : vector<512x64xi1>, vector<512x64xf32>
    %reduce_max3A_198 = arith.constant dense<0xFF800000> : vector<64xf32>
    %reduce_max3A_199 = vector.multi_reduction <maximumf>, %select_n3A_197, %reduce_max3A_198 [0] : vector<512x64xf32> to vector<64xf32>
    %jit3A_200 = arith.constant 0.000000e+00 : f32
    %broadcast_in_dim3A_201 = vector.shape_cast %and3A_192 : vector<512x1xi1> to vector<512x1xi1>
    %broadcast_in_dim3A_202 = vector.broadcast %broadcast_in_dim3A_201 : vector<512x1xi1> to vector<512x64xi1>
    %broadcast_in_dim3A_203 = vector.broadcast %jit3A_200 : f32 to vector<512x64xf32>
    %select_n3A_204 = arith.select %broadcast_in_dim3A_202, %select_n3A_76, %broadcast_in_dim3A_203 : vector<512x64xi1>, vector<512x64xf32>
    %reduce_sum3A_205 = arith.constant dense<0.000000e+00> : vector<64xf32>
    %reduce_sum3A_206 = vector.multi_reduction <add>, %select_n3A_204, %reduce_sum3A_205 [0] : vector<512x64xf32> to vector<64xf32>
    %convert_element_type3A_207 = arith.extui %and3A_192 : vector<512x1xi1> to vector<512x1xi32>
    %convert_element_type3A_208 = arith.sitofp %convert_element_type3A_207 : vector<512x1xi32> to vector<512x1xf32>
    %reduce_sum3A_209 = arith.constant dense<0.000000e+00> : vector<1xf32>
    %reduce_sum3A_210 = vector.multi_reduction <add>, %convert_element_type3A_208, %reduce_sum3A_209 [0] : vector<512x1xf32> to vector<1xf32>
    %eq3A_211 = arith.constant 6 : i32
    %eq3A_212 = vector.broadcast %eq3A_211 : i32 to vector<512x1xi32>
    %eq3A_213 = arith.cmpi eq, %get3A_4, %eq3A_212 : vector<512x1xi32>
    %and3A_214 = arith.andi %and3A_63, %eq3A_213 : vector<512x1xi1>
    %jit3A_215 = arith.constant 0xFF800000 : f32
    %broadcast_in_dim3A_216 = vector.shape_cast %and3A_214 : vector<512x1xi1> to vector<512x1xi1>
    %broadcast_in_dim3A_217 = vector.broadcast %broadcast_in_dim3A_216 : vector<512x1xi1> to vector<512x64xi1>
    %broadcast_in_dim3A_218 = vector.broadcast %jit3A_215 : f32 to vector<512x64xf32>
    %select_n3A_219 = arith.select %broadcast_in_dim3A_217, %select_n3A_76, %broadcast_in_dim3A_218 : vector<512x64xi1>, vector<512x64xf32>
    %reduce_max3A_220 = arith.constant dense<0xFF800000> : vector<64xf32>
    %reduce_max3A_221 = vector.multi_reduction <maximumf>, %select_n3A_219, %reduce_max3A_220 [0] : vector<512x64xf32> to vector<64xf32>
    %jit3A_222 = arith.constant 0.000000e+00 : f32
    %broadcast_in_dim3A_223 = vector.shape_cast %and3A_214 : vector<512x1xi1> to vector<512x1xi1>
    %broadcast_in_dim3A_224 = vector.broadcast %broadcast_in_dim3A_223 : vector<512x1xi1> to vector<512x64xi1>
    %broadcast_in_dim3A_225 = vector.broadcast %jit3A_222 : f32 to vector<512x64xf32>
    %select_n3A_226 = arith.select %broadcast_in_dim3A_224, %select_n3A_76, %broadcast_in_dim3A_225 : vector<512x64xi1>, vector<512x64xf32>
    %reduce_sum3A_227 = arith.constant dense<0.000000e+00> : vector<64xf32>
    %reduce_sum3A_228 = vector.multi_reduction <add>, %select_n3A_226, %reduce_sum3A_227 [0] : vector<512x64xf32> to vector<64xf32>
    %convert_element_type3A_229 = arith.extui %and3A_214 : vector<512x1xi1> to vector<512x1xi32>
    %convert_element_type3A_230 = arith.sitofp %convert_element_type3A_229 : vector<512x1xi32> to vector<512x1xf32>
    %reduce_sum3A_231 = arith.constant dense<0.000000e+00> : vector<1xf32>
    %reduce_sum3A_232 = vector.multi_reduction <add>, %convert_element_type3A_230, %reduce_sum3A_231 [0] : vector<512x1xf32> to vector<1xf32>
    %eq3A_233 = arith.constant 7 : i32
    %eq3A_234 = vector.broadcast %eq3A_233 : i32 to vector<512x1xi32>
    %eq3A_235 = arith.cmpi eq, %get3A_4, %eq3A_234 : vector<512x1xi32>
    %and3A_236 = arith.andi %and3A_63, %eq3A_235 : vector<512x1xi1>
    %jit3A_237 = arith.constant 0xFF800000 : f32
    %broadcast_in_dim3A_238 = vector.shape_cast %and3A_236 : vector<512x1xi1> to vector<512x1xi1>
    %broadcast_in_dim3A_239 = vector.broadcast %broadcast_in_dim3A_238 : vector<512x1xi1> to vector<512x64xi1>
    %broadcast_in_dim3A_240 = vector.broadcast %jit3A_237 : f32 to vector<512x64xf32>
    %select_n3A_241 = arith.select %broadcast_in_dim3A_239, %select_n3A_76, %broadcast_in_dim3A_240 : vector<512x64xi1>, vector<512x64xf32>
    %reduce_max3A_242 = arith.constant dense<0xFF800000> : vector<64xf32>
    %reduce_max3A_243 = vector.multi_reduction <maximumf>, %select_n3A_241, %reduce_max3A_242 [0] : vector<512x64xf32> to vector<64xf32>
    %jit3A_244 = arith.constant 0.000000e+00 : f32
    %broadcast_in_dim3A_245 = vector.shape_cast %and3A_236 : vector<512x1xi1> to vector<512x1xi1>
    %broadcast_in_dim3A_246 = vector.broadcast %broadcast_in_dim3A_245 : vector<512x1xi1> to vector<512x64xi1>
    %broadcast_in_dim3A_247 = vector.broadcast %jit3A_244 : f32 to vector<512x64xf32>
    %select_n3A_248 = arith.select %broadcast_in_dim3A_246, %select_n3A_76, %broadcast_in_dim3A_247 : vector<512x64xi1>, vector<512x64xf32>
    %reduce_sum3A_249 = arith.constant dense<0.000000e+00> : vector<64xf32>
    %reduce_sum3A_250 = vector.multi_reduction <add>, %select_n3A_248, %reduce_sum3A_249 [0] : vector<512x64xf32> to vector<64xf32>
    %convert_element_type3A_251 = arith.extui %and3A_236 : vector<512x1xi1> to vector<512x1xi32>
    %convert_element_type3A_252 = arith.sitofp %convert_element_type3A_251 : vector<512x1xi32> to vector<512x1xf32>
    %reduce_sum3A_253 = arith.constant dense<0.000000e+00> : vector<1xf32>
    %reduce_sum3A_254 = vector.multi_reduction <add>, %convert_element_type3A_252, %reduce_sum3A_253 [0] : vector<512x1xf32> to vector<1xf32>
    %eq3A_255 = arith.constant 8 : i32
    %eq3A_256 = vector.broadcast %eq3A_255 : i32 to vector<512x1xi32>
    %eq3A_257 = arith.cmpi eq, %get3A_4, %eq3A_256 : vector<512x1xi32>
    %and3A_258 = arith.andi %and3A_63, %eq3A_257 : vector<512x1xi1>
    %jit3A_259 = arith.constant 0xFF800000 : f32
    %broadcast_in_dim3A_260 = vector.shape_cast %and3A_258 : vector<512x1xi1> to vector<512x1xi1>
    %broadcast_in_dim3A_261 = vector.broadcast %broadcast_in_dim3A_260 : vector<512x1xi1> to vector<512x64xi1>
    %broadcast_in_dim3A_262 = vector.broadcast %jit3A_259 : f32 to vector<512x64xf32>
    %select_n3A_263 = arith.select %broadcast_in_dim3A_261, %select_n3A_76, %broadcast_in_dim3A_262 : vector<512x64xi1>, vector<512x64xf32>
    %reduce_max3A_264 = arith.constant dense<0xFF800000> : vector<64xf32>
    %reduce_max3A_265 = vector.multi_reduction <maximumf>, %select_n3A_263, %reduce_max3A_264 [0] : vector<512x64xf32> to vector<64xf32>
    %jit3A_266 = arith.constant 0.000000e+00 : f32
    %broadcast_in_dim3A_267 = vector.shape_cast %and3A_258 : vector<512x1xi1> to vector<512x1xi1>
    %broadcast_in_dim3A_268 = vector.broadcast %broadcast_in_dim3A_267 : vector<512x1xi1> to vector<512x64xi1>
    %broadcast_in_dim3A_269 = vector.broadcast %jit3A_266 : f32 to vector<512x64xf32>
    %select_n3A_270 = arith.select %broadcast_in_dim3A_268, %select_n3A_76, %broadcast_in_dim3A_269 : vector<512x64xi1>, vector<512x64xf32>
    %reduce_sum3A_271 = arith.constant dense<0.000000e+00> : vector<64xf32>
    %reduce_sum3A_272 = vector.multi_reduction <add>, %select_n3A_270, %reduce_sum3A_271 [0] : vector<512x64xf32> to vector<64xf32>
    %convert_element_type3A_273 = arith.extui %and3A_258 : vector<512x1xi1> to vector<512x1xi32>
    %convert_element_type3A_274 = arith.sitofp %convert_element_type3A_273 : vector<512x1xi32> to vector<512x1xf32>
    %reduce_sum3A_275 = arith.constant dense<0.000000e+00> : vector<1xf32>
    %reduce_sum3A_276 = vector.multi_reduction <add>, %convert_element_type3A_274, %reduce_sum3A_275 [0] : vector<512x1xf32> to vector<1xf32>
    %eq3A_277 = arith.constant 9 : i32
    %eq3A_278 = vector.broadcast %eq3A_277 : i32 to vector<512x1xi32>
    %eq3A_279 = arith.cmpi eq, %get3A_4, %eq3A_278 : vector<512x1xi32>
    %and3A_280 = arith.andi %and3A_63, %eq3A_279 : vector<512x1xi1>
    %jit3A_281 = arith.constant 0xFF800000 : f32
    %broadcast_in_dim3A_282 = vector.shape_cast %and3A_280 : vector<512x1xi1> to vector<512x1xi1>
    %broadcast_in_dim3A_283 = vector.broadcast %broadcast_in_dim3A_282 : vector<512x1xi1> to vector<512x64xi1>
    %broadcast_in_dim3A_284 = vector.broadcast %jit3A_281 : f32 to vector<512x64xf32>
    %select_n3A_285 = arith.select %broadcast_in_dim3A_283, %select_n3A_76, %broadcast_in_dim3A_284 : vector<512x64xi1>, vector<512x64xf32>
    %reduce_max3A_286 = arith.constant dense<0xFF800000> : vector<64xf32>
    %reduce_max3A_287 = vector.multi_reduction <maximumf>, %select_n3A_285, %reduce_max3A_286 [0] : vector<512x64xf32> to vector<64xf32>
    %jit3A_288 = arith.constant 0.000000e+00 : f32
    %broadcast_in_dim3A_289 = vector.shape_cast %and3A_280 : vector<512x1xi1> to vector<512x1xi1>
    %broadcast_in_dim3A_290 = vector.broadcast %broadcast_in_dim3A_289 : vector<512x1xi1> to vector<512x64xi1>
    %broadcast_in_dim3A_291 = vector.broadcast %jit3A_288 : f32 to vector<512x64xf32>
    %select_n3A_292 = arith.select %broadcast_in_dim3A_290, %select_n3A_76, %broadcast_in_dim3A_291 : vector<512x64xi1>, vector<512x64xf32>
    %reduce_sum3A_293 = arith.constant dense<0.000000e+00> : vector<64xf32>
    %reduce_sum3A_294 = vector.multi_reduction <add>, %select_n3A_292, %reduce_sum3A_293 [0] : vector<512x64xf32> to vector<64xf32>
    %convert_element_type3A_295 = arith.extui %and3A_280 : vector<512x1xi1> to vector<512x1xi32>
    %convert_element_type3A_296 = arith.sitofp %convert_element_type3A_295 : vector<512x1xi32> to vector<512x1xf32>
    %reduce_sum3A_297 = arith.constant dense<0.000000e+00> : vector<1xf32>
    %reduce_sum3A_298 = vector.multi_reduction <add>, %convert_element_type3A_296, %reduce_sum3A_297 [0] : vector<512x1xf32> to vector<1xf32>
    %eq3A_299 = arith.constant 10 : i32
    %eq3A_300 = vector.broadcast %eq3A_299 : i32 to vector<512x1xi32>
    %eq3A_301 = arith.cmpi eq, %get3A_4, %eq3A_300 : vector<512x1xi32>
    %and3A_302 = arith.andi %and3A_63, %eq3A_301 : vector<512x1xi1>
    %jit3A_303 = arith.constant 0xFF800000 : f32
    %broadcast_in_dim3A_304 = vector.shape_cast %and3A_302 : vector<512x1xi1> to vector<512x1xi1>
    %broadcast_in_dim3A_305 = vector.broadcast %broadcast_in_dim3A_304 : vector<512x1xi1> to vector<512x64xi1>
    %broadcast_in_dim3A_306 = vector.broadcast %jit3A_303 : f32 to vector<512x64xf32>
    %select_n3A_307 = arith.select %broadcast_in_dim3A_305, %select_n3A_76, %broadcast_in_dim3A_306 : vector<512x64xi1>, vector<512x64xf32>
    %reduce_max3A_308 = arith.constant dense<0xFF800000> : vector<64xf32>
    %reduce_max3A_309 = vector.multi_reduction <maximumf>, %select_n3A_307, %reduce_max3A_308 [0] : vector<512x64xf32> to vector<64xf32>
    %jit3A_310 = arith.constant 0.000000e+00 : f32
    %broadcast_in_dim3A_311 = vector.shape_cast %and3A_302 : vector<512x1xi1> to vector<512x1xi1>
    %broadcast_in_dim3A_312 = vector.broadcast %broadcast_in_dim3A_311 : vector<512x1xi1> to vector<512x64xi1>
    %broadcast_in_dim3A_313 = vector.broadcast %jit3A_310 : f32 to vector<512x64xf32>
    %select_n3A_314 = arith.select %broadcast_in_dim3A_312, %select_n3A_76, %broadcast_in_dim3A_313 : vector<512x64xi1>, vector<512x64xf32>
    %reduce_sum3A_315 = arith.constant dense<0.000000e+00> : vector<64xf32>
    %reduce_sum3A_316 = vector.multi_reduction <add>, %select_n3A_314, %reduce_sum3A_315 [0] : vector<512x64xf32> to vector<64xf32>
    %convert_element_type3A_317 = arith.extui %and3A_302 : vector<512x1xi1> to vector<512x1xi32>
    %convert_element_type3A_318 = arith.sitofp %convert_element_type3A_317 : vector<512x1xi32> to vector<512x1xf32>
    %reduce_sum3A_319 = arith.constant dense<0.000000e+00> : vector<1xf32>
    %reduce_sum3A_320 = vector.multi_reduction <add>, %convert_element_type3A_318, %reduce_sum3A_319 [0] : vector<512x1xf32> to vector<1xf32>
    %eq3A_321 = arith.constant 11 : i32
    %eq3A_322 = vector.broadcast %eq3A_321 : i32 to vector<512x1xi32>
    %eq3A_323 = arith.cmpi eq, %get3A_4, %eq3A_322 : vector<512x1xi32>
    %and3A_324 = arith.andi %and3A_63, %eq3A_323 : vector<512x1xi1>
    %jit3A_325 = arith.constant 0xFF800000 : f32
    %broadcast_in_dim3A_326 = vector.shape_cast %and3A_324 : vector<512x1xi1> to vector<512x1xi1>
    %broadcast_in_dim3A_327 = vector.broadcast %broadcast_in_dim3A_326 : vector<512x1xi1> to vector<512x64xi1>
    %broadcast_in_dim3A_328 = vector.broadcast %jit3A_325 : f32 to vector<512x64xf32>
    %select_n3A_329 = arith.select %broadcast_in_dim3A_327, %select_n3A_76, %broadcast_in_dim3A_328 : vector<512x64xi1>, vector<512x64xf32>
    %reduce_max3A_330 = arith.constant dense<0xFF800000> : vector<64xf32>
    %reduce_max3A_331 = vector.multi_reduction <maximumf>, %select_n3A_329, %reduce_max3A_330 [0] : vector<512x64xf32> to vector<64xf32>
    %jit3A_332 = arith.constant 0.000000e+00 : f32
    %broadcast_in_dim3A_333 = vector.shape_cast %and3A_324 : vector<512x1xi1> to vector<512x1xi1>
    %broadcast_in_dim3A_334 = vector.broadcast %broadcast_in_dim3A_333 : vector<512x1xi1> to vector<512x64xi1>
    %broadcast_in_dim3A_335 = vector.broadcast %jit3A_332 : f32 to vector<512x64xf32>
    %select_n3A_336 = arith.select %broadcast_in_dim3A_334, %select_n3A_76, %broadcast_in_dim3A_335 : vector<512x64xi1>, vector<512x64xf32>
    %reduce_sum3A_337 = arith.constant dense<0.000000e+00> : vector<64xf32>
    %reduce_sum3A_338 = vector.multi_reduction <add>, %select_n3A_336, %reduce_sum3A_337 [0] : vector<512x64xf32> to vector<64xf32>
    %convert_element_type3A_339 = arith.extui %and3A_324 : vector<512x1xi1> to vector<512x1xi32>
    %convert_element_type3A_340 = arith.sitofp %convert_element_type3A_339 : vector<512x1xi32> to vector<512x1xf32>
    %reduce_sum3A_341 = arith.constant dense<0.000000e+00> : vector<1xf32>
    %reduce_sum3A_342 = vector.multi_reduction <add>, %convert_element_type3A_340, %reduce_sum3A_341 [0] : vector<512x1xf32> to vector<1xf32>
    %eq3A_343 = arith.constant 12 : i32
    %eq3A_344 = vector.broadcast %eq3A_343 : i32 to vector<512x1xi32>
    %eq3A_345 = arith.cmpi eq, %get3A_4, %eq3A_344 : vector<512x1xi32>
    %and3A_346 = arith.andi %and3A_63, %eq3A_345 : vector<512x1xi1>
    %jit3A_347 = arith.constant 0xFF800000 : f32
    %broadcast_in_dim3A_348 = vector.shape_cast %and3A_346 : vector<512x1xi1> to vector<512x1xi1>
    %broadcast_in_dim3A_349 = vector.broadcast %broadcast_in_dim3A_348 : vector<512x1xi1> to vector<512x64xi1>
    %broadcast_in_dim3A_350 = vector.broadcast %jit3A_347 : f32 to vector<512x64xf32>
    %select_n3A_351 = arith.select %broadcast_in_dim3A_349, %select_n3A_76, %broadcast_in_dim3A_350 : vector<512x64xi1>, vector<512x64xf32>
    %reduce_max3A_352 = arith.constant dense<0xFF800000> : vector<64xf32>
    %reduce_max3A_353 = vector.multi_reduction <maximumf>, %select_n3A_351, %reduce_max3A_352 [0] : vector<512x64xf32> to vector<64xf32>
    %jit3A_354 = arith.constant 0.000000e+00 : f32
    %broadcast_in_dim3A_355 = vector.shape_cast %and3A_346 : vector<512x1xi1> to vector<512x1xi1>
    %broadcast_in_dim3A_356 = vector.broadcast %broadcast_in_dim3A_355 : vector<512x1xi1> to vector<512x64xi1>
    %broadcast_in_dim3A_357 = vector.broadcast %jit3A_354 : f32 to vector<512x64xf32>
    %select_n3A_358 = arith.select %broadcast_in_dim3A_356, %select_n3A_76, %broadcast_in_dim3A_357 : vector<512x64xi1>, vector<512x64xf32>
    %reduce_sum3A_359 = arith.constant dense<0.000000e+00> : vector<64xf32>
    %reduce_sum3A_360 = vector.multi_reduction <add>, %select_n3A_358, %reduce_sum3A_359 [0] : vector<512x64xf32> to vector<64xf32>
    %convert_element_type3A_361 = arith.extui %and3A_346 : vector<512x1xi1> to vector<512x1xi32>
    %convert_element_type3A_362 = arith.sitofp %convert_element_type3A_361 : vector<512x1xi32> to vector<512x1xf32>
    %reduce_sum3A_363 = arith.constant dense<0.000000e+00> : vector<1xf32>
    %reduce_sum3A_364 = vector.multi_reduction <add>, %convert_element_type3A_362, %reduce_sum3A_363 [0] : vector<512x1xf32> to vector<1xf32>
    %eq3A_365 = arith.constant 13 : i32
    %eq3A_366 = vector.broadcast %eq3A_365 : i32 to vector<512x1xi32>
    %eq3A_367 = arith.cmpi eq, %get3A_4, %eq3A_366 : vector<512x1xi32>
    %and3A_368 = arith.andi %and3A_63, %eq3A_367 : vector<512x1xi1>
    %jit3A_369 = arith.constant 0xFF800000 : f32
    %broadcast_in_dim3A_370 = vector.shape_cast %and3A_368 : vector<512x1xi1> to vector<512x1xi1>
    %broadcast_in_dim3A_371 = vector.broadcast %broadcast_in_dim3A_370 : vector<512x1xi1> to vector<512x64xi1>
    %broadcast_in_dim3A_372 = vector.broadcast %jit3A_369 : f32 to vector<512x64xf32>
    %select_n3A_373 = arith.select %broadcast_in_dim3A_371, %select_n3A_76, %broadcast_in_dim3A_372 : vector<512x64xi1>, vector<512x64xf32>
    %reduce_max3A_374 = arith.constant dense<0xFF800000> : vector<64xf32>
    %reduce_max3A_375 = vector.multi_reduction <maximumf>, %select_n3A_373, %reduce_max3A_374 [0] : vector<512x64xf32> to vector<64xf32>
    %jit3A_376 = arith.constant 0.000000e+00 : f32
    %broadcast_in_dim3A_377 = vector.shape_cast %and3A_368 : vector<512x1xi1> to vector<512x1xi1>
    %broadcast_in_dim3A_378 = vector.broadcast %broadcast_in_dim3A_377 : vector<512x1xi1> to vector<512x64xi1>
    %broadcast_in_dim3A_379 = vector.broadcast %jit3A_376 : f32 to vector<512x64xf32>
    %select_n3A_380 = arith.select %broadcast_in_dim3A_378, %select_n3A_76, %broadcast_in_dim3A_379 : vector<512x64xi1>, vector<512x64xf32>
    %reduce_sum3A_381 = arith.constant dense<0.000000e+00> : vector<64xf32>
    %reduce_sum3A_382 = vector.multi_reduction <add>, %select_n3A_380, %reduce_sum3A_381 [0] : vector<512x64xf32> to vector<64xf32>
    %convert_element_type3A_383 = arith.extui %and3A_368 : vector<512x1xi1> to vector<512x1xi32>
    %convert_element_type3A_384 = arith.sitofp %convert_element_type3A_383 : vector<512x1xi32> to vector<512x1xf32>
    %reduce_sum3A_385 = arith.constant dense<0.000000e+00> : vector<1xf32>
    %reduce_sum3A_386 = vector.multi_reduction <add>, %convert_element_type3A_384, %reduce_sum3A_385 [0] : vector<512x1xf32> to vector<1xf32>
    %eq3A_387 = arith.constant 14 : i32
    %eq3A_388 = vector.broadcast %eq3A_387 : i32 to vector<512x1xi32>
    %eq3A_389 = arith.cmpi eq, %get3A_4, %eq3A_388 : vector<512x1xi32>
    %and3A_390 = arith.andi %and3A_63, %eq3A_389 : vector<512x1xi1>
    %jit3A_391 = arith.constant 0xFF800000 : f32
    %broadcast_in_dim3A_392 = vector.shape_cast %and3A_390 : vector<512x1xi1> to vector<512x1xi1>
    %broadcast_in_dim3A_393 = vector.broadcast %broadcast_in_dim3A_392 : vector<512x1xi1> to vector<512x64xi1>
    %broadcast_in_dim3A_394 = vector.broadcast %jit3A_391 : f32 to vector<512x64xf32>
    %select_n3A_395 = arith.select %broadcast_in_dim3A_393, %select_n3A_76, %broadcast_in_dim3A_394 : vector<512x64xi1>, vector<512x64xf32>
    %reduce_max3A_396 = arith.constant dense<0xFF800000> : vector<64xf32>
    %reduce_max3A_397 = vector.multi_reduction <maximumf>, %select_n3A_395, %reduce_max3A_396 [0] : vector<512x64xf32> to vector<64xf32>
    %jit3A_398 = arith.constant 0.000000e+00 : f32
    %broadcast_in_dim3A_399 = vector.shape_cast %and3A_390 : vector<512x1xi1> to vector<512x1xi1>
    %broadcast_in_dim3A_400 = vector.broadcast %broadcast_in_dim3A_399 : vector<512x1xi1> to vector<512x64xi1>
    %broadcast_in_dim3A_401 = vector.broadcast %jit3A_398 : f32 to vector<512x64xf32>
    %select_n3A_402 = arith.select %broadcast_in_dim3A_400, %select_n3A_76, %broadcast_in_dim3A_401 : vector<512x64xi1>, vector<512x64xf32>
    %reduce_sum3A_403 = arith.constant dense<0.000000e+00> : vector<64xf32>
    %reduce_sum3A_404 = vector.multi_reduction <add>, %select_n3A_402, %reduce_sum3A_403 [0] : vector<512x64xf32> to vector<64xf32>
    %convert_element_type3A_405 = arith.extui %and3A_390 : vector<512x1xi1> to vector<512x1xi32>
    %convert_element_type3A_406 = arith.sitofp %convert_element_type3A_405 : vector<512x1xi32> to vector<512x1xf32>
    %reduce_sum3A_407 = arith.constant dense<0.000000e+00> : vector<1xf32>
    %reduce_sum3A_408 = vector.multi_reduction <add>, %convert_element_type3A_406, %reduce_sum3A_407 [0] : vector<512x1xf32> to vector<1xf32>
    %eq3A_409 = arith.constant 15 : i32
    %eq3A_410 = vector.broadcast %eq3A_409 : i32 to vector<512x1xi32>
    %eq3A_411 = arith.cmpi eq, %get3A_4, %eq3A_410 : vector<512x1xi32>
    %and3A_412 = arith.andi %and3A_63, %eq3A_411 : vector<512x1xi1>
    %jit3A_413 = arith.constant 0xFF800000 : f32
    %broadcast_in_dim3A_414 = vector.shape_cast %and3A_412 : vector<512x1xi1> to vector<512x1xi1>
    %broadcast_in_dim3A_415 = vector.broadcast %broadcast_in_dim3A_414 : vector<512x1xi1> to vector<512x64xi1>
    %broadcast_in_dim3A_416 = vector.broadcast %jit3A_413 : f32 to vector<512x64xf32>
    %select_n3A_417 = arith.select %broadcast_in_dim3A_415, %select_n3A_76, %broadcast_in_dim3A_416 : vector<512x64xi1>, vector<512x64xf32>
    %reduce_max3A_418 = arith.constant dense<0xFF800000> : vector<64xf32>
    %reduce_max3A_419 = vector.multi_reduction <maximumf>, %select_n3A_417, %reduce_max3A_418 [0] : vector<512x64xf32> to vector<64xf32>
    %jit3A_420 = arith.constant 0.000000e+00 : f32
    %broadcast_in_dim3A_421 = vector.shape_cast %and3A_412 : vector<512x1xi1> to vector<512x1xi1>
    %broadcast_in_dim3A_422 = vector.broadcast %broadcast_in_dim3A_421 : vector<512x1xi1> to vector<512x64xi1>
    %broadcast_in_dim3A_423 = vector.broadcast %jit3A_420 : f32 to vector<512x64xf32>
    %select_n3A_424 = arith.select %broadcast_in_dim3A_422, %select_n3A_76, %broadcast_in_dim3A_423 : vector<512x64xi1>, vector<512x64xf32>
    %reduce_sum3A_425 = arith.constant dense<0.000000e+00> : vector<64xf32>
    %reduce_sum3A_426 = vector.multi_reduction <add>, %select_n3A_424, %reduce_sum3A_425 [0] : vector<512x64xf32> to vector<64xf32>
    %convert_element_type3A_427 = arith.extui %and3A_412 : vector<512x1xi1> to vector<512x1xi32>
    %convert_element_type3A_428 = arith.sitofp %convert_element_type3A_427 : vector<512x1xi32> to vector<512x1xf32>
    %reduce_sum3A_429 = arith.constant dense<0.000000e+00> : vector<1xf32>
    %reduce_sum3A_430 = vector.multi_reduction <add>, %convert_element_type3A_428, %reduce_sum3A_429 [0] : vector<512x1xf32> to vector<1xf32>
    %stack3A = vector.shape_cast %reduce_max3A_90 : vector<64xf32> to vector<1x64xf32>
    %stack3A_431 = vector.shape_cast %reduce_max3A_111 : vector<64xf32> to vector<1x64xf32>
    %stack3A_432 = vector.shape_cast %reduce_max3A_133 : vector<64xf32> to vector<1x64xf32>
    %stack3A_433 = vector.shape_cast %reduce_max3A_155 : vector<64xf32> to vector<1x64xf32>
    %stack3A_434 = vector.shape_cast %reduce_max3A_177 : vector<64xf32> to vector<1x64xf32>
    %stack3A_435 = vector.shape_cast %reduce_max3A_199 : vector<64xf32> to vector<1x64xf32>
    %stack3A_436 = vector.shape_cast %reduce_max3A_221 : vector<64xf32> to vector<1x64xf32>
    %stack3A_437 = vector.shape_cast %reduce_max3A_243 : vector<64xf32> to vector<1x64xf32>
    %stack3A_438 = vector.shape_cast %reduce_max3A_265 : vector<64xf32> to vector<1x64xf32>
    %stack3A_439 = vector.shape_cast %reduce_max3A_287 : vector<64xf32> to vector<1x64xf32>
    %stack3A_440 = vector.shape_cast %reduce_max3A_309 : vector<64xf32> to vector<1x64xf32>
    %stack3A_441 = vector.shape_cast %reduce_max3A_331 : vector<64xf32> to vector<1x64xf32>
    %stack3A_442 = vector.shape_cast %reduce_max3A_353 : vector<64xf32> to vector<1x64xf32>
    %stack3A_443 = vector.shape_cast %reduce_max3A_375 : vector<64xf32> to vector<1x64xf32>
    %stack3A_444 = vector.shape_cast %reduce_max3A_397 : vector<64xf32> to vector<1x64xf32>
    %stack3A_445 = vector.shape_cast %reduce_max3A_419 : vector<64xf32> to vector<1x64xf32>
    %stack3A_446 = tpu.concatenate %stack3A, %stack3A_431, %stack3A_432, %stack3A_433, %stack3A_434, %stack3A_435, %stack3A_436, %stack3A_437, %stack3A_438, %stack3A_439, %stack3A_440, %stack3A_441, %stack3A_442, %stack3A_443, %stack3A_444, %stack3A_445 in 0 : vector<1x64xf32>, vector<1x64xf32>, vector<1x64xf32>, vector<1x64xf32>, vector<1x64xf32>, vector<1x64xf32>, vector<1x64xf32>, vector<1x64xf32>, vector<1x64xf32>, vector<1x64xf32>, vector<1x64xf32>, vector<1x64xf32>, vector<1x64xf32>, vector<1x64xf32>, vector<1x64xf32>, vector<1x64xf32> -> vector<16x64xf32>
    %broadcast_in_dim3A_447 = vector.shape_cast %stack3A_446 : vector<16x64xf32> to vector<1x16x64xf32>
    %swap3A_448 = arith.constant 0 : index
    %swap3A_449 = arith.constant 0 : index
    %swap3A_450 = arith.constant 0 : index
    %swap3A_451 = vector.load %arg12[%swap3A_448, %swap3A_449, %swap3A_450] : memref<1x16x64xf32, #tpu.memory_space<vmem>>, vector<1x16x64xf32>
    tpu.vector_store %arg12[%swap3A_448, %swap3A_449, %swap3A_450], %broadcast_in_dim3A_447 {strides = array<i32>} : memref<1x16x64xf32, #tpu.memory_space<vmem>>, vector<1x16x64xf32>,
    %stack3A_452 = vector.shape_cast %reduce_sum3A_96 : vector<64xf32> to vector<1x64xf32>
    %stack3A_453 = vector.shape_cast %reduce_sum3A_118 : vector<64xf32> to vector<1x64xf32>
    %stack3A_454 = vector.shape_cast %reduce_sum3A_140 : vector<64xf32> to vector<1x64xf32>
    %stack3A_455 = vector.shape_cast %reduce_sum3A_162 : vector<64xf32> to vector<1x64xf32>
    %stack3A_456 = vector.shape_cast %reduce_sum3A_184 : vector<64xf32> to vector<1x64xf32>
    %stack3A_457 = vector.shape_cast %reduce_sum3A_206 : vector<64xf32> to vector<1x64xf32>
    %stack3A_458 = vector.shape_cast %reduce_sum3A_228 : vector<64xf32> to vector<1x64xf32>
    %stack3A_459 = vector.shape_cast %reduce_sum3A_250 : vector<64xf32> to vector<1x64xf32>
    %stack3A_460 = vector.shape_cast %reduce_sum3A_272 : vector<64xf32> to vector<1x64xf32>
    %stack3A_461 = vector.shape_cast %reduce_sum3A_294 : vector<64xf32> to vector<1x64xf32>
    %stack3A_462 = vector.shape_cast %reduce_sum3A_316 : vector<64xf32> to vector<1x64xf32>
    %stack3A_463 = vector.shape_cast %reduce_sum3A_338 : vector<64xf32> to vector<1x64xf32>
    %stack3A_464 = vector.shape_cast %reduce_sum3A_360 : vector<64xf32> to vector<1x64xf32>
    %stack3A_465 = vector.shape_cast %reduce_sum3A_382 : vector<64xf32> to vector<1x64xf32>
    %stack3A_466 = vector.shape_cast %reduce_sum3A_404 : vector<64xf32> to vector<1x64xf32>
    %stack3A_467 = vector.shape_cast %reduce_sum3A_426 : vector<64xf32> to vector<1x64xf32>
    %stack3A_468 = tpu.concatenate %stack3A_452, %stack3A_453, %stack3A_454, %stack3A_455, %stack3A_456, %stack3A_457, %stack3A_458, %stack3A_459, %stack3A_460, %stack3A_461, %stack3A_462, %stack3A_463, %stack3A_464, %stack3A_465, %stack3A_466, %stack3A_467 in 0 : vector<1x64xf32>, vector<1x64xf32>, vector<1x64xf32>, vector<1x64xf32>, vector<1x64xf32>, vector<1x64xf32>, vector<1x64xf32>, vector<1x64xf32>, vector<1x64xf32>, vector<1x64xf32>, vector<1x64xf32>, vector<1x64xf32>, vector<1x64xf32>, vector<1x64xf32>, vector<1x64xf32>, vector<1x64xf32> -> vector<16x64xf32>
    %broadcast_in_dim3A_469 = vector.shape_cast %stack3A_468 : vector<16x64xf32> to vector<1x16x64xf32>
    %swap3A_470 = arith.constant 0 : index
    %swap3A_471 = arith.constant 0 : index
    %swap3A_472 = arith.constant 0 : index
    %swap3A_473 = vector.load %arg13[%swap3A_470, %swap3A_471, %swap3A_472] : memref<1x16x64xf32, #tpu.memory_space<vmem>>, vector<1x16x64xf32>
    tpu.vector_store %arg13[%swap3A_470, %swap3A_471, %swap3A_472], %broadcast_in_dim3A_469 {strides = array<i32>} : memref<1x16x64xf32, #tpu.memory_space<vmem>>, vector<1x16x64xf32>,
    %concatenate3A_474 = tpu.concatenate %reduce_sum3A_100, %reduce_sum3A_122, %reduce_sum3A_144, %reduce_sum3A_166, %reduce_sum3A_188, %reduce_sum3A_210, %reduce_sum3A_232, %reduce_sum3A_254, %reduce_sum3A_276, %reduce_sum3A_298, %reduce_sum3A_320, %reduce_sum3A_342, %reduce_sum3A_364, %reduce_sum3A_386, %reduce_sum3A_408, %reduce_sum3A_430 in 0 : vector<1xf32>, vector<1xf32>, vector<1xf32>, vector<1xf32>, vector<1xf32>, vector<1xf32>, vector<1xf32>, vector<1xf32>, vector<1xf32>, vector<1xf32>, vector<1xf32>, vector<1xf32>, vector<1xf32>, vector<1xf32>, vector<1xf32>, vector<1xf32> -> vector<16xf32>
    %reshape3A = vector.shape_cast %concatenate3A_474 : vector<16xf32> to vector<1x1x16xf32>
    %swap3A_475 = arith.constant 0 : index
    %swap3A_476 = arith.constant 0 : index
    %swap3A_477 = arith.constant 0 : index
    %swap3A_478 = vector.load %arg14[%swap3A_475, %swap3A_476, %swap3A_477] : memref<1x1x16xf32, #tpu.memory_space<vmem>>, vector<1x1x16xf32>
    tpu.vector_store %arg14[%swap3A_475, %swap3A_476, %swap3A_477], %reshape3A {strides = array<i32>} : memref<1x1x16xf32, #tpu.memory_space<vmem>>, vector<1x1x16xf32>,
    return
  }
  func.func @transform_0(%arg0: i32) -> (i32, i32) {
    %c0_i32 = arith.constant 0 : i32
    %c0_i32_0 = arith.constant 0 : i32
    return %arg0, %c0_i32 : i32, i32
  }
  func.func @transform_1(%arg0: i32) -> (i32, i32) {
    %c0_i32 = arith.constant 0 : i32
    %c0_i32_0 = arith.constant 0 : i32
    return %arg0, %c0_i32 : i32, i32
  }
  func.func @transform_2(%arg0: i32) -> (i32, i32) {
    %c0_i32 = arith.constant 0 : i32
    %c0_i32_0 = arith.constant 0 : i32
    return %arg0, %c0_i32 : i32, i32
  }
  func.func @transform_3(%arg0: i32) -> (i32, i32) {
    %c0_i32 = arith.constant 0 : i32
    %c0_i32_0 = arith.constant 0 : i32
    return %arg0, %c0_i32 : i32, i32
  }
  func.func @transform_4(%arg0: i32) -> (i32, i32) {
    %c0_i32 = arith.constant 0 : i32
    %c0_i32_0 = arith.constant 0 : i32
    %c0_i32_1 = arith.constant 0 : i32
    return %c0_i32, %c0_i32_0 : i32, i32
  }
  func.func @transform_5(%arg0: i32) -> (i32, i32) {
    %c0_i32 = arith.constant 0 : i32
    %c0_i32_0 = arith.constant 0 : i32
    %c0_i32_1 = arith.constant 0 : i32
    return %c0_i32, %c0_i32_0 : i32, i32
  }
  func.func @transform_6(%arg0: i32) -> (i32, i32) {
    %c0_i32 = arith.constant 0 : i32
    %c0_i32_0 = arith.constant 0 : i32
    %c0_i32_1 = arith.constant 0 : i32
    return %c0_i32, %c0_i32_0 : i32, i32
  }
  func.func @transform_7(%arg0: i32) -> (i32, i32, i32) {
    %c0_i32 = arith.constant 0 : i32
    %c0_i32_0 = arith.constant 0 : i32
    %c0_i32_1 = arith.constant 0 : i32
    return %arg0, %c0_i32, %c0_i32_0 : i32, i32, i32
  }
  func.func @transform_8(%arg0: i32) -> (i32, i32, i32) {
    %c0_i32 = arith.constant 0 : i32
    %c0_i32_0 = arith.constant 0 : i32
    %c0_i32_1 = arith.constant 0 : i32
    return %arg0, %c0_i32, %c0_i32_0 : i32, i32, i32
  }
  func.func @transform_9(%arg0: i32) -> (i32, i32) {
    %c0_i32 = arith.constant 0 : i32
    %c0_i32_0 = arith.constant 0 : i32
    return %arg0, %c0_i32 : i32, i32
  }
  func.func @transform_10(%arg0: i32) -> (i32, i32) {
    %c0_i32 = arith.constant 0 : i32
    %c0_i32_0 = arith.constant 0 : i32
    return %arg0, %c0_i32 : i32, i32
  }
  func.func @transform_11(%arg0: i32) -> (i32, i32, i32) {
    %c0_i32 = arith.constant 0 : i32
    %c0_i32_0 = arith.constant 0 : i32
    %c0_i32_1 = arith.constant 0 : i32
    return %arg0, %c0_i32, %c0_i32_0 : i32, i32, i32
  }
  func.func @transform_12(%arg0: i32) -> (i32, i32, i32) {
    %c0_i32 = arith.constant 0 : i32
    %c0_i32_0 = arith.constant 0 : i32
    %c0_i32_1 = arith.constant 0 : i32
    return %arg0, %c0_i32, %c0_i32_0 : i32, i32, i32
  }
  func.func @transform_13(%arg0: i32) -> (i32, i32, i32) {
    %c0_i32 = arith.constant 0 : i32
    %c0_i32_0 = arith.constant 0 : i32
    %c0_i32_1 = arith.constant 0 : i32
    return %arg0, %c0_i32, %c0_i32_0 : i32, i32, i32
  }
}

module attributes {stable_mosaic.version = 14 : i64} {
  func.func @body(%arg0: i32, %arg1: memref<256x128xf32, #tpu.memory_space<vmem>>, %arg2: memref<256x128xf32, #tpu.memory_space<vmem>>, %arg3: memref<256x128xf32, #tpu.memory_space<vmem>>, %arg4: memref<128x128xf32, #tpu.memory_space<vmem>>, %arg5: memref<1x128xf32, #tpu.memory_space<vmem>>, %arg6: memref<256x1xf32, #tpu.memory_space<vmem>>, %arg7: memref<256x128xf32, #tpu.memory_space<vmem>>, %arg8: memref<1x1x128xf32, #tpu.memory_space<vmem>>, %arg9: memref<1x1x128xf32, #tpu.memory_space<vmem>>, %arg10: memref<1x1x1xf32, #tpu.memory_space<vmem>>) attributes {dimension_semantics = [#tpu.dimension_semantics<arbitrary>], iteration_bounds = array<i64: 40>, scalar_prefetch = 0 : i64, scratch_operands = 0 : i64, tpu.core_type = #tpu.core_type<tc>, window_params = [{transform_indices = @transform_0, window_bounds = array<i64: 256, 128>}, {transform_indices = @transform_1, window_bounds = array<i64: 256, 128>}, {transform_indices = @transform_2, window_bounds = array<i64: 256, 128>}, {pipeline_mode = #tpu.pipeline_mode<synchronous>, transform_indices = @transform_3, window_bounds = array<i64: 128, 128>}, {pipeline_mode = #tpu.pipeline_mode<synchronous>, transform_indices = @transform_4, window_bounds = array<i64: 1, 128>}, {transform_indices = @transform_5, window_bounds = array<i64: 256, 1>}, {transform_indices = @transform_6, window_bounds = array<i64: 256, 128>}, {transform_indices = @transform_7, window_bounds = array<i64: 1, 1, 128>}, {transform_indices = @transform_8, window_bounds = array<i64: 1, 1, 128>}, {transform_indices = @transform_9, window_bounds = array<i64: 1, 1, 1>}]} {
    %get3A = arith.constant 0 : index
    %get3A_0 = arith.constant 0 : index
    %get3A_1 = vector.load %arg1[%get3A, %get3A_0] : memref<256x128xf32, #tpu.memory_space<vmem>>, vector<256x128xf32>
    %get3A_2 = arith.constant 0 : index
    %get3A_3 = arith.constant 0 : index
    %get3A_4 = vector.load %arg2[%get3A_2, %get3A_3] : memref<256x128xf32, #tpu.memory_space<vmem>>, vector<256x128xf32>
    %add3A = arith.addf %get3A_1, %get3A_4 : vector<256x128xf32>
    %get3A_5 = arith.constant 0 : index
    %get3A_6 = arith.constant 0 : index
    %get3A_7 = vector.load %arg3[%get3A_5, %get3A_6] : memref<256x128xf32, #tpu.memory_space<vmem>>, vector<256x128xf32>
    %add3A_8 = arith.addf %add3A, %get3A_7 : vector<256x128xf32>
    %get3A_9 = arith.constant 0 : index
    %get3A_10 = arith.constant 0 : index
    %get3A_11 = vector.load %arg4[%get3A_9, %get3A_10] : memref<128x128xf32, #tpu.memory_space<vmem>>, vector<128x128xf32>
    %dot_general3A = arith.constant dense<0.000000e+00> : vector<256x128xf32>
    %dot_general3A_12 = tpu.matmul %add3A_8, %get3A_11, %dot_general3A {dimension_numbers = #tpu.dot_dimension_numbers<[1], [0], [0], [1], [0, 0, 1, 1], [], []>, transpose_lhs_hint = false} : vector<256x128xf32>, vector<128x128xf32>, vector<256x128xf32> -> vector<256x128xf32>
    %get3A_13 = arith.constant 0 : index
    %get3A_14 = arith.constant 0 : index
    %get3A_15 = vector.load %arg5[%get3A_13, %get3A_14] : memref<1x128xf32, #tpu.memory_space<vmem>>, vector<1x128xf32>
    %add3A_16 = vector.broadcast %get3A_15 : vector<1x128xf32> to vector<256x128xf32>
    %add3A_17 = arith.addf %dot_general3A_12, %add3A_16 : vector<256x128xf32>
    %swap3A = arith.constant 0 : index
    %swap3A_18 = arith.constant 0 : index
    %swap3A_19 = vector.load %arg7[%swap3A, %swap3A_18] : memref<256x128xf32, #tpu.memory_space<vmem>>, vector<256x128xf32>
    tpu.vector_store %arg7[%swap3A, %swap3A_18], %add3A_17 {strides = array<i32>} : memref<256x128xf32, #tpu.memory_space<vmem>>, vector<256x128xf32>,
    %get3A_20 = arith.constant 0 : index
    %get3A_21 = arith.constant 0 : index
    %get3A_22 = vector.load %arg6[%get3A_20, %get3A_21] : memref<256x1xf32, #tpu.memory_space<vmem>>, vector<256x1xf32>
    %mul3A = vector.broadcast %get3A_22 : vector<256x1xf32> to vector<256x128xf32>
    %mul3A_23 = arith.mulf %add3A_17, %mul3A : vector<256x128xf32>
    %reduce_sum3A = arith.constant dense<0.000000e+00> : vector<128xf32>
    %reduce_sum3A_24 = vector.multi_reduction <add>, %mul3A_23, %reduce_sum3A [0] : vector<256x128xf32> to vector<128xf32>
    %broadcast_in_dim3A = vector.shape_cast %reduce_sum3A_24 : vector<128xf32> to vector<1x128xf32>
    %broadcast_in_dim3A_25 = vector.shape_cast %broadcast_in_dim3A : vector<1x128xf32> to vector<1x1x128xf32>
    %swap3A_26 = arith.constant 0 : index
    %swap3A_27 = arith.constant 0 : index
    %swap3A_28 = arith.constant 0 : index
    %swap3A_29 = vector.load %arg8[%swap3A_26, %swap3A_27, %swap3A_28] : memref<1x1x128xf32, #tpu.memory_space<vmem>>, vector<1x1x128xf32>
    tpu.vector_store %arg8[%swap3A_26, %swap3A_27, %swap3A_28], %broadcast_in_dim3A_25 {strides = array<i32>} : memref<1x1x128xf32, #tpu.memory_space<vmem>>, vector<1x1x128xf32>,
    %mul3A_30 = arith.mulf %add3A_17, %mul3A_23 : vector<256x128xf32>
    %reduce_sum3A_31 = arith.constant dense<0.000000e+00> : vector<128xf32>
    %reduce_sum3A_32 = vector.multi_reduction <add>, %mul3A_30, %reduce_sum3A_31 [0] : vector<256x128xf32> to vector<128xf32>
    %broadcast_in_dim3A_33 = vector.shape_cast %reduce_sum3A_32 : vector<128xf32> to vector<1x128xf32>
    %broadcast_in_dim3A_34 = vector.shape_cast %broadcast_in_dim3A_33 : vector<1x128xf32> to vector<1x1x128xf32>
    %swap3A_35 = arith.constant 0 : index
    %swap3A_36 = arith.constant 0 : index
    %swap3A_37 = arith.constant 0 : index
    %swap3A_38 = vector.load %arg9[%swap3A_35, %swap3A_36, %swap3A_37] : memref<1x1x128xf32, #tpu.memory_space<vmem>>, vector<1x1x128xf32>
    tpu.vector_store %arg9[%swap3A_35, %swap3A_36, %swap3A_37], %broadcast_in_dim3A_34 {strides = array<i32>} : memref<1x1x128xf32, #tpu.memory_space<vmem>>, vector<1x1x128xf32>,
    %reduce_sum3A_39 = arith.constant dense<0.000000e+00> : vector<1xf32>
    %reduce_sum3A_40 = vector.multi_reduction <add>, %get3A_22, %reduce_sum3A_39 [0] : vector<256x1xf32> to vector<1xf32>
    %broadcast_in_dim3A_41 = vector.shape_cast %reduce_sum3A_40 : vector<1xf32> to vector<1x1xf32>
    %broadcast_in_dim3A_42 = vector.shape_cast %broadcast_in_dim3A_41 : vector<1x1xf32> to vector<1x1x1xf32>
    %swap3A_43 = arith.constant 0 : index
    %swap3A_44 = arith.constant 0 : index
    %swap3A_45 = arith.constant 0 : index
    %swap3A_46 = vector.load %arg10[%swap3A_43, %swap3A_44, %swap3A_45] : memref<1x1x1xf32, #tpu.memory_space<vmem>>, vector<1x1x1xf32>
    tpu.vector_store %arg10[%swap3A_43, %swap3A_44, %swap3A_45], %broadcast_in_dim3A_42 {strides = array<i32>} : memref<1x1x1xf32, #tpu.memory_space<vmem>>, vector<1x1x1xf32>,
    return
  }
  func.func @transform_0(%arg0: i32) -> (i32, i32) {
    %c0_i32 = arith.constant 0 : i32
    %c0_i32_0 = arith.constant 0 : i32
    return %arg0, %c0_i32 : i32, i32
  }
  func.func @transform_1(%arg0: i32) -> (i32, i32) {
    %c0_i32 = arith.constant 0 : i32
    %c0_i32_0 = arith.constant 0 : i32
    return %arg0, %c0_i32 : i32, i32
  }
  func.func @transform_2(%arg0: i32) -> (i32, i32) {
    %add3A = arith.constant 40 : i32
    %add3A_0 = arith.addi %arg0, %add3A : i32
    %c0_i32 = arith.constant 0 : i32
    %c0_i32_1 = arith.constant 0 : i32
    return %add3A_0, %c0_i32 : i32, i32
  }
  func.func @transform_3(%arg0: i32) -> (i32, i32) {
    %c0_i32 = arith.constant 0 : i32
    %c0_i32_0 = arith.constant 0 : i32
    %c0_i32_1 = arith.constant 0 : i32
    return %c0_i32, %c0_i32_0 : i32, i32
  }
  func.func @transform_4(%arg0: i32) -> (i32, i32) {
    %c0_i32 = arith.constant 0 : i32
    %c0_i32_0 = arith.constant 0 : i32
    %c0_i32_1 = arith.constant 0 : i32
    return %c0_i32, %c0_i32_0 : i32, i32
  }
  func.func @transform_5(%arg0: i32) -> (i32, i32) {
    %c0_i32 = arith.constant 0 : i32
    %c0_i32_0 = arith.constant 0 : i32
    return %arg0, %c0_i32 : i32, i32
  }
  func.func @transform_6(%arg0: i32) -> (i32, i32) {
    %c0_i32 = arith.constant 0 : i32
    %c0_i32_0 = arith.constant 0 : i32
    return %arg0, %c0_i32 : i32, i32
  }
  func.func @transform_7(%arg0: i32) -> (i32, i32, i32) {
    %c0_i32 = arith.constant 0 : i32
    %c0_i32_0 = arith.constant 0 : i32
    %c0_i32_1 = arith.constant 0 : i32
    return %arg0, %c0_i32, %c0_i32_0 : i32, i32, i32
  }
  func.func @transform_8(%arg0: i32) -> (i32, i32, i32) {
    %c0_i32 = arith.constant 0 : i32
    %c0_i32_0 = arith.constant 0 : i32
    %c0_i32_1 = arith.constant 0 : i32
    return %arg0, %c0_i32, %c0_i32_0 : i32, i32, i32
  }
  func.func @transform_9(%arg0: i32) -> (i32, i32, i32) {
    %c0_i32 = arith.constant 0 : i32
    %c0_i32_0 = arith.constant 0 : i32
    %c0_i32_1 = arith.constant 0 : i32
    return %arg0, %c0_i32, %c0_i32_0 : i32, i32, i32
  }
}

module attributes {stable_mosaic.version = 14 : i64} {
  func.func @body(%arg0: i32, %arg1: memref<256x128xf32, #tpu.memory_space<vmem>>, %arg2: memref<40x1x128xf32, #tpu.memory_space<vmem>>, %arg3: memref<40x1x128xf32, #tpu.memory_space<vmem>>, %arg4: memref<40x1x1xf32, #tpu.memory_space<vmem>>, %arg5: memref<1x128xf32, #tpu.memory_space<vmem>>, %arg6: memref<1x128xf32, #tpu.memory_space<vmem>>, %arg7: memref<128x128xf32, #tpu.memory_space<vmem>>, %arg8: memref<1x128xf32, #tpu.memory_space<vmem>>, %arg9: memref<256x1xf32, #tpu.memory_space<vmem>>, %arg10: memref<256x128xf32, #tpu.memory_space<vmem>>, %arg11: memref<1x1x128xf32, #tpu.memory_space<vmem>>, %arg12: memref<1x1x128xf32, #tpu.memory_space<vmem>>) attributes {dimension_semantics = [#tpu.dimension_semantics<arbitrary>], iteration_bounds = array<i64: 40>, scalar_prefetch = 0 : i64, scratch_operands = 0 : i64, tpu.core_type = #tpu.core_type<tc>, window_params = [{transform_indices = @transform_0, window_bounds = array<i64: 256, 128>}, {pipeline_mode = #tpu.pipeline_mode<synchronous>, transform_indices = @transform_1, window_bounds = array<i64: 40, 1, 128>}, {pipeline_mode = #tpu.pipeline_mode<synchronous>, transform_indices = @transform_2, window_bounds = array<i64: 40, 1, 128>}, {pipeline_mode = #tpu.pipeline_mode<synchronous>, transform_indices = @transform_3, window_bounds = array<i64: 40, 1, 1>}, {pipeline_mode = #tpu.pipeline_mode<synchronous>, transform_indices = @transform_4, window_bounds = array<i64: 1, 128>}, {pipeline_mode = #tpu.pipeline_mode<synchronous>, transform_indices = @transform_5, window_bounds = array<i64: 1, 128>}, {pipeline_mode = #tpu.pipeline_mode<synchronous>, transform_indices = @transform_6, window_bounds = array<i64: 128, 128>}, {pipeline_mode = #tpu.pipeline_mode<synchronous>, transform_indices = @transform_7, window_bounds = array<i64: 1, 128>}, {transform_indices = @transform_8, window_bounds = array<i64: 256, 1>}, {transform_indices = @transform_9, window_bounds = array<i64: 256, 128>}, {transform_indices = @transform_10, window_bounds = array<i64: 1, 1, 128>}, {transform_indices = @transform_11, window_bounds = array<i64: 1, 1, 128>}]} {
    %get3A = arith.constant 0 : index
    %get3A_0 = arith.constant 0 : index
    %get3A_1 = arith.constant 0 : index
    %get3A_2 = vector.load %arg4[%get3A, %get3A_0, %get3A_1] : memref<40x1x1xf32, #tpu.memory_space<vmem>>, vector<40x1x1xf32>
    %reduce_sum3A = vector.shape_cast %get3A_2 : vector<40x1x1xf32> to vector<1x40x1x1xf32>
    %reduce_sum3A_3 = arith.constant dense<0.000000e+00> : vector<1xf32>
    %reduce_sum3A_4 = vector.multi_reduction <add>, %reduce_sum3A, %reduce_sum3A_3 [1, 2, 3] : vector<1x40x1x1xf32> to vector<1xf32>
    %reduce_sum3A_5 = vector.shape_cast %reduce_sum3A_4 : vector<1xf32> to vector<1x1x1x1xf32>
    %reduce_sum3A_6 = vector.extract %reduce_sum3A_5[0, 0, 0, 0] : f32 from vector<1x1x1x1xf32>
    %get3A_7 = arith.constant 0 : index
    %get3A_8 = arith.constant 0 : index
    %get3A_9 = arith.constant 0 : index
    %get3A_10 = vector.load %arg2[%get3A_7, %get3A_8, %get3A_9] : memref<40x1x128xf32, #tpu.memory_space<vmem>>, vector<40x1x128xf32>
    %reduce_sum3A_11 = arith.constant dense<0.000000e+00> : vector<1x128xf32>
    %reduce_sum3A_12 = vector.multi_reduction <add>, %get3A_10, %reduce_sum3A_11 [0] : vector<40x1x128xf32> to vector<1x128xf32>
    %div3A = vector.broadcast %reduce_sum3A_6 : f32 to vector<1x128xf32>
    %div3A_13 = arith.divf %reduce_sum3A_12, %div3A : vector<1x128xf32>
    %get3A_14 = arith.constant 0 : index
    %get3A_15 = arith.constant 0 : index
    %get3A_16 = arith.constant 0 : index
    %get3A_17 = vector.load %arg3[%get3A_14, %get3A_15, %get3A_16] : memref<40x1x128xf32, #tpu.memory_space<vmem>>, vector<40x1x128xf32>
    %reduce_sum3A_18 = arith.constant dense<0.000000e+00> : vector<1x128xf32>
    %reduce_sum3A_19 = vector.multi_reduction <add>, %get3A_17, %reduce_sum3A_18 [0] : vector<40x1x128xf32> to vector<1x128xf32>
    %div3A_20 = vector.broadcast %reduce_sum3A_6 : f32 to vector<1x128xf32>
    %div3A_21 = arith.divf %reduce_sum3A_19, %div3A_20 : vector<1x128xf32>
    %mul3A = arith.mulf %div3A_13, %div3A_13 : vector<1x128xf32>
    %sub3A = arith.subf %div3A_21, %mul3A : vector<1x128xf32>
    %get3A_22 = arith.constant 0 : index
    %get3A_23 = arith.constant 0 : index
    %get3A_24 = vector.load %arg1[%get3A_22, %get3A_23] : memref<256x128xf32, #tpu.memory_space<vmem>>, vector<256x128xf32>
    %get3A_25 = arith.constant 0 : index
    %get3A_26 = arith.constant 0 : index
    %get3A_27 = vector.load %arg5[%get3A_25, %get3A_26] : memref<1x128xf32, #tpu.memory_space<vmem>>, vector<1x128xf32>
    %sub3A_28 = vector.broadcast %div3A_13 : vector<1x128xf32> to vector<256x128xf32>
    %sub3A_29 = arith.subf %get3A_24, %sub3A_28 : vector<256x128xf32>
    %mul3A_30 = vector.broadcast %get3A_27 : vector<1x128xf32> to vector<256x128xf32>
    %mul3A_31 = arith.mulf %mul3A_30, %sub3A_29 : vector<256x128xf32>
    %add3A = arith.constant 9.99999974E-6 : f32
    %add3A_32 = vector.broadcast %add3A : f32 to vector<1x128xf32>
    %add3A_33 = arith.addf %sub3A, %add3A_32 : vector<1x128xf32>
    %sqrt3A = math.sqrt %add3A_33 : vector<1x128xf32>
    %div3A_34 = vector.broadcast %sqrt3A : vector<1x128xf32> to vector<256x128xf32>
    %div3A_35 = arith.divf %mul3A_31, %div3A_34 : vector<256x128xf32>
    %get3A_36 = arith.constant 0 : index
    %get3A_37 = arith.constant 0 : index
    %get3A_38 = vector.load %arg6[%get3A_36, %get3A_37] : memref<1x128xf32, #tpu.memory_space<vmem>>, vector<1x128xf32>
    %add3A_39 = vector.broadcast %get3A_38 : vector<1x128xf32> to vector<256x128xf32>
    %add3A_40 = arith.addf %div3A_35, %add3A_39 : vector<256x128xf32>
    %max3A = arith.constant 0.000000e+00 : f32
    %max3A_41 = vector.broadcast %max3A : f32 to vector<256x128xf32>
    %max3A_42 = arith.maximumf %add3A_40, %max3A_41 : vector<256x128xf32>
    %get3A_43 = arith.constant 0 : index
    %get3A_44 = arith.constant 0 : index
    %get3A_45 = vector.load %arg7[%get3A_43, %get3A_44] : memref<128x128xf32, #tpu.memory_space<vmem>>, vector<128x128xf32>
    %dot_general3A = arith.constant dense<0.000000e+00> : vector<256x128xf32>
    %dot_general3A_46 = tpu.matmul %max3A_42, %get3A_45, %dot_general3A {dimension_numbers = #tpu.dot_dimension_numbers<[1], [0], [0], [1], [0, 0, 1, 1], [], []>, transpose_lhs_hint = false} : vector<256x128xf32>, vector<128x128xf32>, vector<256x128xf32> -> vector<256x128xf32>
    %get3A_47 = arith.constant 0 : index
    %get3A_48 = arith.constant 0 : index
    %get3A_49 = vector.load %arg8[%get3A_47, %get3A_48] : memref<1x128xf32, #tpu.memory_space<vmem>>, vector<1x128xf32>
    %add3A_50 = vector.broadcast %get3A_49 : vector<1x128xf32> to vector<256x128xf32>
    %add3A_51 = arith.addf %dot_general3A_46, %add3A_50 : vector<256x128xf32>
    %swap3A = arith.constant 0 : index
    %swap3A_52 = arith.constant 0 : index
    %swap3A_53 = vector.load %arg10[%swap3A, %swap3A_52] : memref<256x128xf32, #tpu.memory_space<vmem>>, vector<256x128xf32>
    tpu.vector_store %arg10[%swap3A, %swap3A_52], %add3A_51 {strides = array<i32>} : memref<256x128xf32, #tpu.memory_space<vmem>>, vector<256x128xf32>,
    %get3A_54 = arith.constant 0 : index
    %get3A_55 = arith.constant 0 : index
    %get3A_56 = vector.load %arg9[%get3A_54, %get3A_55] : memref<256x1xf32, #tpu.memory_space<vmem>>, vector<256x1xf32>
    %mul3A_57 = vector.broadcast %get3A_56 : vector<256x1xf32> to vector<256x128xf32>
    %mul3A_58 = arith.mulf %add3A_51, %mul3A_57 : vector<256x128xf32>
    %reduce_sum3A_59 = arith.constant dense<0.000000e+00> : vector<128xf32>
    %reduce_sum3A_60 = vector.multi_reduction <add>, %mul3A_58, %reduce_sum3A_59 [0] : vector<256x128xf32> to vector<128xf32>
    %broadcast_in_dim3A = vector.shape_cast %reduce_sum3A_60 : vector<128xf32> to vector<1x128xf32>
    %broadcast_in_dim3A_61 = vector.shape_cast %broadcast_in_dim3A : vector<1x128xf32> to vector<1x1x128xf32>
    %swap3A_62 = arith.constant 0 : index
    %swap3A_63 = arith.constant 0 : index
    %swap3A_64 = arith.constant 0 : index
    %swap3A_65 = vector.load %arg11[%swap3A_62, %swap3A_63, %swap3A_64] : memref<1x1x128xf32, #tpu.memory_space<vmem>>, vector<1x1x128xf32>
    tpu.vector_store %arg11[%swap3A_62, %swap3A_63, %swap3A_64], %broadcast_in_dim3A_61 {strides = array<i32>} : memref<1x1x128xf32, #tpu.memory_space<vmem>>, vector<1x1x128xf32>,
    %mul3A_66 = arith.mulf %add3A_51, %mul3A_58 : vector<256x128xf32>
    %reduce_sum3A_67 = arith.constant dense<0.000000e+00> : vector<128xf32>
    %reduce_sum3A_68 = vector.multi_reduction <add>, %mul3A_66, %reduce_sum3A_67 [0] : vector<256x128xf32> to vector<128xf32>
    %broadcast_in_dim3A_69 = vector.shape_cast %reduce_sum3A_68 : vector<128xf32> to vector<1x128xf32>
    %broadcast_in_dim3A_70 = vector.shape_cast %broadcast_in_dim3A_69 : vector<1x128xf32> to vector<1x1x128xf32>
    %swap3A_71 = arith.constant 0 : index
    %swap3A_72 = arith.constant 0 : index
    %swap3A_73 = arith.constant 0 : index
    %swap3A_74 = vector.load %arg12[%swap3A_71, %swap3A_72, %swap3A_73] : memref<1x1x128xf32, #tpu.memory_space<vmem>>, vector<1x1x128xf32>
    tpu.vector_store %arg12[%swap3A_71, %swap3A_72, %swap3A_73], %broadcast_in_dim3A_70 {strides = array<i32>} : memref<1x1x128xf32, #tpu.memory_space<vmem>>, vector<1x1x128xf32>,
    return
  }
  func.func @transform_0(%arg0: i32) -> (i32, i32) {
    %c0_i32 = arith.constant 0 : i32
    %c0_i32_0 = arith.constant 0 : i32
    return %arg0, %c0_i32 : i32, i32
  }
  func.func @transform_1(%arg0: i32) -> (i32, i32, i32) {
    %c0_i32 = arith.constant 0 : i32
    %c0_i32_0 = arith.constant 0 : i32
    %c0_i32_1 = arith.constant 0 : i32
    %c0_i32_2 = arith.constant 0 : i32
    return %c0_i32, %c0_i32_0, %c0_i32_1 : i32, i32, i32
  }
  func.func @transform_2(%arg0: i32) -> (i32, i32, i32) {
    %c0_i32 = arith.constant 0 : i32
    %c0_i32_0 = arith.constant 0 : i32
    %c0_i32_1 = arith.constant 0 : i32
    %c0_i32_2 = arith.constant 0 : i32
    return %c0_i32, %c0_i32_0, %c0_i32_1 : i32, i32, i32
  }
  func.func @transform_3(%arg0: i32) -> (i32, i32, i32) {
    %c0_i32 = arith.constant 0 : i32
    %c0_i32_0 = arith.constant 0 : i32
    %c0_i32_1 = arith.constant 0 : i32
    %c0_i32_2 = arith.constant 0 : i32
    return %c0_i32, %c0_i32_0, %c0_i32_1 : i32, i32, i32
  }
  func.func @transform_4(%arg0: i32) -> (i32, i32) {
    %c0_i32 = arith.constant 0 : i32
    %c0_i32_0 = arith.constant 0 : i32
    %c0_i32_1 = arith.constant 0 : i32
    return %c0_i32, %c0_i32_0 : i32, i32
  }
  func.func @transform_5(%arg0: i32) -> (i32, i32) {
    %c0_i32 = arith.constant 0 : i32
    %c0_i32_0 = arith.constant 0 : i32
    %c0_i32_1 = arith.constant 0 : i32
    return %c0_i32, %c0_i32_0 : i32, i32
  }
  func.func @transform_6(%arg0: i32) -> (i32, i32) {
    %c0_i32 = arith.constant 0 : i32
    %c0_i32_0 = arith.constant 0 : i32
    %c0_i32_1 = arith.constant 0 : i32
    return %c0_i32, %c0_i32_0 : i32, i32
  }
  func.func @transform_7(%arg0: i32) -> (i32, i32) {
    %c0_i32 = arith.constant 0 : i32
    %c0_i32_0 = arith.constant 0 : i32
    %c0_i32_1 = arith.constant 0 : i32
    return %c0_i32, %c0_i32_0 : i32, i32
  }
  func.func @transform_8(%arg0: i32) -> (i32, i32) {
    %c0_i32 = arith.constant 0 : i32
    %c0_i32_0 = arith.constant 0 : i32
    return %arg0, %c0_i32 : i32, i32
  }
  func.func @transform_9(%arg0: i32) -> (i32, i32) {
    %c0_i32 = arith.constant 0 : i32
    %c0_i32_0 = arith.constant 0 : i32
    return %arg0, %c0_i32 : i32, i32
  }
  func.func @transform_10(%arg0: i32) -> (i32, i32, i32) {
    %c0_i32 = arith.constant 0 : i32
    %c0_i32_0 = arith.constant 0 : i32
    %c0_i32_1 = arith.constant 0 : i32
    return %arg0, %c0_i32, %c0_i32_0 : i32, i32, i32
  }
  func.func @transform_11(%arg0: i32) -> (i32, i32, i32) {
    %c0_i32 = arith.constant 0 : i32
    %c0_i32_0 = arith.constant 0 : i32
    %c0_i32_1 = arith.constant 0 : i32
    return %arg0, %c0_i32, %c0_i32_0 : i32, i32, i32
  }
}

module attributes {stable_mosaic.version = 14 : i64} {
  func.func @body(%arg0: i32, %arg1: memref<256x128xf32, #tpu.memory_space<vmem>>, %arg2: memref<40x1x128xf32, #tpu.memory_space<vmem>>, %arg3: memref<40x1x128xf32, #tpu.memory_space<vmem>>, %arg4: memref<40x1x1xf32, #tpu.memory_space<vmem>>, %arg5: memref<1x128xf32, #tpu.memory_space<vmem>>, %arg6: memref<1x128xf32, #tpu.memory_space<vmem>>, %arg7: memref<1x128xf32, #tpu.memory_space<vmem>>, %arg8: memref<256x128xf32, #tpu.memory_space<vmem>>, %arg9: memref<256x1xf32, #tpu.memory_space<vmem>>) attributes {dimension_semantics = [#tpu.dimension_semantics<arbitrary>], iteration_bounds = array<i64: 40>, scalar_prefetch = 0 : i64, scratch_operands = 0 : i64, tpu.core_type = #tpu.core_type<tc>, window_params = [{transform_indices = @transform_0, window_bounds = array<i64: 256, 128>}, {pipeline_mode = #tpu.pipeline_mode<synchronous>, transform_indices = @transform_1, window_bounds = array<i64: 40, 1, 128>}, {pipeline_mode = #tpu.pipeline_mode<synchronous>, transform_indices = @transform_2, window_bounds = array<i64: 40, 1, 128>}, {pipeline_mode = #tpu.pipeline_mode<synchronous>, transform_indices = @transform_3, window_bounds = array<i64: 40, 1, 1>}, {pipeline_mode = #tpu.pipeline_mode<synchronous>, transform_indices = @transform_4, window_bounds = array<i64: 1, 128>}, {pipeline_mode = #tpu.pipeline_mode<synchronous>, transform_indices = @transform_5, window_bounds = array<i64: 1, 128>}, {pipeline_mode = #tpu.pipeline_mode<synchronous>, transform_indices = @transform_6, window_bounds = array<i64: 1, 128>}, {transform_indices = @transform_7, window_bounds = array<i64: 256, 128>}, {transform_indices = @transform_8, window_bounds = array<i64: 256, 1>}]} {
    %get3A = arith.constant 0 : index
    %get3A_0 = arith.constant 0 : index
    %get3A_1 = arith.constant 0 : index
    %get3A_2 = vector.load %arg4[%get3A, %get3A_0, %get3A_1] : memref<40x1x1xf32, #tpu.memory_space<vmem>>, vector<40x1x1xf32>
    %reduce_sum3A = vector.shape_cast %get3A_2 : vector<40x1x1xf32> to vector<1x40x1x1xf32>
    %reduce_sum3A_3 = arith.constant dense<0.000000e+00> : vector<1xf32>
    %reduce_sum3A_4 = vector.multi_reduction <add>, %reduce_sum3A, %reduce_sum3A_3 [1, 2, 3] : vector<1x40x1x1xf32> to vector<1xf32>
    %reduce_sum3A_5 = vector.shape_cast %reduce_sum3A_4 : vector<1xf32> to vector<1x1x1x1xf32>
    %reduce_sum3A_6 = vector.extract %reduce_sum3A_5[0, 0, 0, 0] : f32 from vector<1x1x1x1xf32>
    %get3A_7 = arith.constant 0 : index
    %get3A_8 = arith.constant 0 : index
    %get3A_9 = arith.constant 0 : index
    %get3A_10 = vector.load %arg2[%get3A_7, %get3A_8, %get3A_9] : memref<40x1x128xf32, #tpu.memory_space<vmem>>, vector<40x1x128xf32>
    %reduce_sum3A_11 = arith.constant dense<0.000000e+00> : vector<1x128xf32>
    %reduce_sum3A_12 = vector.multi_reduction <add>, %get3A_10, %reduce_sum3A_11 [0] : vector<40x1x128xf32> to vector<1x128xf32>
    %div3A = vector.broadcast %reduce_sum3A_6 : f32 to vector<1x128xf32>
    %div3A_13 = arith.divf %reduce_sum3A_12, %div3A : vector<1x128xf32>
    %get3A_14 = arith.constant 0 : index
    %get3A_15 = arith.constant 0 : index
    %get3A_16 = arith.constant 0 : index
    %get3A_17 = vector.load %arg3[%get3A_14, %get3A_15, %get3A_16] : memref<40x1x128xf32, #tpu.memory_space<vmem>>, vector<40x1x128xf32>
    %reduce_sum3A_18 = arith.constant dense<0.000000e+00> : vector<1x128xf32>
    %reduce_sum3A_19 = vector.multi_reduction <add>, %get3A_17, %reduce_sum3A_18 [0] : vector<40x1x128xf32> to vector<1x128xf32>
    %div3A_20 = vector.broadcast %reduce_sum3A_6 : f32 to vector<1x128xf32>
    %div3A_21 = arith.divf %reduce_sum3A_19, %div3A_20 : vector<1x128xf32>
    %mul3A = arith.mulf %div3A_13, %div3A_13 : vector<1x128xf32>
    %sub3A = arith.subf %div3A_21, %mul3A : vector<1x128xf32>
    %get3A_22 = arith.constant 0 : index
    %get3A_23 = arith.constant 0 : index
    %get3A_24 = vector.load %arg1[%get3A_22, %get3A_23] : memref<256x128xf32, #tpu.memory_space<vmem>>, vector<256x128xf32>
    %get3A_25 = arith.constant 0 : index
    %get3A_26 = arith.constant 0 : index
    %get3A_27 = vector.load %arg5[%get3A_25, %get3A_26] : memref<1x128xf32, #tpu.memory_space<vmem>>, vector<1x128xf32>
    %sub3A_28 = vector.broadcast %div3A_13 : vector<1x128xf32> to vector<256x128xf32>
    %sub3A_29 = arith.subf %get3A_24, %sub3A_28 : vector<256x128xf32>
    %mul3A_30 = vector.broadcast %get3A_27 : vector<1x128xf32> to vector<256x128xf32>
    %mul3A_31 = arith.mulf %mul3A_30, %sub3A_29 : vector<256x128xf32>
    %add3A = arith.constant 9.99999974E-6 : f32
    %add3A_32 = vector.broadcast %add3A : f32 to vector<1x128xf32>
    %add3A_33 = arith.addf %sub3A, %add3A_32 : vector<1x128xf32>
    %sqrt3A = math.sqrt %add3A_33 : vector<1x128xf32>
    %div3A_34 = vector.broadcast %sqrt3A : vector<1x128xf32> to vector<256x128xf32>
    %div3A_35 = arith.divf %mul3A_31, %div3A_34 : vector<256x128xf32>
    %get3A_36 = arith.constant 0 : index
    %get3A_37 = arith.constant 0 : index
    %get3A_38 = vector.load %arg6[%get3A_36, %get3A_37] : memref<1x128xf32, #tpu.memory_space<vmem>>, vector<1x128xf32>
    %add3A_39 = vector.broadcast %get3A_38 : vector<1x128xf32> to vector<256x128xf32>
    %add3A_40 = arith.addf %div3A_35, %add3A_39 : vector<256x128xf32>
    %max3A = arith.constant 0.000000e+00 : f32
    %max3A_41 = vector.broadcast %max3A : f32 to vector<256x128xf32>
    %max3A_42 = arith.maximumf %add3A_40, %max3A_41 : vector<256x128xf32>
    %swap3A = arith.constant 0 : index
    %swap3A_43 = arith.constant 0 : index
    %swap3A_44 = vector.load %arg8[%swap3A, %swap3A_43] : memref<256x128xf32, #tpu.memory_space<vmem>>, vector<256x128xf32>
    tpu.vector_store %arg8[%swap3A, %swap3A_43], %max3A_42 {strides = array<i32>} : memref<256x128xf32, #tpu.memory_space<vmem>>, vector<256x128xf32>,
    %get3A_45 = arith.constant 0 : index
    %get3A_46 = arith.constant 0 : index
    %get3A_47 = vector.load %arg7[%get3A_45, %get3A_46] : memref<1x128xf32, #tpu.memory_space<vmem>>, vector<1x128xf32>
    %mul3A_48 = arith.mulf %get3A_47, %get3A_47 : vector<1x128xf32>
    %reduce_sum3A_49 = vector.shape_cast %mul3A_48 : vector<1x128xf32> to vector<1x1x128xf32>
    %reduce_sum3A_50 = arith.constant dense<0.000000e+00> : vector<1xf32>
    %reduce_sum3A_51 = vector.multi_reduction <add>, %reduce_sum3A_49, %reduce_sum3A_50 [1, 2] : vector<1x1x128xf32> to vector<1xf32>
    %reduce_sum3A_52 = vector.shape_cast %reduce_sum3A_51 : vector<1xf32> to vector<1x1x1xf32>
    %reduce_sum3A_53 = vector.extract %reduce_sum3A_52[0, 0, 0] : f32 from vector<1x1x1xf32>
    %sqrt3A_54 = math.sqrt %reduce_sum3A_53 : f32
    %reshape3A = vector.shape_cast %get3A_47 : vector<1x128xf32> to vector<128x1xf32>
    %dot_general3A = arith.constant dense<0.000000e+00> : vector<256x1xf32>
    %dot_general3A_55 = tpu.matmul %max3A_42, %reshape3A, %dot_general3A {dimension_numbers = #tpu.dot_dimension_numbers<[1], [0], [0], [1], [0, 0, 1, 1], [], []>, transpose_lhs_hint = false} : vector<256x128xf32>, vector<128x1xf32>, vector<256x1xf32> -> vector<256x1xf32>
    %div3A_56 = vector.broadcast %sqrt3A_54 : f32 to vector<256x1xf32>
    %div3A_57 = arith.divf %dot_general3A_55, %div3A_56 : vector<256x1xf32>
    %tanh3A = math.tanh %div3A_57 : vector<256x1xf32>
    %swap3A_58 = arith.constant 0 : index
    %swap3A_59 = arith.constant 0 : index
    %swap3A_60 = vector.load %arg9[%swap3A_58, %swap3A_59] : memref<256x1xf32, #tpu.memory_space<vmem>>, vector<256x1xf32>
    tpu.vector_store %arg9[%swap3A_58, %swap3A_59], %tanh3A {strides = array<i32>} : memref<256x1xf32, #tpu.memory_space<vmem>>, vector<256x1xf32>,
    return
  }
  func.func @transform_0(%arg0: i32) -> (i32, i32) {
    %c0_i32 = arith.constant 0 : i32
    %c0_i32_0 = arith.constant 0 : i32
    return %arg0, %c0_i32 : i32, i32
  }
  func.func @transform_1(%arg0: i32) -> (i32, i32, i32) {
    %c0_i32 = arith.constant 0 : i32
    %c0_i32_0 = arith.constant 0 : i32
    %c0_i32_1 = arith.constant 0 : i32
    %c0_i32_2 = arith.constant 0 : i32
    return %c0_i32, %c0_i32_0, %c0_i32_1 : i32, i32, i32
  }
  func.func @transform_2(%arg0: i32) -> (i32, i32, i32) {
    %c0_i32 = arith.constant 0 : i32
    %c0_i32_0 = arith.constant 0 : i32
    %c0_i32_1 = arith.constant 0 : i32
    %c0_i32_2 = arith.constant 0 : i32
    return %c0_i32, %c0_i32_0, %c0_i32_1 : i32, i32, i32
  }
  func.func @transform_3(%arg0: i32) -> (i32, i32, i32) {
    %c0_i32 = arith.constant 0 : i32
    %c0_i32_0 = arith.constant 0 : i32
    %c0_i32_1 = arith.constant 0 : i32
    %c0_i32_2 = arith.constant 0 : i32
    return %c0_i32, %c0_i32_0, %c0_i32_1 : i32, i32, i32
  }
  func.func @transform_4(%arg0: i32) -> (i32, i32) {
    %c0_i32 = arith.constant 0 : i32
    %c0_i32_0 = arith.constant 0 : i32
    %c0_i32_1 = arith.constant 0 : i32
    return %c0_i32, %c0_i32_0 : i32, i32
  }
  func.func @transform_5(%arg0: i32) -> (i32, i32) {
    %c0_i32 = arith.constant 0 : i32
    %c0_i32_0 = arith.constant 0 : i32
    %c0_i32_1 = arith.constant 0 : i32
    return %c0_i32, %c0_i32_0 : i32, i32
  }
  func.func @transform_6(%arg0: i32) -> (i32, i32) {
    %c0_i32 = arith.constant 0 : i32
    %c0_i32_0 = arith.constant 0 : i32
    %c0_i32_1 = arith.constant 0 : i32
    return %c0_i32, %c0_i32_0 : i32, i32
  }
  func.func @transform_7(%arg0: i32) -> (i32, i32) {
    %c0_i32 = arith.constant 0 : i32
    %c0_i32_0 = arith.constant 0 : i32
    return %arg0, %c0_i32 : i32, i32
  }
  func.func @transform_8(%arg0: i32) -> (i32, i32) {
    %c0_i32 = arith.constant 0 : i32
    %c0_i32_0 = arith.constant 0 : i32
    return %arg0, %c0_i32 : i32, i32
  }
}

module attributes {stable_mosaic.version = 14 : i64} {
  func.func @body(%arg0: i32, %arg1: memref<512x128xf32, #tpu.memory_space<vmem>>, %arg2: memref<512x1xf32, #tpu.memory_space<vmem>>, %arg3: memref<512x1xi32, #tpu.memory_space<vmem>>, %arg4: memref<512x1xf32, #tpu.memory_space<vmem>>, %arg5: memref<1x10240xf32, #tpu.memory_space<vmem>>, %arg6: memref<1x10240xi32, #tpu.memory_space<vmem>>, %arg7: memref<1x10240xf32, #tpu.memory_space<vmem>>, %arg8: memref<1x1x1xi32, #tpu.memory_space<vmem>>, %arg9: memref<1x1x1xi32, #tpu.memory_space<vmem>>, %arg10: memref<512x1xf32, #tpu.memory_space<vmem>>, %arg11: memref<512x128xf32, #tpu.memory_space<vmem>>, %arg12: memref<1x16x128xf32, #tpu.memory_space<vmem>>, %arg13: memref<1x16x128xf32, #tpu.memory_space<vmem>>, %arg14: memref<1x1x16xf32, #tpu.memory_space<vmem>>) attributes {dimension_semantics = [#tpu.dimension_semantics<arbitrary>], iteration_bounds = array<i64: 20>, scalar_prefetch = 0 : i64, scratch_operands = 0 : i64, tpu.core_type = #tpu.core_type<tc>, window_params = [{transform_indices = @transform_0, window_bounds = array<i64: 512, 128>}, {transform_indices = @transform_1, window_bounds = array<i64: 512, 1>}, {transform_indices = @transform_2, window_bounds = array<i64: 512, 1>}, {transform_indices = @transform_3, window_bounds = array<i64: 512, 1>}, {pipeline_mode = #tpu.pipeline_mode<synchronous>, transform_indices = @transform_4, window_bounds = array<i64: 1, 10240>}, {pipeline_mode = #tpu.pipeline_mode<synchronous>, transform_indices = @transform_5, window_bounds = array<i64: 1, 10240>}, {pipeline_mode = #tpu.pipeline_mode<synchronous>, transform_indices = @transform_6, window_bounds = array<i64: 1, 10240>}, {transform_indices = @transform_7, window_bounds = array<i64: 1, 1, 1>}, {transform_indices = @transform_8, window_bounds = array<i64: 1, 1, 1>}, {transform_indices = @transform_9, window_bounds = array<i64: 512, 1>}, {transform_indices = @transform_10, window_bounds = array<i64: 512, 128>}, {transform_indices = @transform_11, window_bounds = array<i64: 1, 16, 128>}, {transform_indices = @transform_12, window_bounds = array<i64: 1, 16, 128>}, {transform_indices = @transform_13, window_bounds = array<i64: 1, 1, 16>}]} {
    %get3A = arith.constant 0 : index
    %get3A_0 = arith.constant 0 : index
    %get3A_1 = vector.load %arg2[%get3A, %get3A_0] : memref<512x1xf32, #tpu.memory_space<vmem>>, vector<512x1xf32>
    %get3A_2 = arith.constant 0 : index
    %get3A_3 = arith.constant 0 : index
    %get3A_4 = vector.load %arg3[%get3A_2, %get3A_3] : memref<512x1xi32, #tpu.memory_space<vmem>>, vector<512x1xi32>
    %get3A_5 = arith.constant 0 : index
    %get3A_6 = arith.constant 0 : index
    %get3A_7 = vector.load %arg4[%get3A_5, %get3A_6] : memref<512x1xf32, #tpu.memory_space<vmem>>, vector<512x1xf32>
    %mul3A = arith.constant 512 : i32
    %mul3A_8 = arith.muli %arg0, %mul3A : i32
    %iota3A = tpu.iota {dimensions = array<i32: 0>} : vector<512x1xi32>
    %add3A = vector.broadcast %mul3A_8 : i32 to vector<512x1xi32>
    %add3A_9 = arith.addi %add3A, %iota3A : vector<512x1xi32>
    %get3A_10 = arith.constant 0 : index
    %get3A_11 = arith.constant 0 : index
    %get3A_12 = arith.constant 0 : index
    %get3A_13 = vector.load %arg8[%get3A_10, %get3A_11, %get3A_12] : memref<1x1x1xi32, #tpu.memory_space<vmem>>, vector<1x1x1xi32>
    %get3A_14 = vector.extract %get3A_13[0, 0, 0] : i32 from vector<1x1x1xi32>
    %get3A_15 = arith.constant 0 : index
    %get3A_16 = arith.constant 0 : index
    %get3A_17 = arith.constant 0 : index
    %get3A_18 = vector.load %arg9[%get3A_15, %get3A_16, %get3A_17] : memref<1x1x1xi32, #tpu.memory_space<vmem>>, vector<1x1x1xi32>
    %get3A_19 = vector.extract %get3A_18[0, 0, 0] : i32 from vector<1x1x1xi32>
    %broadcast_in_dim3A = arith.constant 0 : i32
    %broadcast_in_dim3A_20 = vector.broadcast %broadcast_in_dim3A : i32 to vector<512x1xi32>
    %broadcast_in_dim3A_21 = arith.constant 0 : i32
    %broadcast_in_dim3A_22 = vector.broadcast %broadcast_in_dim3A_21 : i32 to vector<512x1xi32>
    %while3A = arith.subi %get3A_19, %get3A_14 : i32
    %while3A_23 = arith.addi %get3A_14, %while3A : i32
    %while3A_24 = arith.constant 1 : i32
    %while3A_25 = arith.divsi %while3A, %while3A_24 : i32
    %while3A_26 = arith.muli %while3A_25, %while3A_24 : i32
    %while3A_27 = arith.addi %get3A_14, %while3A_26 : i32
    %while3A_28 = arith.constant 1 : i32
    %while3A_29:2 = scf.for %while3A_476 = %get3A_14 to %while3A_27 step %while3A_28 iter_args(%while3A_477 = %broadcast_in_dim3A_20, %while3A_478 = %broadcast_in_dim3A_22) -> (vector<512x1xi32>, vector<512x1xi32>)  : i32 {
      %mul3A_479 = arith.constant 512 : i32
      %mul3A_480 = arith.muli %while3A_476, %mul3A_479 : i32
      %get3A_481 = arith.constant 0 : index
      %get3A_482 = arith.index_cast %mul3A_480 : i32 to index
      %get3A_483 = vector.load %arg5[%get3A_481, %get3A_482] : memref<1x10240xf32, #tpu.memory_space<vmem>>, vector<1x512xf32>
      %mul3A_484 = arith.constant 512 : i32
      %mul3A_485 = arith.muli %while3A_476, %mul3A_484 : i32
      %get3A_486 = arith.constant 0 : index
      %get3A_487 = arith.index_cast %mul3A_485 : i32 to index
      %get3A_488 = vector.load %arg6[%get3A_486, %get3A_487] : memref<1x10240xi32, #tpu.memory_space<vmem>>, vector<1x512xi32>
      %mul3A_489 = arith.constant 512 : i32
      %mul3A_490 = arith.muli %while3A_476, %mul3A_489 : i32
      %get3A_491 = arith.constant 0 : index
      %get3A_492 = arith.index_cast %mul3A_490 : i32 to index
      %get3A_493 = vector.load %arg7[%get3A_491, %get3A_492] : memref<1x10240xf32, #tpu.memory_space<vmem>>, vector<1x512xf32>
      %mul3A_494 = arith.constant 512 : i32
      %mul3A_495 = arith.muli %while3A_476, %mul3A_494 : i32
      %iota3A_496 = tpu.iota {dimensions = array<i32: 1>} : vector<1x512xi32>
      %add3A_497 = vector.broadcast %mul3A_495 : i32 to vector<1x512xi32>
      %add3A_498 = arith.addi %add3A_497, %iota3A_496 : vector<1x512xi32>
      %eq3A_499 = vector.broadcast %get3A_488 : vector<1x512xi32> to vector<512x512xi32>
      %eq3A_500 = vector.broadcast %get3A_4 : vector<512x1xi32> to vector<512x512xi32>
      %eq3A_501 = arith.cmpi eq, %eq3A_499, %eq3A_500 : vector<512x512xi32>
      %gt3A_502 = arith.constant 0.000000e+00 : f32
      %gt3A_503 = vector.broadcast %gt3A_502 : f32 to vector<1x512xf32>
      %gt3A_504 = arith.cmpf ogt, %get3A_493, %gt3A_503 : vector<1x512xf32>
      %and3A_505 = vector.broadcast %gt3A_504 : vector<1x512xi1> to vector<512x512xi1>
      %and3A_506 = arith.andi %eq3A_501, %and3A_505 : vector<512x512xi1>
      %gt3A_507 = vector.broadcast %get3A_483 : vector<1x512xf32> to vector<512x512xf32>
      %gt3A_508 = vector.broadcast %get3A_1 : vector<512x1xf32> to vector<512x512xf32>
      %gt3A_509 = arith.cmpf ogt, %gt3A_507, %gt3A_508 : vector<512x512xf32>
      %eq3A_510 = vector.broadcast %get3A_483 : vector<1x512xf32> to vector<512x512xf32>
      %eq3A_511 = vector.broadcast %get3A_1 : vector<512x1xf32> to vector<512x512xf32>
      %eq3A_512 = arith.cmpf oeq, %eq3A_510, %eq3A_511 : vector<512x512xf32>
      %lt3A_513 = vector.broadcast %add3A_498 : vector<1x512xi32> to vector<512x512xi32>
      %lt3A_514 = vector.broadcast %add3A_9 : vector<512x1xi32> to vector<512x512xi32>
      %lt3A_515 = arith.cmpi slt, %lt3A_513, %lt3A_514 : vector<512x512xi32>
      %and3A_516 = arith.andi %eq3A_512, %lt3A_515 : vector<512x512xi1>
      %or3A = arith.ori %gt3A_509, %and3A_516 : vector<512x512xi1>
      %and3A_517 = arith.andi %and3A_506, %or3A : vector<512x512xi1>
      %convert_element_type3A_518 = arith.extui %and3A_517 : vector<512x512xi1> to vector<512x512xi32>
      %reduce_sum3A_519 = arith.constant dense<0> : vector<512xi32>
      %reduce_sum3A_520 = vector.multi_reduction <add>, %convert_element_type3A_518, %reduce_sum3A_519 [1] : vector<512x512xi32> to vector<512xi32>
      %broadcast_in_dim3A_521 = vector.shape_cast %reduce_sum3A_520 : vector<512xi32> to vector<512x1xi32>
      %add3A_522 = arith.addi %while3A_477, %broadcast_in_dim3A_521 : vector<512x1xi32>
      %convert_element_type3A_523 = arith.extui %and3A_506 : vector<512x512xi1> to vector<512x512xi32>
      %reduce_sum3A_524 = arith.constant dense<0> : vector<512xi32>
      %reduce_sum3A_525 = vector.multi_reduction <add>, %convert_element_type3A_523, %reduce_sum3A_524 [1] : vector<512x512xi32> to vector<512xi32>
      %broadcast_in_dim3A_526 = vector.shape_cast %reduce_sum3A_525 : vector<512xi32> to vector<512x1xi32>
      %add3A_527 = arith.addi %while3A_478, %broadcast_in_dim3A_526 : vector<512x1xi32>
      scf.yield %add3A_522, %add3A_527 : vector<512x1xi32>, vector<512x1xi32>
    }
    %while3A_30 = arith.constant 1 : i32
    %while3A_31:2 = scf.for %while3A_476 = %while3A_27 to %while3A_23 step %while3A_30 iter_args(%while3A_477 = %while3A_29#0, %while3A_478 = %while3A_29#1) -> (vector<512x1xi32>, vector<512x1xi32>)  : i32 {
      %mul3A_479 = arith.constant 512 : i32
      %mul3A_480 = arith.muli %while3A_476, %mul3A_479 : i32
      %get3A_481 = arith.constant 0 : index
      %get3A_482 = arith.index_cast %mul3A_480 : i32 to index
      %get3A_483 = vector.load %arg5[%get3A_481, %get3A_482] : memref<1x10240xf32, #tpu.memory_space<vmem>>, vector<1x512xf32>
      %mul3A_484 = arith.constant 512 : i32
      %mul3A_485 = arith.muli %while3A_476, %mul3A_484 : i32
      %get3A_486 = arith.constant 0 : index
      %get3A_487 = arith.index_cast %mul3A_485 : i32 to index
      %get3A_488 = vector.load %arg6[%get3A_486, %get3A_487] : memref<1x10240xi32, #tpu.memory_space<vmem>>, vector<1x512xi32>
      %mul3A_489 = arith.constant 512 : i32
      %mul3A_490 = arith.muli %while3A_476, %mul3A_489 : i32
      %get3A_491 = arith.constant 0 : index
      %get3A_492 = arith.index_cast %mul3A_490 : i32 to index
      %get3A_493 = vector.load %arg7[%get3A_491, %get3A_492] : memref<1x10240xf32, #tpu.memory_space<vmem>>, vector<1x512xf32>
      %mul3A_494 = arith.constant 512 : i32
      %mul3A_495 = arith.muli %while3A_476, %mul3A_494 : i32
      %iota3A_496 = tpu.iota {dimensions = array<i32: 1>} : vector<1x512xi32>
      %add3A_497 = vector.broadcast %mul3A_495 : i32 to vector<1x512xi32>
      %add3A_498 = arith.addi %add3A_497, %iota3A_496 : vector<1x512xi32>
      %eq3A_499 = vector.broadcast %get3A_488 : vector<1x512xi32> to vector<512x512xi32>
      %eq3A_500 = vector.broadcast %get3A_4 : vector<512x1xi32> to vector<512x512xi32>
      %eq3A_501 = arith.cmpi eq, %eq3A_499, %eq3A_500 : vector<512x512xi32>
      %gt3A_502 = arith.constant 0.000000e+00 : f32
      %gt3A_503 = vector.broadcast %gt3A_502 : f32 to vector<1x512xf32>
      %gt3A_504 = arith.cmpf ogt, %get3A_493, %gt3A_503 : vector<1x512xf32>
      %and3A_505 = vector.broadcast %gt3A_504 : vector<1x512xi1> to vector<512x512xi1>
      %and3A_506 = arith.andi %eq3A_501, %and3A_505 : vector<512x512xi1>
      %gt3A_507 = vector.broadcast %get3A_483 : vector<1x512xf32> to vector<512x512xf32>
      %gt3A_508 = vector.broadcast %get3A_1 : vector<512x1xf32> to vector<512x512xf32>
      %gt3A_509 = arith.cmpf ogt, %gt3A_507, %gt3A_508 : vector<512x512xf32>
      %eq3A_510 = vector.broadcast %get3A_483 : vector<1x512xf32> to vector<512x512xf32>
      %eq3A_511 = vector.broadcast %get3A_1 : vector<512x1xf32> to vector<512x512xf32>
      %eq3A_512 = arith.cmpf oeq, %eq3A_510, %eq3A_511 : vector<512x512xf32>
      %lt3A_513 = vector.broadcast %add3A_498 : vector<1x512xi32> to vector<512x512xi32>
      %lt3A_514 = vector.broadcast %add3A_9 : vector<512x1xi32> to vector<512x512xi32>
      %lt3A_515 = arith.cmpi slt, %lt3A_513, %lt3A_514 : vector<512x512xi32>
      %and3A_516 = arith.andi %eq3A_512, %lt3A_515 : vector<512x512xi1>
      %or3A = arith.ori %gt3A_509, %and3A_516 : vector<512x512xi1>
      %and3A_517 = arith.andi %and3A_506, %or3A : vector<512x512xi1>
      %convert_element_type3A_518 = arith.extui %and3A_517 : vector<512x512xi1> to vector<512x512xi32>
      %reduce_sum3A_519 = arith.constant dense<0> : vector<512xi32>
      %reduce_sum3A_520 = vector.multi_reduction <add>, %convert_element_type3A_518, %reduce_sum3A_519 [1] : vector<512x512xi32> to vector<512xi32>
      %broadcast_in_dim3A_521 = vector.shape_cast %reduce_sum3A_520 : vector<512xi32> to vector<512x1xi32>
      %add3A_522 = arith.addi %while3A_477, %broadcast_in_dim3A_521 : vector<512x1xi32>
      %convert_element_type3A_523 = arith.extui %and3A_506 : vector<512x512xi1> to vector<512x512xi32>
      %reduce_sum3A_524 = arith.constant dense<0> : vector<512xi32>
      %reduce_sum3A_525 = vector.multi_reduction <add>, %convert_element_type3A_523, %reduce_sum3A_524 [1] : vector<512x512xi32> to vector<512xi32>
      %broadcast_in_dim3A_526 = vector.shape_cast %reduce_sum3A_525 : vector<512xi32> to vector<512x1xi32>
      %add3A_527 = arith.addi %while3A_478, %broadcast_in_dim3A_526 : vector<512x1xi32>
      scf.yield %add3A_522, %add3A_527 : vector<512x1xi32>, vector<512x1xi32>
    }
    %mul3A_32 = arith.constant 4 : i32
    %mul3A_33 = vector.broadcast %mul3A_32 : i32 to vector<512x1xi32>
    %mul3A_34 = arith.muli %mul3A_33, %while3A_31#1 : vector<512x1xi32>
    %add3A_35 = arith.constant 4 : i32
    %add3A_36 = vector.broadcast %add3A_35 : i32 to vector<512x1xi32>
    %add3A_37 = arith.addi %mul3A_34, %add3A_36 : vector<512x1xi32>
    %jit3A = arith.constant 5 : i32
    %div3A = vector.broadcast %jit3A : i32 to vector<512x1xi32>
    %div3A_38 = arith.divsi %add3A_37, %div3A : vector<512x1xi32>
    %sign3A = arith.constant 0 : i32
    %sign3A_39 = vector.broadcast %sign3A : i32 to vector<512x1xi32>
    %sign3A_40 = arith.cmpi sgt, %add3A_37, %sign3A_39 : vector<512x1xi32>
    %sign3A_41 = arith.extui %sign3A_40 : vector<512x1xi1> to vector<512x1xi32>
    %sign3A_42 = arith.constant 0 : i32
    %sign3A_43 = vector.broadcast %sign3A_42 : i32 to vector<512x1xi32>
    %sign3A_44 = arith.cmpi slt, %add3A_37, %sign3A_43 : vector<512x1xi32>
    %sign3A_45 = arith.extui %sign3A_44 : vector<512x1xi1> to vector<512x1xi32>
    %sign3A_46 = arith.subi %sign3A_41, %sign3A_45 : vector<512x1xi32>
    %sign3A_47 = arith.constant 0 : i32
    %sign3A_48 = arith.cmpi sgt, %jit3A, %sign3A_47 : i32
    %sign3A_49 = arith.extui %sign3A_48 : i1 to i32
    %sign3A_50 = arith.constant 0 : i32
    %sign3A_51 = arith.cmpi slt, %jit3A, %sign3A_50 : i32
    %sign3A_52 = arith.extui %sign3A_51 : i1 to i32
    %sign3A_53 = arith.subi %sign3A_49, %sign3A_52 : i32
    %ne3A = vector.broadcast %sign3A_53 : i32 to vector<512x1xi32>
    %ne3A_54 = arith.cmpi ne, %sign3A_46, %ne3A : vector<512x1xi32>
    %rem3A = vector.broadcast %jit3A : i32 to vector<512x1xi32>
    %rem3A_55 = arith.remsi %add3A_37, %rem3A : vector<512x1xi32>
    %ne3A_56 = arith.constant 0 : i32
    %ne3A_57 = vector.broadcast %ne3A_56 : i32 to vector<512x1xi32>
    %ne3A_58 = arith.cmpi ne, %rem3A_55, %ne3A_57 : vector<512x1xi32>
    %and3A = arith.andi %ne3A_54, %ne3A_58 : vector<512x1xi1>
    %sub3A = arith.constant 1 : i32
    %sub3A_59 = vector.broadcast %sub3A : i32 to vector<512x1xi32>
    %sub3A_60 = arith.subi %div3A_38, %sub3A_59 : vector<512x1xi32>
    %select_n3A = arith.select %and3A, %sub3A_60, %div3A_38 : vector<512x1xi1>, vector<512x1xi32>
    %gt3A = arith.constant 0.000000e+00 : f32
    %gt3A_61 = vector.broadcast %gt3A : f32 to vector<512x1xf32>
    %gt3A_62 = arith.cmpf ogt, %get3A_7, %gt3A_61 : vector<512x1xf32>
    %lt3A = arith.cmpi slt, %while3A_31#0, %select_n3A : vector<512x1xi32>
    %and3A_63 = arith.andi %gt3A_62, %lt3A : vector<512x1xi1>
    %convert_element_type3A = arith.extui %and3A_63 : vector<512x1xi1> to vector<512x1xi32>
    %convert_element_type3A_64 = arith.sitofp %convert_element_type3A : vector<512x1xi32> to vector<512x1xf32>
    %swap3A = arith.constant 0 : index
    %swap3A_65 = arith.constant 0 : index
    %swap3A_66 = vector.load %arg10[%swap3A, %swap3A_65] : memref<512x1xf32, #tpu.memory_space<vmem>>, vector<512x1xf32>
    tpu.vector_store %arg10[%swap3A, %swap3A_65], %convert_element_type3A_64 {strides = array<i32>} : memref<512x1xf32, #tpu.memory_space<vmem>>, vector<512x1xf32>,
    %get3A_67 = arith.constant 0 : index
    %get3A_68 = arith.constant 0 : index
    %get3A_69 = vector.load %arg1[%get3A_67, %get3A_68] : memref<512x128xf32, #tpu.memory_space<vmem>>, vector<512x128xf32>
    %mul3A_70 = vector.broadcast %get3A_1 : vector<512x1xf32> to vector<512x128xf32>
    %mul3A_71 = arith.mulf %get3A_69, %mul3A_70 : vector<512x128xf32>
    %jit3A_72 = arith.constant 0.000000e+00 : f32
    %broadcast_in_dim3A_73 = vector.shape_cast %and3A_63 : vector<512x1xi1> to vector<512x1xi1>
    %broadcast_in_dim3A_74 = vector.broadcast %broadcast_in_dim3A_73 : vector<512x1xi1> to vector<512x128xi1>
    %broadcast_in_dim3A_75 = vector.broadcast %jit3A_72 : f32 to vector<512x128xf32>
    %select_n3A_76 = arith.select %broadcast_in_dim3A_74, %mul3A_71, %broadcast_in_dim3A_75 : vector<512x128xi1>, vector<512x128xf32>
    %swap3A_77 = arith.constant 0 : index
    %swap3A_78 = arith.constant 0 : index
    %swap3A_79 = vector.load %arg11[%swap3A_77, %swap3A_78] : memref<512x128xf32, #tpu.memory_space<vmem>>, vector<512x128xf32>
    tpu.vector_store %arg11[%swap3A_77, %swap3A_78], %select_n3A_76 {strides = array<i32>} : memref<512x128xf32, #tpu.memory_space<vmem>>, vector<512x128xf32>,
    %eq3A = arith.constant 0 : i32
    %eq3A_80 = vector.broadcast %eq3A : i32 to vector<512x1xi32>
    %eq3A_81 = arith.cmpi eq, %get3A_4, %eq3A_80 : vector<512x1xi32>
    %and3A_82 = arith.andi %and3A_63, %eq3A_81 : vector<512x1xi1>
    %jit3A_83 = arith.constant 0xFF800000 : f32
    %broadcast_in_dim3A_84 = vector.shape_cast %and3A_82 : vector<512x1xi1> to vector<512x1xi1>
    %broadcast_in_dim3A_85 = vector.broadcast %broadcast_in_dim3A_84 : vector<512x1xi1> to vector<512x128xi1>
    %broadcast_in_dim3A_86 = vector.broadcast %jit3A_83 : f32 to vector<512x128xf32>
    %select_n3A_87 = arith.select %broadcast_in_dim3A_85, %select_n3A_76, %broadcast_in_dim3A_86 : vector<512x128xi1>, vector<512x128xf32>
    %reduce_max3A = arith.constant dense<0xFF800000> : vector<128xf32>
    %reduce_max3A_88 = vector.multi_reduction <maximumf>, %select_n3A_87, %reduce_max3A [0] : vector<512x128xf32> to vector<128xf32>
    %jit3A_89 = arith.constant 0.000000e+00 : f32
    %broadcast_in_dim3A_90 = vector.shape_cast %and3A_82 : vector<512x1xi1> to vector<512x1xi1>
    %broadcast_in_dim3A_91 = vector.broadcast %broadcast_in_dim3A_90 : vector<512x1xi1> to vector<512x128xi1>
    %broadcast_in_dim3A_92 = vector.broadcast %jit3A_89 : f32 to vector<512x128xf32>
    %select_n3A_93 = arith.select %broadcast_in_dim3A_91, %select_n3A_76, %broadcast_in_dim3A_92 : vector<512x128xi1>, vector<512x128xf32>
    %reduce_sum3A = arith.constant dense<0.000000e+00> : vector<128xf32>
    %reduce_sum3A_94 = vector.multi_reduction <add>, %select_n3A_93, %reduce_sum3A [0] : vector<512x128xf32> to vector<128xf32>
    %convert_element_type3A_95 = arith.extui %and3A_82 : vector<512x1xi1> to vector<512x1xi32>
    %convert_element_type3A_96 = arith.sitofp %convert_element_type3A_95 : vector<512x1xi32> to vector<512x1xf32>
    %reduce_sum3A_97 = arith.constant dense<0.000000e+00> : vector<1xf32>
    %reduce_sum3A_98 = vector.multi_reduction <add>, %convert_element_type3A_96, %reduce_sum3A_97 [0] : vector<512x1xf32> to vector<1xf32>
    %eq3A_99 = arith.constant 1 : i32
    %eq3A_100 = vector.broadcast %eq3A_99 : i32 to vector<512x1xi32>
    %eq3A_101 = arith.cmpi eq, %get3A_4, %eq3A_100 : vector<512x1xi32>
    %and3A_102 = arith.andi %and3A_63, %eq3A_101 : vector<512x1xi1>
    %jit3A_103 = arith.constant 0xFF800000 : f32
    %broadcast_in_dim3A_104 = vector.shape_cast %and3A_102 : vector<512x1xi1> to vector<512x1xi1>
    %broadcast_in_dim3A_105 = vector.broadcast %broadcast_in_dim3A_104 : vector<512x1xi1> to vector<512x128xi1>
    %broadcast_in_dim3A_106 = vector.broadcast %jit3A_103 : f32 to vector<512x128xf32>
    %select_n3A_107 = arith.select %broadcast_in_dim3A_105, %select_n3A_76, %broadcast_in_dim3A_106 : vector<512x128xi1>, vector<512x128xf32>
    %reduce_max3A_108 = arith.constant dense<0xFF800000> : vector<128xf32>
    %reduce_max3A_109 = vector.multi_reduction <maximumf>, %select_n3A_107, %reduce_max3A_108 [0] : vector<512x128xf32> to vector<128xf32>
    %jit3A_110 = arith.constant 0.000000e+00 : f32
    %broadcast_in_dim3A_111 = vector.shape_cast %and3A_102 : vector<512x1xi1> to vector<512x1xi1>
    %broadcast_in_dim3A_112 = vector.broadcast %broadcast_in_dim3A_111 : vector<512x1xi1> to vector<512x128xi1>
    %broadcast_in_dim3A_113 = vector.broadcast %jit3A_110 : f32 to vector<512x128xf32>
    %select_n3A_114 = arith.select %broadcast_in_dim3A_112, %select_n3A_76, %broadcast_in_dim3A_113 : vector<512x128xi1>, vector<512x128xf32>
    %reduce_sum3A_115 = arith.constant dense<0.000000e+00> : vector<128xf32>
    %reduce_sum3A_116 = vector.multi_reduction <add>, %select_n3A_114, %reduce_sum3A_115 [0] : vector<512x128xf32> to vector<128xf32>
    %convert_element_type3A_117 = arith.extui %and3A_102 : vector<512x1xi1> to vector<512x1xi32>
    %convert_element_type3A_118 = arith.sitofp %convert_element_type3A_117 : vector<512x1xi32> to vector<512x1xf32>
    %reduce_sum3A_119 = arith.constant dense<0.000000e+00> : vector<1xf32>
    %reduce_sum3A_120 = vector.multi_reduction <add>, %convert_element_type3A_118, %reduce_sum3A_119 [0] : vector<512x1xf32> to vector<1xf32>
    %eq3A_121 = arith.constant 2 : i32
    %eq3A_122 = vector.broadcast %eq3A_121 : i32 to vector<512x1xi32>
    %eq3A_123 = arith.cmpi eq, %get3A_4, %eq3A_122 : vector<512x1xi32>
    %and3A_124 = arith.andi %and3A_63, %eq3A_123 : vector<512x1xi1>
    %jit3A_125 = arith.constant 0xFF800000 : f32
    %broadcast_in_dim3A_126 = vector.shape_cast %and3A_124 : vector<512x1xi1> to vector<512x1xi1>
    %broadcast_in_dim3A_127 = vector.broadcast %broadcast_in_dim3A_126 : vector<512x1xi1> to vector<512x128xi1>
    %broadcast_in_dim3A_128 = vector.broadcast %jit3A_125 : f32 to vector<512x128xf32>
    %select_n3A_129 = arith.select %broadcast_in_dim3A_127, %select_n3A_76, %broadcast_in_dim3A_128 : vector<512x128xi1>, vector<512x128xf32>
    %reduce_max3A_130 = arith.constant dense<0xFF800000> : vector<128xf32>
    %reduce_max3A_131 = vector.multi_reduction <maximumf>, %select_n3A_129, %reduce_max3A_130 [0] : vector<512x128xf32> to vector<128xf32>
    %jit3A_132 = arith.constant 0.000000e+00 : f32
    %broadcast_in_dim3A_133 = vector.shape_cast %and3A_124 : vector<512x1xi1> to vector<512x1xi1>
    %broadcast_in_dim3A_134 = vector.broadcast %broadcast_in_dim3A_133 : vector<512x1xi1> to vector<512x128xi1>
    %broadcast_in_dim3A_135 = vector.broadcast %jit3A_132 : f32 to vector<512x128xf32>
    %select_n3A_136 = arith.select %broadcast_in_dim3A_134, %select_n3A_76, %broadcast_in_dim3A_135 : vector<512x128xi1>, vector<512x128xf32>
    %reduce_sum3A_137 = arith.constant dense<0.000000e+00> : vector<128xf32>
    %reduce_sum3A_138 = vector.multi_reduction <add>, %select_n3A_136, %reduce_sum3A_137 [0] : vector<512x128xf32> to vector<128xf32>
    %convert_element_type3A_139 = arith.extui %and3A_124 : vector<512x1xi1> to vector<512x1xi32>
    %convert_element_type3A_140 = arith.sitofp %convert_element_type3A_139 : vector<512x1xi32> to vector<512x1xf32>
    %reduce_sum3A_141 = arith.constant dense<0.000000e+00> : vector<1xf32>
    %reduce_sum3A_142 = vector.multi_reduction <add>, %convert_element_type3A_140, %reduce_sum3A_141 [0] : vector<512x1xf32> to vector<1xf32>
    %eq3A_143 = arith.constant 3 : i32
    %eq3A_144 = vector.broadcast %eq3A_143 : i32 to vector<512x1xi32>
    %eq3A_145 = arith.cmpi eq, %get3A_4, %eq3A_144 : vector<512x1xi32>
    %and3A_146 = arith.andi %and3A_63, %eq3A_145 : vector<512x1xi1>
    %jit3A_147 = arith.constant 0xFF800000 : f32
    %broadcast_in_dim3A_148 = vector.shape_cast %and3A_146 : vector<512x1xi1> to vector<512x1xi1>
    %broadcast_in_dim3A_149 = vector.broadcast %broadcast_in_dim3A_148 : vector<512x1xi1> to vector<512x128xi1>
    %broadcast_in_dim3A_150 = vector.broadcast %jit3A_147 : f32 to vector<512x128xf32>
    %select_n3A_151 = arith.select %broadcast_in_dim3A_149, %select_n3A_76, %broadcast_in_dim3A_150 : vector<512x128xi1>, vector<512x128xf32>
    %reduce_max3A_152 = arith.constant dense<0xFF800000> : vector<128xf32>
    %reduce_max3A_153 = vector.multi_reduction <maximumf>, %select_n3A_151, %reduce_max3A_152 [0] : vector<512x128xf32> to vector<128xf32>
    %jit3A_154 = arith.constant 0.000000e+00 : f32
    %broadcast_in_dim3A_155 = vector.shape_cast %and3A_146 : vector<512x1xi1> to vector<512x1xi1>
    %broadcast_in_dim3A_156 = vector.broadcast %broadcast_in_dim3A_155 : vector<512x1xi1> to vector<512x128xi1>
    %broadcast_in_dim3A_157 = vector.broadcast %jit3A_154 : f32 to vector<512x128xf32>
    %select_n3A_158 = arith.select %broadcast_in_dim3A_156, %select_n3A_76, %broadcast_in_dim3A_157 : vector<512x128xi1>, vector<512x128xf32>
    %reduce_sum3A_159 = arith.constant dense<0.000000e+00> : vector<128xf32>
    %reduce_sum3A_160 = vector.multi_reduction <add>, %select_n3A_158, %reduce_sum3A_159 [0] : vector<512x128xf32> to vector<128xf32>
    %convert_element_type3A_161 = arith.extui %and3A_146 : vector<512x1xi1> to vector<512x1xi32>
    %convert_element_type3A_162 = arith.sitofp %convert_element_type3A_161 : vector<512x1xi32> to vector<512x1xf32>
    %reduce_sum3A_163 = arith.constant dense<0.000000e+00> : vector<1xf32>
    %reduce_sum3A_164 = vector.multi_reduction <add>, %convert_element_type3A_162, %reduce_sum3A_163 [0] : vector<512x1xf32> to vector<1xf32>
    %eq3A_165 = arith.constant 4 : i32
    %eq3A_166 = vector.broadcast %eq3A_165 : i32 to vector<512x1xi32>
    %eq3A_167 = arith.cmpi eq, %get3A_4, %eq3A_166 : vector<512x1xi32>
    %and3A_168 = arith.andi %and3A_63, %eq3A_167 : vector<512x1xi1>
    %jit3A_169 = arith.constant 0xFF800000 : f32
    %broadcast_in_dim3A_170 = vector.shape_cast %and3A_168 : vector<512x1xi1> to vector<512x1xi1>
    %broadcast_in_dim3A_171 = vector.broadcast %broadcast_in_dim3A_170 : vector<512x1xi1> to vector<512x128xi1>
    %broadcast_in_dim3A_172 = vector.broadcast %jit3A_169 : f32 to vector<512x128xf32>
    %select_n3A_173 = arith.select %broadcast_in_dim3A_171, %select_n3A_76, %broadcast_in_dim3A_172 : vector<512x128xi1>, vector<512x128xf32>
    %reduce_max3A_174 = arith.constant dense<0xFF800000> : vector<128xf32>
    %reduce_max3A_175 = vector.multi_reduction <maximumf>, %select_n3A_173, %reduce_max3A_174 [0] : vector<512x128xf32> to vector<128xf32>
    %jit3A_176 = arith.constant 0.000000e+00 : f32
    %broadcast_in_dim3A_177 = vector.shape_cast %and3A_168 : vector<512x1xi1> to vector<512x1xi1>
    %broadcast_in_dim3A_178 = vector.broadcast %broadcast_in_dim3A_177 : vector<512x1xi1> to vector<512x128xi1>
    %broadcast_in_dim3A_179 = vector.broadcast %jit3A_176 : f32 to vector<512x128xf32>
    %select_n3A_180 = arith.select %broadcast_in_dim3A_178, %select_n3A_76, %broadcast_in_dim3A_179 : vector<512x128xi1>, vector<512x128xf32>
    %reduce_sum3A_181 = arith.constant dense<0.000000e+00> : vector<128xf32>
    %reduce_sum3A_182 = vector.multi_reduction <add>, %select_n3A_180, %reduce_sum3A_181 [0] : vector<512x128xf32> to vector<128xf32>
    %convert_element_type3A_183 = arith.extui %and3A_168 : vector<512x1xi1> to vector<512x1xi32>
    %convert_element_type3A_184 = arith.sitofp %convert_element_type3A_183 : vector<512x1xi32> to vector<512x1xf32>
    %reduce_sum3A_185 = arith.constant dense<0.000000e+00> : vector<1xf32>
    %reduce_sum3A_186 = vector.multi_reduction <add>, %convert_element_type3A_184, %reduce_sum3A_185 [0] : vector<512x1xf32> to vector<1xf32>
    %eq3A_187 = arith.constant 5 : i32
    %eq3A_188 = vector.broadcast %eq3A_187 : i32 to vector<512x1xi32>
    %eq3A_189 = arith.cmpi eq, %get3A_4, %eq3A_188 : vector<512x1xi32>
    %and3A_190 = arith.andi %and3A_63, %eq3A_189 : vector<512x1xi1>
    %jit3A_191 = arith.constant 0xFF800000 : f32
    %broadcast_in_dim3A_192 = vector.shape_cast %and3A_190 : vector<512x1xi1> to vector<512x1xi1>
    %broadcast_in_dim3A_193 = vector.broadcast %broadcast_in_dim3A_192 : vector<512x1xi1> to vector<512x128xi1>
    %broadcast_in_dim3A_194 = vector.broadcast %jit3A_191 : f32 to vector<512x128xf32>
    %select_n3A_195 = arith.select %broadcast_in_dim3A_193, %select_n3A_76, %broadcast_in_dim3A_194 : vector<512x128xi1>, vector<512x128xf32>
    %reduce_max3A_196 = arith.constant dense<0xFF800000> : vector<128xf32>
    %reduce_max3A_197 = vector.multi_reduction <maximumf>, %select_n3A_195, %reduce_max3A_196 [0] : vector<512x128xf32> to vector<128xf32>
    %jit3A_198 = arith.constant 0.000000e+00 : f32
    %broadcast_in_dim3A_199 = vector.shape_cast %and3A_190 : vector<512x1xi1> to vector<512x1xi1>
    %broadcast_in_dim3A_200 = vector.broadcast %broadcast_in_dim3A_199 : vector<512x1xi1> to vector<512x128xi1>
    %broadcast_in_dim3A_201 = vector.broadcast %jit3A_198 : f32 to vector<512x128xf32>
    %select_n3A_202 = arith.select %broadcast_in_dim3A_200, %select_n3A_76, %broadcast_in_dim3A_201 : vector<512x128xi1>, vector<512x128xf32>
    %reduce_sum3A_203 = arith.constant dense<0.000000e+00> : vector<128xf32>
    %reduce_sum3A_204 = vector.multi_reduction <add>, %select_n3A_202, %reduce_sum3A_203 [0] : vector<512x128xf32> to vector<128xf32>
    %convert_element_type3A_205 = arith.extui %and3A_190 : vector<512x1xi1> to vector<512x1xi32>
    %convert_element_type3A_206 = arith.sitofp %convert_element_type3A_205 : vector<512x1xi32> to vector<512x1xf32>
    %reduce_sum3A_207 = arith.constant dense<0.000000e+00> : vector<1xf32>
    %reduce_sum3A_208 = vector.multi_reduction <add>, %convert_element_type3A_206, %reduce_sum3A_207 [0] : vector<512x1xf32> to vector<1xf32>
    %eq3A_209 = arith.constant 6 : i32
    %eq3A_210 = vector.broadcast %eq3A_209 : i32 to vector<512x1xi32>
    %eq3A_211 = arith.cmpi eq, %get3A_4, %eq3A_210 : vector<512x1xi32>
    %and3A_212 = arith.andi %and3A_63, %eq3A_211 : vector<512x1xi1>
    %jit3A_213 = arith.constant 0xFF800000 : f32
    %broadcast_in_dim3A_214 = vector.shape_cast %and3A_212 : vector<512x1xi1> to vector<512x1xi1>
    %broadcast_in_dim3A_215 = vector.broadcast %broadcast_in_dim3A_214 : vector<512x1xi1> to vector<512x128xi1>
    %broadcast_in_dim3A_216 = vector.broadcast %jit3A_213 : f32 to vector<512x128xf32>
    %select_n3A_217 = arith.select %broadcast_in_dim3A_215, %select_n3A_76, %broadcast_in_dim3A_216 : vector<512x128xi1>, vector<512x128xf32>
    %reduce_max3A_218 = arith.constant dense<0xFF800000> : vector<128xf32>
    %reduce_max3A_219 = vector.multi_reduction <maximumf>, %select_n3A_217, %reduce_max3A_218 [0] : vector<512x128xf32> to vector<128xf32>
    %jit3A_220 = arith.constant 0.000000e+00 : f32
    %broadcast_in_dim3A_221 = vector.shape_cast %and3A_212 : vector<512x1xi1> to vector<512x1xi1>
    %broadcast_in_dim3A_222 = vector.broadcast %broadcast_in_dim3A_221 : vector<512x1xi1> to vector<512x128xi1>
    %broadcast_in_dim3A_223 = vector.broadcast %jit3A_220 : f32 to vector<512x128xf32>
    %select_n3A_224 = arith.select %broadcast_in_dim3A_222, %select_n3A_76, %broadcast_in_dim3A_223 : vector<512x128xi1>, vector<512x128xf32>
    %reduce_sum3A_225 = arith.constant dense<0.000000e+00> : vector<128xf32>
    %reduce_sum3A_226 = vector.multi_reduction <add>, %select_n3A_224, %reduce_sum3A_225 [0] : vector<512x128xf32> to vector<128xf32>
    %convert_element_type3A_227 = arith.extui %and3A_212 : vector<512x1xi1> to vector<512x1xi32>
    %convert_element_type3A_228 = arith.sitofp %convert_element_type3A_227 : vector<512x1xi32> to vector<512x1xf32>
    %reduce_sum3A_229 = arith.constant dense<0.000000e+00> : vector<1xf32>
    %reduce_sum3A_230 = vector.multi_reduction <add>, %convert_element_type3A_228, %reduce_sum3A_229 [0] : vector<512x1xf32> to vector<1xf32>
    %eq3A_231 = arith.constant 7 : i32
    %eq3A_232 = vector.broadcast %eq3A_231 : i32 to vector<512x1xi32>
    %eq3A_233 = arith.cmpi eq, %get3A_4, %eq3A_232 : vector<512x1xi32>
    %and3A_234 = arith.andi %and3A_63, %eq3A_233 : vector<512x1xi1>
    %jit3A_235 = arith.constant 0xFF800000 : f32
    %broadcast_in_dim3A_236 = vector.shape_cast %and3A_234 : vector<512x1xi1> to vector<512x1xi1>
    %broadcast_in_dim3A_237 = vector.broadcast %broadcast_in_dim3A_236 : vector<512x1xi1> to vector<512x128xi1>
    %broadcast_in_dim3A_238 = vector.broadcast %jit3A_235 : f32 to vector<512x128xf32>
    %select_n3A_239 = arith.select %broadcast_in_dim3A_237, %select_n3A_76, %broadcast_in_dim3A_238 : vector<512x128xi1>, vector<512x128xf32>
    %reduce_max3A_240 = arith.constant dense<0xFF800000> : vector<128xf32>
    %reduce_max3A_241 = vector.multi_reduction <maximumf>, %select_n3A_239, %reduce_max3A_240 [0] : vector<512x128xf32> to vector<128xf32>
    %jit3A_242 = arith.constant 0.000000e+00 : f32
    %broadcast_in_dim3A_243 = vector.shape_cast %and3A_234 : vector<512x1xi1> to vector<512x1xi1>
    %broadcast_in_dim3A_244 = vector.broadcast %broadcast_in_dim3A_243 : vector<512x1xi1> to vector<512x128xi1>
    %broadcast_in_dim3A_245 = vector.broadcast %jit3A_242 : f32 to vector<512x128xf32>
    %select_n3A_246 = arith.select %broadcast_in_dim3A_244, %select_n3A_76, %broadcast_in_dim3A_245 : vector<512x128xi1>, vector<512x128xf32>
    %reduce_sum3A_247 = arith.constant dense<0.000000e+00> : vector<128xf32>
    %reduce_sum3A_248 = vector.multi_reduction <add>, %select_n3A_246, %reduce_sum3A_247 [0] : vector<512x128xf32> to vector<128xf32>
    %convert_element_type3A_249 = arith.extui %and3A_234 : vector<512x1xi1> to vector<512x1xi32>
    %convert_element_type3A_250 = arith.sitofp %convert_element_type3A_249 : vector<512x1xi32> to vector<512x1xf32>
    %reduce_sum3A_251 = arith.constant dense<0.000000e+00> : vector<1xf32>
    %reduce_sum3A_252 = vector.multi_reduction <add>, %convert_element_type3A_250, %reduce_sum3A_251 [0] : vector<512x1xf32> to vector<1xf32>
    %eq3A_253 = arith.constant 8 : i32
    %eq3A_254 = vector.broadcast %eq3A_253 : i32 to vector<512x1xi32>
    %eq3A_255 = arith.cmpi eq, %get3A_4, %eq3A_254 : vector<512x1xi32>
    %and3A_256 = arith.andi %and3A_63, %eq3A_255 : vector<512x1xi1>
    %jit3A_257 = arith.constant 0xFF800000 : f32
    %broadcast_in_dim3A_258 = vector.shape_cast %and3A_256 : vector<512x1xi1> to vector<512x1xi1>
    %broadcast_in_dim3A_259 = vector.broadcast %broadcast_in_dim3A_258 : vector<512x1xi1> to vector<512x128xi1>
    %broadcast_in_dim3A_260 = vector.broadcast %jit3A_257 : f32 to vector<512x128xf32>
    %select_n3A_261 = arith.select %broadcast_in_dim3A_259, %select_n3A_76, %broadcast_in_dim3A_260 : vector<512x128xi1>, vector<512x128xf32>
    %reduce_max3A_262 = arith.constant dense<0xFF800000> : vector<128xf32>
    %reduce_max3A_263 = vector.multi_reduction <maximumf>, %select_n3A_261, %reduce_max3A_262 [0] : vector<512x128xf32> to vector<128xf32>
    %jit3A_264 = arith.constant 0.000000e+00 : f32
    %broadcast_in_dim3A_265 = vector.shape_cast %and3A_256 : vector<512x1xi1> to vector<512x1xi1>
    %broadcast_in_dim3A_266 = vector.broadcast %broadcast_in_dim3A_265 : vector<512x1xi1> to vector<512x128xi1>
    %broadcast_in_dim3A_267 = vector.broadcast %jit3A_264 : f32 to vector<512x128xf32>
    %select_n3A_268 = arith.select %broadcast_in_dim3A_266, %select_n3A_76, %broadcast_in_dim3A_267 : vector<512x128xi1>, vector<512x128xf32>
    %reduce_sum3A_269 = arith.constant dense<0.000000e+00> : vector<128xf32>
    %reduce_sum3A_270 = vector.multi_reduction <add>, %select_n3A_268, %reduce_sum3A_269 [0] : vector<512x128xf32> to vector<128xf32>
    %convert_element_type3A_271 = arith.extui %and3A_256 : vector<512x1xi1> to vector<512x1xi32>
    %convert_element_type3A_272 = arith.sitofp %convert_element_type3A_271 : vector<512x1xi32> to vector<512x1xf32>
    %reduce_sum3A_273 = arith.constant dense<0.000000e+00> : vector<1xf32>
    %reduce_sum3A_274 = vector.multi_reduction <add>, %convert_element_type3A_272, %reduce_sum3A_273 [0] : vector<512x1xf32> to vector<1xf32>
    %eq3A_275 = arith.constant 9 : i32
    %eq3A_276 = vector.broadcast %eq3A_275 : i32 to vector<512x1xi32>
    %eq3A_277 = arith.cmpi eq, %get3A_4, %eq3A_276 : vector<512x1xi32>
    %and3A_278 = arith.andi %and3A_63, %eq3A_277 : vector<512x1xi1>
    %jit3A_279 = arith.constant 0xFF800000 : f32
    %broadcast_in_dim3A_280 = vector.shape_cast %and3A_278 : vector<512x1xi1> to vector<512x1xi1>
    %broadcast_in_dim3A_281 = vector.broadcast %broadcast_in_dim3A_280 : vector<512x1xi1> to vector<512x128xi1>
    %broadcast_in_dim3A_282 = vector.broadcast %jit3A_279 : f32 to vector<512x128xf32>
    %select_n3A_283 = arith.select %broadcast_in_dim3A_281, %select_n3A_76, %broadcast_in_dim3A_282 : vector<512x128xi1>, vector<512x128xf32>
    %reduce_max3A_284 = arith.constant dense<0xFF800000> : vector<128xf32>
    %reduce_max3A_285 = vector.multi_reduction <maximumf>, %select_n3A_283, %reduce_max3A_284 [0] : vector<512x128xf32> to vector<128xf32>
    %jit3A_286 = arith.constant 0.000000e+00 : f32
    %broadcast_in_dim3A_287 = vector.shape_cast %and3A_278 : vector<512x1xi1> to vector<512x1xi1>
    %broadcast_in_dim3A_288 = vector.broadcast %broadcast_in_dim3A_287 : vector<512x1xi1> to vector<512x128xi1>
    %broadcast_in_dim3A_289 = vector.broadcast %jit3A_286 : f32 to vector<512x128xf32>
    %select_n3A_290 = arith.select %broadcast_in_dim3A_288, %select_n3A_76, %broadcast_in_dim3A_289 : vector<512x128xi1>, vector<512x128xf32>
    %reduce_sum3A_291 = arith.constant dense<0.000000e+00> : vector<128xf32>
    %reduce_sum3A_292 = vector.multi_reduction <add>, %select_n3A_290, %reduce_sum3A_291 [0] : vector<512x128xf32> to vector<128xf32>
    %convert_element_type3A_293 = arith.extui %and3A_278 : vector<512x1xi1> to vector<512x1xi32>
    %convert_element_type3A_294 = arith.sitofp %convert_element_type3A_293 : vector<512x1xi32> to vector<512x1xf32>
    %reduce_sum3A_295 = arith.constant dense<0.000000e+00> : vector<1xf32>
    %reduce_sum3A_296 = vector.multi_reduction <add>, %convert_element_type3A_294, %reduce_sum3A_295 [0] : vector<512x1xf32> to vector<1xf32>
    %eq3A_297 = arith.constant 10 : i32
    %eq3A_298 = vector.broadcast %eq3A_297 : i32 to vector<512x1xi32>
    %eq3A_299 = arith.cmpi eq, %get3A_4, %eq3A_298 : vector<512x1xi32>
    %and3A_300 = arith.andi %and3A_63, %eq3A_299 : vector<512x1xi1>
    %jit3A_301 = arith.constant 0xFF800000 : f32
    %broadcast_in_dim3A_302 = vector.shape_cast %and3A_300 : vector<512x1xi1> to vector<512x1xi1>
    %broadcast_in_dim3A_303 = vector.broadcast %broadcast_in_dim3A_302 : vector<512x1xi1> to vector<512x128xi1>
    %broadcast_in_dim3A_304 = vector.broadcast %jit3A_301 : f32 to vector<512x128xf32>
    %select_n3A_305 = arith.select %broadcast_in_dim3A_303, %select_n3A_76, %broadcast_in_dim3A_304 : vector<512x128xi1>, vector<512x128xf32>
    %reduce_max3A_306 = arith.constant dense<0xFF800000> : vector<128xf32>
    %reduce_max3A_307 = vector.multi_reduction <maximumf>, %select_n3A_305, %reduce_max3A_306 [0] : vector<512x128xf32> to vector<128xf32>
    %jit3A_308 = arith.constant 0.000000e+00 : f32
    %broadcast_in_dim3A_309 = vector.shape_cast %and3A_300 : vector<512x1xi1> to vector<512x1xi1>
    %broadcast_in_dim3A_310 = vector.broadcast %broadcast_in_dim3A_309 : vector<512x1xi1> to vector<512x128xi1>
    %broadcast_in_dim3A_311 = vector.broadcast %jit3A_308 : f32 to vector<512x128xf32>
    %select_n3A_312 = arith.select %broadcast_in_dim3A_310, %select_n3A_76, %broadcast_in_dim3A_311 : vector<512x128xi1>, vector<512x128xf32>
    %reduce_sum3A_313 = arith.constant dense<0.000000e+00> : vector<128xf32>
    %reduce_sum3A_314 = vector.multi_reduction <add>, %select_n3A_312, %reduce_sum3A_313 [0] : vector<512x128xf32> to vector<128xf32>
    %convert_element_type3A_315 = arith.extui %and3A_300 : vector<512x1xi1> to vector<512x1xi32>
    %convert_element_type3A_316 = arith.sitofp %convert_element_type3A_315 : vector<512x1xi32> to vector<512x1xf32>
    %reduce_sum3A_317 = arith.constant dense<0.000000e+00> : vector<1xf32>
    %reduce_sum3A_318 = vector.multi_reduction <add>, %convert_element_type3A_316, %reduce_sum3A_317 [0] : vector<512x1xf32> to vector<1xf32>
    %eq3A_319 = arith.constant 11 : i32
    %eq3A_320 = vector.broadcast %eq3A_319 : i32 to vector<512x1xi32>
    %eq3A_321 = arith.cmpi eq, %get3A_4, %eq3A_320 : vector<512x1xi32>
    %and3A_322 = arith.andi %and3A_63, %eq3A_321 : vector<512x1xi1>
    %jit3A_323 = arith.constant 0xFF800000 : f32
    %broadcast_in_dim3A_324 = vector.shape_cast %and3A_322 : vector<512x1xi1> to vector<512x1xi1>
    %broadcast_in_dim3A_325 = vector.broadcast %broadcast_in_dim3A_324 : vector<512x1xi1> to vector<512x128xi1>
    %broadcast_in_dim3A_326 = vector.broadcast %jit3A_323 : f32 to vector<512x128xf32>
    %select_n3A_327 = arith.select %broadcast_in_dim3A_325, %select_n3A_76, %broadcast_in_dim3A_326 : vector<512x128xi1>, vector<512x128xf32>
    %reduce_max3A_328 = arith.constant dense<0xFF800000> : vector<128xf32>
    %reduce_max3A_329 = vector.multi_reduction <maximumf>, %select_n3A_327, %reduce_max3A_328 [0] : vector<512x128xf32> to vector<128xf32>
    %jit3A_330 = arith.constant 0.000000e+00 : f32
    %broadcast_in_dim3A_331 = vector.shape_cast %and3A_322 : vector<512x1xi1> to vector<512x1xi1>
    %broadcast_in_dim3A_332 = vector.broadcast %broadcast_in_dim3A_331 : vector<512x1xi1> to vector<512x128xi1>
    %broadcast_in_dim3A_333 = vector.broadcast %jit3A_330 : f32 to vector<512x128xf32>
    %select_n3A_334 = arith.select %broadcast_in_dim3A_332, %select_n3A_76, %broadcast_in_dim3A_333 : vector<512x128xi1>, vector<512x128xf32>
    %reduce_sum3A_335 = arith.constant dense<0.000000e+00> : vector<128xf32>
    %reduce_sum3A_336 = vector.multi_reduction <add>, %select_n3A_334, %reduce_sum3A_335 [0] : vector<512x128xf32> to vector<128xf32>
    %convert_element_type3A_337 = arith.extui %and3A_322 : vector<512x1xi1> to vector<512x1xi32>
    %convert_element_type3A_338 = arith.sitofp %convert_element_type3A_337 : vector<512x1xi32> to vector<512x1xf32>
    %reduce_sum3A_339 = arith.constant dense<0.000000e+00> : vector<1xf32>
    %reduce_sum3A_340 = vector.multi_reduction <add>, %convert_element_type3A_338, %reduce_sum3A_339 [0] : vector<512x1xf32> to vector<1xf32>
    %eq3A_341 = arith.constant 12 : i32
    %eq3A_342 = vector.broadcast %eq3A_341 : i32 to vector<512x1xi32>
    %eq3A_343 = arith.cmpi eq, %get3A_4, %eq3A_342 : vector<512x1xi32>
    %and3A_344 = arith.andi %and3A_63, %eq3A_343 : vector<512x1xi1>
    %jit3A_345 = arith.constant 0xFF800000 : f32
    %broadcast_in_dim3A_346 = vector.shape_cast %and3A_344 : vector<512x1xi1> to vector<512x1xi1>
    %broadcast_in_dim3A_347 = vector.broadcast %broadcast_in_dim3A_346 : vector<512x1xi1> to vector<512x128xi1>
    %broadcast_in_dim3A_348 = vector.broadcast %jit3A_345 : f32 to vector<512x128xf32>
    %select_n3A_349 = arith.select %broadcast_in_dim3A_347, %select_n3A_76, %broadcast_in_dim3A_348 : vector<512x128xi1>, vector<512x128xf32>
    %reduce_max3A_350 = arith.constant dense<0xFF800000> : vector<128xf32>
    %reduce_max3A_351 = vector.multi_reduction <maximumf>, %select_n3A_349, %reduce_max3A_350 [0] : vector<512x128xf32> to vector<128xf32>
    %jit3A_352 = arith.constant 0.000000e+00 : f32
    %broadcast_in_dim3A_353 = vector.shape_cast %and3A_344 : vector<512x1xi1> to vector<512x1xi1>
    %broadcast_in_dim3A_354 = vector.broadcast %broadcast_in_dim3A_353 : vector<512x1xi1> to vector<512x128xi1>
    %broadcast_in_dim3A_355 = vector.broadcast %jit3A_352 : f32 to vector<512x128xf32>
    %select_n3A_356 = arith.select %broadcast_in_dim3A_354, %select_n3A_76, %broadcast_in_dim3A_355 : vector<512x128xi1>, vector<512x128xf32>
    %reduce_sum3A_357 = arith.constant dense<0.000000e+00> : vector<128xf32>
    %reduce_sum3A_358 = vector.multi_reduction <add>, %select_n3A_356, %reduce_sum3A_357 [0] : vector<512x128xf32> to vector<128xf32>
    %convert_element_type3A_359 = arith.extui %and3A_344 : vector<512x1xi1> to vector<512x1xi32>
    %convert_element_type3A_360 = arith.sitofp %convert_element_type3A_359 : vector<512x1xi32> to vector<512x1xf32>
    %reduce_sum3A_361 = arith.constant dense<0.000000e+00> : vector<1xf32>
    %reduce_sum3A_362 = vector.multi_reduction <add>, %convert_element_type3A_360, %reduce_sum3A_361 [0] : vector<512x1xf32> to vector<1xf32>
    %eq3A_363 = arith.constant 13 : i32
    %eq3A_364 = vector.broadcast %eq3A_363 : i32 to vector<512x1xi32>
    %eq3A_365 = arith.cmpi eq, %get3A_4, %eq3A_364 : vector<512x1xi32>
    %and3A_366 = arith.andi %and3A_63, %eq3A_365 : vector<512x1xi1>
    %jit3A_367 = arith.constant 0xFF800000 : f32
    %broadcast_in_dim3A_368 = vector.shape_cast %and3A_366 : vector<512x1xi1> to vector<512x1xi1>
    %broadcast_in_dim3A_369 = vector.broadcast %broadcast_in_dim3A_368 : vector<512x1xi1> to vector<512x128xi1>
    %broadcast_in_dim3A_370 = vector.broadcast %jit3A_367 : f32 to vector<512x128xf32>
    %select_n3A_371 = arith.select %broadcast_in_dim3A_369, %select_n3A_76, %broadcast_in_dim3A_370 : vector<512x128xi1>, vector<512x128xf32>
    %reduce_max3A_372 = arith.constant dense<0xFF800000> : vector<128xf32>
    %reduce_max3A_373 = vector.multi_reduction <maximumf>, %select_n3A_371, %reduce_max3A_372 [0] : vector<512x128xf32> to vector<128xf32>
    %jit3A_374 = arith.constant 0.000000e+00 : f32
    %broadcast_in_dim3A_375 = vector.shape_cast %and3A_366 : vector<512x1xi1> to vector<512x1xi1>
    %broadcast_in_dim3A_376 = vector.broadcast %broadcast_in_dim3A_375 : vector<512x1xi1> to vector<512x128xi1>
    %broadcast_in_dim3A_377 = vector.broadcast %jit3A_374 : f32 to vector<512x128xf32>
    %select_n3A_378 = arith.select %broadcast_in_dim3A_376, %select_n3A_76, %broadcast_in_dim3A_377 : vector<512x128xi1>, vector<512x128xf32>
    %reduce_sum3A_379 = arith.constant dense<0.000000e+00> : vector<128xf32>
    %reduce_sum3A_380 = vector.multi_reduction <add>, %select_n3A_378, %reduce_sum3A_379 [0] : vector<512x128xf32> to vector<128xf32>
    %convert_element_type3A_381 = arith.extui %and3A_366 : vector<512x1xi1> to vector<512x1xi32>
    %convert_element_type3A_382 = arith.sitofp %convert_element_type3A_381 : vector<512x1xi32> to vector<512x1xf32>
    %reduce_sum3A_383 = arith.constant dense<0.000000e+00> : vector<1xf32>
    %reduce_sum3A_384 = vector.multi_reduction <add>, %convert_element_type3A_382, %reduce_sum3A_383 [0] : vector<512x1xf32> to vector<1xf32>
    %eq3A_385 = arith.constant 14 : i32
    %eq3A_386 = vector.broadcast %eq3A_385 : i32 to vector<512x1xi32>
    %eq3A_387 = arith.cmpi eq, %get3A_4, %eq3A_386 : vector<512x1xi32>
    %and3A_388 = arith.andi %and3A_63, %eq3A_387 : vector<512x1xi1>
    %jit3A_389 = arith.constant 0xFF800000 : f32
    %broadcast_in_dim3A_390 = vector.shape_cast %and3A_388 : vector<512x1xi1> to vector<512x1xi1>
    %broadcast_in_dim3A_391 = vector.broadcast %broadcast_in_dim3A_390 : vector<512x1xi1> to vector<512x128xi1>
    %broadcast_in_dim3A_392 = vector.broadcast %jit3A_389 : f32 to vector<512x128xf32>
    %select_n3A_393 = arith.select %broadcast_in_dim3A_391, %select_n3A_76, %broadcast_in_dim3A_392 : vector<512x128xi1>, vector<512x128xf32>
    %reduce_max3A_394 = arith.constant dense<0xFF800000> : vector<128xf32>
    %reduce_max3A_395 = vector.multi_reduction <maximumf>, %select_n3A_393, %reduce_max3A_394 [0] : vector<512x128xf32> to vector<128xf32>
    %jit3A_396 = arith.constant 0.000000e+00 : f32
    %broadcast_in_dim3A_397 = vector.shape_cast %and3A_388 : vector<512x1xi1> to vector<512x1xi1>
    %broadcast_in_dim3A_398 = vector.broadcast %broadcast_in_dim3A_397 : vector<512x1xi1> to vector<512x128xi1>
    %broadcast_in_dim3A_399 = vector.broadcast %jit3A_396 : f32 to vector<512x128xf32>
    %select_n3A_400 = arith.select %broadcast_in_dim3A_398, %select_n3A_76, %broadcast_in_dim3A_399 : vector<512x128xi1>, vector<512x128xf32>
    %reduce_sum3A_401 = arith.constant dense<0.000000e+00> : vector<128xf32>
    %reduce_sum3A_402 = vector.multi_reduction <add>, %select_n3A_400, %reduce_sum3A_401 [0] : vector<512x128xf32> to vector<128xf32>
    %convert_element_type3A_403 = arith.extui %and3A_388 : vector<512x1xi1> to vector<512x1xi32>
    %convert_element_type3A_404 = arith.sitofp %convert_element_type3A_403 : vector<512x1xi32> to vector<512x1xf32>
    %reduce_sum3A_405 = arith.constant dense<0.000000e+00> : vector<1xf32>
    %reduce_sum3A_406 = vector.multi_reduction <add>, %convert_element_type3A_404, %reduce_sum3A_405 [0] : vector<512x1xf32> to vector<1xf32>
    %eq3A_407 = arith.constant 15 : i32
    %eq3A_408 = vector.broadcast %eq3A_407 : i32 to vector<512x1xi32>
    %eq3A_409 = arith.cmpi eq, %get3A_4, %eq3A_408 : vector<512x1xi32>
    %and3A_410 = arith.andi %and3A_63, %eq3A_409 : vector<512x1xi1>
    %jit3A_411 = arith.constant 0xFF800000 : f32
    %broadcast_in_dim3A_412 = vector.shape_cast %and3A_410 : vector<512x1xi1> to vector<512x1xi1>
    %broadcast_in_dim3A_413 = vector.broadcast %broadcast_in_dim3A_412 : vector<512x1xi1> to vector<512x128xi1>
    %broadcast_in_dim3A_414 = vector.broadcast %jit3A_411 : f32 to vector<512x128xf32>
    %select_n3A_415 = arith.select %broadcast_in_dim3A_413, %select_n3A_76, %broadcast_in_dim3A_414 : vector<512x128xi1>, vector<512x128xf32>
    %reduce_max3A_416 = arith.constant dense<0xFF800000> : vector<128xf32>
    %reduce_max3A_417 = vector.multi_reduction <maximumf>, %select_n3A_415, %reduce_max3A_416 [0] : vector<512x128xf32> to vector<128xf32>
    %jit3A_418 = arith.constant 0.000000e+00 : f32
    %broadcast_in_dim3A_419 = vector.shape_cast %and3A_410 : vector<512x1xi1> to vector<512x1xi1>
    %broadcast_in_dim3A_420 = vector.broadcast %broadcast_in_dim3A_419 : vector<512x1xi1> to vector<512x128xi1>
    %broadcast_in_dim3A_421 = vector.broadcast %jit3A_418 : f32 to vector<512x128xf32>
    %select_n3A_422 = arith.select %broadcast_in_dim3A_420, %select_n3A_76, %broadcast_in_dim3A_421 : vector<512x128xi1>, vector<512x128xf32>
    %reduce_sum3A_423 = arith.constant dense<0.000000e+00> : vector<128xf32>
    %reduce_sum3A_424 = vector.multi_reduction <add>, %select_n3A_422, %reduce_sum3A_423 [0] : vector<512x128xf32> to vector<128xf32>
    %convert_element_type3A_425 = arith.extui %and3A_410 : vector<512x1xi1> to vector<512x1xi32>
    %convert_element_type3A_426 = arith.sitofp %convert_element_type3A_425 : vector<512x1xi32> to vector<512x1xf32>
    %reduce_sum3A_427 = arith.constant dense<0.000000e+00> : vector<1xf32>
    %reduce_sum3A_428 = vector.multi_reduction <add>, %convert_element_type3A_426, %reduce_sum3A_427 [0] : vector<512x1xf32> to vector<1xf32>
    %stack3A = vector.shape_cast %reduce_max3A_88 : vector<128xf32> to vector<1x128xf32>
    %stack3A_429 = vector.shape_cast %reduce_max3A_109 : vector<128xf32> to vector<1x128xf32>
    %stack3A_430 = vector.shape_cast %reduce_max3A_131 : vector<128xf32> to vector<1x128xf32>
    %stack3A_431 = vector.shape_cast %reduce_max3A_153 : vector<128xf32> to vector<1x128xf32>
    %stack3A_432 = vector.shape_cast %reduce_max3A_175 : vector<128xf32> to vector<1x128xf32>
    %stack3A_433 = vector.shape_cast %reduce_max3A_197 : vector<128xf32> to vector<1x128xf32>
    %stack3A_434 = vector.shape_cast %reduce_max3A_219 : vector<128xf32> to vector<1x128xf32>
    %stack3A_435 = vector.shape_cast %reduce_max3A_241 : vector<128xf32> to vector<1x128xf32>
    %stack3A_436 = vector.shape_cast %reduce_max3A_263 : vector<128xf32> to vector<1x128xf32>
    %stack3A_437 = vector.shape_cast %reduce_max3A_285 : vector<128xf32> to vector<1x128xf32>
    %stack3A_438 = vector.shape_cast %reduce_max3A_307 : vector<128xf32> to vector<1x128xf32>
    %stack3A_439 = vector.shape_cast %reduce_max3A_329 : vector<128xf32> to vector<1x128xf32>
    %stack3A_440 = vector.shape_cast %reduce_max3A_351 : vector<128xf32> to vector<1x128xf32>
    %stack3A_441 = vector.shape_cast %reduce_max3A_373 : vector<128xf32> to vector<1x128xf32>
    %stack3A_442 = vector.shape_cast %reduce_max3A_395 : vector<128xf32> to vector<1x128xf32>
    %stack3A_443 = vector.shape_cast %reduce_max3A_417 : vector<128xf32> to vector<1x128xf32>
    %stack3A_444 = tpu.concatenate %stack3A, %stack3A_429, %stack3A_430, %stack3A_431, %stack3A_432, %stack3A_433, %stack3A_434, %stack3A_435, %stack3A_436, %stack3A_437, %stack3A_438, %stack3A_439, %stack3A_440, %stack3A_441, %stack3A_442, %stack3A_443 in 0 : vector<1x128xf32>, vector<1x128xf32>, vector<1x128xf32>, vector<1x128xf32>, vector<1x128xf32>, vector<1x128xf32>, vector<1x128xf32>, vector<1x128xf32>, vector<1x128xf32>, vector<1x128xf32>, vector<1x128xf32>, vector<1x128xf32>, vector<1x128xf32>, vector<1x128xf32>, vector<1x128xf32>, vector<1x128xf32> -> vector<16x128xf32>
    %broadcast_in_dim3A_445 = vector.shape_cast %stack3A_444 : vector<16x128xf32> to vector<1x16x128xf32>
    %swap3A_446 = arith.constant 0 : index
    %swap3A_447 = arith.constant 0 : index
    %swap3A_448 = arith.constant 0 : index
    %swap3A_449 = vector.load %arg12[%swap3A_446, %swap3A_447, %swap3A_448] : memref<1x16x128xf32, #tpu.memory_space<vmem>>, vector<1x16x128xf32>
    tpu.vector_store %arg12[%swap3A_446, %swap3A_447, %swap3A_448], %broadcast_in_dim3A_445 {strides = array<i32>} : memref<1x16x128xf32, #tpu.memory_space<vmem>>, vector<1x16x128xf32>,
    %stack3A_450 = vector.shape_cast %reduce_sum3A_94 : vector<128xf32> to vector<1x128xf32>
    %stack3A_451 = vector.shape_cast %reduce_sum3A_116 : vector<128xf32> to vector<1x128xf32>
    %stack3A_452 = vector.shape_cast %reduce_sum3A_138 : vector<128xf32> to vector<1x128xf32>
    %stack3A_453 = vector.shape_cast %reduce_sum3A_160 : vector<128xf32> to vector<1x128xf32>
    %stack3A_454 = vector.shape_cast %reduce_sum3A_182 : vector<128xf32> to vector<1x128xf32>
    %stack3A_455 = vector.shape_cast %reduce_sum3A_204 : vector<128xf32> to vector<1x128xf32>
    %stack3A_456 = vector.shape_cast %reduce_sum3A_226 : vector<128xf32> to vector<1x128xf32>
    %stack3A_457 = vector.shape_cast %reduce_sum3A_248 : vector<128xf32> to vector<1x128xf32>
    %stack3A_458 = vector.shape_cast %reduce_sum3A_270 : vector<128xf32> to vector<1x128xf32>
    %stack3A_459 = vector.shape_cast %reduce_sum3A_292 : vector<128xf32> to vector<1x128xf32>
    %stack3A_460 = vector.shape_cast %reduce_sum3A_314 : vector<128xf32> to vector<1x128xf32>
    %stack3A_461 = vector.shape_cast %reduce_sum3A_336 : vector<128xf32> to vector<1x128xf32>
    %stack3A_462 = vector.shape_cast %reduce_sum3A_358 : vector<128xf32> to vector<1x128xf32>
    %stack3A_463 = vector.shape_cast %reduce_sum3A_380 : vector<128xf32> to vector<1x128xf32>
    %stack3A_464 = vector.shape_cast %reduce_sum3A_402 : vector<128xf32> to vector<1x128xf32>
    %stack3A_465 = vector.shape_cast %reduce_sum3A_424 : vector<128xf32> to vector<1x128xf32>
    %stack3A_466 = tpu.concatenate %stack3A_450, %stack3A_451, %stack3A_452, %stack3A_453, %stack3A_454, %stack3A_455, %stack3A_456, %stack3A_457, %stack3A_458, %stack3A_459, %stack3A_460, %stack3A_461, %stack3A_462, %stack3A_463, %stack3A_464, %stack3A_465 in 0 : vector<1x128xf32>, vector<1x128xf32>, vector<1x128xf32>, vector<1x128xf32>, vector<1x128xf32>, vector<1x128xf32>, vector<1x128xf32>, vector<1x128xf32>, vector<1x128xf32>, vector<1x128xf32>, vector<1x128xf32>, vector<1x128xf32>, vector<1x128xf32>, vector<1x128xf32>, vector<1x128xf32>, vector<1x128xf32> -> vector<16x128xf32>
    %broadcast_in_dim3A_467 = vector.shape_cast %stack3A_466 : vector<16x128xf32> to vector<1x16x128xf32>
    %swap3A_468 = arith.constant 0 : index
    %swap3A_469 = arith.constant 0 : index
    %swap3A_470 = arith.constant 0 : index
    %swap3A_471 = vector.load %arg13[%swap3A_468, %swap3A_469, %swap3A_470] : memref<1x16x128xf32, #tpu.memory_space<vmem>>, vector<1x16x128xf32>
    tpu.vector_store %arg13[%swap3A_468, %swap3A_469, %swap3A_470], %broadcast_in_dim3A_467 {strides = array<i32>} : memref<1x16x128xf32, #tpu.memory_space<vmem>>, vector<1x16x128xf32>,
    %concatenate3A = tpu.concatenate %reduce_sum3A_98, %reduce_sum3A_120, %reduce_sum3A_142, %reduce_sum3A_164, %reduce_sum3A_186, %reduce_sum3A_208, %reduce_sum3A_230, %reduce_sum3A_252, %reduce_sum3A_274, %reduce_sum3A_296, %reduce_sum3A_318, %reduce_sum3A_340, %reduce_sum3A_362, %reduce_sum3A_384, %reduce_sum3A_406, %reduce_sum3A_428 in 0 : vector<1xf32>, vector<1xf32>, vector<1xf32>, vector<1xf32>, vector<1xf32>, vector<1xf32>, vector<1xf32>, vector<1xf32>, vector<1xf32>, vector<1xf32>, vector<1xf32>, vector<1xf32>, vector<1xf32>, vector<1xf32>, vector<1xf32>, vector<1xf32> -> vector<16xf32>
    %reshape3A = vector.shape_cast %concatenate3A : vector<16xf32> to vector<1x1x16xf32>
    %swap3A_472 = arith.constant 0 : index
    %swap3A_473 = arith.constant 0 : index
    %swap3A_474 = arith.constant 0 : index
    %swap3A_475 = vector.load %arg14[%swap3A_472, %swap3A_473, %swap3A_474] : memref<1x1x16xf32, #tpu.memory_space<vmem>>, vector<1x1x16xf32>
    tpu.vector_store %arg14[%swap3A_472, %swap3A_473, %swap3A_474], %reshape3A {strides = array<i32>} : memref<1x1x16xf32, #tpu.memory_space<vmem>>, vector<1x1x16xf32>,
    return
  }
  func.func @transform_0(%arg0: i32) -> (i32, i32) {
    %c0_i32 = arith.constant 0 : i32
    %c0_i32_0 = arith.constant 0 : i32
    return %arg0, %c0_i32 : i32, i32
  }
  func.func @transform_1(%arg0: i32) -> (i32, i32) {
    %c0_i32 = arith.constant 0 : i32
    %c0_i32_0 = arith.constant 0 : i32
    return %arg0, %c0_i32 : i32, i32
  }
  func.func @transform_2(%arg0: i32) -> (i32, i32) {
    %c0_i32 = arith.constant 0 : i32
    %c0_i32_0 = arith.constant 0 : i32
    return %arg0, %c0_i32 : i32, i32
  }
  func.func @transform_3(%arg0: i32) -> (i32, i32) {
    %c0_i32 = arith.constant 0 : i32
    %c0_i32_0 = arith.constant 0 : i32
    return %arg0, %c0_i32 : i32, i32
  }
  func.func @transform_4(%arg0: i32) -> (i32, i32) {
    %c0_i32 = arith.constant 0 : i32
    %c0_i32_0 = arith.constant 0 : i32
    %c0_i32_1 = arith.constant 0 : i32
    return %c0_i32, %c0_i32_0 : i32, i32
  }
  func.func @transform_5(%arg0: i32) -> (i32, i32) {
    %c0_i32 = arith.constant 0 : i32
    %c0_i32_0 = arith.constant 0 : i32
    %c0_i32_1 = arith.constant 0 : i32
    return %c0_i32, %c0_i32_0 : i32, i32
  }
  func.func @transform_6(%arg0: i32) -> (i32, i32) {
    %c0_i32 = arith.constant 0 : i32
    %c0_i32_0 = arith.constant 0 : i32
    %c0_i32_1 = arith.constant 0 : i32
    return %c0_i32, %c0_i32_0 : i32, i32
  }
  func.func @transform_7(%arg0: i32) -> (i32, i32, i32) {
    %c0_i32 = arith.constant 0 : i32
    %c0_i32_0 = arith.constant 0 : i32
    %c0_i32_1 = arith.constant 0 : i32
    return %arg0, %c0_i32, %c0_i32_0 : i32, i32, i32
  }
  func.func @transform_8(%arg0: i32) -> (i32, i32, i32) {
    %c0_i32 = arith.constant 0 : i32
    %c0_i32_0 = arith.constant 0 : i32
    %c0_i32_1 = arith.constant 0 : i32
    return %arg0, %c0_i32, %c0_i32_0 : i32, i32, i32
  }
  func.func @transform_9(%arg0: i32) -> (i32, i32) {
    %c0_i32 = arith.constant 0 : i32
    %c0_i32_0 = arith.constant 0 : i32
    return %arg0, %c0_i32 : i32, i32
  }
  func.func @transform_10(%arg0: i32) -> (i32, i32) {
    %c0_i32 = arith.constant 0 : i32
    %c0_i32_0 = arith.constant 0 : i32
    return %arg0, %c0_i32 : i32, i32
  }
  func.func @transform_11(%arg0: i32) -> (i32, i32, i32) {
    %c0_i32 = arith.constant 0 : i32
    %c0_i32_0 = arith.constant 0 : i32
    %c0_i32_1 = arith.constant 0 : i32
    return %arg0, %c0_i32, %c0_i32_0 : i32, i32, i32
  }
  func.func @transform_12(%arg0: i32) -> (i32, i32, i32) {
    %c0_i32 = arith.constant 0 : i32
    %c0_i32_0 = arith.constant 0 : i32
    %c0_i32_1 = arith.constant 0 : i32
    return %arg0, %c0_i32, %c0_i32_0 : i32, i32, i32
  }
  func.func @transform_13(%arg0: i32) -> (i32, i32, i32) {
    %c0_i32 = arith.constant 0 : i32
    %c0_i32_0 = arith.constant 0 : i32
    %c0_i32_1 = arith.constant 0 : i32
    return %arg0, %c0_i32, %c0_i32_0 : i32, i32, i32
  }
}

module attributes {stable_mosaic.version = 14 : i64} {
  func.func @body(%arg0: memref<20x16x32xf32, #tpu.memory_space<vmem>>, %arg1: memref<20x16x32xf32, #tpu.memory_space<vmem>>, %arg2: memref<20x1x16xf32, #tpu.memory_space<vmem>>, %arg3: memref<20x16x64xf32, #tpu.memory_space<vmem>>, %arg4: memref<20x16x64xf32, #tpu.memory_space<vmem>>, %arg5: memref<20x1x16xf32, #tpu.memory_space<vmem>>, %arg6: memref<20x16x128xf32, #tpu.memory_space<vmem>>, %arg7: memref<20x16x128xf32, #tpu.memory_space<vmem>>, %arg8: memref<20x1x16xf32, #tpu.memory_space<vmem>>, %arg9: memref<256x128xf32, #tpu.memory_space<vmem>>, %arg10: memref<1x128xf32, #tpu.memory_space<vmem>>, %arg11: memref<1x128xf32, #tpu.memory_space<vmem>>, %arg12: memref<1x128xf32, #tpu.memory_space<vmem>>, %arg13: memref<128x128xf32, #tpu.memory_space<vmem>>, %arg14: memref<1x128xf32, #tpu.memory_space<vmem>>, %arg15: memref<1x128xf32, #tpu.memory_space<vmem>>, %arg16: memref<1x128xf32, #tpu.memory_space<vmem>>, %arg17: memref<128x64xf32, #tpu.memory_space<vmem>>, %arg18: memref<1x64xf32, #tpu.memory_space<vmem>>, %arg19: memref<1x64xf32, #tpu.memory_space<vmem>>, %arg20: memref<1x64xf32, #tpu.memory_space<vmem>>, %arg21: memref<64x64xf32, #tpu.memory_space<vmem>>, %arg22: memref<1x64xf32, #tpu.memory_space<vmem>>, %arg23: memref<1x64xf32, #tpu.memory_space<vmem>>, %arg24: memref<1x64xf32, #tpu.memory_space<vmem>>, %arg25: memref<64x10xf32, #tpu.memory_space<vmem>>, %arg26: memref<1x10xf32, #tpu.memory_space<vmem>>, %arg27: memref<16x10xf32, #tpu.memory_space<vmem>>) attributes {dimension_semantics = [], scalar_prefetch = 0 : i64, scratch_operands = 0 : i64, tpu.core_type = #tpu.core_type<tc>} {
    %get3A = arith.constant 0 : index
    %get3A_0 = arith.constant 0 : index
    %get3A_1 = arith.constant 0 : index
    %get3A_2 = vector.load %arg0[%get3A, %get3A_0, %get3A_1] : memref<20x16x32xf32, #tpu.memory_space<vmem>>, vector<20x16x32xf32>
    %get3A_3 = arith.constant 0 : index
    %get3A_4 = arith.constant 0 : index
    %get3A_5 = arith.constant 0 : index
    %get3A_6 = vector.load %arg1[%get3A_3, %get3A_4, %get3A_5] : memref<20x16x32xf32, #tpu.memory_space<vmem>>, vector<20x16x32xf32>
    %get3A_7 = arith.constant 0 : index
    %get3A_8 = arith.constant 0 : index
    %get3A_9 = arith.constant 0 : index
    %get3A_10 = vector.load %arg2[%get3A_7, %get3A_8, %get3A_9] : memref<20x1x16xf32, #tpu.memory_space<vmem>>, vector<20x1x16xf32>
    %slice3A = vector.extract_strided_slice %get3A_2 {offsets = [0, 0, 0], sizes = [1, 16, 32], strides = [1, 1, 1]} : vector<20x16x32xf32> to vector<1x16x32xf32>
    %squeeze3A = vector.shape_cast %slice3A : vector<1x16x32xf32> to vector<16x32xf32>
    %slice3A_11 = vector.extract_strided_slice %get3A_6 {offsets = [0, 0, 0], sizes = [1, 16, 32], strides = [1, 1, 1]} : vector<20x16x32xf32> to vector<1x16x32xf32>
    %squeeze3A_12 = vector.shape_cast %slice3A_11 : vector<1x16x32xf32> to vector<16x32xf32>
    %slice3A_13 = vector.extract_strided_slice %get3A_10 {offsets = [0, 0, 0], sizes = [1, 1, 16], strides = [1, 1, 1]} : vector<20x1x16xf32> to vector<1x1x16xf32>
    %squeeze3A_14 = vector.shape_cast %slice3A_13 : vector<1x1x16xf32> to vector<16xf32>
    %slice3A_15 = vector.extract_strided_slice %get3A_2 {offsets = [1, 0, 0], sizes = [1, 16, 32], strides = [1, 1, 1]} : vector<20x16x32xf32> to vector<1x16x32xf32>
    %squeeze3A_16 = vector.shape_cast %slice3A_15 : vector<1x16x32xf32> to vector<16x32xf32>
    %max3A = arith.maximumf %squeeze3A, %squeeze3A_16 : vector<16x32xf32>
    %slice3A_17 = vector.extract_strided_slice %get3A_6 {offsets = [1, 0, 0], sizes = [1, 16, 32], strides = [1, 1, 1]} : vector<20x16x32xf32> to vector<1x16x32xf32>
    %squeeze3A_18 = vector.shape_cast %slice3A_17 : vector<1x16x32xf32> to vector<16x32xf32>
    %add3A = arith.addf %squeeze3A_12, %squeeze3A_18 : vector<16x32xf32>
    %slice3A_19 = vector.extract_strided_slice %get3A_10 {offsets = [1, 0, 0], sizes = [1, 1, 16], strides = [1, 1, 1]} : vector<20x1x16xf32> to vector<1x1x16xf32>
    %squeeze3A_20 = vector.shape_cast %slice3A_19 : vector<1x1x16xf32> to vector<16xf32>
    %add3A_21 = arith.addf %squeeze3A_14, %squeeze3A_20 : vector<16xf32>
    %slice3A_22 = vector.extract_strided_slice %get3A_2 {offsets = [2, 0, 0], sizes = [1, 16, 32], strides = [1, 1, 1]} : vector<20x16x32xf32> to vector<1x16x32xf32>
    %squeeze3A_23 = vector.shape_cast %slice3A_22 : vector<1x16x32xf32> to vector<16x32xf32>
    %max3A_24 = arith.maximumf %max3A, %squeeze3A_23 : vector<16x32xf32>
    %slice3A_25 = vector.extract_strided_slice %get3A_6 {offsets = [2, 0, 0], sizes = [1, 16, 32], strides = [1, 1, 1]} : vector<20x16x32xf32> to vector<1x16x32xf32>
    %squeeze3A_26 = vector.shape_cast %slice3A_25 : vector<1x16x32xf32> to vector<16x32xf32>
    %add3A_27 = arith.addf %add3A, %squeeze3A_26 : vector<16x32xf32>
    %slice3A_28 = vector.extract_strided_slice %get3A_10 {offsets = [2, 0, 0], sizes = [1, 1, 16], strides = [1, 1, 1]} : vector<20x1x16xf32> to vector<1x1x16xf32>
    %squeeze3A_29 = vector.shape_cast %slice3A_28 : vector<1x1x16xf32> to vector<16xf32>
    %add3A_30 = arith.addf %add3A_21, %squeeze3A_29 : vector<16xf32>
    %slice3A_31 = vector.extract_strided_slice %get3A_2 {offsets = [3, 0, 0], sizes = [1, 16, 32], strides = [1, 1, 1]} : vector<20x16x32xf32> to vector<1x16x32xf32>
    %squeeze3A_32 = vector.shape_cast %slice3A_31 : vector<1x16x32xf32> to vector<16x32xf32>
    %max3A_33 = arith.maximumf %max3A_24, %squeeze3A_32 : vector<16x32xf32>
    %slice3A_34 = vector.extract_strided_slice %get3A_6 {offsets = [3, 0, 0], sizes = [1, 16, 32], strides = [1, 1, 1]} : vector<20x16x32xf32> to vector<1x16x32xf32>
    %squeeze3A_35 = vector.shape_cast %slice3A_34 : vector<1x16x32xf32> to vector<16x32xf32>
    %add3A_36 = arith.addf %add3A_27, %squeeze3A_35 : vector<16x32xf32>
    %slice3A_37 = vector.extract_strided_slice %get3A_10 {offsets = [3, 0, 0], sizes = [1, 1, 16], strides = [1, 1, 1]} : vector<20x1x16xf32> to vector<1x1x16xf32>
    %squeeze3A_38 = vector.shape_cast %slice3A_37 : vector<1x1x16xf32> to vector<16xf32>
    %add3A_39 = arith.addf %add3A_30, %squeeze3A_38 : vector<16xf32>
    %slice3A_40 = vector.extract_strided_slice %get3A_2 {offsets = [4, 0, 0], sizes = [1, 16, 32], strides = [1, 1, 1]} : vector<20x16x32xf32> to vector<1x16x32xf32>
    %squeeze3A_41 = vector.shape_cast %slice3A_40 : vector<1x16x32xf32> to vector<16x32xf32>
    %max3A_42 = arith.maximumf %max3A_33, %squeeze3A_41 : vector<16x32xf32>
    %slice3A_43 = vector.extract_strided_slice %get3A_6 {offsets = [4, 0, 0], sizes = [1, 16, 32], strides = [1, 1, 1]} : vector<20x16x32xf32> to vector<1x16x32xf32>
    %squeeze3A_44 = vector.shape_cast %slice3A_43 : vector<1x16x32xf32> to vector<16x32xf32>
    %add3A_45 = arith.addf %add3A_36, %squeeze3A_44 : vector<16x32xf32>
    %slice3A_46 = vector.extract_strided_slice %get3A_10 {offsets = [4, 0, 0], sizes = [1, 1, 16], strides = [1, 1, 1]} : vector<20x1x16xf32> to vector<1x1x16xf32>
    %squeeze3A_47 = vector.shape_cast %slice3A_46 : vector<1x1x16xf32> to vector<16xf32>
    %add3A_48 = arith.addf %add3A_39, %squeeze3A_47 : vector<16xf32>
    %slice3A_49 = vector.extract_strided_slice %get3A_2 {offsets = [5, 0, 0], sizes = [1, 16, 32], strides = [1, 1, 1]} : vector<20x16x32xf32> to vector<1x16x32xf32>
    %squeeze3A_50 = vector.shape_cast %slice3A_49 : vector<1x16x32xf32> to vector<16x32xf32>
    %max3A_51 = arith.maximumf %max3A_42, %squeeze3A_50 : vector<16x32xf32>
    %slice3A_52 = vector.extract_strided_slice %get3A_6 {offsets = [5, 0, 0], sizes = [1, 16, 32], strides = [1, 1, 1]} : vector<20x16x32xf32> to vector<1x16x32xf32>
    %squeeze3A_53 = vector.shape_cast %slice3A_52 : vector<1x16x32xf32> to vector<16x32xf32>
    %add3A_54 = arith.addf %add3A_45, %squeeze3A_53 : vector<16x32xf32>
    %slice3A_55 = vector.extract_strided_slice %get3A_10 {offsets = [5, 0, 0], sizes = [1, 1, 16], strides = [1, 1, 1]} : vector<20x1x16xf32> to vector<1x1x16xf32>
    %squeeze3A_56 = vector.shape_cast %slice3A_55 : vector<1x1x16xf32> to vector<16xf32>
    %add3A_57 = arith.addf %add3A_48, %squeeze3A_56 : vector<16xf32>
    %slice3A_58 = vector.extract_strided_slice %get3A_2 {offsets = [6, 0, 0], sizes = [1, 16, 32], strides = [1, 1, 1]} : vector<20x16x32xf32> to vector<1x16x32xf32>
    %squeeze3A_59 = vector.shape_cast %slice3A_58 : vector<1x16x32xf32> to vector<16x32xf32>
    %max3A_60 = arith.maximumf %max3A_51, %squeeze3A_59 : vector<16x32xf32>
    %slice3A_61 = vector.extract_strided_slice %get3A_6 {offsets = [6, 0, 0], sizes = [1, 16, 32], strides = [1, 1, 1]} : vector<20x16x32xf32> to vector<1x16x32xf32>
    %squeeze3A_62 = vector.shape_cast %slice3A_61 : vector<1x16x32xf32> to vector<16x32xf32>
    %add3A_63 = arith.addf %add3A_54, %squeeze3A_62 : vector<16x32xf32>
    %slice3A_64 = vector.extract_strided_slice %get3A_10 {offsets = [6, 0, 0], sizes = [1, 1, 16], strides = [1, 1, 1]} : vector<20x1x16xf32> to vector<1x1x16xf32>
    %squeeze3A_65 = vector.shape_cast %slice3A_64 : vector<1x1x16xf32> to vector<16xf32>
    %add3A_66 = arith.addf %add3A_57, %squeeze3A_65 : vector<16xf32>
    %slice3A_67 = vector.extract_strided_slice %get3A_2 {offsets = [7, 0, 0], sizes = [1, 16, 32], strides = [1, 1, 1]} : vector<20x16x32xf32> to vector<1x16x32xf32>
    %squeeze3A_68 = vector.shape_cast %slice3A_67 : vector<1x16x32xf32> to vector<16x32xf32>
    %max3A_69 = arith.maximumf %max3A_60, %squeeze3A_68 : vector<16x32xf32>
    %slice3A_70 = vector.extract_strided_slice %get3A_6 {offsets = [7, 0, 0], sizes = [1, 16, 32], strides = [1, 1, 1]} : vector<20x16x32xf32> to vector<1x16x32xf32>
    %squeeze3A_71 = vector.shape_cast %slice3A_70 : vector<1x16x32xf32> to vector<16x32xf32>
    %add3A_72 = arith.addf %add3A_63, %squeeze3A_71 : vector<16x32xf32>
    %slice3A_73 = vector.extract_strided_slice %get3A_10 {offsets = [7, 0, 0], sizes = [1, 1, 16], strides = [1, 1, 1]} : vector<20x1x16xf32> to vector<1x1x16xf32>
    %squeeze3A_74 = vector.shape_cast %slice3A_73 : vector<1x1x16xf32> to vector<16xf32>
    %add3A_75 = arith.addf %add3A_66, %squeeze3A_74 : vector<16xf32>
    %slice3A_76 = vector.extract_strided_slice %get3A_2 {offsets = [8, 0, 0], sizes = [1, 16, 32], strides = [1, 1, 1]} : vector<20x16x32xf32> to vector<1x16x32xf32>
    %squeeze3A_77 = vector.shape_cast %slice3A_76 : vector<1x16x32xf32> to vector<16x32xf32>
    %max3A_78 = arith.maximumf %max3A_69, %squeeze3A_77 : vector<16x32xf32>
    %slice3A_79 = vector.extract_strided_slice %get3A_6 {offsets = [8, 0, 0], sizes = [1, 16, 32], strides = [1, 1, 1]} : vector<20x16x32xf32> to vector<1x16x32xf32>
    %squeeze3A_80 = vector.shape_cast %slice3A_79 : vector<1x16x32xf32> to vector<16x32xf32>
    %add3A_81 = arith.addf %add3A_72, %squeeze3A_80 : vector<16x32xf32>
    %slice3A_82 = vector.extract_strided_slice %get3A_10 {offsets = [8, 0, 0], sizes = [1, 1, 16], strides = [1, 1, 1]} : vector<20x1x16xf32> to vector<1x1x16xf32>
    %squeeze3A_83 = vector.shape_cast %slice3A_82 : vector<1x1x16xf32> to vector<16xf32>
    %add3A_84 = arith.addf %add3A_75, %squeeze3A_83 : vector<16xf32>
    %slice3A_85 = vector.extract_strided_slice %get3A_2 {offsets = [9, 0, 0], sizes = [1, 16, 32], strides = [1, 1, 1]} : vector<20x16x32xf32> to vector<1x16x32xf32>
    %squeeze3A_86 = vector.shape_cast %slice3A_85 : vector<1x16x32xf32> to vector<16x32xf32>
    %max3A_87 = arith.maximumf %max3A_78, %squeeze3A_86 : vector<16x32xf32>
    %slice3A_88 = vector.extract_strided_slice %get3A_6 {offsets = [9, 0, 0], sizes = [1, 16, 32], strides = [1, 1, 1]} : vector<20x16x32xf32> to vector<1x16x32xf32>
    %squeeze3A_89 = vector.shape_cast %slice3A_88 : vector<1x16x32xf32> to vector<16x32xf32>
    %add3A_90 = arith.addf %add3A_81, %squeeze3A_89 : vector<16x32xf32>
    %slice3A_91 = vector.extract_strided_slice %get3A_10 {offsets = [9, 0, 0], sizes = [1, 1, 16], strides = [1, 1, 1]} : vector<20x1x16xf32> to vector<1x1x16xf32>
    %squeeze3A_92 = vector.shape_cast %slice3A_91 : vector<1x1x16xf32> to vector<16xf32>
    %add3A_93 = arith.addf %add3A_84, %squeeze3A_92 : vector<16xf32>
    %slice3A_94 = vector.extract_strided_slice %get3A_2 {offsets = [10, 0, 0], sizes = [1, 16, 32], strides = [1, 1, 1]} : vector<20x16x32xf32> to vector<1x16x32xf32>
    %squeeze3A_95 = vector.shape_cast %slice3A_94 : vector<1x16x32xf32> to vector<16x32xf32>
    %max3A_96 = arith.maximumf %max3A_87, %squeeze3A_95 : vector<16x32xf32>
    %slice3A_97 = vector.extract_strided_slice %get3A_6 {offsets = [10, 0, 0], sizes = [1, 16, 32], strides = [1, 1, 1]} : vector<20x16x32xf32> to vector<1x16x32xf32>
    %squeeze3A_98 = vector.shape_cast %slice3A_97 : vector<1x16x32xf32> to vector<16x32xf32>
    %add3A_99 = arith.addf %add3A_90, %squeeze3A_98 : vector<16x32xf32>
    %slice3A_100 = vector.extract_strided_slice %get3A_10 {offsets = [10, 0, 0], sizes = [1, 1, 16], strides = [1, 1, 1]} : vector<20x1x16xf32> to vector<1x1x16xf32>
    %squeeze3A_101 = vector.shape_cast %slice3A_100 : vector<1x1x16xf32> to vector<16xf32>
    %add3A_102 = arith.addf %add3A_93, %squeeze3A_101 : vector<16xf32>
    %slice3A_103 = vector.extract_strided_slice %get3A_2 {offsets = [11, 0, 0], sizes = [1, 16, 32], strides = [1, 1, 1]} : vector<20x16x32xf32> to vector<1x16x32xf32>
    %squeeze3A_104 = vector.shape_cast %slice3A_103 : vector<1x16x32xf32> to vector<16x32xf32>
    %max3A_105 = arith.maximumf %max3A_96, %squeeze3A_104 : vector<16x32xf32>
    %slice3A_106 = vector.extract_strided_slice %get3A_6 {offsets = [11, 0, 0], sizes = [1, 16, 32], strides = [1, 1, 1]} : vector<20x16x32xf32> to vector<1x16x32xf32>
    %squeeze3A_107 = vector.shape_cast %slice3A_106 : vector<1x16x32xf32> to vector<16x32xf32>
    %add3A_108 = arith.addf %add3A_99, %squeeze3A_107 : vector<16x32xf32>
    %slice3A_109 = vector.extract_strided_slice %get3A_10 {offsets = [11, 0, 0], sizes = [1, 1, 16], strides = [1, 1, 1]} : vector<20x1x16xf32> to vector<1x1x16xf32>
    %squeeze3A_110 = vector.shape_cast %slice3A_109 : vector<1x1x16xf32> to vector<16xf32>
    %add3A_111 = arith.addf %add3A_102, %squeeze3A_110 : vector<16xf32>
    %slice3A_112 = vector.extract_strided_slice %get3A_2 {offsets = [12, 0, 0], sizes = [1, 16, 32], strides = [1, 1, 1]} : vector<20x16x32xf32> to vector<1x16x32xf32>
    %squeeze3A_113 = vector.shape_cast %slice3A_112 : vector<1x16x32xf32> to vector<16x32xf32>
    %max3A_114 = arith.maximumf %max3A_105, %squeeze3A_113 : vector<16x32xf32>
    %slice3A_115 = vector.extract_strided_slice %get3A_6 {offsets = [12, 0, 0], sizes = [1, 16, 32], strides = [1, 1, 1]} : vector<20x16x32xf32> to vector<1x16x32xf32>
    %squeeze3A_116 = vector.shape_cast %slice3A_115 : vector<1x16x32xf32> to vector<16x32xf32>
    %add3A_117 = arith.addf %add3A_108, %squeeze3A_116 : vector<16x32xf32>
    %slice3A_118 = vector.extract_strided_slice %get3A_10 {offsets = [12, 0, 0], sizes = [1, 1, 16], strides = [1, 1, 1]} : vector<20x1x16xf32> to vector<1x1x16xf32>
    %squeeze3A_119 = vector.shape_cast %slice3A_118 : vector<1x1x16xf32> to vector<16xf32>
    %add3A_120 = arith.addf %add3A_111, %squeeze3A_119 : vector<16xf32>
    %slice3A_121 = vector.extract_strided_slice %get3A_2 {offsets = [13, 0, 0], sizes = [1, 16, 32], strides = [1, 1, 1]} : vector<20x16x32xf32> to vector<1x16x32xf32>
    %squeeze3A_122 = vector.shape_cast %slice3A_121 : vector<1x16x32xf32> to vector<16x32xf32>
    %max3A_123 = arith.maximumf %max3A_114, %squeeze3A_122 : vector<16x32xf32>
    %slice3A_124 = vector.extract_strided_slice %get3A_6 {offsets = [13, 0, 0], sizes = [1, 16, 32], strides = [1, 1, 1]} : vector<20x16x32xf32> to vector<1x16x32xf32>
    %squeeze3A_125 = vector.shape_cast %slice3A_124 : vector<1x16x32xf32> to vector<16x32xf32>
    %add3A_126 = arith.addf %add3A_117, %squeeze3A_125 : vector<16x32xf32>
    %slice3A_127 = vector.extract_strided_slice %get3A_10 {offsets = [13, 0, 0], sizes = [1, 1, 16], strides = [1, 1, 1]} : vector<20x1x16xf32> to vector<1x1x16xf32>
    %squeeze3A_128 = vector.shape_cast %slice3A_127 : vector<1x1x16xf32> to vector<16xf32>
    %add3A_129 = arith.addf %add3A_120, %squeeze3A_128 : vector<16xf32>
    %slice3A_130 = vector.extract_strided_slice %get3A_2 {offsets = [14, 0, 0], sizes = [1, 16, 32], strides = [1, 1, 1]} : vector<20x16x32xf32> to vector<1x16x32xf32>
    %squeeze3A_131 = vector.shape_cast %slice3A_130 : vector<1x16x32xf32> to vector<16x32xf32>
    %max3A_132 = arith.maximumf %max3A_123, %squeeze3A_131 : vector<16x32xf32>
    %slice3A_133 = vector.extract_strided_slice %get3A_6 {offsets = [14, 0, 0], sizes = [1, 16, 32], strides = [1, 1, 1]} : vector<20x16x32xf32> to vector<1x16x32xf32>
    %squeeze3A_134 = vector.shape_cast %slice3A_133 : vector<1x16x32xf32> to vector<16x32xf32>
    %add3A_135 = arith.addf %add3A_126, %squeeze3A_134 : vector<16x32xf32>
    %slice3A_136 = vector.extract_strided_slice %get3A_10 {offsets = [14, 0, 0], sizes = [1, 1, 16], strides = [1, 1, 1]} : vector<20x1x16xf32> to vector<1x1x16xf32>
    %squeeze3A_137 = vector.shape_cast %slice3A_136 : vector<1x1x16xf32> to vector<16xf32>
    %add3A_138 = arith.addf %add3A_129, %squeeze3A_137 : vector<16xf32>
    %slice3A_139 = vector.extract_strided_slice %get3A_2 {offsets = [15, 0, 0], sizes = [1, 16, 32], strides = [1, 1, 1]} : vector<20x16x32xf32> to vector<1x16x32xf32>
    %squeeze3A_140 = vector.shape_cast %slice3A_139 : vector<1x16x32xf32> to vector<16x32xf32>
    %max3A_141 = arith.maximumf %max3A_132, %squeeze3A_140 : vector<16x32xf32>
    %slice3A_142 = vector.extract_strided_slice %get3A_6 {offsets = [15, 0, 0], sizes = [1, 16, 32], strides = [1, 1, 1]} : vector<20x16x32xf32> to vector<1x16x32xf32>
    %squeeze3A_143 = vector.shape_cast %slice3A_142 : vector<1x16x32xf32> to vector<16x32xf32>
    %add3A_144 = arith.addf %add3A_135, %squeeze3A_143 : vector<16x32xf32>
    %slice3A_145 = vector.extract_strided_slice %get3A_10 {offsets = [15, 0, 0], sizes = [1, 1, 16], strides = [1, 1, 1]} : vector<20x1x16xf32> to vector<1x1x16xf32>
    %squeeze3A_146 = vector.shape_cast %slice3A_145 : vector<1x1x16xf32> to vector<16xf32>
    %add3A_147 = arith.addf %add3A_138, %squeeze3A_146 : vector<16xf32>
    %slice3A_148 = vector.extract_strided_slice %get3A_2 {offsets = [16, 0, 0], sizes = [1, 16, 32], strides = [1, 1, 1]} : vector<20x16x32xf32> to vector<1x16x32xf32>
    %squeeze3A_149 = vector.shape_cast %slice3A_148 : vector<1x16x32xf32> to vector<16x32xf32>
    %max3A_150 = arith.maximumf %max3A_141, %squeeze3A_149 : vector<16x32xf32>
    %slice3A_151 = vector.extract_strided_slice %get3A_6 {offsets = [16, 0, 0], sizes = [1, 16, 32], strides = [1, 1, 1]} : vector<20x16x32xf32> to vector<1x16x32xf32>
    %squeeze3A_152 = vector.shape_cast %slice3A_151 : vector<1x16x32xf32> to vector<16x32xf32>
    %add3A_153 = arith.addf %add3A_144, %squeeze3A_152 : vector<16x32xf32>
    %slice3A_154 = vector.extract_strided_slice %get3A_10 {offsets = [16, 0, 0], sizes = [1, 1, 16], strides = [1, 1, 1]} : vector<20x1x16xf32> to vector<1x1x16xf32>
    %squeeze3A_155 = vector.shape_cast %slice3A_154 : vector<1x1x16xf32> to vector<16xf32>
    %add3A_156 = arith.addf %add3A_147, %squeeze3A_155 : vector<16xf32>
    %slice3A_157 = vector.extract_strided_slice %get3A_2 {offsets = [17, 0, 0], sizes = [1, 16, 32], strides = [1, 1, 1]} : vector<20x16x32xf32> to vector<1x16x32xf32>
    %squeeze3A_158 = vector.shape_cast %slice3A_157 : vector<1x16x32xf32> to vector<16x32xf32>
    %max3A_159 = arith.maximumf %max3A_150, %squeeze3A_158 : vector<16x32xf32>
    %slice3A_160 = vector.extract_strided_slice %get3A_6 {offsets = [17, 0, 0], sizes = [1, 16, 32], strides = [1, 1, 1]} : vector<20x16x32xf32> to vector<1x16x32xf32>
    %squeeze3A_161 = vector.shape_cast %slice3A_160 : vector<1x16x32xf32> to vector<16x32xf32>
    %add3A_162 = arith.addf %add3A_153, %squeeze3A_161 : vector<16x32xf32>
    %slice3A_163 = vector.extract_strided_slice %get3A_10 {offsets = [17, 0, 0], sizes = [1, 1, 16], strides = [1, 1, 1]} : vector<20x1x16xf32> to vector<1x1x16xf32>
    %squeeze3A_164 = vector.shape_cast %slice3A_163 : vector<1x1x16xf32> to vector<16xf32>
    %add3A_165 = arith.addf %add3A_156, %squeeze3A_164 : vector<16xf32>
    %slice3A_166 = vector.extract_strided_slice %get3A_2 {offsets = [18, 0, 0], sizes = [1, 16, 32], strides = [1, 1, 1]} : vector<20x16x32xf32> to vector<1x16x32xf32>
    %squeeze3A_167 = vector.shape_cast %slice3A_166 : vector<1x16x32xf32> to vector<16x32xf32>
    %max3A_168 = arith.maximumf %max3A_159, %squeeze3A_167 : vector<16x32xf32>
    %slice3A_169 = vector.extract_strided_slice %get3A_6 {offsets = [18, 0, 0], sizes = [1, 16, 32], strides = [1, 1, 1]} : vector<20x16x32xf32> to vector<1x16x32xf32>
    %squeeze3A_170 = vector.shape_cast %slice3A_169 : vector<1x16x32xf32> to vector<16x32xf32>
    %add3A_171 = arith.addf %add3A_162, %squeeze3A_170 : vector<16x32xf32>
    %slice3A_172 = vector.extract_strided_slice %get3A_10 {offsets = [18, 0, 0], sizes = [1, 1, 16], strides = [1, 1, 1]} : vector<20x1x16xf32> to vector<1x1x16xf32>
    %squeeze3A_173 = vector.shape_cast %slice3A_172 : vector<1x1x16xf32> to vector<16xf32>
    %add3A_174 = arith.addf %add3A_165, %squeeze3A_173 : vector<16xf32>
    %slice3A_175 = vector.extract_strided_slice %get3A_2 {offsets = [19, 0, 0], sizes = [1, 16, 32], strides = [1, 1, 1]} : vector<20x16x32xf32> to vector<1x16x32xf32>
    %squeeze3A_176 = vector.shape_cast %slice3A_175 : vector<1x16x32xf32> to vector<16x32xf32>
    %max3A_177 = arith.maximumf %max3A_168, %squeeze3A_176 : vector<16x32xf32>
    %slice3A_178 = vector.extract_strided_slice %get3A_6 {offsets = [19, 0, 0], sizes = [1, 16, 32], strides = [1, 1, 1]} : vector<20x16x32xf32> to vector<1x16x32xf32>
    %squeeze3A_179 = vector.shape_cast %slice3A_178 : vector<1x16x32xf32> to vector<16x32xf32>
    %add3A_180 = arith.addf %add3A_171, %squeeze3A_179 : vector<16x32xf32>
    %slice3A_181 = vector.extract_strided_slice %get3A_10 {offsets = [19, 0, 0], sizes = [1, 1, 16], strides = [1, 1, 1]} : vector<20x1x16xf32> to vector<1x1x16xf32>
    %squeeze3A_182 = vector.shape_cast %slice3A_181 : vector<1x1x16xf32> to vector<16xf32>
    %add3A_183 = arith.addf %add3A_174, %squeeze3A_182 : vector<16xf32>
    %broadcast_in_dim3A = vector.shape_cast %add3A_183 : vector<16xf32> to vector<16x1xf32>
    %max3A_184 = arith.constant 1.000000e+00 : f32
    %max3A_185 = vector.broadcast %max3A_184 : f32 to vector<16x1xf32>
    %max3A_186 = arith.maximumf %broadcast_in_dim3A, %max3A_185 : vector<16x1xf32>
    %div3A = vector.broadcast %max3A_186 : vector<16x1xf32> to vector<16x32xf32>
    %div3A_187 = arith.divf %add3A_180, %div3A : vector<16x32xf32>
    %concatenate3A = tpu.concatenate %max3A_177, %div3A_187 in 1 : vector<16x32xf32>, vector<16x32xf32> -> vector<16x64xf32>
    %get3A_188 = arith.constant 0 : index
    %get3A_189 = arith.constant 0 : index
    %get3A_190 = arith.constant 0 : index
    %get3A_191 = vector.load %arg3[%get3A_188, %get3A_189, %get3A_190] : memref<20x16x64xf32, #tpu.memory_space<vmem>>, vector<20x16x64xf32>
    %get3A_192 = arith.constant 0 : index
    %get3A_193 = arith.constant 0 : index
    %get3A_194 = arith.constant 0 : index
    %get3A_195 = vector.load %arg4[%get3A_192, %get3A_193, %get3A_194] : memref<20x16x64xf32, #tpu.memory_space<vmem>>, vector<20x16x64xf32>
    %get3A_196 = arith.constant 0 : index
    %get3A_197 = arith.constant 0 : index
    %get3A_198 = arith.constant 0 : index
    %get3A_199 = vector.load %arg5[%get3A_196, %get3A_197, %get3A_198] : memref<20x1x16xf32, #tpu.memory_space<vmem>>, vector<20x1x16xf32>
    %slice3A_200 = vector.extract_strided_slice %get3A_191 {offsets = [0, 0, 0], sizes = [1, 16, 64], strides = [1, 1, 1]} : vector<20x16x64xf32> to vector<1x16x64xf32>
    %squeeze3A_201 = vector.shape_cast %slice3A_200 : vector<1x16x64xf32> to vector<16x64xf32>
    %slice3A_202 = vector.extract_strided_slice %get3A_195 {offsets = [0, 0, 0], sizes = [1, 16, 64], strides = [1, 1, 1]} : vector<20x16x64xf32> to vector<1x16x64xf32>
    %squeeze3A_203 = vector.shape_cast %slice3A_202 : vector<1x16x64xf32> to vector<16x64xf32>
    %slice3A_204 = vector.extract_strided_slice %get3A_199 {offsets = [0, 0, 0], sizes = [1, 1, 16], strides = [1, 1, 1]} : vector<20x1x16xf32> to vector<1x1x16xf32>
    %squeeze3A_205 = vector.shape_cast %slice3A_204 : vector<1x1x16xf32> to vector<16xf32>
    %slice3A_206 = vector.extract_strided_slice %get3A_191 {offsets = [1, 0, 0], sizes = [1, 16, 64], strides = [1, 1, 1]} : vector<20x16x64xf32> to vector<1x16x64xf32>
    %squeeze3A_207 = vector.shape_cast %slice3A_206 : vector<1x16x64xf32> to vector<16x64xf32>
    %max3A_208 = arith.maximumf %squeeze3A_201, %squeeze3A_207 : vector<16x64xf32>
    %slice3A_209 = vector.extract_strided_slice %get3A_195 {offsets = [1, 0, 0], sizes = [1, 16, 64], strides = [1, 1, 1]} : vector<20x16x64xf32> to vector<1x16x64xf32>
    %squeeze3A_210 = vector.shape_cast %slice3A_209 : vector<1x16x64xf32> to vector<16x64xf32>
    %add3A_211 = arith.addf %squeeze3A_203, %squeeze3A_210 : vector<16x64xf32>
    %slice3A_212 = vector.extract_strided_slice %get3A_199 {offsets = [1, 0, 0], sizes = [1, 1, 16], strides = [1, 1, 1]} : vector<20x1x16xf32> to vector<1x1x16xf32>
    %squeeze3A_213 = vector.shape_cast %slice3A_212 : vector<1x1x16xf32> to vector<16xf32>
    %add3A_214 = arith.addf %squeeze3A_205, %squeeze3A_213 : vector<16xf32>
    %slice3A_215 = vector.extract_strided_slice %get3A_191 {offsets = [2, 0, 0], sizes = [1, 16, 64], strides = [1, 1, 1]} : vector<20x16x64xf32> to vector<1x16x64xf32>
    %squeeze3A_216 = vector.shape_cast %slice3A_215 : vector<1x16x64xf32> to vector<16x64xf32>
    %max3A_217 = arith.maximumf %max3A_208, %squeeze3A_216 : vector<16x64xf32>
    %slice3A_218 = vector.extract_strided_slice %get3A_195 {offsets = [2, 0, 0], sizes = [1, 16, 64], strides = [1, 1, 1]} : vector<20x16x64xf32> to vector<1x16x64xf32>
    %squeeze3A_219 = vector.shape_cast %slice3A_218 : vector<1x16x64xf32> to vector<16x64xf32>
    %add3A_220 = arith.addf %add3A_211, %squeeze3A_219 : vector<16x64xf32>
    %slice3A_221 = vector.extract_strided_slice %get3A_199 {offsets = [2, 0, 0], sizes = [1, 1, 16], strides = [1, 1, 1]} : vector<20x1x16xf32> to vector<1x1x16xf32>
    %squeeze3A_222 = vector.shape_cast %slice3A_221 : vector<1x1x16xf32> to vector<16xf32>
    %add3A_223 = arith.addf %add3A_214, %squeeze3A_222 : vector<16xf32>
    %slice3A_224 = vector.extract_strided_slice %get3A_191 {offsets = [3, 0, 0], sizes = [1, 16, 64], strides = [1, 1, 1]} : vector<20x16x64xf32> to vector<1x16x64xf32>
    %squeeze3A_225 = vector.shape_cast %slice3A_224 : vector<1x16x64xf32> to vector<16x64xf32>
    %max3A_226 = arith.maximumf %max3A_217, %squeeze3A_225 : vector<16x64xf32>
    %slice3A_227 = vector.extract_strided_slice %get3A_195 {offsets = [3, 0, 0], sizes = [1, 16, 64], strides = [1, 1, 1]} : vector<20x16x64xf32> to vector<1x16x64xf32>
    %squeeze3A_228 = vector.shape_cast %slice3A_227 : vector<1x16x64xf32> to vector<16x64xf32>
    %add3A_229 = arith.addf %add3A_220, %squeeze3A_228 : vector<16x64xf32>
    %slice3A_230 = vector.extract_strided_slice %get3A_199 {offsets = [3, 0, 0], sizes = [1, 1, 16], strides = [1, 1, 1]} : vector<20x1x16xf32> to vector<1x1x16xf32>
    %squeeze3A_231 = vector.shape_cast %slice3A_230 : vector<1x1x16xf32> to vector<16xf32>
    %add3A_232 = arith.addf %add3A_223, %squeeze3A_231 : vector<16xf32>
    %slice3A_233 = vector.extract_strided_slice %get3A_191 {offsets = [4, 0, 0], sizes = [1, 16, 64], strides = [1, 1, 1]} : vector<20x16x64xf32> to vector<1x16x64xf32>
    %squeeze3A_234 = vector.shape_cast %slice3A_233 : vector<1x16x64xf32> to vector<16x64xf32>
    %max3A_235 = arith.maximumf %max3A_226, %squeeze3A_234 : vector<16x64xf32>
    %slice3A_236 = vector.extract_strided_slice %get3A_195 {offsets = [4, 0, 0], sizes = [1, 16, 64], strides = [1, 1, 1]} : vector<20x16x64xf32> to vector<1x16x64xf32>
    %squeeze3A_237 = vector.shape_cast %slice3A_236 : vector<1x16x64xf32> to vector<16x64xf32>
    %add3A_238 = arith.addf %add3A_229, %squeeze3A_237 : vector<16x64xf32>
    %slice3A_239 = vector.extract_strided_slice %get3A_199 {offsets = [4, 0, 0], sizes = [1, 1, 16], strides = [1, 1, 1]} : vector<20x1x16xf32> to vector<1x1x16xf32>
    %squeeze3A_240 = vector.shape_cast %slice3A_239 : vector<1x1x16xf32> to vector<16xf32>
    %add3A_241 = arith.addf %add3A_232, %squeeze3A_240 : vector<16xf32>
    %slice3A_242 = vector.extract_strided_slice %get3A_191 {offsets = [5, 0, 0], sizes = [1, 16, 64], strides = [1, 1, 1]} : vector<20x16x64xf32> to vector<1x16x64xf32>
    %squeeze3A_243 = vector.shape_cast %slice3A_242 : vector<1x16x64xf32> to vector<16x64xf32>
    %max3A_244 = arith.maximumf %max3A_235, %squeeze3A_243 : vector<16x64xf32>
    %slice3A_245 = vector.extract_strided_slice %get3A_195 {offsets = [5, 0, 0], sizes = [1, 16, 64], strides = [1, 1, 1]} : vector<20x16x64xf32> to vector<1x16x64xf32>
    %squeeze3A_246 = vector.shape_cast %slice3A_245 : vector<1x16x64xf32> to vector<16x64xf32>
    %add3A_247 = arith.addf %add3A_238, %squeeze3A_246 : vector<16x64xf32>
    %slice3A_248 = vector.extract_strided_slice %get3A_199 {offsets = [5, 0, 0], sizes = [1, 1, 16], strides = [1, 1, 1]} : vector<20x1x16xf32> to vector<1x1x16xf32>
    %squeeze3A_249 = vector.shape_cast %slice3A_248 : vector<1x1x16xf32> to vector<16xf32>
    %add3A_250 = arith.addf %add3A_241, %squeeze3A_249 : vector<16xf32>
    %slice3A_251 = vector.extract_strided_slice %get3A_191 {offsets = [6, 0, 0], sizes = [1, 16, 64], strides = [1, 1, 1]} : vector<20x16x64xf32> to vector<1x16x64xf32>
    %squeeze3A_252 = vector.shape_cast %slice3A_251 : vector<1x16x64xf32> to vector<16x64xf32>
    %max3A_253 = arith.maximumf %max3A_244, %squeeze3A_252 : vector<16x64xf32>
    %slice3A_254 = vector.extract_strided_slice %get3A_195 {offsets = [6, 0, 0], sizes = [1, 16, 64], strides = [1, 1, 1]} : vector<20x16x64xf32> to vector<1x16x64xf32>
    %squeeze3A_255 = vector.shape_cast %slice3A_254 : vector<1x16x64xf32> to vector<16x64xf32>
    %add3A_256 = arith.addf %add3A_247, %squeeze3A_255 : vector<16x64xf32>
    %slice3A_257 = vector.extract_strided_slice %get3A_199 {offsets = [6, 0, 0], sizes = [1, 1, 16], strides = [1, 1, 1]} : vector<20x1x16xf32> to vector<1x1x16xf32>
    %squeeze3A_258 = vector.shape_cast %slice3A_257 : vector<1x1x16xf32> to vector<16xf32>
    %add3A_259 = arith.addf %add3A_250, %squeeze3A_258 : vector<16xf32>
    %slice3A_260 = vector.extract_strided_slice %get3A_191 {offsets = [7, 0, 0], sizes = [1, 16, 64], strides = [1, 1, 1]} : vector<20x16x64xf32> to vector<1x16x64xf32>
    %squeeze3A_261 = vector.shape_cast %slice3A_260 : vector<1x16x64xf32> to vector<16x64xf32>
    %max3A_262 = arith.maximumf %max3A_253, %squeeze3A_261 : vector<16x64xf32>
    %slice3A_263 = vector.extract_strided_slice %get3A_195 {offsets = [7, 0, 0], sizes = [1, 16, 64], strides = [1, 1, 1]} : vector<20x16x64xf32> to vector<1x16x64xf32>
    %squeeze3A_264 = vector.shape_cast %slice3A_263 : vector<1x16x64xf32> to vector<16x64xf32>
    %add3A_265 = arith.addf %add3A_256, %squeeze3A_264 : vector<16x64xf32>
    %slice3A_266 = vector.extract_strided_slice %get3A_199 {offsets = [7, 0, 0], sizes = [1, 1, 16], strides = [1, 1, 1]} : vector<20x1x16xf32> to vector<1x1x16xf32>
    %squeeze3A_267 = vector.shape_cast %slice3A_266 : vector<1x1x16xf32> to vector<16xf32>
    %add3A_268 = arith.addf %add3A_259, %squeeze3A_267 : vector<16xf32>
    %slice3A_269 = vector.extract_strided_slice %get3A_191 {offsets = [8, 0, 0], sizes = [1, 16, 64], strides = [1, 1, 1]} : vector<20x16x64xf32> to vector<1x16x64xf32>
    %squeeze3A_270 = vector.shape_cast %slice3A_269 : vector<1x16x64xf32> to vector<16x64xf32>
    %max3A_271 = arith.maximumf %max3A_262, %squeeze3A_270 : vector<16x64xf32>
    %slice3A_272 = vector.extract_strided_slice %get3A_195 {offsets = [8, 0, 0], sizes = [1, 16, 64], strides = [1, 1, 1]} : vector<20x16x64xf32> to vector<1x16x64xf32>
    %squeeze3A_273 = vector.shape_cast %slice3A_272 : vector<1x16x64xf32> to vector<16x64xf32>
    %add3A_274 = arith.addf %add3A_265, %squeeze3A_273 : vector<16x64xf32>
    %slice3A_275 = vector.extract_strided_slice %get3A_199 {offsets = [8, 0, 0], sizes = [1, 1, 16], strides = [1, 1, 1]} : vector<20x1x16xf32> to vector<1x1x16xf32>
    %squeeze3A_276 = vector.shape_cast %slice3A_275 : vector<1x1x16xf32> to vector<16xf32>
    %add3A_277 = arith.addf %add3A_268, %squeeze3A_276 : vector<16xf32>
    %slice3A_278 = vector.extract_strided_slice %get3A_191 {offsets = [9, 0, 0], sizes = [1, 16, 64], strides = [1, 1, 1]} : vector<20x16x64xf32> to vector<1x16x64xf32>
    %squeeze3A_279 = vector.shape_cast %slice3A_278 : vector<1x16x64xf32> to vector<16x64xf32>
    %max3A_280 = arith.maximumf %max3A_271, %squeeze3A_279 : vector<16x64xf32>
    %slice3A_281 = vector.extract_strided_slice %get3A_195 {offsets = [9, 0, 0], sizes = [1, 16, 64], strides = [1, 1, 1]} : vector<20x16x64xf32> to vector<1x16x64xf32>
    %squeeze3A_282 = vector.shape_cast %slice3A_281 : vector<1x16x64xf32> to vector<16x64xf32>
    %add3A_283 = arith.addf %add3A_274, %squeeze3A_282 : vector<16x64xf32>
    %slice3A_284 = vector.extract_strided_slice %get3A_199 {offsets = [9, 0, 0], sizes = [1, 1, 16], strides = [1, 1, 1]} : vector<20x1x16xf32> to vector<1x1x16xf32>
    %squeeze3A_285 = vector.shape_cast %slice3A_284 : vector<1x1x16xf32> to vector<16xf32>
    %add3A_286 = arith.addf %add3A_277, %squeeze3A_285 : vector<16xf32>
    %slice3A_287 = vector.extract_strided_slice %get3A_191 {offsets = [10, 0, 0], sizes = [1, 16, 64], strides = [1, 1, 1]} : vector<20x16x64xf32> to vector<1x16x64xf32>
    %squeeze3A_288 = vector.shape_cast %slice3A_287 : vector<1x16x64xf32> to vector<16x64xf32>
    %max3A_289 = arith.maximumf %max3A_280, %squeeze3A_288 : vector<16x64xf32>
    %slice3A_290 = vector.extract_strided_slice %get3A_195 {offsets = [10, 0, 0], sizes = [1, 16, 64], strides = [1, 1, 1]} : vector<20x16x64xf32> to vector<1x16x64xf32>
    %squeeze3A_291 = vector.shape_cast %slice3A_290 : vector<1x16x64xf32> to vector<16x64xf32>
    %add3A_292 = arith.addf %add3A_283, %squeeze3A_291 : vector<16x64xf32>
    %slice3A_293 = vector.extract_strided_slice %get3A_199 {offsets = [10, 0, 0], sizes = [1, 1, 16], strides = [1, 1, 1]} : vector<20x1x16xf32> to vector<1x1x16xf32>
    %squeeze3A_294 = vector.shape_cast %slice3A_293 : vector<1x1x16xf32> to vector<16xf32>
    %add3A_295 = arith.addf %add3A_286, %squeeze3A_294 : vector<16xf32>
    %slice3A_296 = vector.extract_strided_slice %get3A_191 {offsets = [11, 0, 0], sizes = [1, 16, 64], strides = [1, 1, 1]} : vector<20x16x64xf32> to vector<1x16x64xf32>
    %squeeze3A_297 = vector.shape_cast %slice3A_296 : vector<1x16x64xf32> to vector<16x64xf32>
    %max3A_298 = arith.maximumf %max3A_289, %squeeze3A_297 : vector<16x64xf32>
    %slice3A_299 = vector.extract_strided_slice %get3A_195 {offsets = [11, 0, 0], sizes = [1, 16, 64], strides = [1, 1, 1]} : vector<20x16x64xf32> to vector<1x16x64xf32>
    %squeeze3A_300 = vector.shape_cast %slice3A_299 : vector<1x16x64xf32> to vector<16x64xf32>
    %add3A_301 = arith.addf %add3A_292, %squeeze3A_300 : vector<16x64xf32>
    %slice3A_302 = vector.extract_strided_slice %get3A_199 {offsets = [11, 0, 0], sizes = [1, 1, 16], strides = [1, 1, 1]} : vector<20x1x16xf32> to vector<1x1x16xf32>
    %squeeze3A_303 = vector.shape_cast %slice3A_302 : vector<1x1x16xf32> to vector<16xf32>
    %add3A_304 = arith.addf %add3A_295, %squeeze3A_303 : vector<16xf32>
    %slice3A_305 = vector.extract_strided_slice %get3A_191 {offsets = [12, 0, 0], sizes = [1, 16, 64], strides = [1, 1, 1]} : vector<20x16x64xf32> to vector<1x16x64xf32>
    %squeeze3A_306 = vector.shape_cast %slice3A_305 : vector<1x16x64xf32> to vector<16x64xf32>
    %max3A_307 = arith.maximumf %max3A_298, %squeeze3A_306 : vector<16x64xf32>
    %slice3A_308 = vector.extract_strided_slice %get3A_195 {offsets = [12, 0, 0], sizes = [1, 16, 64], strides = [1, 1, 1]} : vector<20x16x64xf32> to vector<1x16x64xf32>
    %squeeze3A_309 = vector.shape_cast %slice3A_308 : vector<1x16x64xf32> to vector<16x64xf32>
    %add3A_310 = arith.addf %add3A_301, %squeeze3A_309 : vector<16x64xf32>
    %slice3A_311 = vector.extract_strided_slice %get3A_199 {offsets = [12, 0, 0], sizes = [1, 1, 16], strides = [1, 1, 1]} : vector<20x1x16xf32> to vector<1x1x16xf32>
    %squeeze3A_312 = vector.shape_cast %slice3A_311 : vector<1x1x16xf32> to vector<16xf32>
    %add3A_313 = arith.addf %add3A_304, %squeeze3A_312 : vector<16xf32>
    %slice3A_314 = vector.extract_strided_slice %get3A_191 {offsets = [13, 0, 0], sizes = [1, 16, 64], strides = [1, 1, 1]} : vector<20x16x64xf32> to vector<1x16x64xf32>
    %squeeze3A_315 = vector.shape_cast %slice3A_314 : vector<1x16x64xf32> to vector<16x64xf32>
    %max3A_316 = arith.maximumf %max3A_307, %squeeze3A_315 : vector<16x64xf32>
    %slice3A_317 = vector.extract_strided_slice %get3A_195 {offsets = [13, 0, 0], sizes = [1, 16, 64], strides = [1, 1, 1]} : vector<20x16x64xf32> to vector<1x16x64xf32>
    %squeeze3A_318 = vector.shape_cast %slice3A_317 : vector<1x16x64xf32> to vector<16x64xf32>
    %add3A_319 = arith.addf %add3A_310, %squeeze3A_318 : vector<16x64xf32>
    %slice3A_320 = vector.extract_strided_slice %get3A_199 {offsets = [13, 0, 0], sizes = [1, 1, 16], strides = [1, 1, 1]} : vector<20x1x16xf32> to vector<1x1x16xf32>
    %squeeze3A_321 = vector.shape_cast %slice3A_320 : vector<1x1x16xf32> to vector<16xf32>
    %add3A_322 = arith.addf %add3A_313, %squeeze3A_321 : vector<16xf32>
    %slice3A_323 = vector.extract_strided_slice %get3A_191 {offsets = [14, 0, 0], sizes = [1, 16, 64], strides = [1, 1, 1]} : vector<20x16x64xf32> to vector<1x16x64xf32>
    %squeeze3A_324 = vector.shape_cast %slice3A_323 : vector<1x16x64xf32> to vector<16x64xf32>
    %max3A_325 = arith.maximumf %max3A_316, %squeeze3A_324 : vector<16x64xf32>
    %slice3A_326 = vector.extract_strided_slice %get3A_195 {offsets = [14, 0, 0], sizes = [1, 16, 64], strides = [1, 1, 1]} : vector<20x16x64xf32> to vector<1x16x64xf32>
    %squeeze3A_327 = vector.shape_cast %slice3A_326 : vector<1x16x64xf32> to vector<16x64xf32>
    %add3A_328 = arith.addf %add3A_319, %squeeze3A_327 : vector<16x64xf32>
    %slice3A_329 = vector.extract_strided_slice %get3A_199 {offsets = [14, 0, 0], sizes = [1, 1, 16], strides = [1, 1, 1]} : vector<20x1x16xf32> to vector<1x1x16xf32>
    %squeeze3A_330 = vector.shape_cast %slice3A_329 : vector<1x1x16xf32> to vector<16xf32>
    %add3A_331 = arith.addf %add3A_322, %squeeze3A_330 : vector<16xf32>
    %slice3A_332 = vector.extract_strided_slice %get3A_191 {offsets = [15, 0, 0], sizes = [1, 16, 64], strides = [1, 1, 1]} : vector<20x16x64xf32> to vector<1x16x64xf32>
    %squeeze3A_333 = vector.shape_cast %slice3A_332 : vector<1x16x64xf32> to vector<16x64xf32>
    %max3A_334 = arith.maximumf %max3A_325, %squeeze3A_333 : vector<16x64xf32>
    %slice3A_335 = vector.extract_strided_slice %get3A_195 {offsets = [15, 0, 0], sizes = [1, 16, 64], strides = [1, 1, 1]} : vector<20x16x64xf32> to vector<1x16x64xf32>
    %squeeze3A_336 = vector.shape_cast %slice3A_335 : vector<1x16x64xf32> to vector<16x64xf32>
    %add3A_337 = arith.addf %add3A_328, %squeeze3A_336 : vector<16x64xf32>
    %slice3A_338 = vector.extract_strided_slice %get3A_199 {offsets = [15, 0, 0], sizes = [1, 1, 16], strides = [1, 1, 1]} : vector<20x1x16xf32> to vector<1x1x16xf32>
    %squeeze3A_339 = vector.shape_cast %slice3A_338 : vector<1x1x16xf32> to vector<16xf32>
    %add3A_340 = arith.addf %add3A_331, %squeeze3A_339 : vector<16xf32>
    %slice3A_341 = vector.extract_strided_slice %get3A_191 {offsets = [16, 0, 0], sizes = [1, 16, 64], strides = [1, 1, 1]} : vector<20x16x64xf32> to vector<1x16x64xf32>
    %squeeze3A_342 = vector.shape_cast %slice3A_341 : vector<1x16x64xf32> to vector<16x64xf32>
    %max3A_343 = arith.maximumf %max3A_334, %squeeze3A_342 : vector<16x64xf32>
    %slice3A_344 = vector.extract_strided_slice %get3A_195 {offsets = [16, 0, 0], sizes = [1, 16, 64], strides = [1, 1, 1]} : vector<20x16x64xf32> to vector<1x16x64xf32>
    %squeeze3A_345 = vector.shape_cast %slice3A_344 : vector<1x16x64xf32> to vector<16x64xf32>
    %add3A_346 = arith.addf %add3A_337, %squeeze3A_345 : vector<16x64xf32>
    %slice3A_347 = vector.extract_strided_slice %get3A_199 {offsets = [16, 0, 0], sizes = [1, 1, 16], strides = [1, 1, 1]} : vector<20x1x16xf32> to vector<1x1x16xf32>
    %squeeze3A_348 = vector.shape_cast %slice3A_347 : vector<1x1x16xf32> to vector<16xf32>
    %add3A_349 = arith.addf %add3A_340, %squeeze3A_348 : vector<16xf32>
    %slice3A_350 = vector.extract_strided_slice %get3A_191 {offsets = [17, 0, 0], sizes = [1, 16, 64], strides = [1, 1, 1]} : vector<20x16x64xf32> to vector<1x16x64xf32>
    %squeeze3A_351 = vector.shape_cast %slice3A_350 : vector<1x16x64xf32> to vector<16x64xf32>
    %max3A_352 = arith.maximumf %max3A_343, %squeeze3A_351 : vector<16x64xf32>
    %slice3A_353 = vector.extract_strided_slice %get3A_195 {offsets = [17, 0, 0], sizes = [1, 16, 64], strides = [1, 1, 1]} : vector<20x16x64xf32> to vector<1x16x64xf32>
    %squeeze3A_354 = vector.shape_cast %slice3A_353 : vector<1x16x64xf32> to vector<16x64xf32>
    %add3A_355 = arith.addf %add3A_346, %squeeze3A_354 : vector<16x64xf32>
    %slice3A_356 = vector.extract_strided_slice %get3A_199 {offsets = [17, 0, 0], sizes = [1, 1, 16], strides = [1, 1, 1]} : vector<20x1x16xf32> to vector<1x1x16xf32>
    %squeeze3A_357 = vector.shape_cast %slice3A_356 : vector<1x1x16xf32> to vector<16xf32>
    %add3A_358 = arith.addf %add3A_349, %squeeze3A_357 : vector<16xf32>
    %slice3A_359 = vector.extract_strided_slice %get3A_191 {offsets = [18, 0, 0], sizes = [1, 16, 64], strides = [1, 1, 1]} : vector<20x16x64xf32> to vector<1x16x64xf32>
    %squeeze3A_360 = vector.shape_cast %slice3A_359 : vector<1x16x64xf32> to vector<16x64xf32>
    %max3A_361 = arith.maximumf %max3A_352, %squeeze3A_360 : vector<16x64xf32>
    %slice3A_362 = vector.extract_strided_slice %get3A_195 {offsets = [18, 0, 0], sizes = [1, 16, 64], strides = [1, 1, 1]} : vector<20x16x64xf32> to vector<1x16x64xf32>
    %squeeze3A_363 = vector.shape_cast %slice3A_362 : vector<1x16x64xf32> to vector<16x64xf32>
    %add3A_364 = arith.addf %add3A_355, %squeeze3A_363 : vector<16x64xf32>
    %slice3A_365 = vector.extract_strided_slice %get3A_199 {offsets = [18, 0, 0], sizes = [1, 1, 16], strides = [1, 1, 1]} : vector<20x1x16xf32> to vector<1x1x16xf32>
    %squeeze3A_366 = vector.shape_cast %slice3A_365 : vector<1x1x16xf32> to vector<16xf32>
    %add3A_367 = arith.addf %add3A_358, %squeeze3A_366 : vector<16xf32>
    %slice3A_368 = vector.extract_strided_slice %get3A_191 {offsets = [19, 0, 0], sizes = [1, 16, 64], strides = [1, 1, 1]} : vector<20x16x64xf32> to vector<1x16x64xf32>
    %squeeze3A_369 = vector.shape_cast %slice3A_368 : vector<1x16x64xf32> to vector<16x64xf32>
    %max3A_370 = arith.maximumf %max3A_361, %squeeze3A_369 : vector<16x64xf32>
    %slice3A_371 = vector.extract_strided_slice %get3A_195 {offsets = [19, 0, 0], sizes = [1, 16, 64], strides = [1, 1, 1]} : vector<20x16x64xf32> to vector<1x16x64xf32>
    %squeeze3A_372 = vector.shape_cast %slice3A_371 : vector<1x16x64xf32> to vector<16x64xf32>
    %add3A_373 = arith.addf %add3A_364, %squeeze3A_372 : vector<16x64xf32>
    %slice3A_374 = vector.extract_strided_slice %get3A_199 {offsets = [19, 0, 0], sizes = [1, 1, 16], strides = [1, 1, 1]} : vector<20x1x16xf32> to vector<1x1x16xf32>
    %squeeze3A_375 = vector.shape_cast %slice3A_374 : vector<1x1x16xf32> to vector<16xf32>
    %add3A_376 = arith.addf %add3A_367, %squeeze3A_375 : vector<16xf32>
    %broadcast_in_dim3A_377 = vector.shape_cast %add3A_376 : vector<16xf32> to vector<16x1xf32>
    %max3A_378 = arith.constant 1.000000e+00 : f32
    %max3A_379 = vector.broadcast %max3A_378 : f32 to vector<16x1xf32>
    %max3A_380 = arith.maximumf %broadcast_in_dim3A_377, %max3A_379 : vector<16x1xf32>
    %div3A_381 = vector.broadcast %max3A_380 : vector<16x1xf32> to vector<16x64xf32>
    %div3A_382 = arith.divf %add3A_373, %div3A_381 : vector<16x64xf32>
    %concatenate3A_383 = tpu.concatenate %max3A_370, %div3A_382 in 1 : vector<16x64xf32>, vector<16x64xf32> -> vector<16x128xf32>
    %get3A_384 = arith.constant 0 : index
    %get3A_385 = arith.constant 0 : index
    %get3A_386 = arith.constant 0 : index
    %get3A_387 = vector.load %arg6[%get3A_384, %get3A_385, %get3A_386] : memref<20x16x128xf32, #tpu.memory_space<vmem>>, vector<20x16x128xf32>
    %get3A_388 = arith.constant 0 : index
    %get3A_389 = arith.constant 0 : index
    %get3A_390 = arith.constant 0 : index
    %get3A_391 = vector.load %arg7[%get3A_388, %get3A_389, %get3A_390] : memref<20x16x128xf32, #tpu.memory_space<vmem>>, vector<20x16x128xf32>
    %get3A_392 = arith.constant 0 : index
    %get3A_393 = arith.constant 0 : index
    %get3A_394 = arith.constant 0 : index
    %get3A_395 = vector.load %arg8[%get3A_392, %get3A_393, %get3A_394] : memref<20x1x16xf32, #tpu.memory_space<vmem>>, vector<20x1x16xf32>
    %slice3A_396 = vector.extract_strided_slice %get3A_387 {offsets = [0, 0, 0], sizes = [1, 16, 128], strides = [1, 1, 1]} : vector<20x16x128xf32> to vector<1x16x128xf32>
    %squeeze3A_397 = vector.shape_cast %slice3A_396 : vector<1x16x128xf32> to vector<16x128xf32>
    %slice3A_398 = vector.extract_strided_slice %get3A_391 {offsets = [0, 0, 0], sizes = [1, 16, 128], strides = [1, 1, 1]} : vector<20x16x128xf32> to vector<1x16x128xf32>
    %squeeze3A_399 = vector.shape_cast %slice3A_398 : vector<1x16x128xf32> to vector<16x128xf32>
    %slice3A_400 = vector.extract_strided_slice %get3A_395 {offsets = [0, 0, 0], sizes = [1, 1, 16], strides = [1, 1, 1]} : vector<20x1x16xf32> to vector<1x1x16xf32>
    %squeeze3A_401 = vector.shape_cast %slice3A_400 : vector<1x1x16xf32> to vector<16xf32>
    %slice3A_402 = vector.extract_strided_slice %get3A_387 {offsets = [1, 0, 0], sizes = [1, 16, 128], strides = [1, 1, 1]} : vector<20x16x128xf32> to vector<1x16x128xf32>
    %squeeze3A_403 = vector.shape_cast %slice3A_402 : vector<1x16x128xf32> to vector<16x128xf32>
    %max3A_404 = arith.maximumf %squeeze3A_397, %squeeze3A_403 : vector<16x128xf32>
    %slice3A_405 = vector.extract_strided_slice %get3A_391 {offsets = [1, 0, 0], sizes = [1, 16, 128], strides = [1, 1, 1]} : vector<20x16x128xf32> to vector<1x16x128xf32>
    %squeeze3A_406 = vector.shape_cast %slice3A_405 : vector<1x16x128xf32> to vector<16x128xf32>
    %add3A_407 = arith.addf %squeeze3A_399, %squeeze3A_406 : vector<16x128xf32>
    %slice3A_408 = vector.extract_strided_slice %get3A_395 {offsets = [1, 0, 0], sizes = [1, 1, 16], strides = [1, 1, 1]} : vector<20x1x16xf32> to vector<1x1x16xf32>
    %squeeze3A_409 = vector.shape_cast %slice3A_408 : vector<1x1x16xf32> to vector<16xf32>
    %add3A_410 = arith.addf %squeeze3A_401, %squeeze3A_409 : vector<16xf32>
    %slice3A_411 = vector.extract_strided_slice %get3A_387 {offsets = [2, 0, 0], sizes = [1, 16, 128], strides = [1, 1, 1]} : vector<20x16x128xf32> to vector<1x16x128xf32>
    %squeeze3A_412 = vector.shape_cast %slice3A_411 : vector<1x16x128xf32> to vector<16x128xf32>
    %max3A_413 = arith.maximumf %max3A_404, %squeeze3A_412 : vector<16x128xf32>
    %slice3A_414 = vector.extract_strided_slice %get3A_391 {offsets = [2, 0, 0], sizes = [1, 16, 128], strides = [1, 1, 1]} : vector<20x16x128xf32> to vector<1x16x128xf32>
    %squeeze3A_415 = vector.shape_cast %slice3A_414 : vector<1x16x128xf32> to vector<16x128xf32>
    %add3A_416 = arith.addf %add3A_407, %squeeze3A_415 : vector<16x128xf32>
    %slice3A_417 = vector.extract_strided_slice %get3A_395 {offsets = [2, 0, 0], sizes = [1, 1, 16], strides = [1, 1, 1]} : vector<20x1x16xf32> to vector<1x1x16xf32>
    %squeeze3A_418 = vector.shape_cast %slice3A_417 : vector<1x1x16xf32> to vector<16xf32>
    %add3A_419 = arith.addf %add3A_410, %squeeze3A_418 : vector<16xf32>
    %slice3A_420 = vector.extract_strided_slice %get3A_387 {offsets = [3, 0, 0], sizes = [1, 16, 128], strides = [1, 1, 1]} : vector<20x16x128xf32> to vector<1x16x128xf32>
    %squeeze3A_421 = vector.shape_cast %slice3A_420 : vector<1x16x128xf32> to vector<16x128xf32>
    %max3A_422 = arith.maximumf %max3A_413, %squeeze3A_421 : vector<16x128xf32>
    %slice3A_423 = vector.extract_strided_slice %get3A_391 {offsets = [3, 0, 0], sizes = [1, 16, 128], strides = [1, 1, 1]} : vector<20x16x128xf32> to vector<1x16x128xf32>
    %squeeze3A_424 = vector.shape_cast %slice3A_423 : vector<1x16x128xf32> to vector<16x128xf32>
    %add3A_425 = arith.addf %add3A_416, %squeeze3A_424 : vector<16x128xf32>
    %slice3A_426 = vector.extract_strided_slice %get3A_395 {offsets = [3, 0, 0], sizes = [1, 1, 16], strides = [1, 1, 1]} : vector<20x1x16xf32> to vector<1x1x16xf32>
    %squeeze3A_427 = vector.shape_cast %slice3A_426 : vector<1x1x16xf32> to vector<16xf32>
    %add3A_428 = arith.addf %add3A_419, %squeeze3A_427 : vector<16xf32>
    %slice3A_429 = vector.extract_strided_slice %get3A_387 {offsets = [4, 0, 0], sizes = [1, 16, 128], strides = [1, 1, 1]} : vector<20x16x128xf32> to vector<1x16x128xf32>
    %squeeze3A_430 = vector.shape_cast %slice3A_429 : vector<1x16x128xf32> to vector<16x128xf32>
    %max3A_431 = arith.maximumf %max3A_422, %squeeze3A_430 : vector<16x128xf32>
    %slice3A_432 = vector.extract_strided_slice %get3A_391 {offsets = [4, 0, 0], sizes = [1, 16, 128], strides = [1, 1, 1]} : vector<20x16x128xf32> to vector<1x16x128xf32>
    %squeeze3A_433 = vector.shape_cast %slice3A_432 : vector<1x16x128xf32> to vector<16x128xf32>
    %add3A_434 = arith.addf %add3A_425, %squeeze3A_433 : vector<16x128xf32>
    %slice3A_435 = vector.extract_strided_slice %get3A_395 {offsets = [4, 0, 0], sizes = [1, 1, 16], strides = [1, 1, 1]} : vector<20x1x16xf32> to vector<1x1x16xf32>
    %squeeze3A_436 = vector.shape_cast %slice3A_435 : vector<1x1x16xf32> to vector<16xf32>
    %add3A_437 = arith.addf %add3A_428, %squeeze3A_436 : vector<16xf32>
    %slice3A_438 = vector.extract_strided_slice %get3A_387 {offsets = [5, 0, 0], sizes = [1, 16, 128], strides = [1, 1, 1]} : vector<20x16x128xf32> to vector<1x16x128xf32>
    %squeeze3A_439 = vector.shape_cast %slice3A_438 : vector<1x16x128xf32> to vector<16x128xf32>
    %max3A_440 = arith.maximumf %max3A_431, %squeeze3A_439 : vector<16x128xf32>
    %slice3A_441 = vector.extract_strided_slice %get3A_391 {offsets = [5, 0, 0], sizes = [1, 16, 128], strides = [1, 1, 1]} : vector<20x16x128xf32> to vector<1x16x128xf32>
    %squeeze3A_442 = vector.shape_cast %slice3A_441 : vector<1x16x128xf32> to vector<16x128xf32>
    %add3A_443 = arith.addf %add3A_434, %squeeze3A_442 : vector<16x128xf32>
    %slice3A_444 = vector.extract_strided_slice %get3A_395 {offsets = [5, 0, 0], sizes = [1, 1, 16], strides = [1, 1, 1]} : vector<20x1x16xf32> to vector<1x1x16xf32>
    %squeeze3A_445 = vector.shape_cast %slice3A_444 : vector<1x1x16xf32> to vector<16xf32>
    %add3A_446 = arith.addf %add3A_437, %squeeze3A_445 : vector<16xf32>
    %slice3A_447 = vector.extract_strided_slice %get3A_387 {offsets = [6, 0, 0], sizes = [1, 16, 128], strides = [1, 1, 1]} : vector<20x16x128xf32> to vector<1x16x128xf32>
    %squeeze3A_448 = vector.shape_cast %slice3A_447 : vector<1x16x128xf32> to vector<16x128xf32>
    %max3A_449 = arith.maximumf %max3A_440, %squeeze3A_448 : vector<16x128xf32>
    %slice3A_450 = vector.extract_strided_slice %get3A_391 {offsets = [6, 0, 0], sizes = [1, 16, 128], strides = [1, 1, 1]} : vector<20x16x128xf32> to vector<1x16x128xf32>
    %squeeze3A_451 = vector.shape_cast %slice3A_450 : vector<1x16x128xf32> to vector<16x128xf32>
    %add3A_452 = arith.addf %add3A_443, %squeeze3A_451 : vector<16x128xf32>
    %slice3A_453 = vector.extract_strided_slice %get3A_395 {offsets = [6, 0, 0], sizes = [1, 1, 16], strides = [1, 1, 1]} : vector<20x1x16xf32> to vector<1x1x16xf32>
    %squeeze3A_454 = vector.shape_cast %slice3A_453 : vector<1x1x16xf32> to vector<16xf32>
    %add3A_455 = arith.addf %add3A_446, %squeeze3A_454 : vector<16xf32>
    %slice3A_456 = vector.extract_strided_slice %get3A_387 {offsets = [7, 0, 0], sizes = [1, 16, 128], strides = [1, 1, 1]} : vector<20x16x128xf32> to vector<1x16x128xf32>
    %squeeze3A_457 = vector.shape_cast %slice3A_456 : vector<1x16x128xf32> to vector<16x128xf32>
    %max3A_458 = arith.maximumf %max3A_449, %squeeze3A_457 : vector<16x128xf32>
    %slice3A_459 = vector.extract_strided_slice %get3A_391 {offsets = [7, 0, 0], sizes = [1, 16, 128], strides = [1, 1, 1]} : vector<20x16x128xf32> to vector<1x16x128xf32>
    %squeeze3A_460 = vector.shape_cast %slice3A_459 : vector<1x16x128xf32> to vector<16x128xf32>
    %add3A_461 = arith.addf %add3A_452, %squeeze3A_460 : vector<16x128xf32>
    %slice3A_462 = vector.extract_strided_slice %get3A_395 {offsets = [7, 0, 0], sizes = [1, 1, 16], strides = [1, 1, 1]} : vector<20x1x16xf32> to vector<1x1x16xf32>
    %squeeze3A_463 = vector.shape_cast %slice3A_462 : vector<1x1x16xf32> to vector<16xf32>
    %add3A_464 = arith.addf %add3A_455, %squeeze3A_463 : vector<16xf32>
    %slice3A_465 = vector.extract_strided_slice %get3A_387 {offsets = [8, 0, 0], sizes = [1, 16, 128], strides = [1, 1, 1]} : vector<20x16x128xf32> to vector<1x16x128xf32>
    %squeeze3A_466 = vector.shape_cast %slice3A_465 : vector<1x16x128xf32> to vector<16x128xf32>
    %max3A_467 = arith.maximumf %max3A_458, %squeeze3A_466 : vector<16x128xf32>
    %slice3A_468 = vector.extract_strided_slice %get3A_391 {offsets = [8, 0, 0], sizes = [1, 16, 128], strides = [1, 1, 1]} : vector<20x16x128xf32> to vector<1x16x128xf32>
    %squeeze3A_469 = vector.shape_cast %slice3A_468 : vector<1x16x128xf32> to vector<16x128xf32>
    %add3A_470 = arith.addf %add3A_461, %squeeze3A_469 : vector<16x128xf32>
    %slice3A_471 = vector.extract_strided_slice %get3A_395 {offsets = [8, 0, 0], sizes = [1, 1, 16], strides = [1, 1, 1]} : vector<20x1x16xf32> to vector<1x1x16xf32>
    %squeeze3A_472 = vector.shape_cast %slice3A_471 : vector<1x1x16xf32> to vector<16xf32>
    %add3A_473 = arith.addf %add3A_464, %squeeze3A_472 : vector<16xf32>
    %slice3A_474 = vector.extract_strided_slice %get3A_387 {offsets = [9, 0, 0], sizes = [1, 16, 128], strides = [1, 1, 1]} : vector<20x16x128xf32> to vector<1x16x128xf32>
    %squeeze3A_475 = vector.shape_cast %slice3A_474 : vector<1x16x128xf32> to vector<16x128xf32>
    %max3A_476 = arith.maximumf %max3A_467, %squeeze3A_475 : vector<16x128xf32>
    %slice3A_477 = vector.extract_strided_slice %get3A_391 {offsets = [9, 0, 0], sizes = [1, 16, 128], strides = [1, 1, 1]} : vector<20x16x128xf32> to vector<1x16x128xf32>
    %squeeze3A_478 = vector.shape_cast %slice3A_477 : vector<1x16x128xf32> to vector<16x128xf32>
    %add3A_479 = arith.addf %add3A_470, %squeeze3A_478 : vector<16x128xf32>
    %slice3A_480 = vector.extract_strided_slice %get3A_395 {offsets = [9, 0, 0], sizes = [1, 1, 16], strides = [1, 1, 1]} : vector<20x1x16xf32> to vector<1x1x16xf32>
    %squeeze3A_481 = vector.shape_cast %slice3A_480 : vector<1x1x16xf32> to vector<16xf32>
    %add3A_482 = arith.addf %add3A_473, %squeeze3A_481 : vector<16xf32>
    %slice3A_483 = vector.extract_strided_slice %get3A_387 {offsets = [10, 0, 0], sizes = [1, 16, 128], strides = [1, 1, 1]} : vector<20x16x128xf32> to vector<1x16x128xf32>
    %squeeze3A_484 = vector.shape_cast %slice3A_483 : vector<1x16x128xf32> to vector<16x128xf32>
    %max3A_485 = arith.maximumf %max3A_476, %squeeze3A_484 : vector<16x128xf32>
    %slice3A_486 = vector.extract_strided_slice %get3A_391 {offsets = [10, 0, 0], sizes = [1, 16, 128], strides = [1, 1, 1]} : vector<20x16x128xf32> to vector<1x16x128xf32>
    %squeeze3A_487 = vector.shape_cast %slice3A_486 : vector<1x16x128xf32> to vector<16x128xf32>
    %add3A_488 = arith.addf %add3A_479, %squeeze3A_487 : vector<16x128xf32>
    %slice3A_489 = vector.extract_strided_slice %get3A_395 {offsets = [10, 0, 0], sizes = [1, 1, 16], strides = [1, 1, 1]} : vector<20x1x16xf32> to vector<1x1x16xf32>
    %squeeze3A_490 = vector.shape_cast %slice3A_489 : vector<1x1x16xf32> to vector<16xf32>
    %add3A_491 = arith.addf %add3A_482, %squeeze3A_490 : vector<16xf32>
    %slice3A_492 = vector.extract_strided_slice %get3A_387 {offsets = [11, 0, 0], sizes = [1, 16, 128], strides = [1, 1, 1]} : vector<20x16x128xf32> to vector<1x16x128xf32>
    %squeeze3A_493 = vector.shape_cast %slice3A_492 : vector<1x16x128xf32> to vector<16x128xf32>
    %max3A_494 = arith.maximumf %max3A_485, %squeeze3A_493 : vector<16x128xf32>
    %slice3A_495 = vector.extract_strided_slice %get3A_391 {offsets = [11, 0, 0], sizes = [1, 16, 128], strides = [1, 1, 1]} : vector<20x16x128xf32> to vector<1x16x128xf32>
    %squeeze3A_496 = vector.shape_cast %slice3A_495 : vector<1x16x128xf32> to vector<16x128xf32>
    %add3A_497 = arith.addf %add3A_488, %squeeze3A_496 : vector<16x128xf32>
    %slice3A_498 = vector.extract_strided_slice %get3A_395 {offsets = [11, 0, 0], sizes = [1, 1, 16], strides = [1, 1, 1]} : vector<20x1x16xf32> to vector<1x1x16xf32>
    %squeeze3A_499 = vector.shape_cast %slice3A_498 : vector<1x1x16xf32> to vector<16xf32>
    %add3A_500 = arith.addf %add3A_491, %squeeze3A_499 : vector<16xf32>
    %slice3A_501 = vector.extract_strided_slice %get3A_387 {offsets = [12, 0, 0], sizes = [1, 16, 128], strides = [1, 1, 1]} : vector<20x16x128xf32> to vector<1x16x128xf32>
    %squeeze3A_502 = vector.shape_cast %slice3A_501 : vector<1x16x128xf32> to vector<16x128xf32>
    %max3A_503 = arith.maximumf %max3A_494, %squeeze3A_502 : vector<16x128xf32>
    %slice3A_504 = vector.extract_strided_slice %get3A_391 {offsets = [12, 0, 0], sizes = [1, 16, 128], strides = [1, 1, 1]} : vector<20x16x128xf32> to vector<1x16x128xf32>
    %squeeze3A_505 = vector.shape_cast %slice3A_504 : vector<1x16x128xf32> to vector<16x128xf32>
    %add3A_506 = arith.addf %add3A_497, %squeeze3A_505 : vector<16x128xf32>
    %slice3A_507 = vector.extract_strided_slice %get3A_395 {offsets = [12, 0, 0], sizes = [1, 1, 16], strides = [1, 1, 1]} : vector<20x1x16xf32> to vector<1x1x16xf32>
    %squeeze3A_508 = vector.shape_cast %slice3A_507 : vector<1x1x16xf32> to vector<16xf32>
    %add3A_509 = arith.addf %add3A_500, %squeeze3A_508 : vector<16xf32>
    %slice3A_510 = vector.extract_strided_slice %get3A_387 {offsets = [13, 0, 0], sizes = [1, 16, 128], strides = [1, 1, 1]} : vector<20x16x128xf32> to vector<1x16x128xf32>
    %squeeze3A_511 = vector.shape_cast %slice3A_510 : vector<1x16x128xf32> to vector<16x128xf32>
    %max3A_512 = arith.maximumf %max3A_503, %squeeze3A_511 : vector<16x128xf32>
    %slice3A_513 = vector.extract_strided_slice %get3A_391 {offsets = [13, 0, 0], sizes = [1, 16, 128], strides = [1, 1, 1]} : vector<20x16x128xf32> to vector<1x16x128xf32>
    %squeeze3A_514 = vector.shape_cast %slice3A_513 : vector<1x16x128xf32> to vector<16x128xf32>
    %add3A_515 = arith.addf %add3A_506, %squeeze3A_514 : vector<16x128xf32>
    %slice3A_516 = vector.extract_strided_slice %get3A_395 {offsets = [13, 0, 0], sizes = [1, 1, 16], strides = [1, 1, 1]} : vector<20x1x16xf32> to vector<1x1x16xf32>
    %squeeze3A_517 = vector.shape_cast %slice3A_516 : vector<1x1x16xf32> to vector<16xf32>
    %add3A_518 = arith.addf %add3A_509, %squeeze3A_517 : vector<16xf32>
    %slice3A_519 = vector.extract_strided_slice %get3A_387 {offsets = [14, 0, 0], sizes = [1, 16, 128], strides = [1, 1, 1]} : vector<20x16x128xf32> to vector<1x16x128xf32>
    %squeeze3A_520 = vector.shape_cast %slice3A_519 : vector<1x16x128xf32> to vector<16x128xf32>
    %max3A_521 = arith.maximumf %max3A_512, %squeeze3A_520 : vector<16x128xf32>
    %slice3A_522 = vector.extract_strided_slice %get3A_391 {offsets = [14, 0, 0], sizes = [1, 16, 128], strides = [1, 1, 1]} : vector<20x16x128xf32> to vector<1x16x128xf32>
    %squeeze3A_523 = vector.shape_cast %slice3A_522 : vector<1x16x128xf32> to vector<16x128xf32>
    %add3A_524 = arith.addf %add3A_515, %squeeze3A_523 : vector<16x128xf32>
    %slice3A_525 = vector.extract_strided_slice %get3A_395 {offsets = [14, 0, 0], sizes = [1, 1, 16], strides = [1, 1, 1]} : vector<20x1x16xf32> to vector<1x1x16xf32>
    %squeeze3A_526 = vector.shape_cast %slice3A_525 : vector<1x1x16xf32> to vector<16xf32>
    %add3A_527 = arith.addf %add3A_518, %squeeze3A_526 : vector<16xf32>
    %slice3A_528 = vector.extract_strided_slice %get3A_387 {offsets = [15, 0, 0], sizes = [1, 16, 128], strides = [1, 1, 1]} : vector<20x16x128xf32> to vector<1x16x128xf32>
    %squeeze3A_529 = vector.shape_cast %slice3A_528 : vector<1x16x128xf32> to vector<16x128xf32>
    %max3A_530 = arith.maximumf %max3A_521, %squeeze3A_529 : vector<16x128xf32>
    %slice3A_531 = vector.extract_strided_slice %get3A_391 {offsets = [15, 0, 0], sizes = [1, 16, 128], strides = [1, 1, 1]} : vector<20x16x128xf32> to vector<1x16x128xf32>
    %squeeze3A_532 = vector.shape_cast %slice3A_531 : vector<1x16x128xf32> to vector<16x128xf32>
    %add3A_533 = arith.addf %add3A_524, %squeeze3A_532 : vector<16x128xf32>
    %slice3A_534 = vector.extract_strided_slice %get3A_395 {offsets = [15, 0, 0], sizes = [1, 1, 16], strides = [1, 1, 1]} : vector<20x1x16xf32> to vector<1x1x16xf32>
    %squeeze3A_535 = vector.shape_cast %slice3A_534 : vector<1x1x16xf32> to vector<16xf32>
    %add3A_536 = arith.addf %add3A_527, %squeeze3A_535 : vector<16xf32>
    %slice3A_537 = vector.extract_strided_slice %get3A_387 {offsets = [16, 0, 0], sizes = [1, 16, 128], strides = [1, 1, 1]} : vector<20x16x128xf32> to vector<1x16x128xf32>
    %squeeze3A_538 = vector.shape_cast %slice3A_537 : vector<1x16x128xf32> to vector<16x128xf32>
    %max3A_539 = arith.maximumf %max3A_530, %squeeze3A_538 : vector<16x128xf32>
    %slice3A_540 = vector.extract_strided_slice %get3A_391 {offsets = [16, 0, 0], sizes = [1, 16, 128], strides = [1, 1, 1]} : vector<20x16x128xf32> to vector<1x16x128xf32>
    %squeeze3A_541 = vector.shape_cast %slice3A_540 : vector<1x16x128xf32> to vector<16x128xf32>
    %add3A_542 = arith.addf %add3A_533, %squeeze3A_541 : vector<16x128xf32>
    %slice3A_543 = vector.extract_strided_slice %get3A_395 {offsets = [16, 0, 0], sizes = [1, 1, 16], strides = [1, 1, 1]} : vector<20x1x16xf32> to vector<1x1x16xf32>
    %squeeze3A_544 = vector.shape_cast %slice3A_543 : vector<1x1x16xf32> to vector<16xf32>
    %add3A_545 = arith.addf %add3A_536, %squeeze3A_544 : vector<16xf32>
    %slice3A_546 = vector.extract_strided_slice %get3A_387 {offsets = [17, 0, 0], sizes = [1, 16, 128], strides = [1, 1, 1]} : vector<20x16x128xf32> to vector<1x16x128xf32>
    %squeeze3A_547 = vector.shape_cast %slice3A_546 : vector<1x16x128xf32> to vector<16x128xf32>
    %max3A_548 = arith.maximumf %max3A_539, %squeeze3A_547 : vector<16x128xf32>
    %slice3A_549 = vector.extract_strided_slice %get3A_391 {offsets = [17, 0, 0], sizes = [1, 16, 128], strides = [1, 1, 1]} : vector<20x16x128xf32> to vector<1x16x128xf32>
    %squeeze3A_550 = vector.shape_cast %slice3A_549 : vector<1x16x128xf32> to vector<16x128xf32>
    %add3A_551 = arith.addf %add3A_542, %squeeze3A_550 : vector<16x128xf32>
    %slice3A_552 = vector.extract_strided_slice %get3A_395 {offsets = [17, 0, 0], sizes = [1, 1, 16], strides = [1, 1, 1]} : vector<20x1x16xf32> to vector<1x1x16xf32>
    %squeeze3A_553 = vector.shape_cast %slice3A_552 : vector<1x1x16xf32> to vector<16xf32>
    %add3A_554 = arith.addf %add3A_545, %squeeze3A_553 : vector<16xf32>
    %slice3A_555 = vector.extract_strided_slice %get3A_387 {offsets = [18, 0, 0], sizes = [1, 16, 128], strides = [1, 1, 1]} : vector<20x16x128xf32> to vector<1x16x128xf32>
    %squeeze3A_556 = vector.shape_cast %slice3A_555 : vector<1x16x128xf32> to vector<16x128xf32>
    %max3A_557 = arith.maximumf %max3A_548, %squeeze3A_556 : vector<16x128xf32>
    %slice3A_558 = vector.extract_strided_slice %get3A_391 {offsets = [18, 0, 0], sizes = [1, 16, 128], strides = [1, 1, 1]} : vector<20x16x128xf32> to vector<1x16x128xf32>
    %squeeze3A_559 = vector.shape_cast %slice3A_558 : vector<1x16x128xf32> to vector<16x128xf32>
    %add3A_560 = arith.addf %add3A_551, %squeeze3A_559 : vector<16x128xf32>
    %slice3A_561 = vector.extract_strided_slice %get3A_395 {offsets = [18, 0, 0], sizes = [1, 1, 16], strides = [1, 1, 1]} : vector<20x1x16xf32> to vector<1x1x16xf32>
    %squeeze3A_562 = vector.shape_cast %slice3A_561 : vector<1x1x16xf32> to vector<16xf32>
    %add3A_563 = arith.addf %add3A_554, %squeeze3A_562 : vector<16xf32>
    %slice3A_564 = vector.extract_strided_slice %get3A_387 {offsets = [19, 0, 0], sizes = [1, 16, 128], strides = [1, 1, 1]} : vector<20x16x128xf32> to vector<1x16x128xf32>
    %squeeze3A_565 = vector.shape_cast %slice3A_564 : vector<1x16x128xf32> to vector<16x128xf32>
    %max3A_566 = arith.maximumf %max3A_557, %squeeze3A_565 : vector<16x128xf32>
    %slice3A_567 = vector.extract_strided_slice %get3A_391 {offsets = [19, 0, 0], sizes = [1, 16, 128], strides = [1, 1, 1]} : vector<20x16x128xf32> to vector<1x16x128xf32>
    %squeeze3A_568 = vector.shape_cast %slice3A_567 : vector<1x16x128xf32> to vector<16x128xf32>
    %add3A_569 = arith.addf %add3A_560, %squeeze3A_568 : vector<16x128xf32>
    %slice3A_570 = vector.extract_strided_slice %get3A_395 {offsets = [19, 0, 0], sizes = [1, 1, 16], strides = [1, 1, 1]} : vector<20x1x16xf32> to vector<1x1x16xf32>
    %squeeze3A_571 = vector.shape_cast %slice3A_570 : vector<1x1x16xf32> to vector<16xf32>
    %add3A_572 = arith.addf %add3A_563, %squeeze3A_571 : vector<16xf32>
    %broadcast_in_dim3A_573 = vector.shape_cast %add3A_572 : vector<16xf32> to vector<16x1xf32>
    %max3A_574 = arith.constant 1.000000e+00 : f32
    %max3A_575 = vector.broadcast %max3A_574 : f32 to vector<16x1xf32>
    %max3A_576 = arith.maximumf %broadcast_in_dim3A_573, %max3A_575 : vector<16x1xf32>
    %div3A_577 = vector.broadcast %max3A_576 : vector<16x1xf32> to vector<16x128xf32>
    %div3A_578 = arith.divf %add3A_569, %div3A_577 : vector<16x128xf32>
    %concatenate3A_579 = tpu.concatenate %max3A_566, %div3A_578 in 1 : vector<16x128xf32>, vector<16x128xf32> -> vector<16x256xf32>
    %get3A_580 = arith.constant 0 : index
    %get3A_581 = arith.constant 0 : index
    %get3A_582 = vector.load %arg9[%get3A_580, %get3A_581] : memref<256x128xf32, #tpu.memory_space<vmem>>, vector<256x128xf32>
    %dot_general3A = arith.constant dense<0.000000e+00> : vector<16x128xf32>
    %dot_general3A_583 = tpu.matmul %concatenate3A_579, %get3A_582, %dot_general3A {dimension_numbers = #tpu.dot_dimension_numbers<[1], [0], [0], [1], [0, 0, 1, 1], [], []>, transpose_lhs_hint = false} : vector<16x256xf32>, vector<256x128xf32>, vector<16x128xf32> -> vector<16x128xf32>
    %get3A_584 = arith.constant 0 : index
    %get3A_585 = arith.constant 0 : index
    %get3A_586 = vector.load %arg10[%get3A_584, %get3A_585] : memref<1x128xf32, #tpu.memory_space<vmem>>, vector<1x128xf32>
    %add3A_587 = vector.broadcast %get3A_586 : vector<1x128xf32> to vector<16x128xf32>
    %add3A_588 = arith.addf %dot_general3A_583, %add3A_587 : vector<16x128xf32>
    %reduce_sum3A = arith.constant dense<0.000000e+00> : vector<128xf32>
    %reduce_sum3A_589 = vector.multi_reduction <add>, %add3A_588, %reduce_sum3A [0] : vector<16x128xf32> to vector<128xf32>
    %broadcast_in_dim3A_590 = vector.shape_cast %reduce_sum3A_589 : vector<128xf32> to vector<1x128xf32>
    %div3A_591 = arith.constant 1.600000e+01 : f32
    %div3A_592 = vector.broadcast %div3A_591 : f32 to vector<1x128xf32>
    %div3A_593 = arith.divf %broadcast_in_dim3A_590, %div3A_592 : vector<1x128xf32>
    %sub3A = vector.broadcast %div3A_593 : vector<1x128xf32> to vector<16x128xf32>
    %sub3A_594 = arith.subf %add3A_588, %sub3A : vector<16x128xf32>
    %integer_pow3A = arith.mulf %sub3A_594, %sub3A_594 : vector<16x128xf32>
    %reduce_sum3A_595 = arith.constant dense<0.000000e+00> : vector<128xf32>
    %reduce_sum3A_596 = vector.multi_reduction <add>, %integer_pow3A, %reduce_sum3A_595 [0] : vector<16x128xf32> to vector<128xf32>
    %broadcast_in_dim3A_597 = vector.shape_cast %reduce_sum3A_596 : vector<128xf32> to vector<1x128xf32>
    %div3A_598 = arith.constant 1.600000e+01 : f32
    %div3A_599 = vector.broadcast %div3A_598 : f32 to vector<1x128xf32>
    %div3A_600 = arith.divf %broadcast_in_dim3A_597, %div3A_599 : vector<1x128xf32>
    %get3A_601 = arith.constant 0 : index
    %get3A_602 = arith.constant 0 : index
    %get3A_603 = vector.load %arg11[%get3A_601, %get3A_602] : memref<1x128xf32, #tpu.memory_space<vmem>>, vector<1x128xf32>
    %sub3A_604 = vector.broadcast %div3A_593 : vector<1x128xf32> to vector<16x128xf32>
    %sub3A_605 = arith.subf %add3A_588, %sub3A_604 : vector<16x128xf32>
    %mul3A = vector.broadcast %get3A_603 : vector<1x128xf32> to vector<16x128xf32>
    %mul3A_606 = arith.mulf %mul3A, %sub3A_605 : vector<16x128xf32>
    %add3A_607 = arith.constant 9.99999974E-6 : f32
    %add3A_608 = vector.broadcast %add3A_607 : f32 to vector<1x128xf32>
    %add3A_609 = arith.addf %div3A_600, %add3A_608 : vector<1x128xf32>
    %sqrt3A = math.sqrt %add3A_609 : vector<1x128xf32>
    %div3A_610 = vector.broadcast %sqrt3A : vector<1x128xf32> to vector<16x128xf32>
    %div3A_611 = arith.divf %mul3A_606, %div3A_610 : vector<16x128xf32>
    %get3A_612 = arith.constant 0 : index
    %get3A_613 = arith.constant 0 : index
    %get3A_614 = vector.load %arg12[%get3A_612, %get3A_613] : memref<1x128xf32, #tpu.memory_space<vmem>>, vector<1x128xf32>
    %add3A_615 = vector.broadcast %get3A_614 : vector<1x128xf32> to vector<16x128xf32>
    %add3A_616 = arith.addf %div3A_611, %add3A_615 : vector<16x128xf32>
    %max3A_617 = arith.constant 0.000000e+00 : f32
    %max3A_618 = vector.broadcast %max3A_617 : f32 to vector<16x128xf32>
    %max3A_619 = arith.maximumf %add3A_616, %max3A_618 : vector<16x128xf32>
    %get3A_620 = arith.constant 0 : index
    %get3A_621 = arith.constant 0 : index
    %get3A_622 = vector.load %arg13[%get3A_620, %get3A_621] : memref<128x128xf32, #tpu.memory_space<vmem>>, vector<128x128xf32>
    %dot_general3A_623 = arith.constant dense<0.000000e+00> : vector<16x128xf32>
    %dot_general3A_624 = tpu.matmul %max3A_619, %get3A_622, %dot_general3A_623 {dimension_numbers = #tpu.dot_dimension_numbers<[1], [0], [0], [1], [0, 0, 1, 1], [], []>, transpose_lhs_hint = false} : vector<16x128xf32>, vector<128x128xf32>, vector<16x128xf32> -> vector<16x128xf32>
    %get3A_625 = arith.constant 0 : index
    %get3A_626 = arith.constant 0 : index
    %get3A_627 = vector.load %arg14[%get3A_625, %get3A_626] : memref<1x128xf32, #tpu.memory_space<vmem>>, vector<1x128xf32>
    %add3A_628 = vector.broadcast %get3A_627 : vector<1x128xf32> to vector<16x128xf32>
    %add3A_629 = arith.addf %dot_general3A_624, %add3A_628 : vector<16x128xf32>
    %reduce_sum3A_630 = arith.constant dense<0.000000e+00> : vector<128xf32>
    %reduce_sum3A_631 = vector.multi_reduction <add>, %add3A_629, %reduce_sum3A_630 [0] : vector<16x128xf32> to vector<128xf32>
    %broadcast_in_dim3A_632 = vector.shape_cast %reduce_sum3A_631 : vector<128xf32> to vector<1x128xf32>
    %div3A_633 = arith.constant 1.600000e+01 : f32
    %div3A_634 = vector.broadcast %div3A_633 : f32 to vector<1x128xf32>
    %div3A_635 = arith.divf %broadcast_in_dim3A_632, %div3A_634 : vector<1x128xf32>
    %sub3A_636 = vector.broadcast %div3A_635 : vector<1x128xf32> to vector<16x128xf32>
    %sub3A_637 = arith.subf %add3A_629, %sub3A_636 : vector<16x128xf32>
    %integer_pow3A_638 = arith.mulf %sub3A_637, %sub3A_637 : vector<16x128xf32>
    %reduce_sum3A_639 = arith.constant dense<0.000000e+00> : vector<128xf32>
    %reduce_sum3A_640 = vector.multi_reduction <add>, %integer_pow3A_638, %reduce_sum3A_639 [0] : vector<16x128xf32> to vector<128xf32>
    %broadcast_in_dim3A_641 = vector.shape_cast %reduce_sum3A_640 : vector<128xf32> to vector<1x128xf32>
    %div3A_642 = arith.constant 1.600000e+01 : f32
    %div3A_643 = vector.broadcast %div3A_642 : f32 to vector<1x128xf32>
    %div3A_644 = arith.divf %broadcast_in_dim3A_641, %div3A_643 : vector<1x128xf32>
    %get3A_645 = arith.constant 0 : index
    %get3A_646 = arith.constant 0 : index
    %get3A_647 = vector.load %arg15[%get3A_645, %get3A_646] : memref<1x128xf32, #tpu.memory_space<vmem>>, vector<1x128xf32>
    %sub3A_648 = vector.broadcast %div3A_635 : vector<1x128xf32> to vector<16x128xf32>
    %sub3A_649 = arith.subf %add3A_629, %sub3A_648 : vector<16x128xf32>
    %mul3A_650 = vector.broadcast %get3A_647 : vector<1x128xf32> to vector<16x128xf32>
    %mul3A_651 = arith.mulf %mul3A_650, %sub3A_649 : vector<16x128xf32>
    %add3A_652 = arith.constant 9.99999974E-6 : f32
    %add3A_653 = vector.broadcast %add3A_652 : f32 to vector<1x128xf32>
    %add3A_654 = arith.addf %div3A_644, %add3A_653 : vector<1x128xf32>
    %sqrt3A_655 = math.sqrt %add3A_654 : vector<1x128xf32>
    %div3A_656 = vector.broadcast %sqrt3A_655 : vector<1x128xf32> to vector<16x128xf32>
    %div3A_657 = arith.divf %mul3A_651, %div3A_656 : vector<16x128xf32>
    %get3A_658 = arith.constant 0 : index
    %get3A_659 = arith.constant 0 : index
    %get3A_660 = vector.load %arg16[%get3A_658, %get3A_659] : memref<1x128xf32, #tpu.memory_space<vmem>>, vector<1x128xf32>
    %add3A_661 = vector.broadcast %get3A_660 : vector<1x128xf32> to vector<16x128xf32>
    %add3A_662 = arith.addf %div3A_657, %add3A_661 : vector<16x128xf32>
    %max3A_663 = arith.constant 0.000000e+00 : f32
    %max3A_664 = vector.broadcast %max3A_663 : f32 to vector<16x128xf32>
    %max3A_665 = arith.maximumf %add3A_662, %max3A_664 : vector<16x128xf32>
    %add3A_666 = arith.addf %max3A_665, %concatenate3A_383 : vector<16x128xf32>
    %get3A_667 = arith.constant 0 : index
    %get3A_668 = arith.constant 0 : index
    %get3A_669 = vector.load %arg17[%get3A_667, %get3A_668] : memref<128x64xf32, #tpu.memory_space<vmem>>, vector<128x64xf32>
    %dot_general3A_670 = arith.constant dense<0.000000e+00> : vector<16x64xf32>
    %dot_general3A_671 = tpu.matmul %add3A_666, %get3A_669, %dot_general3A_670 {dimension_numbers = #tpu.dot_dimension_numbers<[1], [0], [0], [1], [0, 0, 1, 1], [], []>, transpose_lhs_hint = false} : vector<16x128xf32>, vector<128x64xf32>, vector<16x64xf32> -> vector<16x64xf32>
    %get3A_672 = arith.constant 0 : index
    %get3A_673 = arith.constant 0 : index
    %get3A_674 = vector.load %arg18[%get3A_672, %get3A_673] : memref<1x64xf32, #tpu.memory_space<vmem>>, vector<1x64xf32>
    %add3A_675 = vector.broadcast %get3A_674 : vector<1x64xf32> to vector<16x64xf32>
    %add3A_676 = arith.addf %dot_general3A_671, %add3A_675 : vector<16x64xf32>
    %reduce_sum3A_677 = arith.constant dense<0.000000e+00> : vector<64xf32>
    %reduce_sum3A_678 = vector.multi_reduction <add>, %add3A_676, %reduce_sum3A_677 [0] : vector<16x64xf32> to vector<64xf32>
    %broadcast_in_dim3A_679 = vector.shape_cast %reduce_sum3A_678 : vector<64xf32> to vector<1x64xf32>
    %div3A_680 = arith.constant 1.600000e+01 : f32
    %div3A_681 = vector.broadcast %div3A_680 : f32 to vector<1x64xf32>
    %div3A_682 = arith.divf %broadcast_in_dim3A_679, %div3A_681 : vector<1x64xf32>
    %sub3A_683 = vector.broadcast %div3A_682 : vector<1x64xf32> to vector<16x64xf32>
    %sub3A_684 = arith.subf %add3A_676, %sub3A_683 : vector<16x64xf32>
    %integer_pow3A_685 = arith.mulf %sub3A_684, %sub3A_684 : vector<16x64xf32>
    %reduce_sum3A_686 = arith.constant dense<0.000000e+00> : vector<64xf32>
    %reduce_sum3A_687 = vector.multi_reduction <add>, %integer_pow3A_685, %reduce_sum3A_686 [0] : vector<16x64xf32> to vector<64xf32>
    %broadcast_in_dim3A_688 = vector.shape_cast %reduce_sum3A_687 : vector<64xf32> to vector<1x64xf32>
    %div3A_689 = arith.constant 1.600000e+01 : f32
    %div3A_690 = vector.broadcast %div3A_689 : f32 to vector<1x64xf32>
    %div3A_691 = arith.divf %broadcast_in_dim3A_688, %div3A_690 : vector<1x64xf32>
    %get3A_692 = arith.constant 0 : index
    %get3A_693 = arith.constant 0 : index
    %get3A_694 = vector.load %arg19[%get3A_692, %get3A_693] : memref<1x64xf32, #tpu.memory_space<vmem>>, vector<1x64xf32>
    %sub3A_695 = vector.broadcast %div3A_682 : vector<1x64xf32> to vector<16x64xf32>
    %sub3A_696 = arith.subf %add3A_676, %sub3A_695 : vector<16x64xf32>
    %mul3A_697 = vector.broadcast %get3A_694 : vector<1x64xf32> to vector<16x64xf32>
    %mul3A_698 = arith.mulf %mul3A_697, %sub3A_696 : vector<16x64xf32>
    %add3A_699 = arith.constant 9.99999974E-6 : f32
    %add3A_700 = vector.broadcast %add3A_699 : f32 to vector<1x64xf32>
    %add3A_701 = arith.addf %div3A_691, %add3A_700 : vector<1x64xf32>
    %sqrt3A_702 = math.sqrt %add3A_701 : vector<1x64xf32>
    %div3A_703 = vector.broadcast %sqrt3A_702 : vector<1x64xf32> to vector<16x64xf32>
    %div3A_704 = arith.divf %mul3A_698, %div3A_703 : vector<16x64xf32>
    %get3A_705 = arith.constant 0 : index
    %get3A_706 = arith.constant 0 : index
    %get3A_707 = vector.load %arg20[%get3A_705, %get3A_706] : memref<1x64xf32, #tpu.memory_space<vmem>>, vector<1x64xf32>
    %add3A_708 = vector.broadcast %get3A_707 : vector<1x64xf32> to vector<16x64xf32>
    %add3A_709 = arith.addf %div3A_704, %add3A_708 : vector<16x64xf32>
    %max3A_710 = arith.constant 0.000000e+00 : f32
    %max3A_711 = vector.broadcast %max3A_710 : f32 to vector<16x64xf32>
    %max3A_712 = arith.maximumf %add3A_709, %max3A_711 : vector<16x64xf32>
    %get3A_713 = arith.constant 0 : index
    %get3A_714 = arith.constant 0 : index
    %get3A_715 = vector.load %arg21[%get3A_713, %get3A_714] : memref<64x64xf32, #tpu.memory_space<vmem>>, vector<64x64xf32>
    %dot_general3A_716 = arith.constant dense<0.000000e+00> : vector<16x64xf32>
    %dot_general3A_717 = tpu.matmul %max3A_712, %get3A_715, %dot_general3A_716 {dimension_numbers = #tpu.dot_dimension_numbers<[1], [0], [0], [1], [0, 0, 1, 1], [], []>, transpose_lhs_hint = false} : vector<16x64xf32>, vector<64x64xf32>, vector<16x64xf32> -> vector<16x64xf32>
    %get3A_718 = arith.constant 0 : index
    %get3A_719 = arith.constant 0 : index
    %get3A_720 = vector.load %arg22[%get3A_718, %get3A_719] : memref<1x64xf32, #tpu.memory_space<vmem>>, vector<1x64xf32>
    %add3A_721 = vector.broadcast %get3A_720 : vector<1x64xf32> to vector<16x64xf32>
    %add3A_722 = arith.addf %dot_general3A_717, %add3A_721 : vector<16x64xf32>
    %reduce_sum3A_723 = arith.constant dense<0.000000e+00> : vector<64xf32>
    %reduce_sum3A_724 = vector.multi_reduction <add>, %add3A_722, %reduce_sum3A_723 [0] : vector<16x64xf32> to vector<64xf32>
    %broadcast_in_dim3A_725 = vector.shape_cast %reduce_sum3A_724 : vector<64xf32> to vector<1x64xf32>
    %div3A_726 = arith.constant 1.600000e+01 : f32
    %div3A_727 = vector.broadcast %div3A_726 : f32 to vector<1x64xf32>
    %div3A_728 = arith.divf %broadcast_in_dim3A_725, %div3A_727 : vector<1x64xf32>
    %sub3A_729 = vector.broadcast %div3A_728 : vector<1x64xf32> to vector<16x64xf32>
    %sub3A_730 = arith.subf %add3A_722, %sub3A_729 : vector<16x64xf32>
    %integer_pow3A_731 = arith.mulf %sub3A_730, %sub3A_730 : vector<16x64xf32>
    %reduce_sum3A_732 = arith.constant dense<0.000000e+00> : vector<64xf32>
    %reduce_sum3A_733 = vector.multi_reduction <add>, %integer_pow3A_731, %reduce_sum3A_732 [0] : vector<16x64xf32> to vector<64xf32>
    %broadcast_in_dim3A_734 = vector.shape_cast %reduce_sum3A_733 : vector<64xf32> to vector<1x64xf32>
    %div3A_735 = arith.constant 1.600000e+01 : f32
    %div3A_736 = vector.broadcast %div3A_735 : f32 to vector<1x64xf32>
    %div3A_737 = arith.divf %broadcast_in_dim3A_734, %div3A_736 : vector<1x64xf32>
    %get3A_738 = arith.constant 0 : index
    %get3A_739 = arith.constant 0 : index
    %get3A_740 = vector.load %arg23[%get3A_738, %get3A_739] : memref<1x64xf32, #tpu.memory_space<vmem>>, vector<1x64xf32>
    %sub3A_741 = vector.broadcast %div3A_728 : vector<1x64xf32> to vector<16x64xf32>
    %sub3A_742 = arith.subf %add3A_722, %sub3A_741 : vector<16x64xf32>
    %mul3A_743 = vector.broadcast %get3A_740 : vector<1x64xf32> to vector<16x64xf32>
    %mul3A_744 = arith.mulf %mul3A_743, %sub3A_742 : vector<16x64xf32>
    %add3A_745 = arith.constant 9.99999974E-6 : f32
    %add3A_746 = vector.broadcast %add3A_745 : f32 to vector<1x64xf32>
    %add3A_747 = arith.addf %div3A_737, %add3A_746 : vector<1x64xf32>
    %sqrt3A_748 = math.sqrt %add3A_747 : vector<1x64xf32>
    %div3A_749 = vector.broadcast %sqrt3A_748 : vector<1x64xf32> to vector<16x64xf32>
    %div3A_750 = arith.divf %mul3A_744, %div3A_749 : vector<16x64xf32>
    %get3A_751 = arith.constant 0 : index
    %get3A_752 = arith.constant 0 : index
    %get3A_753 = vector.load %arg24[%get3A_751, %get3A_752] : memref<1x64xf32, #tpu.memory_space<vmem>>, vector<1x64xf32>
    %add3A_754 = vector.broadcast %get3A_753 : vector<1x64xf32> to vector<16x64xf32>
    %add3A_755 = arith.addf %div3A_750, %add3A_754 : vector<16x64xf32>
    %max3A_756 = arith.constant 0.000000e+00 : f32
    %max3A_757 = vector.broadcast %max3A_756 : f32 to vector<16x64xf32>
    %max3A_758 = arith.maximumf %add3A_755, %max3A_757 : vector<16x64xf32>
    %add3A_759 = arith.addf %max3A_758, %concatenate3A : vector<16x64xf32>
    %get3A_760 = arith.constant 0 : index
    %get3A_761 = arith.constant 0 : index
    %get3A_762 = vector.load %arg25[%get3A_760, %get3A_761] : memref<64x10xf32, #tpu.memory_space<vmem>>, vector<64x10xf32>
    %dot_general3A_763 = arith.constant dense<0.000000e+00> : vector<16x10xf32>
    %dot_general3A_764 = tpu.matmul %add3A_759, %get3A_762, %dot_general3A_763 {dimension_numbers = #tpu.dot_dimension_numbers<[1], [0], [0], [1], [0, 0, 1, 1], [], []>, transpose_lhs_hint = false} : vector<16x64xf32>, vector<64x10xf32>, vector<16x10xf32> -> vector<16x10xf32>
    %get3A_765 = arith.constant 0 : index
    %get3A_766 = arith.constant 0 : index
    %get3A_767 = vector.load %arg26[%get3A_765, %get3A_766] : memref<1x10xf32, #tpu.memory_space<vmem>>, vector<1x10xf32>
    %add3A_768 = vector.broadcast %get3A_767 : vector<1x10xf32> to vector<16x10xf32>
    %add3A_769 = arith.addf %dot_general3A_764, %add3A_768 : vector<16x10xf32>
    %reduce_max3A = arith.constant dense<0xFF800000> : vector<16xf32>
    %reduce_max3A_770 = vector.multi_reduction <maximumf>, %add3A_769, %reduce_max3A [1] : vector<16x10xf32> to vector<16xf32>
    %broadcast_in_dim3A_771 = vector.shape_cast %reduce_max3A_770 : vector<16xf32> to vector<16x1xf32>
    %sub3A_772 = vector.broadcast %broadcast_in_dim3A_771 : vector<16x1xf32> to vector<16x10xf32>
    %sub3A_773 = arith.subf %add3A_769, %sub3A_772 : vector<16x10xf32>
    %exp3A = math.exp %sub3A_773 : vector<16x10xf32>
    %reduce_sum3A_774 = arith.constant dense<0.000000e+00> : vector<16xf32>
    %reduce_sum3A_775 = vector.multi_reduction <add>, %exp3A, %reduce_sum3A_774 [1] : vector<16x10xf32> to vector<16xf32>
    %broadcast_in_dim3A_776 = vector.shape_cast %reduce_sum3A_775 : vector<16xf32> to vector<16x1xf32>
    %log3A = math.log %broadcast_in_dim3A_776 : vector<16x1xf32>
    %sub3A_777 = vector.broadcast %log3A : vector<16x1xf32> to vector<16x10xf32>
    %sub3A_778 = arith.subf %sub3A_773, %sub3A_777 : vector<16x10xf32>
    %swap3A = arith.constant 0 : index
    %swap3A_779 = arith.constant 0 : index
    %swap3A_780 = vector.load %arg27[%swap3A, %swap3A_779] : memref<16x10xf32, #tpu.memory_space<vmem>>, vector<16x10xf32>
    tpu.vector_store %arg27[%swap3A, %swap3A_779], %sub3A_778 {strides = array<i32>} : memref<16x10xf32, #tpu.memory_space<vmem>>, vector<16x10xf32>,
    return
  }
}

</mosaic_0001>

<sc_bundles>
// kernel: kernel.18.cloned.1.call-start
scs
__scs_entry_jumppad:
0x0: {  	(pc) =	sbr.rel $0x88, $3  }
0x1: {  	(tag) =	ssettag $0x0;
	lr =	simm.s32 $0x1  }
0x2: {  	[smem:$0x3F71] =	sst lr;
	_ =	strace $0xD0000000  }
0x3: {  	_ = 	snop  }
0x4: {  	_ = 	snop  }
0x5: {  	_ = 	snop  }
0x6: {  	_ = 	snop  }
0x7: {  	_ = 	snop  }
__scs_overlays_trampoline_lowered:
0x8: {  	[smem:$0x3F80] =	sst s0  }
0x9: {  	[smem:$0x3F81] =	sst s1  }
0xa: {  	[smem:$0x3F82] =	sst s2  }
0xb: {  	[smem:$0x3F83] =	sst s3  }
0xc: {  	[smem:$0x3F84] =	sst s4  }
0xd: {  	[smem:$0x3F85] =	sst s5  }
0xe: {  	[smem:$0x3F86] =	sst s6  }
0xf: {  	[smem:$0x3F87] =	sst s7  }
0x10: {  	[smem:$0x3F88] =	sst s8  }
0x11: {  	[smem:$0x3F89] =	sst s9;
	s0 =	simm.s32 @!p0 $0x0  }
0x12: {  	s1 =	sld [smem:$0x3F6F];
	s0 =	simm.s32 @p0 $0x1  }
0x13: {  	[smem:$0x3F8A] =	sst s0;
	s0 =	simm.s32 @!p1 $0x0  }
0x14: {  	s2 =	sld [smem:$0x3F6E];
	s0 =	simm.s32 @p1 $0x1  }
0x15: {  	[smem:$0x3F8B] =	sst s0;
	s0 =	simm.s32 @!p2 $0x0  }
0x16: {  	s3 =	sld [smem:$0x3FDB];
	s0 =	simm.s32 @p2 $0x1  }
0x17: {  	s4 =	simm.s32 $0x1BF5;
	[smem:$0x3F8D] =	sst s0  }
0x18: {  	s0 =	sld [smem:$0x3F70];
	_ =	swait.ge [sflag:s4], $0x0  }
0x19: {  	s7 =	sld [smem:$0x3F71]  }
0x1a: {  	s8 =	sadd.s32 $0xFFFFE003, lr  }
0x1b: {  	s9 =	sadd.s32 $0xFFFFFEF7, lr;
	s5 =	simm.s32 $0xFFFFFFFF;
	p2 =	slt.u32 s8, $0xFFFFF086  }
0x1c: {  	p1 =	slt.u32 s9, $0xF7A;
	s5 =	simm.s32 @!p2 $0x0  }
0x1d: {  	s5 =	simm.s32 @p1 $0x1;
	p0 =	seq.s32 s7, s2  }
0x1e: {  	s7 =	smul.u32 @!p0 $0xF7A, s2;
	p2 =	seq.s32 @!p0 s5, $0x0  }
0x1f: {  	s9 =	smul.u32 $0xF7A, s1;
	s8 =	simm.s32 @!p0 $0x1BF5;
	p2 =	por !p2, p0  }
0x20: {  	[sflag:s8] =	ssyncset.s32 @!p0 $0xFFFFF086;
	s6 =	sadd.s32 @!p0 s3, s7;
	s7 =	simm.s32 @!p0 $0x108  }
0x21: {  	s3 =	sadd.s32 s3, s9;
	s6 =	sadd.s32 @!p0 $0x88, s6;
	s7 =	simm.s32 @p2 $0x1082  }
0x22: {  	[simem:s7], [sflag:s8] =	dma.local @!p0 [hbm:s6], $0xF7A  }
0x23: {  	s9 =	sor.u32 $0xD0000000, s2;
	s6 =	simm.s32 $0x108;
	_ =	swait.ge @!p0 [sflag:s8], $0x0  }
0x24: {  	s3 =	sadd.s32 $0x88, s3;
	s6 =	simm.s32 @!p1 $0x1082;
	[sflag:s4] =	ssyncset.s32 $0xFFFFF086  }
0x25: {  	[simem:s6], [sflag:s4] =	dma.local [hbm:s3], $0xF7A  }
0x26: {  	[smem:$0x3F71] =	sst s1;
	(tag) =	ssettag s2;
	_ =	strace s9  }
0x27: {  	s1 =	sld [smem:$0x3F81]  }
0x28: {  	s2 =	sld [smem:$0x3F82]  }
0x29: {  	s4 =	sld [smem:$0x3F84]  }
0x2a: {  	p0 =	seq.s32 s5, $0x0;
	s5 =	sld [smem:$0x3F85]  }
0x2b: {  	s6 =	sld [smem:$0x3F86]  }
0x2c: {  	s7 =	sld [smem:$0x3F87]  }
0x2d: {  	s3 =	simm.s32 $0x108;
	s8 =	sld [smem:$0x3F88]  }
0x2e: {  	s3 =	simm.s32 @!p0 $0x1082;
	s9 =	sld [smem:$0x3F89]  }
0x2f: {  	lr =	sadd.s32 s0, s3;
	s0 =	sld [smem:$0x3F80]  }
0x30: {  	s3 =	sld [smem:$0x3F83]  }
0x31: {  	[smem:$0x3F8C] =	sst s10  }
0x32: {  	s10 =	sld [smem:$0x3F8A];
	_ =	sdelay $0x3  }
0x33: {  	p0 =	seq.s32 s10, $0x1;
	s10 =	sld [smem:$0x3F8C];
	_ =	sdelay $0x3  }
0x34: {  	[smem:$0x3F8C] =	sst s10  }
0x35: {  	s10 =	sld [smem:$0x3F8B];
	_ =	sdelay $0x3  }
0x36: {  	p1 =	seq.s32 s10, $0x1;
	s10 =	sld [smem:$0x3F8C];
	_ =	sdelay $0x3  }
0x37: {  	[smem:$0x3F8C] =	sst s10  }
0x38: {  	s10 =	sld [smem:$0x3F8D]  }
0x39: {  	_ = 	snop;
	(pc) =	sbr.ind lr, $3  }
0x3a: {  	_ = 	snop  }
0x3b: {  	_ = 	snop  }
0x3c: {  	p2 =	seq.s32 s10, $0x1;
	s10 =	sld [smem:$0x3F8C]  }
0x3d: {  	_ =	shalt  }
0x3e: {  	_ =	shalt  }
0x3f: {  	_ =	shalt  }
0x40: {  	_ =	shalt  }
0x41: {  	_ =	shalt  }
0x42: {  	_ =	shalt  }
0x43: {  	_ =	shalt  }
0x44: {  	_ =	shalt  }
0x45: {  	_ =	shalt  }
0x46: {  	_ =	shalt  }
0x47: {  	_ =	shalt  }
0x48: {  	_ =	shalt  }
0x49: {  	_ =	shalt  }
0x4a: {  	_ =	shalt  }
0x4b: {  	_ =	shalt  }
0x4c: {  	_ =	shalt  }
0x4d: {  	_ =	shalt  }
0x4e: {  	_ =	shalt  }
0x4f: {  	_ =	shalt  }
0x50: {  	_ =	shalt  }
0x51: {  	_ =	shalt  }
0x52: {  	_ =	shalt  }
0x53: {  	_ =	shalt  }
0x54: {  	_ =	shalt  }
0x55: {  	_ =	shalt  }
0x56: {  	_ =	shalt  }
0x57: {  	_ =	shalt  }
0x58: {  	_ =	shalt  }
0x59: {  	_ =	shalt  }
0x5a: {  	_ =	shalt  }
0x5b: {  	_ =	shalt  }
0x5c: {  	_ =	shalt  }
0x5d: {  	_ =	shalt  }
0x5e: {  	_ =	shalt  }
0x5f: {  	_ =	shalt  }
0x60: {  	_ =	shalt  }
0x61: {  	_ =	shalt  }
0x62: {  	_ =	shalt  }
0x63: {  	_ =	shalt  }
0x64: {  	_ =	shalt  }
0x65: {  	_ =	shalt  }
0x66: {  	_ =	shalt  }
0x67: {  	_ =	shalt  }
0x68: {  	_ =	shalt  }
0x69: {  	_ =	shalt  }
0x6a: {  	_ =	shalt  }
0x6b: {  	_ =	shalt  }
0x6c: {  	_ =	shalt  }
0x6d: {  	_ =	shalt  }
0x6e: {  	_ =	shalt  }
0x6f: {  	_ =	shalt  }
0x70: {  	_ =	shalt  }
0x71: {  	_ =	shalt  }
0x72: {  	_ =	shalt  }
0x73: {  	_ =	shalt  }
0x74: {  	_ =	shalt  }
0x75: {  	_ =	shalt  }
0x76: {  	_ =	shalt  }
0x77: {  	_ =	shalt  }
0x78: {  	_ =	shalt  }
0x79: {  	_ =	shalt  }
0x7a: {  	_ =	shalt  }
0x7b: {  	_ =	shalt  }
0x7c: {  	_ =	shalt  }
0x7d: {  	_ =	shalt  }
0x7e: {  	_ =	shalt  }
0x7f: {  	_ =	shalt  }
0x80: {  	_ =	shalt  }
0x81: {  	_ =	shalt  }
0x82: {  	_ =	shalt  }
0x83: {  	_ =	shalt  }
0x84: {  	_ =	shalt  }
0x85: {  	_ =	shalt  }
0x86: {  	_ =	shalt  }
0x87: {  	_ =	shalt  }
.Lfunc_end0:
.L_simem_size_0:
called_computation_lowered:
.L_overlay_start_0:
0x88: {  	s2 =	sld [smem:$0x3FD9]  }
0x89: {  	s3 =	sld [smem:$0x3FFE];
	_ =	sdelay $0x1  }
0x8a: {  	s1 =	srdreg.scid  }
0x8b: {  	s0 =	sand.u32 $0x1, s1  }
0x8c: {  	s16 =	sshll.u32 s0, $0xA;
	s2 =	sadd.s32 s3, s2  }
0x8d: {  	s2 =	sadd.s32 s2, s16  }
0x8e: {  	[smem:$0x3F98] =	sst s2  }
0x8f: {  	_ = 	snop  }
0x90: {  	(tm) =	ssettm $0x1  }
0x91: {  	s17 =	sld [smem:$0x3FFB];
	_ =	sdelay $0x3  }
0x92: {  	_ =	strace s17  }
0x93: {  	s2 =	sld [smem:$0x3FFC];
	_ =	sdelay $0x3  }
0x94: {  	_ =	strace s2  }
0x95: {  	s2 =	sld [smem:$0x3FFD];
	_ =	sdelay $0x3  }
0x96: {  	_ =	strace s2  }
0x97: {  	_ =	strace $0x8FFFFFFF  }
0x98: {  	s18 =	sld [smem:$0x3FDB];
	_ =	sdelay $0x1  }
0x99: {  	s19 =	simm.s32 $_scs_section_size  }
0x9a: {  	s4 =	simm.s32 $_size__tile_overlayer_lowered;
	s5 =	simm.s32 $_tile_overlayer_lowered  }
0x9b: {  	s22 =	simm.s32 $0x1BFF;
	s21 =	sshll.u32 s5, $0x1;
	s2 =	sadd.s32 s19, s18  }
0x9c: {  	s6 =	simm.s32 $0x0;
	s20 =	sshll.u32 s4, $0x1;
	s4 =	sadd.s32 s21, s2  }
0x9d: {  	[timem:s6], [sflag:s22] =	dma.local [hbm:s4], s20  }
0x9e: {  	_ =	swait.ge [sflag:s22], s20  }
0x9f: {  	s3 =	ssub.s32 $0x0, s20;
	[sflag:s22] =	ssyncset.done $0x0  }
0xa0: {  	[sflag:s22] =	ssyncadd.s32 s3;
	_ =	sdelay $0x1  }
0xa1: {  	s23 =	simm.s32 $0x1B8B  }
0xa2: {  	_ =	swait.ge [sflag:s23], $0x1  }
0xa3: {  	[sflag:s23] =	ssyncset.done $0x0  }
0xa4: {  	s25 =	simm.s32 $0x1B8E;
	s24 =	sld [smem:$0x3FFE];
	[sflag:s23] =	ssyncadd.s32 $0xFFFFFFFF  }
0xa5: {  	s26 =	simm.s32 $execute0_lowered;
	[smem:$0x3FD2] =	sst s25  }
0xa6: {  	s4 =	sshll.u32 s26, $0x1;
	_ =	strace $0x80000046;
	[dreg:$0x1] =	wrdreg $0xFFFFFFFF  }
0xa7: {  	s28 =	simm.s32 $_size_execute0_lowered;
	s2 =	sadd.s32 s2, s4;
	[dreg:$0x0] =	wrdreg $0x0  }
0xa8: {  	s4 =	sshll.u32 s28, $0x1;
	[dreg:$0x2] =	wrdreg s2  }
0xa9: {  	[dreg:$0x3] =	wrdreg s4  }
0xaa: {  	[dreg:$0x4] =	wrdreg $0xC0  }
0xab: {  	_ =	task [dreg:s6], $0x5FFFF  }
0xac: {  	[dreg:$0x1] =	wrdreg $0xFFFFFFFF  }
0xad: {  	[dreg:$0x0] =	wrdreg $0x60  }
0xae: {  	[dreg:$0x2] =	wrdreg s24  }
0xaf: {  	[dreg:$0x3] =	wrdreg $0x8F000  }
0xb0: {  	[dreg:$0x4] =	wrdreg $0x9  }
0xb1: {  	_ =	task.clear_ibuf [dreg:s6], $0x5FFFF;
	_ =	strace $0x90000046  }
0xb2: {  	s29 =	simm.s32 $0x9;
	_ =	strace $0x80000048  }
0xb3: {  	_ =	swait.ge [sflag:s29], $0x1  }
0xb4: {  	[sflag:s29] =	ssyncadd.s32 $0xFFFFFFFF  }
0xb5: {  	_ =	strace $0x90000048  }
0xb6: {  	_ =	sfence  }
0xb7: {  	s30 =	sld [smem:$0x0];
	_ =	sdelay $0x2  }
0xb8: {  	s31 =	sshll.u32 s1, $0xD;
	s1 =	sshrl.u32 s1, $0x2  }
0xb9: {  	s3 =	sand.u32 $0x4000, s31;
	s1 =	sadd.s32 s1, s30  }
0xba: {  	s0 =	sor.u32 s3, s0;
	s1 =	sshll.u32 s1, $0x11  }
0xbb: {  	s0 =	sor.u32 s1, s0  }
0xbc: {  	s0 =	sadd.s32 $0x8F2B, s0  }
0xbd: {  	[sflag:s0] =	ssyncadd.remote.s32 $0x1  }
0xbe: {  	_ =	sfence.sel $0xFFFF  }
0xbf: {  	[dreg:$0x0] =	wrdreg $0xFFFFFFFF;
	(pc) =	sbr.abs _section_cstart, $3  }
0xc0: {  	[dreg:$0x1] =	wrdreg $0xFFFFFFFF  }
0xc1: {  	_ =	task.clear_ibuf [dreg:s6], $0x2FFFF;
	_ =	strace $0x9FFFFFFF  }
0xc2: {  	(tm) =	ssettm $0x7FFFFFFF  }
0xc3: {  	_ =	shalt  }
tec
execute0_lowered:
.L_overlay_start_1:
0x0: {  	(tag) =	ssettag $0x1  }
0x1: {  	s1 =	srdreg.scid  }
0x2: {  	s0 =	stileid.u32;
	s6 =	rddreg [dreg:$0x0]  }
0x3: {  	s2 =	rddreg [dreg:$0x1];
	s3 =	simm.s32 $0x0;
	s13 =	simm.s32 $0x2780  }
0x4: {  	s14 =	simm.s32 $0x80;
	s15 =	simm.s32 $0x4F00;
	s16 =	simm.s32 $0x1  }
0x5: {  	s17 =	simm.s32 $0x0;
	s5 =	sand.u32 $0x1, s1;
	s8 =	smul.u32 $0x14000, s0  }
0x6: {  	s28 =	sshll.u32 s0, $0x1;
	[smem:$0x7FF] =	sst s3;
	s9 =	smul.u32 $0x2800, s0  }
0x7: {  	s4 =	sadd.s32 $0x1C800, s6;
	s1 =	sor.u32 s5, s28;
	s10 =	smul.u32 $0x28000, s5  }
0x8: {  	s31 =	sshll.u32 s0, $0x6;
	s5 =	ssub.s32 $0x2, s5;
	s7 =	smul.u32 $0x4F0, s1  }
0x9: {  	s1 =	rddreg [dreg:$0x2];
	_ =	strace $0x80000047;
	s29 =	sshrl.u32 s8, $0x3  }
0xa: {  	s30 =	sshrl.u32 s5, $0x1;
	s12 =	sadd.s32 s8, s2;
	s9 =	sadd.s32 s9, s10  }
0xb: {  	s10 =	ssub.s32 s5, s30;
	s11 =	sadd.s32 s7, s6;
	s7 =	sadd.s32 s29, s6  }
0xc: {  	s9 =	sadd.s32 s9, s6;
	s6 =	sor.u32 $0x1C02, s31;
	s10 =	smax.u32 s10, $0x1  }
0xd: {  	s5 =	sadd.s32 $0x44800, s7;
	s7 =	sadd.s32 $0x8C00, s11;
	s8 =	sadd.s32 $0x12A00, s11  }
0xe: {  	s9 =	sadd.s32 $0x6C800, s9;
	s11 =	sshrl.u32 s12, $0x3;
	s12 =	simm.s32 $0x2  }
.LBB2_1:
0xf: {  	[spmem:s11], [sflag:s6] =	dma.local [hbm:s5], $0x2800  }
0x10: {  	_ =	swait.ge [sflag:s12], $0x2800  }
0x11: {  	[sflag:s12] =	ssyncset.done $0x0  }
0x12: {  	[sflag:s12] =	ssyncadd.s32 $0xFFFFD800  }
0x13: {  	[bflag:$0x0] =	sbarrier.arrive $0xFFFF  }
0x14: {  	[tilespmem:s3], [sflag:$0x2] =	stream.linear.gather [hbm4b:s7+s3], $0x2780, $0x38;
	[tilespmem:$0x1CF00] =	vst v63  }
0x15: {  	_ =	swait.ge [sflag:s12], $0x2780  }
0x16: {  	[sflag:s12] =	ssyncset.done $0x0  }
0x17: {  	[sflag:s12] =	ssyncadd.s32 $0xFFFFD880  }
0x18: {  	[tilespmem:s13], [sflag:$0x2] =	stream.linear.gather [hbm4b:s8+s3], $0x2780, $0x38;
	[tilespmem:$0x1CF00] =	vst v63  }
0x19: {  	_ =	swait.ge [sflag:s12], $0x2780  }
0x1a: {  	[sflag:s12] =	ssyncset.done $0x0  }
0x1b: {  	s18 =	simm.s32 $0x0;
	[sflag:s12] =	ssyncadd.s32 $0xFFFFD880  }
0x1c: {  	[tilespmem:s15], [sflag:$0x1] =	stream.indirect.gather [hbm4b:s4+s14], $0x80, s18, s14, $0xb8;
	[tilespmem:$0x1CF00] =	vst v63  }
0x1d: {  	_ =	swait.ge [sflag:s16], $0x4000  }
0x1e: {  	[sflag:s16] =	ssyncset.done $0x0  }
0x1f: {  	s31 =	simm.s32 $0x2780;
	[sflag:s16] =	ssyncadd.s32 $0xFFFFC000  }
0x20: {  	[spmem:s2] =	stream.indirect.scatter.add.f32 [tilespmem:s15], [sflag:$0x2], $0x80, s31, s14, $0xb8;
	[tilespmem:$0x1CF00] =	vst v63  }
0x21: {  	_ =	swait.ge [sflag:s12], $0x4000  }
0x22: {  	s19 =	simm.s32 $0x400;
	s18 =	simm.s32 $0x200;
	[sflag:s12] =	ssyncset.done $0x0  }
.LBB2_2:
0x23: {  	s20 =	sshra.s32 s18, $0x2  }
0x24: {  	[sflag:s12] =	ssyncadd.s32 $0xFFFFC000;
	s18 =	smov.u32 s19;
	s21 =	sadd.s32 $0x200, s19  }
0x25: {  	[tilespmem:s15], [sflag:$0x1] =	stream.indirect.gather [hbm4b:s4+s14], $0x80, s20, s14, $0xb8;
	[tilespmem:$0x1CF00] =	vst v63  }
0x26: {  	p0 =	sne.s32 s19, $0x9C00;
	_ =	swait.ge [sflag:s16], $0x4000  }
.Ltmp0:
0x27: {  	[sflag:s16] =	ssyncset.done $0x0;
	(pc) =	sbr.rel @p0 .LBB2_2-.Ltmp0, $4  }
0x28: {  	s19 =	sadd.s32 $0x2780, s20;
	[sflag:s16] =	ssyncadd.s32 $0xFFFFC000  }
0x29: {  	[spmem:s2] =	stream.indirect.scatter.add.f32 [tilespmem:s15], [sflag:$0x2], $0x80, s19, s14, $0xb8;
	[tilespmem:$0x1CF00] =	vst v63  }
0x2a: {  	_ =	swait.ge [sflag:s12], $0x4000  }
0x2b: {  	s19 =	smov.u32 s21;
	[sflag:s12] =	ssyncset.done $0x0  }
0x2c: {  	s18 =	sshra.s32 s18, $0x2;
	[sflag:s12] =	ssyncadd.s32 $0xFFFFC000  }
0x2d: {  	[tilespmem:s15], [sflag:$0x1] =	stream.indirect.gather [hbm4b:s4+s14], $0x80, s18, s14, $0xb8;
	[tilespmem:$0x1CF00] =	vst v63  }
0x2e: {  	_ =	swait.ge [sflag:s16], $0x4000  }
0x2f: {  	[sflag:s16] =	ssyncset.done $0x0  }
0x30: {  	s18 =	sadd.s32 $0x2780, s18;
	[sflag:s16] =	ssyncadd.s32 $0xFFFFC000  }
0x31: {  	[spmem:s2] =	stream.indirect.scatter.add.f32 [tilespmem:s15], [sflag:$0x2], $0x80, s18, s14, $0xb8;
	[tilespmem:$0x1CF00] =	vst v63  }
0x32: {  	_ =	swait.ge [sflag:s12], $0x4000  }
0x33: {  	s17 =	sadd.s32 $0x1, s17;
	[sflag:s12] =	ssyncset.done $0x0  }
0x34: {  	p0 =	sne.s32 s17, s10;
	[sflag:s12] =	ssyncadd.s32 $0xFFFFC000  }
.Ltmp1:
0x35: {  	[bflag:$0x0] =	sbarrier.arrive $0xFFFF;
	(pc) =	sbr.rel @p0 .LBB2_1-.Ltmp1, $4  }
0x36: {  	[hbm:s9], [sflag:s6] =	dma.local [spmem:s11], $0x2800  }
0x37: {  	_ =	swait.ge [sflag:s12], $0x2800  }
0x38: {  	[sflag:s12] =	ssyncset.done $0x0  }
0x39: {  	[sflag:s12] =	ssyncadd.s32 $0xFFFFD800  }
0x3a: {  	_ =	sfence.sel $0x180000  }
0x3b: {  	[bflag:$0x0] =	sbarrier.arrive $0xFFFF  }
0x3c: {  	p0 =	sne.s32 s0, $0x0;
	_ =	strace $0x90000047  }
0x3d: {  	s0 =	sadd.s32 @!p0 $0x100000, s1;
	[bflag:$0x2] =	sbarrier.arrive $0xFFFF  }
0x3e: {  	[sflag:s0] =	ssyncadd.tile.s32 @!p0 $0x1;
	_ =	shalt  }
.Lfunc_end2:
_tile_overlayer_lowered:
.L_overlay_start_2:
0x3f: {  	(tag) =	ssettag $0x2  }
0x40: {  	s0 =	rddreg [dreg:$0x0];
	s2 =	stileid.u32  }
0x41: {  	s1 =	rddreg [dreg:$0x1];
	p0 =	sne.s32 s2, $0x0  }
0x42: {  	s3 =	rddreg [dreg:$0x2];
	[bflag:$0x3] =	sbarrier.arrive $0xFFFF;
	s2 =	simm.s32 @!p0 $0x1C02  }
0x43: {  	[timem:s3], [sflag:s2] =	dma.local @!p0 [hbm:s0], s1  }
0x44: {  	s0 =	simm.s32 @!p0 $0x2  }
0x45: {  	_ =	swait.ge @!p0 [sflag:s0], s1  }
0x46: {  	s1 =	ssub.s32 @!p0 $0x0, s1;
	[sflag:s0] =	ssyncset.done @!p0 $0x0  }
0x47: {  	[sflag:s0] =	ssyncadd.s32 @!p0 s1  }
0x48: {  	[bflag:$0x3] =	sbarrier.arrive $0xFFFF  }
0x49: {  	_ =	shalt  }

// kernel: kernel.21.cloned.1.call-start
scs
__scs_entry_jumppad:
0x0: {  	(pc) =	sbr.rel $0x88, $3  }
0x1: {  	(tag) =	ssettag $0x0;
	lr =	simm.s32 $0x1  }
0x2: {  	[smem:$0x3F71] =	sst lr;
	_ =	strace $0xD0000000  }
0x3: {  	_ = 	snop  }
0x4: {  	_ = 	snop  }
0x5: {  	_ = 	snop  }
0x6: {  	_ = 	snop  }
0x7: {  	_ = 	snop  }
__scs_overlays_trampoline_lowered:
0x8: {  	[smem:$0x3F80] =	sst s0  }
0x9: {  	[smem:$0x3F81] =	sst s1  }
0xa: {  	[smem:$0x3F82] =	sst s2  }
0xb: {  	[smem:$0x3F83] =	sst s3  }
0xc: {  	[smem:$0x3F84] =	sst s4  }
0xd: {  	[smem:$0x3F85] =	sst s5  }
0xe: {  	[smem:$0x3F86] =	sst s6  }
0xf: {  	[smem:$0x3F87] =	sst s7  }
0x10: {  	[smem:$0x3F88] =	sst s8  }
0x11: {  	[smem:$0x3F89] =	sst s9;
	s0 =	simm.s32 @!p0 $0x0  }
0x12: {  	s1 =	sld [smem:$0x3F6F];
	s0 =	simm.s32 @p0 $0x1  }
0x13: {  	[smem:$0x3F8A] =	sst s0;
	s0 =	simm.s32 @!p1 $0x0  }
0x14: {  	s2 =	sld [smem:$0x3F6E];
	s0 =	simm.s32 @p1 $0x1  }
0x15: {  	[smem:$0x3F8B] =	sst s0;
	s0 =	simm.s32 @!p2 $0x0  }
0x16: {  	s3 =	sld [smem:$0x3FDB];
	s0 =	simm.s32 @p2 $0x1  }
0x17: {  	s4 =	simm.s32 $0x1BF5;
	[smem:$0x3F8D] =	sst s0  }
0x18: {  	s0 =	sld [smem:$0x3F70];
	_ =	swait.ge [sflag:s4], $0x0  }
0x19: {  	s7 =	sld [smem:$0x3F71]  }
0x1a: {  	s8 =	sadd.s32 $0xFFFFE003, lr  }
0x1b: {  	s9 =	sadd.s32 $0xFFFFFEF7, lr;
	s5 =	simm.s32 $0xFFFFFFFF;
	p2 =	slt.u32 s8, $0xFFFFF086  }
0x1c: {  	p1 =	slt.u32 s9, $0xF7A;
	s5 =	simm.s32 @!p2 $0x0  }
0x1d: {  	s5 =	simm.s32 @p1 $0x1;
	p0 =	seq.s32 s7, s2  }
0x1e: {  	s7 =	smul.u32 @!p0 $0xF7A, s2;
	p2 =	seq.s32 @!p0 s5, $0x0  }
0x1f: {  	s9 =	smul.u32 $0xF7A, s1;
	s8 =	simm.s32 @!p0 $0x1BF5;
	p2 =	por !p2, p0  }
0x20: {  	[sflag:s8] =	ssyncset.s32 @!p0 $0xFFFFF086;
	s6 =	sadd.s32 @!p0 s3, s7;
	s7 =	simm.s32 @!p0 $0x108  }
0x21: {  	s3 =	sadd.s32 s3, s9;
	s6 =	sadd.s32 @!p0 $0x88, s6;
	s7 =	simm.s32 @p2 $0x1082  }
0x22: {  	[simem:s7], [sflag:s8] =	dma.local @!p0 [hbm:s6], $0xF7A  }
0x23: {  	s9 =	sor.u32 $0xD0000000, s2;
	s6 =	simm.s32 $0x108;
	_ =	swait.ge @!p0 [sflag:s8], $0x0  }
0x24: {  	s3 =	sadd.s32 $0x88, s3;
	s6 =	simm.s32 @!p1 $0x1082;
	[sflag:s4] =	ssyncset.s32 $0xFFFFF086  }
0x25: {  	[simem:s6], [sflag:s4] =	dma.local [hbm:s3], $0xF7A  }
0x26: {  	[smem:$0x3F71] =	sst s1;
	(tag) =	ssettag s2;
	_ =	strace s9  }
0x27: {  	s1 =	sld [smem:$0x3F81]  }
0x28: {  	s2 =	sld [smem:$0x3F82]  }
0x29: {  	s4 =	sld [smem:$0x3F84]  }
0x2a: {  	p0 =	seq.s32 s5, $0x0;
	s5 =	sld [smem:$0x3F85]  }
0x2b: {  	s6 =	sld [smem:$0x3F86]  }
0x2c: {  	s7 =	sld [smem:$0x3F87]  }
0x2d: {  	s3 =	simm.s32 $0x108;
	s8 =	sld [smem:$0x3F88]  }
0x2e: {  	s3 =	simm.s32 @!p0 $0x1082;
	s9 =	sld [smem:$0x3F89]  }
0x2f: {  	lr =	sadd.s32 s0, s3;
	s0 =	sld [smem:$0x3F80]  }
0x30: {  	s3 =	sld [smem:$0x3F83]  }
0x31: {  	[smem:$0x3F8C] =	sst s10  }
0x32: {  	s10 =	sld [smem:$0x3F8A];
	_ =	sdelay $0x3  }
0x33: {  	p0 =	seq.s32 s10, $0x1;
	s10 =	sld [smem:$0x3F8C];
	_ =	sdelay $0x3  }
0x34: {  	[smem:$0x3F8C] =	sst s10  }
0x35: {  	s10 =	sld [smem:$0x3F8B];
	_ =	sdelay $0x3  }
0x36: {  	p1 =	seq.s32 s10, $0x1;
	s10 =	sld [smem:$0x3F8C];
	_ =	sdelay $0x3  }
0x37: {  	[smem:$0x3F8C] =	sst s10  }
0x38: {  	s10 =	sld [smem:$0x3F8D]  }
0x39: {  	_ = 	snop;
	(pc) =	sbr.ind lr, $3  }
0x3a: {  	_ = 	snop  }
0x3b: {  	_ = 	snop  }
0x3c: {  	p2 =	seq.s32 s10, $0x1;
	s10 =	sld [smem:$0x3F8C]  }
0x3d: {  	_ =	shalt  }
0x3e: {  	_ =	shalt  }
0x3f: {  	_ =	shalt  }
0x40: {  	_ =	shalt  }
0x41: {  	_ =	shalt  }
0x42: {  	_ =	shalt  }
0x43: {  	_ =	shalt  }
0x44: {  	_ =	shalt  }
0x45: {  	_ =	shalt  }
0x46: {  	_ =	shalt  }
0x47: {  	_ =	shalt  }
0x48: {  	_ =	shalt  }
0x49: {  	_ =	shalt  }
0x4a: {  	_ =	shalt  }
0x4b: {  	_ =	shalt  }
0x4c: {  	_ =	shalt  }
0x4d: {  	_ =	shalt  }
0x4e: {  	_ =	shalt  }
0x4f: {  	_ =	shalt  }
0x50: {  	_ =	shalt  }
0x51: {  	_ =	shalt  }
0x52: {  	_ =	shalt  }
0x53: {  	_ =	shalt  }
0x54: {  	_ =	shalt  }
0x55: {  	_ =	shalt  }
0x56: {  	_ =	shalt  }
0x57: {  	_ =	shalt  }
0x58: {  	_ =	shalt  }
0x59: {  	_ =	shalt  }
0x5a: {  	_ =	shalt  }
0x5b: {  	_ =	shalt  }
0x5c: {  	_ =	shalt  }
0x5d: {  	_ =	shalt  }
0x5e: {  	_ =	shalt  }
0x5f: {  	_ =	shalt  }
0x60: {  	_ =	shalt  }
0x61: {  	_ =	shalt  }
0x62: {  	_ =	shalt  }
0x63: {  	_ =	shalt  }
0x64: {  	_ =	shalt  }
0x65: {  	_ =	shalt  }
0x66: {  	_ =	shalt  }
0x67: {  	_ =	shalt  }
0x68: {  	_ =	shalt  }
0x69: {  	_ =	shalt  }
0x6a: {  	_ =	shalt  }
0x6b: {  	_ =	shalt  }
0x6c: {  	_ =	shalt  }
0x6d: {  	_ =	shalt  }
0x6e: {  	_ =	shalt  }
0x6f: {  	_ =	shalt  }
0x70: {  	_ =	shalt  }
0x71: {  	_ =	shalt  }
0x72: {  	_ =	shalt  }
0x73: {  	_ =	shalt  }
0x74: {  	_ =	shalt  }
0x75: {  	_ =	shalt  }
0x76: {  	_ =	shalt  }
0x77: {  	_ =	shalt  }
0x78: {  	_ =	shalt  }
0x79: {  	_ =	shalt  }
0x7a: {  	_ =	shalt  }
0x7b: {  	_ =	shalt  }
0x7c: {  	_ =	shalt  }
0x7d: {  	_ =	shalt  }
0x7e: {  	_ =	shalt  }
0x7f: {  	_ =	shalt  }
0x80: {  	_ =	shalt  }
0x81: {  	_ =	shalt  }
0x82: {  	_ =	shalt  }
0x83: {  	_ =	shalt  }
0x84: {  	_ =	shalt  }
0x85: {  	_ =	shalt  }
0x86: {  	_ =	shalt  }
0x87: {  	_ =	shalt  }
.Lfunc_end0:
.L_simem_size_0:
called_computation.1_lowered:
.L_overlay_start_0:
0x88: {  	s2 =	sld [smem:$0x3FD9]  }
0x89: {  	s3 =	sld [smem:$0x3FFE];
	_ =	sdelay $0x1  }
0x8a: {  	s1 =	srdreg.scid  }
0x8b: {  	s0 =	sand.u32 $0x1, s1  }
0x8c: {  	s16 =	sshll.u32 s0, $0xA;
	s2 =	sadd.s32 s3, s2  }
0x8d: {  	s2 =	sadd.s32 s2, s16  }
0x8e: {  	[smem:$0x3F98] =	sst s2  }
0x8f: {  	_ = 	snop  }
0x90: {  	(tm) =	ssettm $0x1  }
0x91: {  	s17 =	sld [smem:$0x3FFB];
	_ =	sdelay $0x3  }
0x92: {  	_ =	strace s17  }
0x93: {  	s2 =	sld [smem:$0x3FFC];
	_ =	sdelay $0x3  }
0x94: {  	_ =	strace s2  }
0x95: {  	s2 =	sld [smem:$0x3FFD];
	_ =	sdelay $0x3  }
0x96: {  	_ =	strace s2  }
0x97: {  	_ =	strace $0x8FFFFFFF  }
0x98: {  	s18 =	sld [smem:$0x3FDB];
	_ =	sdelay $0x1  }
0x99: {  	s19 =	simm.s32 $_scs_section_size  }
0x9a: {  	s4 =	simm.s32 $_size__tile_overlayer_lowered;
	s5 =	simm.s32 $_tile_overlayer_lowered  }
0x9b: {  	s22 =	simm.s32 $0x1BFF;
	s21 =	sshll.u32 s5, $0x1;
	s2 =	sadd.s32 s19, s18  }
0x9c: {  	s6 =	simm.s32 $0x0;
	s20 =	sshll.u32 s4, $0x1;
	s4 =	sadd.s32 s21, s2  }
0x9d: {  	[timem:s6], [sflag:s22] =	dma.local [hbm:s4], s20  }
0x9e: {  	_ =	swait.ge [sflag:s22], s20  }
0x9f: {  	s3 =	ssub.s32 $0x0, s20;
	[sflag:s22] =	ssyncset.done $0x0  }
0xa0: {  	[sflag:s22] =	ssyncadd.s32 s3;
	_ =	sdelay $0x1  }
0xa1: {  	s23 =	simm.s32 $0x1B8B  }
0xa2: {  	_ =	swait.ge [sflag:s23], $0x1  }
0xa3: {  	[sflag:s23] =	ssyncset.done $0x0  }
0xa4: {  	s25 =	simm.s32 $0x1B8E;
	s24 =	sld [smem:$0x3FFE];
	[sflag:s23] =	ssyncadd.s32 $0xFFFFFFFF  }
0xa5: {  	s26 =	simm.s32 $execute0_lowered;
	[smem:$0x3FD2] =	sst s25  }
0xa6: {  	s4 =	sshll.u32 s26, $0x1;
	_ =	strace $0x80000049;
	[dreg:$0x1] =	wrdreg $0xFFFFFFFF  }
0xa7: {  	s28 =	simm.s32 $_size_execute0_lowered;
	s2 =	sadd.s32 s2, s4;
	[dreg:$0x0] =	wrdreg $0x0  }
0xa8: {  	s4 =	sshll.u32 s28, $0x1;
	[dreg:$0x2] =	wrdreg s2  }
0xa9: {  	[dreg:$0x3] =	wrdreg s4  }
0xaa: {  	[dreg:$0x4] =	wrdreg $0xC0  }
0xab: {  	_ =	task [dreg:s6], $0x5FFFF  }
0xac: {  	[dreg:$0x1] =	wrdreg $0xFFFFFFFF  }
0xad: {  	[dreg:$0x0] =	wrdreg $0x60  }
0xae: {  	[dreg:$0x2] =	wrdreg s24  }
0xaf: {  	[dreg:$0x3] =	wrdreg $0x8F000  }
0xb0: {  	[dreg:$0x4] =	wrdreg $0x9  }
0xb1: {  	_ =	task.clear_ibuf [dreg:s6], $0x5FFFF;
	_ =	strace $0x90000049  }
0xb2: {  	s29 =	simm.s32 $0x9;
	_ =	strace $0x8000004B  }
0xb3: {  	_ =	swait.ge [sflag:s29], $0x1  }
0xb4: {  	[sflag:s29] =	ssyncadd.s32 $0xFFFFFFFF  }
0xb5: {  	_ =	strace $0x9000004B  }
0xb6: {  	_ =	sfence  }
0xb7: {  	s30 =	sld [smem:$0x0];
	_ =	sdelay $0x2  }
0xb8: {  	s31 =	sshll.u32 s1, $0xD;
	s1 =	sshrl.u32 s1, $0x2  }
0xb9: {  	s3 =	sand.u32 $0x4000, s31;
	s1 =	sadd.s32 s1, s30  }
0xba: {  	s0 =	sor.u32 s3, s0;
	s1 =	sshll.u32 s1, $0x11  }
0xbb: {  	s0 =	sor.u32 s1, s0  }
0xbc: {  	s0 =	sadd.s32 $0x8F2B, s0  }
0xbd: {  	[sflag:s0] =	ssyncadd.remote.s32 $0x1  }
0xbe: {  	_ =	sfence.sel $0xFFFF  }
0xbf: {  	[dreg:$0x0] =	wrdreg $0xFFFFFFFF;
	(pc) =	sbr.abs _section_cstart, $3  }
0xc0: {  	[dreg:$0x1] =	wrdreg $0xFFFFFFFF  }
0xc1: {  	_ =	task.clear_ibuf [dreg:s6], $0x2FFFF;
	_ =	strace $0x9FFFFFFF  }
0xc2: {  	(tm) =	ssettm $0x7FFFFFFF  }
0xc3: {  	_ =	shalt  }
tec
execute0_lowered:
.L_overlay_start_1:
0x0: {  	(tag) =	ssettag $0x1  }
0x1: {  	s1 =	srdreg.scid  }
0x2: {  	s0 =	stileid.u32;
	s6 =	rddreg [dreg:$0x0]  }
0x3: {  	s2 =	rddreg [dreg:$0x1];
	s3 =	simm.s32 $0x0;
	s13 =	simm.s32 $0x2780  }
0x4: {  	s14 =	simm.s32 $0x80;
	s15 =	simm.s32 $0x4F00;
	s16 =	simm.s32 $0x1  }
0x5: {  	s17 =	simm.s32 $0x0;
	s5 =	sand.u32 $0x1, s1;
	s8 =	smul.u32 $0x14000, s0  }
0x6: {  	s28 =	sshll.u32 s0, $0x1;
	[smem:$0x7FF] =	sst s3;
	s9 =	smul.u32 $0x2800, s0  }
0x7: {  	s4 =	sadd.s32 $0x1C800, s6;
	s1 =	sor.u32 s5, s28;
	s10 =	smul.u32 $0x28000, s5  }
0x8: {  	s31 =	sshll.u32 s0, $0x6;
	s5 =	ssub.s32 $0x2, s5;
	s7 =	smul.u32 $0x4F0, s1  }
0x9: {  	s1 =	rddreg [dreg:$0x2];
	_ =	strace $0x8000004A;
	s29 =	sshrl.u32 s8, $0x3  }
0xa: {  	s30 =	sshrl.u32 s5, $0x1;
	s12 =	sadd.s32 s8, s2;
	s9 =	sadd.s32 s9, s10  }
0xb: {  	s10 =	ssub.s32 s5, s30;
	s11 =	sadd.s32 s7, s6;
	s7 =	sadd.s32 s29, s6  }
0xc: {  	s9 =	sadd.s32 s9, s6;
	s6 =	sor.u32 $0x1C02, s31;
	s10 =	smax.u32 s10, $0x1  }
0xd: {  	s5 =	sadd.s32 $0x44800, s7;
	s7 =	sadd.s32 $0x8C00, s11;
	s8 =	sadd.s32 $0x12A00, s11  }
0xe: {  	s9 =	sadd.s32 $0xE4A00, s9;
	s11 =	sshrl.u32 s12, $0x3;
	s12 =	simm.s32 $0x2  }
.LBB2_1:
0xf: {  	[spmem:s11], [sflag:s6] =	dma.local [hbm:s5], $0x2800  }
0x10: {  	_ =	swait.ge [sflag:s12], $0x2800  }
0x11: {  	[sflag:s12] =	ssyncset.done $0x0  }
0x12: {  	[sflag:s12] =	ssyncadd.s32 $0xFFFFD800  }
0x13: {  	[bflag:$0x0] =	sbarrier.arrive $0xFFFF  }
0x14: {  	[tilespmem:s3], [sflag:$0x2] =	stream.linear.gather [hbm4b:s7+s3], $0x2780, $0x38;
	[tilespmem:$0x1CF00] =	vst v63  }
0x15: {  	_ =	swait.ge [sflag:s12], $0x2780  }
0x16: {  	[sflag:s12] =	ssyncset.done $0x0  }
0x17: {  	[sflag:s12] =	ssyncadd.s32 $0xFFFFD880  }
0x18: {  	[tilespmem:s13], [sflag:$0x2] =	stream.linear.gather [hbm4b:s8+s3], $0x2780, $0x38;
	[tilespmem:$0x1CF00] =	vst v63  }
0x19: {  	_ =	swait.ge [sflag:s12], $0x2780  }
0x1a: {  	[sflag:s12] =	ssyncset.done $0x0  }
0x1b: {  	s18 =	simm.s32 $0x0;
	[sflag:s12] =	ssyncadd.s32 $0xFFFFD880  }
0x1c: {  	[tilespmem:s15], [sflag:$0x1] =	stream.indirect.gather [hbm4b:s4+s14], $0x80, s18, s14, $0xb8;
	[tilespmem:$0x1CF00] =	vst v63  }
0x1d: {  	_ =	swait.ge [sflag:s16], $0x4000  }
0x1e: {  	[sflag:s16] =	ssyncset.done $0x0  }
0x1f: {  	s31 =	simm.s32 $0x2780;
	[sflag:s16] =	ssyncadd.s32 $0xFFFFC000  }
0x20: {  	[spmem:s2] =	stream.indirect.scatter.add.f32 [tilespmem:s15], [sflag:$0x2], $0x80, s31, s14, $0xb8;
	[tilespmem:$0x1CF00] =	vst v63  }
0x21: {  	_ =	swait.ge [sflag:s12], $0x4000  }
0x22: {  	s19 =	simm.s32 $0x400;
	s18 =	simm.s32 $0x200;
	[sflag:s12] =	ssyncset.done $0x0  }
.LBB2_2:
0x23: {  	s20 =	sshra.s32 s18, $0x2  }
0x24: {  	[sflag:s12] =	ssyncadd.s32 $0xFFFFC000;
	s18 =	smov.u32 s19;
	s21 =	sadd.s32 $0x200, s19  }
0x25: {  	[tilespmem:s15], [sflag:$0x1] =	stream.indirect.gather [hbm4b:s4+s14], $0x80, s20, s14, $0xb8;
	[tilespmem:$0x1CF00] =	vst v63  }
0x26: {  	p0 =	sne.s32 s19, $0x9C00;
	_ =	swait.ge [sflag:s16], $0x4000  }
.Ltmp0:
0x27: {  	[sflag:s16] =	ssyncset.done $0x0;
	(pc) =	sbr.rel @p0 .LBB2_2-.Ltmp0, $4  }
0x28: {  	s19 =	sadd.s32 $0x2780, s20;
	[sflag:s16] =	ssyncadd.s32 $0xFFFFC000  }
0x29: {  	[spmem:s2] =	stream.indirect.scatter.add.f32 [tilespmem:s15], [sflag:$0x2], $0x80, s19, s14, $0xb8;
	[tilespmem:$0x1CF00] =	vst v63  }
0x2a: {  	_ =	swait.ge [sflag:s12], $0x4000  }
0x2b: {  	s19 =	smov.u32 s21;
	[sflag:s12] =	ssyncset.done $0x0  }
0x2c: {  	s18 =	sshra.s32 s18, $0x2;
	[sflag:s12] =	ssyncadd.s32 $0xFFFFC000  }
0x2d: {  	[tilespmem:s15], [sflag:$0x1] =	stream.indirect.gather [hbm4b:s4+s14], $0x80, s18, s14, $0xb8;
	[tilespmem:$0x1CF00] =	vst v63  }
0x2e: {  	_ =	swait.ge [sflag:s16], $0x4000  }
0x2f: {  	[sflag:s16] =	ssyncset.done $0x0  }
0x30: {  	s18 =	sadd.s32 $0x2780, s18;
	[sflag:s16] =	ssyncadd.s32 $0xFFFFC000  }
0x31: {  	[spmem:s2] =	stream.indirect.scatter.add.f32 [tilespmem:s15], [sflag:$0x2], $0x80, s18, s14, $0xb8;
	[tilespmem:$0x1CF00] =	vst v63  }
0x32: {  	_ =	swait.ge [sflag:s12], $0x4000  }
0x33: {  	s17 =	sadd.s32 $0x1, s17;
	[sflag:s12] =	ssyncset.done $0x0  }
0x34: {  	p0 =	sne.s32 s17, s10;
	[sflag:s12] =	ssyncadd.s32 $0xFFFFC000  }
.Ltmp1:
0x35: {  	[bflag:$0x0] =	sbarrier.arrive $0xFFFF;
	(pc) =	sbr.rel @p0 .LBB2_1-.Ltmp1, $4  }
0x36: {  	[hbm:s9], [sflag:s6] =	dma.local [spmem:s11], $0x2800  }
0x37: {  	_ =	swait.ge [sflag:s12], $0x2800  }
0x38: {  	[sflag:s12] =	ssyncset.done $0x0  }
0x39: {  	[sflag:s12] =	ssyncadd.s32 $0xFFFFD800  }
0x3a: {  	_ =	sfence.sel $0x180000  }
0x3b: {  	[bflag:$0x0] =	sbarrier.arrive $0xFFFF  }
0x3c: {  	p0 =	sne.s32 s0, $0x0;
	_ =	strace $0x9000004A  }
0x3d: {  	s0 =	sadd.s32 @!p0 $0x100000, s1;
	[bflag:$0x2] =	sbarrier.arrive $0xFFFF  }
0x3e: {  	[sflag:s0] =	ssyncadd.tile.s32 @!p0 $0x1;
	_ =	shalt  }
.Lfunc_end2:
_tile_overlayer_lowered:
.L_overlay_start_2:
0x3f: {  	(tag) =	ssettag $0x2  }
0x40: {  	s0 =	rddreg [dreg:$0x0];
	s2 =	stileid.u32  }
0x41: {  	s1 =	rddreg [dreg:$0x1];
	p0 =	sne.s32 s2, $0x0  }
0x42: {  	s3 =	rddreg [dreg:$0x2];
	[bflag:$0x3] =	sbarrier.arrive $0xFFFF;
	s2 =	simm.s32 @!p0 $0x1C02  }
0x43: {  	[timem:s3], [sflag:s2] =	dma.local @!p0 [hbm:s0], s1  }
0x44: {  	s0 =	simm.s32 @!p0 $0x2  }
0x45: {  	_ =	swait.ge @!p0 [sflag:s0], s1  }
0x46: {  	s1 =	ssub.s32 @!p0 $0x0, s1;
	[sflag:s0] =	ssyncset.done @!p0 $0x0  }
0x47: {  	[sflag:s0] =	ssyncadd.s32 @!p0 s1  }
0x48: {  	[bflag:$0x3] =	sbarrier.arrive $0xFFFF  }
0x49: {  	_ =	shalt  }

// kernel: kernel.24.cloned.1.call-start
scs
__scs_entry_jumppad:
0x0: {  	(pc) =	sbr.rel $0x88, $3  }
0x1: {  	(tag) =	ssettag $0x0;
	lr =	simm.s32 $0x1  }
0x2: {  	[smem:$0x3F71] =	sst lr;
	_ =	strace $0xD0000000  }
0x3: {  	_ = 	snop  }
0x4: {  	_ = 	snop  }
0x5: {  	_ = 	snop  }
0x6: {  	_ = 	snop  }
0x7: {  	_ = 	snop  }
__scs_overlays_trampoline_lowered:
0x8: {  	[smem:$0x3F80] =	sst s0  }
0x9: {  	[smem:$0x3F81] =	sst s1  }
0xa: {  	[smem:$0x3F82] =	sst s2  }
0xb: {  	[smem:$0x3F83] =	sst s3  }
0xc: {  	[smem:$0x3F84] =	sst s4  }
0xd: {  	[smem:$0x3F85] =	sst s5  }
0xe: {  	[smem:$0x3F86] =	sst s6  }
0xf: {  	[smem:$0x3F87] =	sst s7  }
0x10: {  	[smem:$0x3F88] =	sst s8  }
0x11: {  	[smem:$0x3F89] =	sst s9;
	s0 =	simm.s32 @!p0 $0x0  }
0x12: {  	s1 =	sld [smem:$0x3F6F];
	s0 =	simm.s32 @p0 $0x1  }
0x13: {  	[smem:$0x3F8A] =	sst s0;
	s0 =	simm.s32 @!p1 $0x0  }
0x14: {  	s2 =	sld [smem:$0x3F6E];
	s0 =	simm.s32 @p1 $0x1  }
0x15: {  	[smem:$0x3F8B] =	sst s0;
	s0 =	simm.s32 @!p2 $0x0  }
0x16: {  	s3 =	sld [smem:$0x3FDB];
	s0 =	simm.s32 @p2 $0x1  }
0x17: {  	s4 =	simm.s32 $0x1BF5;
	[smem:$0x3F8D] =	sst s0  }
0x18: {  	s0 =	sld [smem:$0x3F70];
	_ =	swait.ge [sflag:s4], $0x0  }
0x19: {  	s7 =	sld [smem:$0x3F71]  }
0x1a: {  	s8 =	sadd.s32 $0xFFFFE003, lr  }
0x1b: {  	s9 =	sadd.s32 $0xFFFFFEF7, lr;
	s5 =	simm.s32 $0xFFFFFFFF;
	p2 =	slt.u32 s8, $0xFFFFF086  }
0x1c: {  	p1 =	slt.u32 s9, $0xF7A;
	s5 =	simm.s32 @!p2 $0x0  }
0x1d: {  	s5 =	simm.s32 @p1 $0x1;
	p0 =	seq.s32 s7, s2  }
0x1e: {  	s7 =	smul.u32 @!p0 $0xF7A, s2;
	p2 =	seq.s32 @!p0 s5, $0x0  }
0x1f: {  	s9 =	smul.u32 $0xF7A, s1;
	s8 =	simm.s32 @!p0 $0x1BF5;
	p2 =	por !p2, p0  }
0x20: {  	[sflag:s8] =	ssyncset.s32 @!p0 $0xFFFFF086;
	s6 =	sadd.s32 @!p0 s3, s7;
	s7 =	simm.s32 @!p0 $0x108  }
0x21: {  	s3 =	sadd.s32 s3, s9;
	s6 =	sadd.s32 @!p0 $0x88, s6;
	s7 =	simm.s32 @p2 $0x1082  }
0x22: {  	[simem:s7], [sflag:s8] =	dma.local @!p0 [hbm:s6], $0xF7A  }
0x23: {  	s9 =	sor.u32 $0xD0000000, s2;
	s6 =	simm.s32 $0x108;
	_ =	swait.ge @!p0 [sflag:s8], $0x0  }
0x24: {  	s3 =	sadd.s32 $0x88, s3;
	s6 =	simm.s32 @!p1 $0x1082;
	[sflag:s4] =	ssyncset.s32 $0xFFFFF086  }
0x25: {  	[simem:s6], [sflag:s4] =	dma.local [hbm:s3], $0xF7A  }
0x26: {  	[smem:$0x3F71] =	sst s1;
	(tag) =	ssettag s2;
	_ =	strace s9  }
0x27: {  	s1 =	sld [smem:$0x3F81]  }
0x28: {  	s2 =	sld [smem:$0x3F82]  }
0x29: {  	s4 =	sld [smem:$0x3F84]  }
0x2a: {  	p0 =	seq.s32 s5, $0x0;
	s5 =	sld [smem:$0x3F85]  }
0x2b: {  	s6 =	sld [smem:$0x3F86]  }
0x2c: {  	s7 =	sld [smem:$0x3F87]  }
0x2d: {  	s3 =	simm.s32 $0x108;
	s8 =	sld [smem:$0x3F88]  }
0x2e: {  	s3 =	simm.s32 @!p0 $0x1082;
	s9 =	sld [smem:$0x3F89]  }
0x2f: {  	lr =	sadd.s32 s0, s3;
	s0 =	sld [smem:$0x3F80]  }
0x30: {  	s3 =	sld [smem:$0x3F83]  }
0x31: {  	[smem:$0x3F8C] =	sst s10  }
0x32: {  	s10 =	sld [smem:$0x3F8A];
	_ =	sdelay $0x3  }
0x33: {  	p0 =	seq.s32 s10, $0x1;
	s10 =	sld [smem:$0x3F8C];
	_ =	sdelay $0x3  }
0x34: {  	[smem:$0x3F8C] =	sst s10  }
0x35: {  	s10 =	sld [smem:$0x3F8B];
	_ =	sdelay $0x3  }
0x36: {  	p1 =	seq.s32 s10, $0x1;
	s10 =	sld [smem:$0x3F8C];
	_ =	sdelay $0x3  }
0x37: {  	[smem:$0x3F8C] =	sst s10  }
0x38: {  	s10 =	sld [smem:$0x3F8D]  }
0x39: {  	_ = 	snop;
	(pc) =	sbr.ind lr, $3  }
0x3a: {  	_ = 	snop  }
0x3b: {  	_ = 	snop  }
0x3c: {  	p2 =	seq.s32 s10, $0x1;
	s10 =	sld [smem:$0x3F8C]  }
0x3d: {  	_ =	shalt  }
0x3e: {  	_ =	shalt  }
0x3f: {  	_ =	shalt  }
0x40: {  	_ =	shalt  }
0x41: {  	_ =	shalt  }
0x42: {  	_ =	shalt  }
0x43: {  	_ =	shalt  }
0x44: {  	_ =	shalt  }
0x45: {  	_ =	shalt  }
0x46: {  	_ =	shalt  }
0x47: {  	_ =	shalt  }
0x48: {  	_ =	shalt  }
0x49: {  	_ =	shalt  }
0x4a: {  	_ =	shalt  }
0x4b: {  	_ =	shalt  }
0x4c: {  	_ =	shalt  }
0x4d: {  	_ =	shalt  }
0x4e: {  	_ =	shalt  }
0x4f: {  	_ =	shalt  }
0x50: {  	_ =	shalt  }
0x51: {  	_ =	shalt  }
0x52: {  	_ =	shalt  }
0x53: {  	_ =	shalt  }
0x54: {  	_ =	shalt  }
0x55: {  	_ =	shalt  }
0x56: {  	_ =	shalt  }
0x57: {  	_ =	shalt  }
0x58: {  	_ =	shalt  }
0x59: {  	_ =	shalt  }
0x5a: {  	_ =	shalt  }
0x5b: {  	_ =	shalt  }
0x5c: {  	_ =	shalt  }
0x5d: {  	_ =	shalt  }
0x5e: {  	_ =	shalt  }
0x5f: {  	_ =	shalt  }
0x60: {  	_ =	shalt  }
0x61: {  	_ =	shalt  }
0x62: {  	_ =	shalt  }
0x63: {  	_ =	shalt  }
0x64: {  	_ =	shalt  }
0x65: {  	_ =	shalt  }
0x66: {  	_ =	shalt  }
0x67: {  	_ =	shalt  }
0x68: {  	_ =	shalt  }
0x69: {  	_ =	shalt  }
0x6a: {  	_ =	shalt  }
0x6b: {  	_ =	shalt  }
0x6c: {  	_ =	shalt  }
0x6d: {  	_ =	shalt  }
0x6e: {  	_ =	shalt  }
0x6f: {  	_ =	shalt  }
0x70: {  	_ =	shalt  }
0x71: {  	_ =	shalt  }
0x72: {  	_ =	shalt  }
0x73: {  	_ =	shalt  }
0x74: {  	_ =	shalt  }
0x75: {  	_ =	shalt  }
0x76: {  	_ =	shalt  }
0x77: {  	_ =	shalt  }
0x78: {  	_ =	shalt  }
0x79: {  	_ =	shalt  }
0x7a: {  	_ =	shalt  }
0x7b: {  	_ =	shalt  }
0x7c: {  	_ =	shalt  }
0x7d: {  	_ =	shalt  }
0x7e: {  	_ =	shalt  }
0x7f: {  	_ =	shalt  }
0x80: {  	_ =	shalt  }
0x81: {  	_ =	shalt  }
0x82: {  	_ =	shalt  }
0x83: {  	_ =	shalt  }
0x84: {  	_ =	shalt  }
0x85: {  	_ =	shalt  }
0x86: {  	_ =	shalt  }
0x87: {  	_ =	shalt  }
.Lfunc_end0:
.L_simem_size_0:
called_computation.2_lowered:
.L_overlay_start_0:
0x88: {  	s2 =	sld [smem:$0x3FD9]  }
0x89: {  	s3 =	sld [smem:$0x3FFE];
	_ =	sdelay $0x1  }
0x8a: {  	s1 =	srdreg.scid  }
0x8b: {  	s0 =	sand.u32 $0x1, s1  }
0x8c: {  	s16 =	sshll.u32 s0, $0xA;
	s2 =	sadd.s32 s3, s2  }
0x8d: {  	s2 =	sadd.s32 s2, s16  }
0x8e: {  	[smem:$0x3F98] =	sst s2  }
0x8f: {  	_ = 	snop  }
0x90: {  	(tm) =	ssettm $0x1  }
0x91: {  	s17 =	sld [smem:$0x3FFB];
	_ =	sdelay $0x3  }
0x92: {  	_ =	strace s17  }
0x93: {  	s2 =	sld [smem:$0x3FFC];
	_ =	sdelay $0x3  }
0x94: {  	_ =	strace s2  }
0x95: {  	s2 =	sld [smem:$0x3FFD];
	_ =	sdelay $0x3  }
0x96: {  	_ =	strace s2  }
0x97: {  	_ =	strace $0x8FFFFFFF  }
0x98: {  	s18 =	sld [smem:$0x3FDB];
	_ =	sdelay $0x1  }
0x99: {  	s19 =	simm.s32 $_scs_section_size  }
0x9a: {  	s4 =	simm.s32 $_size__tile_overlayer_lowered;
	s5 =	simm.s32 $_tile_overlayer_lowered  }
0x9b: {  	s22 =	simm.s32 $0x1BFF;
	s21 =	sshll.u32 s5, $0x1;
	s2 =	sadd.s32 s19, s18  }
0x9c: {  	s6 =	simm.s32 $0x0;
	s20 =	sshll.u32 s4, $0x1;
	s4 =	sadd.s32 s21, s2  }
0x9d: {  	[timem:s6], [sflag:s22] =	dma.local [hbm:s4], s20  }
0x9e: {  	_ =	swait.ge [sflag:s22], s20  }
0x9f: {  	s3 =	ssub.s32 $0x0, s20;
	[sflag:s22] =	ssyncset.done $0x0  }
0xa0: {  	[sflag:s22] =	ssyncadd.s32 s3;
	_ =	sdelay $0x1  }
0xa1: {  	s23 =	simm.s32 $0x1B8B  }
0xa2: {  	_ =	swait.ge [sflag:s23], $0x1  }
0xa3: {  	[sflag:s23] =	ssyncset.done $0x0  }
0xa4: {  	s25 =	simm.s32 $0x1B8E;
	s24 =	sld [smem:$0x3FFE];
	[sflag:s23] =	ssyncadd.s32 $0xFFFFFFFF  }
0xa5: {  	s26 =	simm.s32 $execute0_lowered;
	[smem:$0x3FD2] =	sst s25  }
0xa6: {  	s4 =	sshll.u32 s26, $0x1;
	_ =	strace $0x8000004C;
	[dreg:$0x1] =	wrdreg $0xFFFFFFFF  }
0xa7: {  	s28 =	simm.s32 $_size_execute0_lowered;
	s2 =	sadd.s32 s2, s4;
	[dreg:$0x0] =	wrdreg $0x0  }
0xa8: {  	s4 =	sshll.u32 s28, $0x1;
	[dreg:$0x2] =	wrdreg s2  }
0xa9: {  	[dreg:$0x3] =	wrdreg s4  }
0xaa: {  	[dreg:$0x4] =	wrdreg $0xC0  }
0xab: {  	_ =	task [dreg:s6], $0x5FFFF  }
0xac: {  	[dreg:$0x1] =	wrdreg $0xFFFFFFFF  }
0xad: {  	[dreg:$0x0] =	wrdreg $0x60  }
0xae: {  	[dreg:$0x2] =	wrdreg s24  }
0xaf: {  	[dreg:$0x3] =	wrdreg $0x8F000  }
0xb0: {  	[dreg:$0x4] =	wrdreg $0x9  }
0xb1: {  	_ =	task.clear_ibuf [dreg:s6], $0x5FFFF;
	_ =	strace $0x9000004C  }
0xb2: {  	s29 =	simm.s32 $0x9;
	_ =	strace $0x8000004E  }
0xb3: {  	_ =	swait.ge [sflag:s29], $0x1  }
0xb4: {  	[sflag:s29] =	ssyncadd.s32 $0xFFFFFFFF  }
0xb5: {  	_ =	strace $0x9000004E  }
0xb6: {  	_ =	sfence  }
0xb7: {  	s30 =	sld [smem:$0x0];
	_ =	sdelay $0x2  }
0xb8: {  	s31 =	sshll.u32 s1, $0xD;
	s1 =	sshrl.u32 s1, $0x2  }
0xb9: {  	s3 =	sand.u32 $0x4000, s31;
	s1 =	sadd.s32 s1, s30  }
0xba: {  	s0 =	sor.u32 s3, s0;
	s1 =	sshll.u32 s1, $0x11  }
0xbb: {  	s0 =	sor.u32 s1, s0  }
0xbc: {  	s0 =	sadd.s32 $0x8F2B, s0  }
0xbd: {  	[sflag:s0] =	ssyncadd.remote.s32 $0x1  }
0xbe: {  	_ =	sfence.sel $0xFFFF  }
0xbf: {  	[dreg:$0x0] =	wrdreg $0xFFFFFFFF;
	(pc) =	sbr.abs _section_cstart, $3  }
0xc0: {  	[dreg:$0x1] =	wrdreg $0xFFFFFFFF  }
0xc1: {  	_ =	task.clear_ibuf [dreg:s6], $0x2FFFF;
	_ =	strace $0x9FFFFFFF  }
0xc2: {  	(tm) =	ssettm $0x7FFFFFFF  }
0xc3: {  	_ =	shalt  }
tec
execute0_lowered:
.L_overlay_start_1:
0x0: {  	(tag) =	ssettag $0x1  }
0x1: {  	s1 =	srdreg.scid  }
0x2: {  	s0 =	stileid.u32;
	s6 =	rddreg [dreg:$0x0]  }
0x3: {  	s2 =	rddreg [dreg:$0x1];
	s3 =	simm.s32 $0x0;
	s13 =	simm.s32 $0x2780  }
0x4: {  	s14 =	simm.s32 $0x80;
	s15 =	simm.s32 $0x4F00;
	s16 =	simm.s32 $0x1  }
0x5: {  	s17 =	simm.s32 $0x0;
	s5 =	sand.u32 $0x1, s1;
	s8 =	smul.u32 $0x14000, s0  }
0x6: {  	s28 =	sshll.u32 s0, $0x1;
	[smem:$0x7FF] =	sst s3;
	s9 =	smul.u32 $0x2800, s0  }
0x7: {  	s4 =	sadd.s32 $0x1C800, s6;
	s1 =	sor.u32 s5, s28;
	s10 =	smul.u32 $0x28000, s5  }
0x8: {  	s31 =	sshll.u32 s0, $0x6;
	s5 =	ssub.s32 $0x2, s5;
	s7 =	smul.u32 $0x4F0, s1  }
0x9: {  	s1 =	rddreg [dreg:$0x2];
	_ =	strace $0x8000004D;
	s29 =	sshrl.u32 s8, $0x3  }
0xa: {  	s30 =	sshrl.u32 s5, $0x1;
	s12 =	sadd.s32 s8, s2;
	s9 =	sadd.s32 s9, s10  }
0xb: {  	s10 =	ssub.s32 s5, s30;
	s11 =	sadd.s32 s7, s6;
	s7 =	sadd.s32 s29, s6  }
0xc: {  	s9 =	sadd.s32 s9, s6;
	s6 =	sor.u32 $0x1C02, s31;
	s10 =	smax.u32 s10, $0x1  }
0xd: {  	s5 =	sadd.s32 $0x44800, s7;
	s7 =	sadd.s32 $0x8C00, s11;
	s8 =	sadd.s32 $0x12A00, s11  }
0xe: {  	s9 =	sadd.s32 $0xE4A00, s9;
	s11 =	sshrl.u32 s12, $0x3;
	s12 =	simm.s32 $0x2  }
.LBB2_1:
0xf: {  	[spmem:s11], [sflag:s6] =	dma.local [hbm:s5], $0x2800  }
0x10: {  	_ =	swait.ge [sflag:s12], $0x2800  }
0x11: {  	[sflag:s12] =	ssyncset.done $0x0  }
0x12: {  	[sflag:s12] =	ssyncadd.s32 $0xFFFFD800  }
0x13: {  	[bflag:$0x0] =	sbarrier.arrive $0xFFFF  }
0x14: {  	[tilespmem:s3], [sflag:$0x2] =	stream.linear.gather [hbm4b:s7+s3], $0x2780, $0x38;
	[tilespmem:$0x1CF00] =	vst v63  }
0x15: {  	_ =	swait.ge [sflag:s12], $0x2780  }
0x16: {  	[sflag:s12] =	ssyncset.done $0x0  }
0x17: {  	[sflag:s12] =	ssyncadd.s32 $0xFFFFD880  }
0x18: {  	[tilespmem:s13], [sflag:$0x2] =	stream.linear.gather [hbm4b:s8+s3], $0x2780, $0x38;
	[tilespmem:$0x1CF00] =	vst v63  }
0x19: {  	_ =	swait.ge [sflag:s12], $0x2780  }
0x1a: {  	[sflag:s12] =	ssyncset.done $0x0  }
0x1b: {  	s18 =	simm.s32 $0x0;
	[sflag:s12] =	ssyncadd.s32 $0xFFFFD880  }
0x1c: {  	[tilespmem:s15], [sflag:$0x1] =	stream.indirect.gather [hbm4b:s4+s14], $0x80, s18, s14, $0xb8;
	[tilespmem:$0x1CF00] =	vst v63  }
0x1d: {  	_ =	swait.ge [sflag:s16], $0x4000  }
0x1e: {  	[sflag:s16] =	ssyncset.done $0x0  }
0x1f: {  	s31 =	simm.s32 $0x2780;
	[sflag:s16] =	ssyncadd.s32 $0xFFFFC000  }
0x20: {  	[spmem:s2] =	stream.indirect.scatter.add.f32 [tilespmem:s15], [sflag:$0x2], $0x80, s31, s14, $0xb8;
	[tilespmem:$0x1CF00] =	vst v63  }
0x21: {  	_ =	swait.ge [sflag:s12], $0x4000  }
0x22: {  	s19 =	simm.s32 $0x400;
	s18 =	simm.s32 $0x200;
	[sflag:s12] =	ssyncset.done $0x0  }
.LBB2_2:
0x23: {  	s20 =	sshra.s32 s18, $0x2  }
0x24: {  	[sflag:s12] =	ssyncadd.s32 $0xFFFFC000;
	s18 =	smov.u32 s19;
	s21 =	sadd.s32 $0x200, s19  }
0x25: {  	[tilespmem:s15], [sflag:$0x1] =	stream.indirect.gather [hbm4b:s4+s14], $0x80, s20, s14, $0xb8;
	[tilespmem:$0x1CF00] =	vst v63  }
0x26: {  	p0 =	sne.s32 s19, $0x9C00;
	_ =	swait.ge [sflag:s16], $0x4000  }
.Ltmp0:
0x27: {  	[sflag:s16] =	ssyncset.done $0x0;
	(pc) =	sbr.rel @p0 .LBB2_2-.Ltmp0, $4  }
0x28: {  	s19 =	sadd.s32 $0x2780, s20;
	[sflag:s16] =	ssyncadd.s32 $0xFFFFC000  }
0x29: {  	[spmem:s2] =	stream.indirect.scatter.add.f32 [tilespmem:s15], [sflag:$0x2], $0x80, s19, s14, $0xb8;
	[tilespmem:$0x1CF00] =	vst v63  }
0x2a: {  	_ =	swait.ge [sflag:s12], $0x4000  }
0x2b: {  	s19 =	smov.u32 s21;
	[sflag:s12] =	ssyncset.done $0x0  }
0x2c: {  	s18 =	sshra.s32 s18, $0x2;
	[sflag:s12] =	ssyncadd.s32 $0xFFFFC000  }
0x2d: {  	[tilespmem:s15], [sflag:$0x1] =	stream.indirect.gather [hbm4b:s4+s14], $0x80, s18, s14, $0xb8;
	[tilespmem:$0x1CF00] =	vst v63  }
0x2e: {  	_ =	swait.ge [sflag:s16], $0x4000  }
0x2f: {  	[sflag:s16] =	ssyncset.done $0x0  }
0x30: {  	s18 =	sadd.s32 $0x2780, s18;
	[sflag:s16] =	ssyncadd.s32 $0xFFFFC000  }
0x31: {  	[spmem:s2] =	stream.indirect.scatter.add.f32 [tilespmem:s15], [sflag:$0x2], $0x80, s18, s14, $0xb8;
	[tilespmem:$0x1CF00] =	vst v63  }
0x32: {  	_ =	swait.ge [sflag:s12], $0x4000  }
0x33: {  	s17 =	sadd.s32 $0x1, s17;
	[sflag:s12] =	ssyncset.done $0x0  }
0x34: {  	p0 =	sne.s32 s17, s10;
	[sflag:s12] =	ssyncadd.s32 $0xFFFFC000  }
.Ltmp1:
0x35: {  	[bflag:$0x0] =	sbarrier.arrive $0xFFFF;
	(pc) =	sbr.rel @p0 .LBB2_1-.Ltmp1, $4  }
0x36: {  	[hbm:s9], [sflag:s6] =	dma.local [spmem:s11], $0x2800  }
0x37: {  	_ =	swait.ge [sflag:s12], $0x2800  }
0x38: {  	[sflag:s12] =	ssyncset.done $0x0  }
0x39: {  	[sflag:s12] =	ssyncadd.s32 $0xFFFFD800  }
0x3a: {  	_ =	sfence.sel $0x180000  }
0x3b: {  	[bflag:$0x0] =	sbarrier.arrive $0xFFFF  }
0x3c: {  	p0 =	sne.s32 s0, $0x0;
	_ =	strace $0x9000004D  }
0x3d: {  	s0 =	sadd.s32 @!p0 $0x100000, s1;
	[bflag:$0x2] =	sbarrier.arrive $0xFFFF  }
0x3e: {  	[sflag:s0] =	ssyncadd.tile.s32 @!p0 $0x1;
	_ =	shalt  }
.Lfunc_end2:
_tile_overlayer_lowered:
.L_overlay_start_2:
0x3f: {  	(tag) =	ssettag $0x2  }
0x40: {  	s0 =	rddreg [dreg:$0x0];
	s2 =	stileid.u32  }
0x41: {  	s1 =	rddreg [dreg:$0x1];
	p0 =	sne.s32 s2, $0x0  }
0x42: {  	s3 =	rddreg [dreg:$0x2];
	[bflag:$0x3] =	sbarrier.arrive $0xFFFF;
	s2 =	simm.s32 @!p0 $0x1C02  }
0x43: {  	[timem:s3], [sflag:s2] =	dma.local @!p0 [hbm:s0], s1  }
0x44: {  	s0 =	simm.s32 @!p0 $0x2  }
0x45: {  	_ =	swait.ge @!p0 [sflag:s0], s1  }
0x46: {  	s1 =	ssub.s32 @!p0 $0x0, s1;
	[sflag:s0] =	ssyncset.done @!p0 $0x0  }
0x47: {  	[sflag:s0] =	ssyncadd.s32 @!p0 s1  }
0x48: {  	[bflag:$0x3] =	sbarrier.arrive $0xFFFF  }
0x49: {  	_ =	shalt  }

</sc_bundles>
